<compile_context>
chip_gen: v7x
topology: tpu7x:2x2x1
jax: 0.10.2.dev20260603
libtpu: 0.0.44.dev20260713+nightly
codegen_flags: <defaults>
</compile_context>

<pallas_src>
import jax
import jax.numpy as jnp
from jax import lax
from jax.experimental import pallas as pl
from jax.experimental.pallas import tpu as pltpu
from jax.experimental.pallas import tpu_sc as plsc

P = 602112
C = 33
F = 40
NSUM = 34
LEVEL = 6
RES = 2 ** LEVEL
M = RES ** 3
CONTRACT_SCALE = 4.0
DENSITY_CLAMP = 6.0

NC = 2
NS = 16
WIN = 40960
GARB = 512
NWIN = 7
MPAD = NWIN * WIN
PT = P // (NC * NS)
B = 896
BR = B // 128
NCHUNK = PT // B
TSLAB = WIN // NS
TR = TSLAB // 128
PR = P // 128




def _vox_body(x_ref, y_ref, z_ref, vox_ref):
    def quant(v):
        s = jnp.tanh(v / CONTRACT_SCALE)
        return jnp.clip(jnp.floor((s + 1.0) * 0.5 * RES), 0, RES - 1).astype(jnp.int32)

    qx = quant(x_ref[...])
    qy = quant(y_ref[...])
    qz = quant(z_ref[...])
    vox_ref[...] = (qx * RES + qy) * RES + qz


def _compute_vox(x2d, y2d, z2d):
    blk = (x2d.shape[0] // 21, x2d.shape[1])
    spec = pl.BlockSpec(blk, lambda i: (i, 0))
    return pl.pallas_call(
        _vox_body,
        grid=(21,),
        in_specs=[spec, spec, spec],
        out_specs=spec,
        out_shape=jax.ShapeDtypeStruct(x2d.shape, jnp.int32),
    )(x2d, y2d, z2d)



_TBLK = 4096


def _tr_body(f_ref, eye_ref, out_ref):
    t = lax.dot_general(eye_ref[...], f_ref[...],
                        (((1,), (1,)), ((), ())),
                        preferred_element_type=jnp.float32)
    ones = jnp.ones((1, _TBLK), jnp.float32)
    pad = jnp.zeros((F - C - 1, _TBLK), jnp.float32)
    out_ref[...] = jnp.concatenate([t, ones, pad], axis=0)


def _transpose_feats(feats, eye):
    return pl.pallas_call(
        _tr_body,
        grid=(P // _TBLK,),
        in_specs=[
            pl.BlockSpec((_TBLK, C), lambda i: (i, 0)),
            pl.BlockSpec((C, C), lambda i: (0, 0)),
        ],
        out_specs=pl.BlockSpec((F, _TBLK), lambda i: (0, i)),
        out_shape=jax.ShapeDtypeStruct((F, P), jnp.float32),
    )(feats, eye)




def _sc_body(vox_hbm, ft_hbm, zb_hbm, outT_hbm, *rest):
    vox_v, stage_v, vt_v, zb_v, ob_v = rest[:5]
    accs = rest[5:5 + NSUM]
    c = lax.axis_index("c")
    s = lax.axis_index("s")
    pbase = (c * NS + s) * PT
    iota = lax.iota(jnp.int32, 16)
    sbase = s * TSLAB

    pltpu.sync_copy(zb_hbm, zb_v)

    def ramp(base):
        def rbody(i, _):
            stage_v[0, pl.ds(i * 16, 16)] = iota + (base + i * 16)
            return 0

        lax.fori_loop(0, 8, rbody, 0)

    def window_body(j, _):
        lo = j * WIN

        def zero_body(t, _):
            ramp(sbase + t * 128)
            idx = stage_v.at[0]
            for f in range(NSUM):
                pltpu.sync_copy(zb_v, accs[f].at[idx])
            return 0

        lax.fori_loop(0, TR, zero_body, 0)
        plsc.subcore_barrier()

        def chunk_body(k, _):
            coff = pl.multiple_of(pbase + k * B, 8)
            pltpu.sync_copy(vox_hbm.at[pl.ds(coff, B)], vox_v)
            pltpu.sync_copy(ft_hbm.at[:, pl.ds(coff, B)], vt_v)

            def sub_body(r, _):
                def lane_body(i, _):
                    v = vox_v[pl.ds(r * 128 + i * 16, 16)]
                    m = (v >= lo) & (v < lo + WIN)
                    g = WIN + ((iota + i * 16 + r) & (GARB - 1))
                    stage_v[0, pl.ds(i * 16, 16)] = jnp.where(m, v - lo, g)
                    return 0

                lax.fori_loop(0, 8, lane_body, 0)
                idx = stage_v.at[0]
                roff = pl.multiple_of(r * 128, 8)
                for f in range(NSUM):
                    pltpu.sync_copy(vt_v.at[f, pl.ds(roff, 128)],
                                    accs[f].at[idx], add=True)
                return 0

            lax.fori_loop(0, BR, sub_body, 0)
            return 0

        lax.fori_loop(0, NCHUNK, chunk_body, 0)
        plsc.subcore_barrier()

        def out_body(t, _):
            ramp(sbase + t * 128)
            idx = stage_v.at[0]
            ooff = pl.multiple_of(lo + sbase + t * 128, 8)
            for f in range(NSUM):
                pltpu.sync_copy(accs[f].at[idx], ob_v)
                pltpu.sync_copy(ob_v, outT_hbm.at[c, f, pl.ds(ooff, 128)])
            return 0

        lax.fori_loop(0, TR, out_body, 0)
        plsc.subcore_barrier()
        return 0

    lax.fori_loop(0, NWIN, window_body, 0)


def _sc_scatter(vox, ftT, zb):
    mesh = plsc.VectorSubcoreMesh(core_axis_name="c", subcore_axis_name="s")
    fn = pl.kernel(
        _sc_body,
        out_type=jax.ShapeDtypeStruct((NC, NSUM, MPAD), jnp.float32),
        mesh=mesh,
        scratch_types=[
            pltpu.VMEM((B,), jnp.int32),
            pltpu.VMEM((1, 128), jnp.int32),
            pltpu.VMEM((F, B), jnp.float32),
            pltpu.VMEM((128,), jnp.float32),
            pltpu.VMEM((128,), jnp.float32),
        ] + [pltpu.VMEM_SHARED((WIN + GARB,), jnp.float32) for _ in range(NSUM)]
        + [pltpu.SemaphoreType.DMA],
    )
    return fn(vox, ftT, zb)



_HBLK = 2048


def _head_body(t0_ref, t1_ref, w_ref, b_ref, out_ref):
    tt = t0_ref[0] + t1_ref[0]
    sums = tt[:C, :]
    cnt = tt[C:C + 1, :]
    pooledT = sums / jnp.maximum(cnt, 1.0)
    y = lax.dot_general(pooledT, w_ref[...],
                        (((0,), (0,)), ((), ())),
                        preferred_element_type=jnp.float32)
    y = y + b_ref[...]
    col = lax.broadcasted_iota(jnp.int32, y.shape, 1)
    cval = jnp.where(col == C - 1, DENSITY_CLAMP, 5.0)
    out_ref[...] = jnp.tanh(y / cval) * cval


def _head(outT, w, b2d):
    return pl.pallas_call(
        _head_body,
        grid=(M // _HBLK,),
        in_specs=[
            pl.BlockSpec((1, NSUM, _HBLK), lambda i: (0, 0, i)),
            pl.BlockSpec((1, NSUM, _HBLK), lambda i: (1, 0, i)),
            pl.BlockSpec((C, C), lambda i: (0, 0)),
            pl.BlockSpec((1, C), lambda i: (0, 0)),
        ],
        out_specs=pl.BlockSpec((_HBLK, C), lambda i: (i, 0)),
        out_shape=jax.ShapeDtypeStruct((M, C), jnp.float32),
    )(outT, outT, w, b2d)


def kernel(feat_coord_in_world_frame, encoded_scene, W, b):
    x2d = feat_coord_in_world_frame[:, 0].reshape(P // 512, 512)
    y2d = feat_coord_in_world_frame[:, 1].reshape(P // 512, 512)
    z2d = feat_coord_in_world_frame[:, 2].reshape(P // 512, 512)
    vox = _compute_vox(x2d, y2d, z2d).reshape(P)

    ftT = _transpose_feats(encoded_scene, jnp.eye(C, dtype=jnp.float32))
    zb = jnp.zeros((128,), jnp.float32)
    outT = _sc_scatter(vox, ftT, zb)

    return _head(outT, W, b.reshape(1, C))

# --- scband reference (transcript-rebuilt; emitter-appended) ---
"""Pipeline reference for scband-mult-view-pooling-octree-encoder-76948634075540 (READ-ONLY COPY).

The authoritative reference and input builder live on the scoring server;
editing this copy changes nothing except your own understanding.
"""

import jax, jax.numpy as jnp
import numpy as np

LEVEL = 6
R = 2 ** LEVEL
M = R ** 3
CONTRACT_SCALE = 4.0
DENSITY_CLAMP = 6.0
P = 602112
C = 33


def soft_clamp(x, cval=3.0):
    return jnp.tanh(x / cval) * cval


def setup_inputs(seed: int = 0) -> dict:
    key = jax.random.key(seed)
    k1, k2, k3, _ = jax.random.split(key, 4)
    feat_coord_in_world_frame = jax.random.normal(k1, (P, 3), dtype=jnp.float32) * 3.0
    encoded_scene = jax.random.normal(k2, (P, C), dtype=jnp.float32)
    W = jax.random.normal(k3, (C, C), dtype=jnp.float32) * 0.05
    b = jnp.zeros((C,), dtype=jnp.float32)
    return {
        "feat_coord_in_world_frame": feat_coord_in_world_frame,
        "encoded_scene": encoded_scene,
        "W": W,
        "b": b,
    }


def reference(feat_coord_in_world_frame, encoded_scene, W, b):
    # 3. convert world coords to parameterized space [-inf, +inf] -> [-1, 1]
    #    (xy_z_transform emulated with tanh contraction)
    xy_s = jnp.tanh(feat_coord_in_world_frame[:, :2] / CONTRACT_SCALE)
    z_s = jnp.tanh(feat_coord_in_world_frame[:, 2:] / CONTRACT_SCALE)
    s = jnp.concatenate([xy_s, z_s], axis=1)

    # 4. octree construction at level L: quantize coords, scatter-MEAN pool
    #    multi-view features into voxel cells (pooling='mean' since
    #    max_pool_feats=False). This is the core scatter-memory op of
    #    custom_unbatched_pointcloud_to_spc.
    q = jnp.clip(jnp.floor((s + 1.0) * 0.5 * R), 0, R - 1).astype(jnp.int32)
    vox = (q[:, 0] * R + q[:, 1]) * R + q[:, 2]

    sums = jax.ops.segment_sum(encoded_scene, vox, num_segments=M)
    cnt = jax.ops.segment_sum(
        jnp.ones((encoded_scene.shape[0],), dtype=encoded_scene.dtype),
        vox,
        num_segments=M,
    )
    pooled = sums / jnp.maximum(cnt, 1.0)[:, None]

    # 5. sparse voxel convnet proxied by a per-voxel linear layer
    voxel_net_out = pooled @ W + b

    # final soft clamps: features clamped at 5.0, density logit at density_clamp_val
    out = jnp.concatenate(
        [
            soft_clamp(voxel_net_out[:, :-1], cval=5.0),
            soft_clamp(voxel_net_out[:, -1:], cval=DENSITY_CLAMP),
        ],
        axis=-1,
    )
    return out

if __name__ == "__main__":
    import jax
    _d = setup_inputs()
    print(jax.jit(kernel)(*tuple(_d.values())))

</pallas_src>

<mosaic_0001>
#map = affine_map<(d0, d1) -> (0)>
#map1 = affine_map<(d0, d1) -> (0, 0)>
#map2 = affine_map<(d0, d1) -> (0, 0, 0)>
module attributes {stable_mosaic.version = 14 : i64} {
  func.func @_sc_body(%arg0: i32, %arg1: i32, %arg2: memref<602112xi32, #tpu.memory_space<hbm>>, %arg3: memref<40x602112xf32, #tpu.memory_space<hbm>>, %arg4: memref<128xf32, #tpu.memory_space<hbm>>, %arg5: memref<2x34x286720xf32, #tpu.memory_space<hbm>>, %arg6: memref<896xi32, #tpu.memory_space<vmem>>, %arg7: memref<1x128xi32, #tpu.memory_space<vmem>>, %arg8: memref<40x896xf32, #tpu.memory_space<vmem>>, %arg9: memref<128xf32, #tpu.memory_space<vmem>>, %arg10: memref<128xf32, #tpu.memory_space<vmem>>, %arg11: memref<41472xf32, #tpu.memory_space<vmem_shared>>, %arg12: memref<41472xf32, #tpu.memory_space<vmem_shared>>, %arg13: memref<41472xf32, #tpu.memory_space<vmem_shared>>, %arg14: memref<41472xf32, #tpu.memory_space<vmem_shared>>, %arg15: memref<41472xf32, #tpu.memory_space<vmem_shared>>, %arg16: memref<41472xf32, #tpu.memory_space<vmem_shared>>, %arg17: memref<41472xf32, #tpu.memory_space<vmem_shared>>, %arg18: memref<41472xf32, #tpu.memory_space<vmem_shared>>, %arg19: memref<41472xf32, #tpu.memory_space<vmem_shared>>, %arg20: memref<41472xf32, #tpu.memory_space<vmem_shared>>, %arg21: memref<41472xf32, #tpu.memory_space<vmem_shared>>, %arg22: memref<41472xf32, #tpu.memory_space<vmem_shared>>, %arg23: memref<41472xf32, #tpu.memory_space<vmem_shared>>, %arg24: memref<41472xf32, #tpu.memory_space<vmem_shared>>, %arg25: memref<41472xf32, #tpu.memory_space<vmem_shared>>, %arg26: memref<41472xf32, #tpu.memory_space<vmem_shared>>, %arg27: memref<41472xf32, #tpu.memory_space<vmem_shared>>, %arg28: memref<41472xf32, #tpu.memory_space<vmem_shared>>, %arg29: memref<41472xf32, #tpu.memory_space<vmem_shared>>, %arg30: memref<41472xf32, #tpu.memory_space<vmem_shared>>, %arg31: memref<41472xf32, #tpu.memory_space<vmem_shared>>, %arg32: memref<41472xf32, #tpu.memory_space<vmem_shared>>, %arg33: memref<41472xf32, #tpu.memory_space<vmem_shared>>, %arg34: memref<41472xf32, #tpu.memory_space<vmem_shared>>, %arg35: memref<41472xf32, #tpu.memory_space<vmem_shared>>, %arg36: memref<41472xf32, #tpu.memory_space<vmem_shared>>, %arg37: memref<41472xf32, #tpu.memory_space<vmem_shared>>, %arg38: memref<41472xf32, #tpu.memory_space<vmem_shared>>, %arg39: memref<41472xf32, #tpu.memory_space<vmem_shared>>, %arg40: memref<41472xf32, #tpu.memory_space<vmem_shared>>, %arg41: memref<41472xf32, #tpu.memory_space<vmem_shared>>, %arg42: memref<41472xf32, #tpu.memory_space<vmem_shared>>, %arg43: memref<41472xf32, #tpu.memory_space<vmem_shared>>, %arg44: memref<41472xf32, #tpu.memory_space<vmem_shared>>, %arg45: memref<!tpu.dma_semaphore, #tpu.memory_space<semaphore_mem>>) attributes {dimension_semantics = [#tpu.dimension_semantics<core_parallel>, #tpu.dimension_semantics<subcore_parallel>], iteration_bounds = array<i64: 2, 16>, scalar_prefetch = 0 : i64, scratch_operands = 40 : i64, tpu.core_type = #tpu.core_type<sc_vector_subcore>, window_params = [{transform_indices = #map}, {transform_indices = #map1}, {transform_indices = #map}, {transform_indices = #map2}]} {
    %mul3A = arith.constant 16 : i32
    %mul3A_0 = arith.muli %arg0, %mul3A : i32
    %add3A = arith.addi %mul3A_0, %arg1 : i32
    %mul3A_1 = arith.constant 18816 : i32
    %mul3A_2 = arith.muli %add3A, %mul3A_1 : i32
    %iota3A = tpu.iota {dimensions = array<i32: 0>} : vector<16xi32>
    %mul3A_3 = arith.constant 2560 : i32
    %mul3A_4 = arith.muli %arg1, %mul3A_3 : i32
    "tpu.region"() ({
      %run_scoped3A = tpu.sem_alloc : memref<!tpu.dma_semaphore, #tpu.memory_space<semaphore_mem>>
      tpu.enqueue_dma source(%arg4 : memref<128xf32, #tpu.memory_space<hbm>>) target(%arg9 : memref<128xf32, #tpu.memory_space<vmem>>) target_semaphore(%run_scoped3A : memref<!tpu.dma_semaphore, #tpu.memory_space<semaphore_mem>>)
      tpu.wait_dma2 semaphore(%run_scoped3A : memref<!tpu.dma_semaphore, #tpu.memory_space<semaphore_mem>>) src(%arg4 : memref<128xf32, #tpu.memory_space<hbm>>) dst(%arg9 : memref<128xf32, #tpu.memory_space<vmem>>)
      tpu.yield
    }) : () -> ()
    %scan3A = arith.constant 0 : i32
    %scan3A_5 = arith.constant 0 : i32
    %scan3A_6 = arith.constant 7 : i32
    %scan3A_7 = arith.addi %scan3A_5, %scan3A_6 : i32
    %scan3A_8 = arith.constant 1 : i32
    %scan3A_9 = scf.for %scan3A_11 = %scan3A_5 to %scan3A_7 step %scan3A_8 iter_args(%scan3A_12 = %scan3A) -> (i32)  : i32 {
      %mul3A_13 = arith.constant 40960 : i32
      %mul3A_14 = arith.muli %scan3A_11, %mul3A_13 : i32
      %scan3A_15 = arith.constant 0 : i32
      %scan3A_16 = arith.constant 0 : i32
      %scan3A_17 = arith.constant 20 : i32
      %scan3A_18 = arith.addi %scan3A_16, %scan3A_17 : i32
      %scan3A_19 = arith.constant 1 : i32
      %scan3A_20 = scf.for %scan3A_39 = %scan3A_16 to %scan3A_18 step %scan3A_19 iter_args(%scan3A_40 = %scan3A_15) -> (i32)  : i32 {
        %mul3A_41 = arith.constant 128 : i32
        %mul3A_42 = arith.muli %scan3A_39, %mul3A_41 : i32
        %add3A_43 = arith.addi %mul3A_4, %mul3A_42 : i32
        %scan3A_44 = arith.constant 0 : i32
        %scan3A_45 = arith.constant 0 : i32
        %scan3A_46 = arith.constant 8 : i32
        %scan3A_47 = arith.addi %scan3A_45, %scan3A_46 : i32
        %scan3A_48 = arith.constant 1 : i32
        %scan3A_49 = scf.for %scan3A_85 = %scan3A_45 to %scan3A_47 step %scan3A_48 iter_args(%scan3A_86 = %scan3A_44) -> (i32)  : i32 {
          %mul3A_87 = arith.constant 16 : i32
          %mul3A_88 = arith.muli %scan3A_85, %mul3A_87 : i32
          %add3A_89 = arith.addi %add3A_43, %mul3A_88 : i32
          %add3A_90 = vector.broadcast %add3A_89 : i32 to vector<16xi32>
          %add3A_91 = arith.addi %iota3A, %add3A_90 : vector<16xi32>
          %mul3A_92 = arith.constant 16 : i32
          %mul3A_93 = arith.muli %scan3A_85, %mul3A_92 : i32
          %swap3A = arith.constant 0 : i32
          %swap3A_94 = arith.index_cast %swap3A : i32 to index
          %swap3A_95 = arith.index_cast %mul3A_93 : i32 to index
          %swap3A_96 = tpu.vector_load %arg7[%swap3A_94, %swap3A_95] {strides = array<i32>} : memref<1x128xi32, #tpu.memory_space<vmem>>, vector<1x16xi32>,
          %swap3A_97 = vector.shape_cast %swap3A_96 : vector<1x16xi32> to vector<16xi32>
          %swap3A_98 = vector.shape_cast %add3A_91 : vector<16xi32> to vector<1x16xi32>
          tpu.vector_store %arg7[%swap3A_94, %swap3A_95], %swap3A_98 {strides = array<i32>} : memref<1x128xi32, #tpu.memory_space<vmem>>, vector<1x16xi32>,
          %scan3A_99 = arith.constant 0 : i32
          scf.yield %scan3A_99 : i32
        }
        %scan3A_50 = arith.constant 8 : i32
        %run_scoped3A = arith.constant 0 : i32
        "tpu.region"() ({
          %run_scoped3A_85 = tpu.sem_alloc : memref<!tpu.dma_semaphore, #tpu.memory_space<semaphore_mem>>
          %dma_start3A = arith.constant 0 : i32
          %dma_start3A_86 = tpu.memref_slice %arg7[%run_scoped3A, %dma_start3A] : memref<1x128xi32, #tpu.memory_space<vmem>> -> memref<1x128xi32, #tpu.memory_space<vmem>>
          %dma_start3A_87 = tpu.memref_squeeze %dma_start3A_86 : memref<1x128xi32, #tpu.memory_space<vmem>> -> memref<128xi32, #tpu.memory_space<vmem>>
          %dma_start3A_88 = arith.constant 0 : i32
          %dma_start3A_89 = tpu.memref_slice %arg11[%dma_start3A_88] : memref<41472xf32, #tpu.memory_space<vmem_shared>> -> memref<41472xf32, #tpu.memory_space<vmem_shared>>
          tpu.enqueue_indirect_dma source(%arg9 : memref<128xf32, #tpu.memory_space<vmem>>) target(%dma_start3A_89 : memref<41472xf32, #tpu.memory_space<vmem_shared>>) offsets(%dma_start3A_87 : memref<128xi32, #tpu.memory_space<vmem>>) semaphore(%run_scoped3A_85 : memref<!tpu.dma_semaphore, #tpu.memory_space<semaphore_mem>>)
          %dma_wait3A = arith.constant 0 : i32
          %dma_wait3A_90 = tpu.memref_slice %arg7[%run_scoped3A, %dma_wait3A] : memref<1x128xi32, #tpu.memory_space<vmem>> -> memref<1x128xi32, #tpu.memory_space<vmem>>
          %dma_wait3A_91 = tpu.memref_squeeze %dma_wait3A_90 : memref<1x128xi32, #tpu.memory_space<vmem>> -> memref<128xi32, #tpu.memory_space<vmem>>
          %dma_wait3A_92 = arith.constant 0 : i32
          %dma_wait3A_93 = tpu.memref_slice %arg11[%dma_wait3A_92] : memref<41472xf32, #tpu.memory_space<vmem_shared>> -> memref<41472xf32, #tpu.memory_space<vmem_shared>>
          tpu.wait_indirect_dma semaphore(%run_scoped3A_85 : memref<!tpu.dma_semaphore, #tpu.memory_space<semaphore_mem>>) src(%arg9 : memref<128xf32, #tpu.memory_space<vmem>>) dst(%dma_wait3A_93 : memref<41472xf32, #tpu.memory_space<vmem_shared>>)
          tpu.yield
        }) : () -> ()
        %run_scoped3A_51 = arith.constant 0 : i32
        "tpu.region"() ({
          %run_scoped3A_85 = tpu.sem_alloc : memref<!tpu.dma_semaphore, #tpu.memory_space<semaphore_mem>>
          %dma_start3A = arith.constant 0 : i32
          %dma_start3A_86 = tpu.memref_slice %arg7[%run_scoped3A_51, %dma_start3A] : memref<1x128xi32, #tpu.memory_space<vmem>> -> memref<1x128xi32, #tpu.memory_space<vmem>>
          %dma_start3A_87 = tpu.memref_squeeze %dma_start3A_86 : memref<1x128xi32, #tpu.memory_space<vmem>> -> memref<128xi32, #tpu.memory_space<vmem>>
          %dma_start3A_88 = arith.constant 0 : i32
          %dma_start3A_89 = tpu.memref_slice %arg12[%dma_start3A_88] : memref<41472xf32, #tpu.memory_space<vmem_shared>> -> memref<41472xf32, #tpu.memory_space<vmem_shared>>
          tpu.enqueue_indirect_dma source(%arg9 : memref<128xf32, #tpu.memory_space<vmem>>) target(%dma_start3A_89 : memref<41472xf32, #tpu.memory_space<vmem_shared>>) offsets(%dma_start3A_87 : memref<128xi32, #tpu.memory_space<vmem>>) semaphore(%run_scoped3A_85 : memref<!tpu.dma_semaphore, #tpu.memory_space<semaphore_mem>>)
          %dma_wait3A = arith.constant 0 : i32
          %dma_wait3A_90 = tpu.memref_slice %arg7[%run_scoped3A_51, %dma_wait3A] : memref<1x128xi32, #tpu.memory_space<vmem>> -> memref<1x128xi32, #tpu.memory_space<vmem>>
          %dma_wait3A_91 = tpu.memref_squeeze %dma_wait3A_90 : memref<1x128xi32, #tpu.memory_space<vmem>> -> memref<128xi32, #tpu.memory_space<vmem>>
          %dma_wait3A_92 = arith.constant 0 : i32
          %dma_wait3A_93 = tpu.memref_slice %arg12[%dma_wait3A_92] : memref<41472xf32, #tpu.memory_space<vmem_shared>> -> memref<41472xf32, #tpu.memory_space<vmem_shared>>
          tpu.wait_indirect_dma semaphore(%run_scoped3A_85 : memref<!tpu.dma_semaphore, #tpu.memory_space<semaphore_mem>>) src(%arg9 : memref<128xf32, #tpu.memory_space<vmem>>) dst(%dma_wait3A_93 : memref<41472xf32, #tpu.memory_space<vmem_shared>>)
          tpu.yield
        }) : () -> ()
        %run_scoped3A_52 = arith.constant 0 : i32
        "tpu.region"() ({
          %run_scoped3A_85 = tpu.sem_alloc : memref<!tpu.dma_semaphore, #tpu.memory_space<semaphore_mem>>
          %dma_start3A = arith.constant 0 : i32
          %dma_start3A_86 = tpu.memref_slice %arg7[%run_scoped3A_52, %dma_start3A] : memref<1x128xi32, #tpu.memory_space<vmem>> -> memref<1x128xi32, #tpu.memory_space<vmem>>
          %dma_start3A_87 = tpu.memref_squeeze %dma_start3A_86 : memref<1x128xi32, #tpu.memory_space<vmem>> -> memref<128xi32, #tpu.memory_space<vmem>>
          %dma_start3A_88 = arith.constant 0 : i32
          %dma_start3A_89 = tpu.memref_slice %arg13[%dma_start3A_88] : memref<41472xf32, #tpu.memory_space<vmem_shared>> -> memref<41472xf32, #tpu.memory_space<vmem_shared>>
          tpu.enqueue_indirect_dma source(%arg9 : memref<128xf32, #tpu.memory_space<vmem>>) target(%dma_start3A_89 : memref<41472xf32, #tpu.memory_space<vmem_shared>>) offsets(%dma_start3A_87 : memref<128xi32, #tpu.memory_space<vmem>>) semaphore(%run_scoped3A_85 : memref<!tpu.dma_semaphore, #tpu.memory_space<semaphore_mem>>)
          %dma_wait3A = arith.constant 0 : i32
          %dma_wait3A_90 = tpu.memref_slice %arg7[%run_scoped3A_52, %dma_wait3A] : memref<1x128xi32, #tpu.memory_space<vmem>> -> memref<1x128xi32, #tpu.memory_space<vmem>>
          %dma_wait3A_91 = tpu.memref_squeeze %dma_wait3A_90 : memref<1x128xi32, #tpu.memory_space<vmem>> -> memref<128xi32, #tpu.memory_space<vmem>>
          %dma_wait3A_92 = arith.constant 0 : i32
          %dma_wait3A_93 = tpu.memref_slice %arg13[%dma_wait3A_92] : memref<41472xf32, #tpu.memory_space<vmem_shared>> -> memref<41472xf32, #tpu.memory_space<vmem_shared>>
          tpu.wait_indirect_dma semaphore(%run_scoped3A_85 : memref<!tpu.dma_semaphore, #tpu.memory_space<semaphore_mem>>) src(%arg9 : memref<128xf32, #tpu.memory_space<vmem>>) dst(%dma_wait3A_93 : memref<41472xf32, #tpu.memory_space<vmem_shared>>)
          tpu.yield
        }) : () -> ()
        %run_scoped3A_53 = arith.constant 0 : i32
        "tpu.region"() ({
          %run_scoped3A_85 = tpu.sem_alloc : memref<!tpu.dma_semaphore, #tpu.memory_space<semaphore_mem>>
          %dma_start3A = arith.constant 0 : i32
          %dma_start3A_86 = tpu.memref_slice %arg7[%run_scoped3A_53, %dma_start3A] : memref<1x128xi32, #tpu.memory_space<vmem>> -> memref<1x128xi32, #tpu.memory_space<vmem>>
          %dma_start3A_87 = tpu.memref_squeeze %dma_start3A_86 : memref<1x128xi32, #tpu.memory_space<vmem>> -> memref<128xi32, #tpu.memory_space<vmem>>
          %dma_start3A_88 = arith.constant 0 : i32
          %dma_start3A_89 = tpu.memref_slice %arg14[%dma_start3A_88] : memref<41472xf32, #tpu.memory_space<vmem_shared>> -> memref<41472xf32, #tpu.memory_space<vmem_shared>>
          tpu.enqueue_indirect_dma source(%arg9 : memref<128xf32, #tpu.memory_space<vmem>>) target(%dma_start3A_89 : memref<41472xf32, #tpu.memory_space<vmem_shared>>) offsets(%dma_start3A_87 : memref<128xi32, #tpu.memory_space<vmem>>) semaphore(%run_scoped3A_85 : memref<!tpu.dma_semaphore, #tpu.memory_space<semaphore_mem>>)
          %dma_wait3A = arith.constant 0 : i32
          %dma_wait3A_90 = tpu.memref_slice %arg7[%run_scoped3A_53, %dma_wait3A] : memref<1x128xi32, #tpu.memory_space<vmem>> -> memref<1x128xi32, #tpu.memory_space<vmem>>
          %dma_wait3A_91 = tpu.memref_squeeze %dma_wait3A_90 : memref<1x128xi32, #tpu.memory_space<vmem>> -> memref<128xi32, #tpu.memory_space<vmem>>
          %dma_wait3A_92 = arith.constant 0 : i32
          %dma_wait3A_93 = tpu.memref_slice %arg14[%dma_wait3A_92] : memref<41472xf32, #tpu.memory_space<vmem_shared>> -> memref<41472xf32, #tpu.memory_space<vmem_shared>>
          tpu.wait_indirect_dma semaphore(%run_scoped3A_85 : memref<!tpu.dma_semaphore, #tpu.memory_space<semaphore_mem>>) src(%arg9 : memref<128xf32, #tpu.memory_space<vmem>>) dst(%dma_wait3A_93 : memref<41472xf32, #tpu.memory_space<vmem_shared>>)
          tpu.yield
        }) : () -> ()
        %run_scoped3A_54 = arith.constant 0 : i32
        "tpu.region"() ({
          %run_scoped3A_85 = tpu.sem_alloc : memref<!tpu.dma_semaphore, #tpu.memory_space<semaphore_mem>>
          %dma_start3A = arith.constant 0 : i32
          %dma_start3A_86 = tpu.memref_slice %arg7[%run_scoped3A_54, %dma_start3A] : memref<1x128xi32, #tpu.memory_space<vmem>> -> memref<1x128xi32, #tpu.memory_space<vmem>>
          %dma_start3A_87 = tpu.memref_squeeze %dma_start3A_86 : memref<1x128xi32, #tpu.memory_space<vmem>> -> memref<128xi32, #tpu.memory_space<vmem>>
          %dma_start3A_88 = arith.constant 0 : i32
          %dma_start3A_89 = tpu.memref_slice %arg15[%dma_start3A_88] : memref<41472xf32, #tpu.memory_space<vmem_shared>> -> memref<41472xf32, #tpu.memory_space<vmem_shared>>
          tpu.enqueue_indirect_dma source(%arg9 : memref<128xf32, #tpu.memory_space<vmem>>) target(%dma_start3A_89 : memref<41472xf32, #tpu.memory_space<vmem_shared>>) offsets(%dma_start3A_87 : memref<128xi32, #tpu.memory_space<vmem>>) semaphore(%run_scoped3A_85 : memref<!tpu.dma_semaphore, #tpu.memory_space<semaphore_mem>>)
          %dma_wait3A = arith.constant 0 : i32
          %dma_wait3A_90 = tpu.memref_slice %arg7[%run_scoped3A_54, %dma_wait3A] : memref<1x128xi32, #tpu.memory_space<vmem>> -> memref<1x128xi32, #tpu.memory_space<vmem>>
          %dma_wait3A_91 = tpu.memref_squeeze %dma_wait3A_90 : memref<1x128xi32, #tpu.memory_space<vmem>> -> memref<128xi32, #tpu.memory_space<vmem>>
          %dma_wait3A_92 = arith.constant 0 : i32
          %dma_wait3A_93 = tpu.memref_slice %arg15[%dma_wait3A_92] : memref<41472xf32, #tpu.memory_space<vmem_shared>> -> memref<41472xf32, #tpu.memory_space<vmem_shared>>
          tpu.wait_indirect_dma semaphore(%run_scoped3A_85 : memref<!tpu.dma_semaphore, #tpu.memory_space<semaphore_mem>>) src(%arg9 : memref<128xf32, #tpu.memory_space<vmem>>) dst(%dma_wait3A_93 : memref<41472xf32, #tpu.memory_space<vmem_shared>>)
          tpu.yield
        }) : () -> ()
        %run_scoped3A_55 = arith.constant 0 : i32
        "tpu.region"() ({
          %run_scoped3A_85 = tpu.sem_alloc : memref<!tpu.dma_semaphore, #tpu.memory_space<semaphore_mem>>
          %dma_start3A = arith.constant 0 : i32
          %dma_start3A_86 = tpu.memref_slice %arg7[%run_scoped3A_55, %dma_start3A] : memref<1x128xi32, #tpu.memory_space<vmem>> -> memref<1x128xi32, #tpu.memory_space<vmem>>
          %dma_start3A_87 = tpu.memref_squeeze %dma_start3A_86 : memref<1x128xi32, #tpu.memory_space<vmem>> -> memref<128xi32, #tpu.memory_space<vmem>>
          %dma_start3A_88 = arith.constant 0 : i32
          %dma_start3A_89 = tpu.memref_slice %arg16[%dma_start3A_88] : memref<41472xf32, #tpu.memory_space<vmem_shared>> -> memref<41472xf32, #tpu.memory_space<vmem_shared>>
          tpu.enqueue_indirect_dma source(%arg9 : memref<128xf32, #tpu.memory_space<vmem>>) target(%dma_start3A_89 : memref<41472xf32, #tpu.memory_space<vmem_shared>>) offsets(%dma_start3A_87 : memref<128xi32, #tpu.memory_space<vmem>>) semaphore(%run_scoped3A_85 : memref<!tpu.dma_semaphore, #tpu.memory_space<semaphore_mem>>)
          %dma_wait3A = arith.constant 0 : i32
          %dma_wait3A_90 = tpu.memref_slice %arg7[%run_scoped3A_55, %dma_wait3A] : memref<1x128xi32, #tpu.memory_space<vmem>> -> memref<1x128xi32, #tpu.memory_space<vmem>>
          %dma_wait3A_91 = tpu.memref_squeeze %dma_wait3A_90 : memref<1x128xi32, #tpu.memory_space<vmem>> -> memref<128xi32, #tpu.memory_space<vmem>>
          %dma_wait3A_92 = arith.constant 0 : i32
          %dma_wait3A_93 = tpu.memref_slice %arg16[%dma_wait3A_92] : memref<41472xf32, #tpu.memory_space<vmem_shared>> -> memref<41472xf32, #tpu.memory_space<vmem_shared>>
          tpu.wait_indirect_dma semaphore(%run_scoped3A_85 : memref<!tpu.dma_semaphore, #tpu.memory_space<semaphore_mem>>) src(%arg9 : memref<128xf32, #tpu.memory_space<vmem>>) dst(%dma_wait3A_93 : memref<41472xf32, #tpu.memory_space<vmem_shared>>)
          tpu.yield
        }) : () -> ()
        %run_scoped3A_56 = arith.constant 0 : i32
        "tpu.region"() ({
          %run_scoped3A_85 = tpu.sem_alloc : memref<!tpu.dma_semaphore, #tpu.memory_space<semaphore_mem>>
          %dma_start3A = arith.constant 0 : i32
          %dma_start3A_86 = tpu.memref_slice %arg7[%run_scoped3A_56, %dma_start3A] : memref<1x128xi32, #tpu.memory_space<vmem>> -> memref<1x128xi32, #tpu.memory_space<vmem>>
          %dma_start3A_87 = tpu.memref_squeeze %dma_start3A_86 : memref<1x128xi32, #tpu.memory_space<vmem>> -> memref<128xi32, #tpu.memory_space<vmem>>
          %dma_start3A_88 = arith.constant 0 : i32
          %dma_start3A_89 = tpu.memref_slice %arg17[%dma_start3A_88] : memref<41472xf32, #tpu.memory_space<vmem_shared>> -> memref<41472xf32, #tpu.memory_space<vmem_shared>>
          tpu.enqueue_indirect_dma source(%arg9 : memref<128xf32, #tpu.memory_space<vmem>>) target(%dma_start3A_89 : memref<41472xf32, #tpu.memory_space<vmem_shared>>) offsets(%dma_start3A_87 : memref<128xi32, #tpu.memory_space<vmem>>) semaphore(%run_scoped3A_85 : memref<!tpu.dma_semaphore, #tpu.memory_space<semaphore_mem>>)
          %dma_wait3A = arith.constant 0 : i32
          %dma_wait3A_90 = tpu.memref_slice %arg7[%run_scoped3A_56, %dma_wait3A] : memref<1x128xi32, #tpu.memory_space<vmem>> -> memref<1x128xi32, #tpu.memory_space<vmem>>
          %dma_wait3A_91 = tpu.memref_squeeze %dma_wait3A_90 : memref<1x128xi32, #tpu.memory_space<vmem>> -> memref<128xi32, #tpu.memory_space<vmem>>
          %dma_wait3A_92 = arith.constant 0 : i32
          %dma_wait3A_93 = tpu.memref_slice %arg17[%dma_wait3A_92] : memref<41472xf32, #tpu.memory_space<vmem_shared>> -> memref<41472xf32, #tpu.memory_space<vmem_shared>>
          tpu.wait_indirect_dma semaphore(%run_scoped3A_85 : memref<!tpu.dma_semaphore, #tpu.memory_space<semaphore_mem>>) src(%arg9 : memref<128xf32, #tpu.memory_space<vmem>>) dst(%dma_wait3A_93 : memref<41472xf32, #tpu.memory_space<vmem_shared>>)
          tpu.yield
        }) : () -> ()
        %run_scoped3A_57 = arith.constant 0 : i32
        "tpu.region"() ({
          %run_scoped3A_85 = tpu.sem_alloc : memref<!tpu.dma_semaphore, #tpu.memory_space<semaphore_mem>>
          %dma_start3A = arith.constant 0 : i32
          %dma_start3A_86 = tpu.memref_slice %arg7[%run_scoped3A_57, %dma_start3A] : memref<1x128xi32, #tpu.memory_space<vmem>> -> memref<1x128xi32, #tpu.memory_space<vmem>>
          %dma_start3A_87 = tpu.memref_squeeze %dma_start3A_86 : memref<1x128xi32, #tpu.memory_space<vmem>> -> memref<128xi32, #tpu.memory_space<vmem>>
          %dma_start3A_88 = arith.constant 0 : i32
          %dma_start3A_89 = tpu.memref_slice %arg18[%dma_start3A_88] : memref<41472xf32, #tpu.memory_space<vmem_shared>> -> memref<41472xf32, #tpu.memory_space<vmem_shared>>
          tpu.enqueue_indirect_dma source(%arg9 : memref<128xf32, #tpu.memory_space<vmem>>) target(%dma_start3A_89 : memref<41472xf32, #tpu.memory_space<vmem_shared>>) offsets(%dma_start3A_87 : memref<128xi32, #tpu.memory_space<vmem>>) semaphore(%run_scoped3A_85 : memref<!tpu.dma_semaphore, #tpu.memory_space<semaphore_mem>>)
          %dma_wait3A = arith.constant 0 : i32
          %dma_wait3A_90 = tpu.memref_slice %arg7[%run_scoped3A_57, %dma_wait3A] : memref<1x128xi32, #tpu.memory_space<vmem>> -> memref<1x128xi32, #tpu.memory_space<vmem>>
          %dma_wait3A_91 = tpu.memref_squeeze %dma_wait3A_90 : memref<1x128xi32, #tpu.memory_space<vmem>> -> memref<128xi32, #tpu.memory_space<vmem>>
          %dma_wait3A_92 = arith.constant 0 : i32
          %dma_wait3A_93 = tpu.memref_slice %arg18[%dma_wait3A_92] : memref<41472xf32, #tpu.memory_space<vmem_shared>> -> memref<41472xf32, #tpu.memory_space<vmem_shared>>
          tpu.wait_indirect_dma semaphore(%run_scoped3A_85 : memref<!tpu.dma_semaphore, #tpu.memory_space<semaphore_mem>>) src(%arg9 : memref<128xf32, #tpu.memory_space<vmem>>) dst(%dma_wait3A_93 : memref<41472xf32, #tpu.memory_space<vmem_shared>>)
          tpu.yield
        }) : () -> ()
        %run_scoped3A_58 = arith.constant 0 : i32
        "tpu.region"() ({
          %run_scoped3A_85 = tpu.sem_alloc : memref<!tpu.dma_semaphore, #tpu.memory_space<semaphore_mem>>
          %dma_start3A = arith.constant 0 : i32
          %dma_start3A_86 = tpu.memref_slice %arg7[%run_scoped3A_58, %dma_start3A] : memref<1x128xi32, #tpu.memory_space<vmem>> -> memref<1x128xi32, #tpu.memory_space<vmem>>
          %dma_start3A_87 = tpu.memref_squeeze %dma_start3A_86 : memref<1x128xi32, #tpu.memory_space<vmem>> -> memref<128xi32, #tpu.memory_space<vmem>>
          %dma_start3A_88 = arith.constant 0 : i32
          %dma_start3A_89 = tpu.memref_slice %arg19[%dma_start3A_88] : memref<41472xf32, #tpu.memory_space<vmem_shared>> -> memref<41472xf32, #tpu.memory_space<vmem_shared>>
          tpu.enqueue_indirect_dma source(%arg9 : memref<128xf32, #tpu.memory_space<vmem>>) target(%dma_start3A_89 : memref<41472xf32, #tpu.memory_space<vmem_shared>>) offsets(%dma_start3A_87 : memref<128xi32, #tpu.memory_space<vmem>>) semaphore(%run_scoped3A_85 : memref<!tpu.dma_semaphore, #tpu.memory_space<semaphore_mem>>)
          %dma_wait3A = arith.constant 0 : i32
          %dma_wait3A_90 = tpu.memref_slice %arg7[%run_scoped3A_58, %dma_wait3A] : memref<1x128xi32, #tpu.memory_space<vmem>> -> memref<1x128xi32, #tpu.memory_space<vmem>>
          %dma_wait3A_91 = tpu.memref_squeeze %dma_wait3A_90 : memref<1x128xi32, #tpu.memory_space<vmem>> -> memref<128xi32, #tpu.memory_space<vmem>>
          %dma_wait3A_92 = arith.constant 0 : i32
          %dma_wait3A_93 = tpu.memref_slice %arg19[%dma_wait3A_92] : memref<41472xf32, #tpu.memory_space<vmem_shared>> -> memref<41472xf32, #tpu.memory_space<vmem_shared>>
          tpu.wait_indirect_dma semaphore(%run_scoped3A_85 : memref<!tpu.dma_semaphore, #tpu.memory_space<semaphore_mem>>) src(%arg9 : memref<128xf32, #tpu.memory_space<vmem>>) dst(%dma_wait3A_93 : memref<41472xf32, #tpu.memory_space<vmem_shared>>)
          tpu.yield
        }) : () -> ()
        %run_scoped3A_59 = arith.constant 0 : i32
        "tpu.region"() ({
          %run_scoped3A_85 = tpu.sem_alloc : memref<!tpu.dma_semaphore, #tpu.memory_space<semaphore_mem>>
          %dma_start3A = arith.constant 0 : i32
          %dma_start3A_86 = tpu.memref_slice %arg7[%run_scoped3A_59, %dma_start3A] : memref<1x128xi32, #tpu.memory_space<vmem>> -> memref<1x128xi32, #tpu.memory_space<vmem>>
          %dma_start3A_87 = tpu.memref_squeeze %dma_start3A_86 : memref<1x128xi32, #tpu.memory_space<vmem>> -> memref<128xi32, #tpu.memory_space<vmem>>
          %dma_start3A_88 = arith.constant 0 : i32
          %dma_start3A_89 = tpu.memref_slice %arg20[%dma_start3A_88] : memref<41472xf32, #tpu.memory_space<vmem_shared>> -> memref<41472xf32, #tpu.memory_space<vmem_shared>>
          tpu.enqueue_indirect_dma source(%arg9 : memref<128xf32, #tpu.memory_space<vmem>>) target(%dma_start3A_89 : memref<41472xf32, #tpu.memory_space<vmem_shared>>) offsets(%dma_start3A_87 : memref<128xi32, #tpu.memory_space<vmem>>) semaphore(%run_scoped3A_85 : memref<!tpu.dma_semaphore, #tpu.memory_space<semaphore_mem>>)
          %dma_wait3A = arith.constant 0 : i32
          %dma_wait3A_90 = tpu.memref_slice %arg7[%run_scoped3A_59, %dma_wait3A] : memref<1x128xi32, #tpu.memory_space<vmem>> -> memref<1x128xi32, #tpu.memory_space<vmem>>
          %dma_wait3A_91 = tpu.memref_squeeze %dma_wait3A_90 : memref<1x128xi32, #tpu.memory_space<vmem>> -> memref<128xi32, #tpu.memory_space<vmem>>
          %dma_wait3A_92 = arith.constant 0 : i32
          %dma_wait3A_93 = tpu.memref_slice %arg20[%dma_wait3A_92] : memref<41472xf32, #tpu.memory_space<vmem_shared>> -> memref<41472xf32, #tpu.memory_space<vmem_shared>>
          tpu.wait_indirect_dma semaphore(%run_scoped3A_85 : memref<!tpu.dma_semaphore, #tpu.memory_space<semaphore_mem>>) src(%arg9 : memref<128xf32, #tpu.memory_space<vmem>>) dst(%dma_wait3A_93 : memref<41472xf32, #tpu.memory_space<vmem_shared>>)
          tpu.yield
        }) : () -> ()
        %run_scoped3A_60 = arith.constant 0 : i32
        "tpu.region"() ({
          %run_scoped3A_85 = tpu.sem_alloc : memref<!tpu.dma_semaphore, #tpu.memory_space<semaphore_mem>>
          %dma_start3A = arith.constant 0 : i32
          %dma_start3A_86 = tpu.memref_slice %arg7[%run_scoped3A_60, %dma_start3A] : memref<1x128xi32, #tpu.memory_space<vmem>> -> memref<1x128xi32, #tpu.memory_space<vmem>>
          %dma_start3A_87 = tpu.memref_squeeze %dma_start3A_86 : memref<1x128xi32, #tpu.memory_space<vmem>> -> memref<128xi32, #tpu.memory_space<vmem>>
          %dma_start3A_88 = arith.constant 0 : i32
          %dma_start3A_89 = tpu.memref_slice %arg21[%dma_start3A_88] : memref<41472xf32, #tpu.memory_space<vmem_shared>> -> memref<41472xf32, #tpu.memory_space<vmem_shared>>
          tpu.enqueue_indirect_dma source(%arg9 : memref<128xf32, #tpu.memory_space<vmem>>) target(%dma_start3A_89 : memref<41472xf32, #tpu.memory_space<vmem_shared>>) offsets(%dma_start3A_87 : memref<128xi32, #tpu.memory_space<vmem>>) semaphore(%run_scoped3A_85 : memref<!tpu.dma_semaphore, #tpu.memory_space<semaphore_mem>>)
          %dma_wait3A = arith.constant 0 : i32
          %dma_wait3A_90 = tpu.memref_slice %arg7[%run_scoped3A_60, %dma_wait3A] : memref<1x128xi32, #tpu.memory_space<vmem>> -> memref<1x128xi32, #tpu.memory_space<vmem>>
          %dma_wait3A_91 = tpu.memref_squeeze %dma_wait3A_90 : memref<1x128xi32, #tpu.memory_space<vmem>> -> memref<128xi32, #tpu.memory_space<vmem>>
          %dma_wait3A_92 = arith.constant 0 : i32
          %dma_wait3A_93 = tpu.memref_slice %arg21[%dma_wait3A_92] : memref<41472xf32, #tpu.memory_space<vmem_shared>> -> memref<41472xf32, #tpu.memory_space<vmem_shared>>
          tpu.wait_indirect_dma semaphore(%run_scoped3A_85 : memref<!tpu.dma_semaphore, #tpu.memory_space<semaphore_mem>>) src(%arg9 : memref<128xf32, #tpu.memory_space<vmem>>) dst(%dma_wait3A_93 : memref<41472xf32, #tpu.memory_space<vmem_shared>>)
          tpu.yield
        }) : () -> ()
        %run_scoped3A_61 = arith.constant 0 : i32
        "tpu.region"() ({
          %run_scoped3A_85 = tpu.sem_alloc : memref<!tpu.dma_semaphore, #tpu.memory_space<semaphore_mem>>
          %dma_start3A = arith.constant 0 : i32
          %dma_start3A_86 = tpu.memref_slice %arg7[%run_scoped3A_61, %dma_start3A] : memref<1x128xi32, #tpu.memory_space<vmem>> -> memref<1x128xi32, #tpu.memory_space<vmem>>
          %dma_start3A_87 = tpu.memref_squeeze %dma_start3A_86 : memref<1x128xi32, #tpu.memory_space<vmem>> -> memref<128xi32, #tpu.memory_space<vmem>>
          %dma_start3A_88 = arith.constant 0 : i32
          %dma_start3A_89 = tpu.memref_slice %arg22[%dma_start3A_88] : memref<41472xf32, #tpu.memory_space<vmem_shared>> -> memref<41472xf32, #tpu.memory_space<vmem_shared>>
          tpu.enqueue_indirect_dma source(%arg9 : memref<128xf32, #tpu.memory_space<vmem>>) target(%dma_start3A_89 : memref<41472xf32, #tpu.memory_space<vmem_shared>>) offsets(%dma_start3A_87 : memref<128xi32, #tpu.memory_space<vmem>>) semaphore(%run_scoped3A_85 : memref<!tpu.dma_semaphore, #tpu.memory_space<semaphore_mem>>)
          %dma_wait3A = arith.constant 0 : i32
          %dma_wait3A_90 = tpu.memref_slice %arg7[%run_scoped3A_61, %dma_wait3A] : memref<1x128xi32, #tpu.memory_space<vmem>> -> memref<1x128xi32, #tpu.memory_space<vmem>>
          %dma_wait3A_91 = tpu.memref_squeeze %dma_wait3A_90 : memref<1x128xi32, #tpu.memory_space<vmem>> -> memref<128xi32, #tpu.memory_space<vmem>>
          %dma_wait3A_92 = arith.constant 0 : i32
          %dma_wait3A_93 = tpu.memref_slice %arg22[%dma_wait3A_92] : memref<41472xf32, #tpu.memory_space<vmem_shared>> -> memref<41472xf32, #tpu.memory_space<vmem_shared>>
          tpu.wait_indirect_dma semaphore(%run_scoped3A_85 : memref<!tpu.dma_semaphore, #tpu.memory_space<semaphore_mem>>) src(%arg9 : memref<128xf32, #tpu.memory_space<vmem>>) dst(%dma_wait3A_93 : memref<41472xf32, #tpu.memory_space<vmem_shared>>)
          tpu.yield
        }) : () -> ()
        %run_scoped3A_62 = arith.constant 0 : i32
        "tpu.region"() ({
          %run_scoped3A_85 = tpu.sem_alloc : memref<!tpu.dma_semaphore, #tpu.memory_space<semaphore_mem>>
          %dma_start3A = arith.constant 0 : i32
          %dma_start3A_86 = tpu.memref_slice %arg7[%run_scoped3A_62, %dma_start3A] : memref<1x128xi32, #tpu.memory_space<vmem>> -> memref<1x128xi32, #tpu.memory_space<vmem>>
          %dma_start3A_87 = tpu.memref_squeeze %dma_start3A_86 : memref<1x128xi32, #tpu.memory_space<vmem>> -> memref<128xi32, #tpu.memory_space<vmem>>
          %dma_start3A_88 = arith.constant 0 : i32
          %dma_start3A_89 = tpu.memref_slice %arg23[%dma_start3A_88] : memref<41472xf32, #tpu.memory_space<vmem_shared>> -> memref<41472xf32, #tpu.memory_space<vmem_shared>>
          tpu.enqueue_indirect_dma source(%arg9 : memref<128xf32, #tpu.memory_space<vmem>>) target(%dma_start3A_89 : memref<41472xf32, #tpu.memory_space<vmem_shared>>) offsets(%dma_start3A_87 : memref<128xi32, #tpu.memory_space<vmem>>) semaphore(%run_scoped3A_85 : memref<!tpu.dma_semaphore, #tpu.memory_space<semaphore_mem>>)
          %dma_wait3A = arith.constant 0 : i32
          %dma_wait3A_90 = tpu.memref_slice %arg7[%run_scoped3A_62, %dma_wait3A] : memref<1x128xi32, #tpu.memory_space<vmem>> -> memref<1x128xi32, #tpu.memory_space<vmem>>
          %dma_wait3A_91 = tpu.memref_squeeze %dma_wait3A_90 : memref<1x128xi32, #tpu.memory_space<vmem>> -> memref<128xi32, #tpu.memory_space<vmem>>
          %dma_wait3A_92 = arith.constant 0 : i32
          %dma_wait3A_93 = tpu.memref_slice %arg23[%dma_wait3A_92] : memref<41472xf32, #tpu.memory_space<vmem_shared>> -> memref<41472xf32, #tpu.memory_space<vmem_shared>>
          tpu.wait_indirect_dma semaphore(%run_scoped3A_85 : memref<!tpu.dma_semaphore, #tpu.memory_space<semaphore_mem>>) src(%arg9 : memref<128xf32, #tpu.memory_space<vmem>>) dst(%dma_wait3A_93 : memref<41472xf32, #tpu.memory_space<vmem_shared>>)
          tpu.yield
        }) : () -> ()
        %run_scoped3A_63 = arith.constant 0 : i32
        "tpu.region"() ({
          %run_scoped3A_85 = tpu.sem_alloc : memref<!tpu.dma_semaphore, #tpu.memory_space<semaphore_mem>>
          %dma_start3A = arith.constant 0 : i32
          %dma_start3A_86 = tpu.memref_slice %arg7[%run_scoped3A_63, %dma_start3A] : memref<1x128xi32, #tpu.memory_space<vmem>> -> memref<1x128xi32, #tpu.memory_space<vmem>>
          %dma_start3A_87 = tpu.memref_squeeze %dma_start3A_86 : memref<1x128xi32, #tpu.memory_space<vmem>> -> memref<128xi32, #tpu.memory_space<vmem>>
          %dma_start3A_88 = arith.constant 0 : i32
          %dma_start3A_89 = tpu.memref_slice %arg24[%dma_start3A_88] : memref<41472xf32, #tpu.memory_space<vmem_shared>> -> memref<41472xf32, #tpu.memory_space<vmem_shared>>
          tpu.enqueue_indirect_dma source(%arg9 : memref<128xf32, #tpu.memory_space<vmem>>) target(%dma_start3A_89 : memref<41472xf32, #tpu.memory_space<vmem_shared>>) offsets(%dma_start3A_87 : memref<128xi32, #tpu.memory_space<vmem>>) semaphore(%run_scoped3A_85 : memref<!tpu.dma_semaphore, #tpu.memory_space<semaphore_mem>>)
          %dma_wait3A = arith.constant 0 : i32
          %dma_wait3A_90 = tpu.memref_slice %arg7[%run_scoped3A_63, %dma_wait3A] : memref<1x128xi32, #tpu.memory_space<vmem>> -> memref<1x128xi32, #tpu.memory_space<vmem>>
          %dma_wait3A_91 = tpu.memref_squeeze %dma_wait3A_90 : memref<1x128xi32, #tpu.memory_space<vmem>> -> memref<128xi32, #tpu.memory_space<vmem>>
          %dma_wait3A_92 = arith.constant 0 : i32
          %dma_wait3A_93 = tpu.memref_slice %arg24[%dma_wait3A_92] : memref<41472xf32, #tpu.memory_space<vmem_shared>> -> memref<41472xf32, #tpu.memory_space<vmem_shared>>
          tpu.wait_indirect_dma semaphore(%run_scoped3A_85 : memref<!tpu.dma_semaphore, #tpu.memory_space<semaphore_mem>>) src(%arg9 : memref<128xf32, #tpu.memory_space<vmem>>) dst(%dma_wait3A_93 : memref<41472xf32, #tpu.memory_space<vmem_shared>>)
          tpu.yield
        }) : () -> ()
        %run_scoped3A_64 = arith.constant 0 : i32
        "tpu.region"() ({
          %run_scoped3A_85 = tpu.sem_alloc : memref<!tpu.dma_semaphore, #tpu.memory_space<semaphore_mem>>
          %dma_start3A = arith.constant 0 : i32
          %dma_start3A_86 = tpu.memref_slice %arg7[%run_scoped3A_64, %dma_start3A] : memref<1x128xi32, #tpu.memory_space<vmem>> -> memref<1x128xi32, #tpu.memory_space<vmem>>
          %dma_start3A_87 = tpu.memref_squeeze %dma_start3A_86 : memref<1x128xi32, #tpu.memory_space<vmem>> -> memref<128xi32, #tpu.memory_space<vmem>>
          %dma_start3A_88 = arith.constant 0 : i32
          %dma_start3A_89 = tpu.memref_slice %arg25[%dma_start3A_88] : memref<41472xf32, #tpu.memory_space<vmem_shared>> -> memref<41472xf32, #tpu.memory_space<vmem_shared>>
          tpu.enqueue_indirect_dma source(%arg9 : memref<128xf32, #tpu.memory_space<vmem>>) target(%dma_start3A_89 : memref<41472xf32, #tpu.memory_space<vmem_shared>>) offsets(%dma_start3A_87 : memref<128xi32, #tpu.memory_space<vmem>>) semaphore(%run_scoped3A_85 : memref<!tpu.dma_semaphore, #tpu.memory_space<semaphore_mem>>)
          %dma_wait3A = arith.constant 0 : i32
          %dma_wait3A_90 = tpu.memref_slice %arg7[%run_scoped3A_64, %dma_wait3A] : memref<1x128xi32, #tpu.memory_space<vmem>> -> memref<1x128xi32, #tpu.memory_space<vmem>>
          %dma_wait3A_91 = tpu.memref_squeeze %dma_wait3A_90 : memref<1x128xi32, #tpu.memory_space<vmem>> -> memref<128xi32, #tpu.memory_space<vmem>>
          %dma_wait3A_92 = arith.constant 0 : i32
          %dma_wait3A_93 = tpu.memref_slice %arg25[%dma_wait3A_92] : memref<41472xf32, #tpu.memory_space<vmem_shared>> -> memref<41472xf32, #tpu.memory_space<vmem_shared>>
          tpu.wait_indirect_dma semaphore(%run_scoped3A_85 : memref<!tpu.dma_semaphore, #tpu.memory_space<semaphore_mem>>) src(%arg9 : memref<128xf32, #tpu.memory_space<vmem>>) dst(%dma_wait3A_93 : memref<41472xf32, #tpu.memory_space<vmem_shared>>)
          tpu.yield
        }) : () -> ()
        %run_scoped3A_65 = arith.constant 0 : i32
        "tpu.region"() ({
          %run_scoped3A_85 = tpu.sem_alloc : memref<!tpu.dma_semaphore, #tpu.memory_space<semaphore_mem>>
          %dma_start3A = arith.constant 0 : i32
          %dma_start3A_86 = tpu.memref_slice %arg7[%run_scoped3A_65, %dma_start3A] : memref<1x128xi32, #tpu.memory_space<vmem>> -> memref<1x128xi32, #tpu.memory_space<vmem>>
          %dma_start3A_87 = tpu.memref_squeeze %dma_start3A_86 : memref<1x128xi32, #tpu.memory_space<vmem>> -> memref<128xi32, #tpu.memory_space<vmem>>
          %dma_start3A_88 = arith.constant 0 : i32
          %dma_start3A_89 = tpu.memref_slice %arg26[%dma_start3A_88] : memref<41472xf32, #tpu.memory_space<vmem_shared>> -> memref<41472xf32, #tpu.memory_space<vmem_shared>>
          tpu.enqueue_indirect_dma source(%arg9 : memref<128xf32, #tpu.memory_space<vmem>>) target(%dma_start3A_89 : memref<41472xf32, #tpu.memory_space<vmem_shared>>) offsets(%dma_start3A_87 : memref<128xi32, #tpu.memory_space<vmem>>) semaphore(%run_scoped3A_85 : memref<!tpu.dma_semaphore, #tpu.memory_space<semaphore_mem>>)
          %dma_wait3A = arith.constant 0 : i32
          %dma_wait3A_90 = tpu.memref_slice %arg7[%run_scoped3A_65, %dma_wait3A] : memref<1x128xi32, #tpu.memory_space<vmem>> -> memref<1x128xi32, #tpu.memory_space<vmem>>
          %dma_wait3A_91 = tpu.memref_squeeze %dma_wait3A_90 : memref<1x128xi32, #tpu.memory_space<vmem>> -> memref<128xi32, #tpu.memory_space<vmem>>
          %dma_wait3A_92 = arith.constant 0 : i32
          %dma_wait3A_93 = tpu.memref_slice %arg26[%dma_wait3A_92] : memref<41472xf32, #tpu.memory_space<vmem_shared>> -> memref<41472xf32, #tpu.memory_space<vmem_shared>>
          tpu.wait_indirect_dma semaphore(%run_scoped3A_85 : memref<!tpu.dma_semaphore, #tpu.memory_space<semaphore_mem>>) src(%arg9 : memref<128xf32, #tpu.memory_space<vmem>>) dst(%dma_wait3A_93 : memref<41472xf32, #tpu.memory_space<vmem_shared>>)
          tpu.yield
        }) : () -> ()
        %run_scoped3A_66 = arith.constant 0 : i32
        "tpu.region"() ({
          %run_scoped3A_85 = tpu.sem_alloc : memref<!tpu.dma_semaphore, #tpu.memory_space<semaphore_mem>>
          %dma_start3A = arith.constant 0 : i32
          %dma_start3A_86 = tpu.memref_slice %arg7[%run_scoped3A_66, %dma_start3A] : memref<1x128xi32, #tpu.memory_space<vmem>> -> memref<1x128xi32, #tpu.memory_space<vmem>>
          %dma_start3A_87 = tpu.memref_squeeze %dma_start3A_86 : memref<1x128xi32, #tpu.memory_space<vmem>> -> memref<128xi32, #tpu.memory_space<vmem>>
          %dma_start3A_88 = arith.constant 0 : i32
          %dma_start3A_89 = tpu.memref_slice %arg27[%dma_start3A_88] : memref<41472xf32, #tpu.memory_space<vmem_shared>> -> memref<41472xf32, #tpu.memory_space<vmem_shared>>
          tpu.enqueue_indirect_dma source(%arg9 : memref<128xf32, #tpu.memory_space<vmem>>) target(%dma_start3A_89 : memref<41472xf32, #tpu.memory_space<vmem_shared>>) offsets(%dma_start3A_87 : memref<128xi32, #tpu.memory_space<vmem>>) semaphore(%run_scoped3A_85 : memref<!tpu.dma_semaphore, #tpu.memory_space<semaphore_mem>>)
          %dma_wait3A = arith.constant 0 : i32
          %dma_wait3A_90 = tpu.memref_slice %arg7[%run_scoped3A_66, %dma_wait3A] : memref<1x128xi32, #tpu.memory_space<vmem>> -> memref<1x128xi32, #tpu.memory_space<vmem>>
          %dma_wait3A_91 = tpu.memref_squeeze %dma_wait3A_90 : memref<1x128xi32, #tpu.memory_space<vmem>> -> memref<128xi32, #tpu.memory_space<vmem>>
          %dma_wait3A_92 = arith.constant 0 : i32
          %dma_wait3A_93 = tpu.memref_slice %arg27[%dma_wait3A_92] : memref<41472xf32, #tpu.memory_space<vmem_shared>> -> memref<41472xf32, #tpu.memory_space<vmem_shared>>
          tpu.wait_indirect_dma semaphore(%run_scoped3A_85 : memref<!tpu.dma_semaphore, #tpu.memory_space<semaphore_mem>>) src(%arg9 : memref<128xf32, #tpu.memory_space<vmem>>) dst(%dma_wait3A_93 : memref<41472xf32, #tpu.memory_space<vmem_shared>>)
          tpu.yield
        }) : () -> ()
        %run_scoped3A_67 = arith.constant 0 : i32
        "tpu.region"() ({
          %run_scoped3A_85 = tpu.sem_alloc : memref<!tpu.dma_semaphore, #tpu.memory_space<semaphore_mem>>
          %dma_start3A = arith.constant 0 : i32
          %dma_start3A_86 = tpu.memref_slice %arg7[%run_scoped3A_67, %dma_start3A] : memref<1x128xi32, #tpu.memory_space<vmem>> -> memref<1x128xi32, #tpu.memory_space<vmem>>
          %dma_start3A_87 = tpu.memref_squeeze %dma_start3A_86 : memref<1x128xi32, #tpu.memory_space<vmem>> -> memref<128xi32, #tpu.memory_space<vmem>>
          %dma_start3A_88 = arith.constant 0 : i32
          %dma_start3A_89 = tpu.memref_slice %arg28[%dma_start3A_88] : memref<41472xf32, #tpu.memory_space<vmem_shared>> -> memref<41472xf32, #tpu.memory_space<vmem_shared>>
          tpu.enqueue_indirect_dma source(%arg9 : memref<128xf32, #tpu.memory_space<vmem>>) target(%dma_start3A_89 : memref<41472xf32, #tpu.memory_space<vmem_shared>>) offsets(%dma_start3A_87 : memref<128xi32, #tpu.memory_space<vmem>>) semaphore(%run_scoped3A_85 : memref<!tpu.dma_semaphore, #tpu.memory_space<semaphore_mem>>)
          %dma_wait3A = arith.constant 0 : i32
          %dma_wait3A_90 = tpu.memref_slice %arg7[%run_scoped3A_67, %dma_wait3A] : memref<1x128xi32, #tpu.memory_space<vmem>> -> memref<1x128xi32, #tpu.memory_space<vmem>>
          %dma_wait3A_91 = tpu.memref_squeeze %dma_wait3A_90 : memref<1x128xi32, #tpu.memory_space<vmem>> -> memref<128xi32, #tpu.memory_space<vmem>>
          %dma_wait3A_92 = arith.constant 0 : i32
          %dma_wait3A_93 = tpu.memref_slice %arg28[%dma_wait3A_92] : memref<41472xf32, #tpu.memory_space<vmem_shared>> -> memref<41472xf32, #tpu.memory_space<vmem_shared>>
          tpu.wait_indirect_dma semaphore(%run_scoped3A_85 : memref<!tpu.dma_semaphore, #tpu.memory_space<semaphore_mem>>) src(%arg9 : memref<128xf32, #tpu.memory_space<vmem>>) dst(%dma_wait3A_93 : memref<41472xf32, #tpu.memory_space<vmem_shared>>)
          tpu.yield
        }) : () -> ()
        %run_scoped3A_68 = arith.constant 0 : i32
        "tpu.region"() ({
          %run_scoped3A_85 = tpu.sem_alloc : memref<!tpu.dma_semaphore, #tpu.memory_space<semaphore_mem>>
          %dma_start3A = arith.constant 0 : i32
          %dma_start3A_86 = tpu.memref_slice %arg7[%run_scoped3A_68, %dma_start3A] : memref<1x128xi32, #tpu.memory_space<vmem>> -> memref<1x128xi32, #tpu.memory_space<vmem>>
          %dma_start3A_87 = tpu.memref_squeeze %dma_start3A_86 : memref<1x128xi32, #tpu.memory_space<vmem>> -> memref<128xi32, #tpu.memory_space<vmem>>
          %dma_start3A_88 = arith.constant 0 : i32
          %dma_start3A_89 = tpu.memref_slice %arg29[%dma_start3A_88] : memref<41472xf32, #tpu.memory_space<vmem_shared>> -> memref<41472xf32, #tpu.memory_space<vmem_shared>>
          tpu.enqueue_indirect_dma source(%arg9 : memref<128xf32, #tpu.memory_space<vmem>>) target(%dma_start3A_89 : memref<41472xf32, #tpu.memory_space<vmem_shared>>) offsets(%dma_start3A_87 : memref<128xi32, #tpu.memory_space<vmem>>) semaphore(%run_scoped3A_85 : memref<!tpu.dma_semaphore, #tpu.memory_space<semaphore_mem>>)
          %dma_wait3A = arith.constant 0 : i32
          %dma_wait3A_90 = tpu.memref_slice %arg7[%run_scoped3A_68, %dma_wait3A] : memref<1x128xi32, #tpu.memory_space<vmem>> -> memref<1x128xi32, #tpu.memory_space<vmem>>
          %dma_wait3A_91 = tpu.memref_squeeze %dma_wait3A_90 : memref<1x128xi32, #tpu.memory_space<vmem>> -> memref<128xi32, #tpu.memory_space<vmem>>
          %dma_wait3A_92 = arith.constant 0 : i32
          %dma_wait3A_93 = tpu.memref_slice %arg29[%dma_wait3A_92] : memref<41472xf32, #tpu.memory_space<vmem_shared>> -> memref<41472xf32, #tpu.memory_space<vmem_shared>>
          tpu.wait_indirect_dma semaphore(%run_scoped3A_85 : memref<!tpu.dma_semaphore, #tpu.memory_space<semaphore_mem>>) src(%arg9 : memref<128xf32, #tpu.memory_space<vmem>>) dst(%dma_wait3A_93 : memref<41472xf32, #tpu.memory_space<vmem_shared>>)
          tpu.yield
        }) : () -> ()
        %run_scoped3A_69 = arith.constant 0 : i32
        "tpu.region"() ({
          %run_scoped3A_85 = tpu.sem_alloc : memref<!tpu.dma_semaphore, #tpu.memory_space<semaphore_mem>>
          %dma_start3A = arith.constant 0 : i32
          %dma_start3A_86 = tpu.memref_slice %arg7[%run_scoped3A_69, %dma_start3A] : memref<1x128xi32, #tpu.memory_space<vmem>> -> memref<1x128xi32, #tpu.memory_space<vmem>>
          %dma_start3A_87 = tpu.memref_squeeze %dma_start3A_86 : memref<1x128xi32, #tpu.memory_space<vmem>> -> memref<128xi32, #tpu.memory_space<vmem>>
          %dma_start3A_88 = arith.constant 0 : i32
          %dma_start3A_89 = tpu.memref_slice %arg30[%dma_start3A_88] : memref<41472xf32, #tpu.memory_space<vmem_shared>> -> memref<41472xf32, #tpu.memory_space<vmem_shared>>
          tpu.enqueue_indirect_dma source(%arg9 : memref<128xf32, #tpu.memory_space<vmem>>) target(%dma_start3A_89 : memref<41472xf32, #tpu.memory_space<vmem_shared>>) offsets(%dma_start3A_87 : memref<128xi32, #tpu.memory_space<vmem>>) semaphore(%run_scoped3A_85 : memref<!tpu.dma_semaphore, #tpu.memory_space<semaphore_mem>>)
          %dma_wait3A = arith.constant 0 : i32
          %dma_wait3A_90 = tpu.memref_slice %arg7[%run_scoped3A_69, %dma_wait3A] : memref<1x128xi32, #tpu.memory_space<vmem>> -> memref<1x128xi32, #tpu.memory_space<vmem>>
          %dma_wait3A_91 = tpu.memref_squeeze %dma_wait3A_90 : memref<1x128xi32, #tpu.memory_space<vmem>> -> memref<128xi32, #tpu.memory_space<vmem>>
          %dma_wait3A_92 = arith.constant 0 : i32
          %dma_wait3A_93 = tpu.memref_slice %arg30[%dma_wait3A_92] : memref<41472xf32, #tpu.memory_space<vmem_shared>> -> memref<41472xf32, #tpu.memory_space<vmem_shared>>
          tpu.wait_indirect_dma semaphore(%run_scoped3A_85 : memref<!tpu.dma_semaphore, #tpu.memory_space<semaphore_mem>>) src(%arg9 : memref<128xf32, #tpu.memory_space<vmem>>) dst(%dma_wait3A_93 : memref<41472xf32, #tpu.memory_space<vmem_shared>>)
          tpu.yield
        }) : () -> ()
        %run_scoped3A_70 = arith.constant 0 : i32
        "tpu.region"() ({
          %run_scoped3A_85 = tpu.sem_alloc : memref<!tpu.dma_semaphore, #tpu.memory_space<semaphore_mem>>
          %dma_start3A = arith.constant 0 : i32
          %dma_start3A_86 = tpu.memref_slice %arg7[%run_scoped3A_70, %dma_start3A] : memref<1x128xi32, #tpu.memory_space<vmem>> -> memref<1x128xi32, #tpu.memory_space<vmem>>
          %dma_start3A_87 = tpu.memref_squeeze %dma_start3A_86 : memref<1x128xi32, #tpu.memory_space<vmem>> -> memref<128xi32, #tpu.memory_space<vmem>>
          %dma_start3A_88 = arith.constant 0 : i32
          %dma_start3A_89 = tpu.memref_slice %arg31[%dma_start3A_88] : memref<41472xf32, #tpu.memory_space<vmem_shared>> -> memref<41472xf32, #tpu.memory_space<vmem_shared>>
          tpu.enqueue_indirect_dma source(%arg9 : memref<128xf32, #tpu.memory_space<vmem>>) target(%dma_start3A_89 : memref<41472xf32, #tpu.memory_space<vmem_shared>>) offsets(%dma_start3A_87 : memref<128xi32, #tpu.memory_space<vmem>>) semaphore(%run_scoped3A_85 : memref<!tpu.dma_semaphore, #tpu.memory_space<semaphore_mem>>)
          %dma_wait3A = arith.constant 0 : i32
          %dma_wait3A_90 = tpu.memref_slice %arg7[%run_scoped3A_70, %dma_wait3A] : memref<1x128xi32, #tpu.memory_space<vmem>> -> memref<1x128xi32, #tpu.memory_space<vmem>>
          %dma_wait3A_91 = tpu.memref_squeeze %dma_wait3A_90 : memref<1x128xi32, #tpu.memory_space<vmem>> -> memref<128xi32, #tpu.memory_space<vmem>>
          %dma_wait3A_92 = arith.constant 0 : i32
          %dma_wait3A_93 = tpu.memref_slice %arg31[%dma_wait3A_92] : memref<41472xf32, #tpu.memory_space<vmem_shared>> -> memref<41472xf32, #tpu.memory_space<vmem_shared>>
          tpu.wait_indirect_dma semaphore(%run_scoped3A_85 : memref<!tpu.dma_semaphore, #tpu.memory_space<semaphore_mem>>) src(%arg9 : memref<128xf32, #tpu.memory_space<vmem>>) dst(%dma_wait3A_93 : memref<41472xf32, #tpu.memory_space<vmem_shared>>)
          tpu.yield
        }) : () -> ()
        %run_scoped3A_71 = arith.constant 0 : i32
        "tpu.region"() ({
          %run_scoped3A_85 = tpu.sem_alloc : memref<!tpu.dma_semaphore, #tpu.memory_space<semaphore_mem>>
          %dma_start3A = arith.constant 0 : i32
          %dma_start3A_86 = tpu.memref_slice %arg7[%run_scoped3A_71, %dma_start3A] : memref<1x128xi32, #tpu.memory_space<vmem>> -> memref<1x128xi32, #tpu.memory_space<vmem>>
          %dma_start3A_87 = tpu.memref_squeeze %dma_start3A_86 : memref<1x128xi32, #tpu.memory_space<vmem>> -> memref<128xi32, #tpu.memory_space<vmem>>
          %dma_start3A_88 = arith.constant 0 : i32
          %dma_start3A_89 = tpu.memref_slice %arg32[%dma_start3A_88] : memref<41472xf32, #tpu.memory_space<vmem_shared>> -> memref<41472xf32, #tpu.memory_space<vmem_shared>>
          tpu.enqueue_indirect_dma source(%arg9 : memref<128xf32, #tpu.memory_space<vmem>>) target(%dma_start3A_89 : memref<41472xf32, #tpu.memory_space<vmem_shared>>) offsets(%dma_start3A_87 : memref<128xi32, #tpu.memory_space<vmem>>) semaphore(%run_scoped3A_85 : memref<!tpu.dma_semaphore, #tpu.memory_space<semaphore_mem>>)
          %dma_wait3A = arith.constant 0 : i32
          %dma_wait3A_90 = tpu.memref_slice %arg7[%run_scoped3A_71, %dma_wait3A] : memref<1x128xi32, #tpu.memory_space<vmem>> -> memref<1x128xi32, #tpu.memory_space<vmem>>
          %dma_wait3A_91 = tpu.memref_squeeze %dma_wait3A_90 : memref<1x128xi32, #tpu.memory_space<vmem>> -> memref<128xi32, #tpu.memory_space<vmem>>
          %dma_wait3A_92 = arith.constant 0 : i32
          %dma_wait3A_93 = tpu.memref_slice %arg32[%dma_wait3A_92] : memref<41472xf32, #tpu.memory_space<vmem_shared>> -> memref<41472xf32, #tpu.memory_space<vmem_shared>>
          tpu.wait_indirect_dma semaphore(%run_scoped3A_85 : memref<!tpu.dma_semaphore, #tpu.memory_space<semaphore_mem>>) src(%arg9 : memref<128xf32, #tpu.memory_space<vmem>>) dst(%dma_wait3A_93 : memref<41472xf32, #tpu.memory_space<vmem_shared>>)
          tpu.yield
        }) : () -> ()
        %run_scoped3A_72 = arith.constant 0 : i32
        "tpu.region"() ({
          %run_scoped3A_85 = tpu.sem_alloc : memref<!tpu.dma_semaphore, #tpu.memory_space<semaphore_mem>>
          %dma_start3A = arith.constant 0 : i32
          %dma_start3A_86 = tpu.memref_slice %arg7[%run_scoped3A_72, %dma_start3A] : memref<1x128xi32, #tpu.memory_space<vmem>> -> memref<1x128xi32, #tpu.memory_space<vmem>>
          %dma_start3A_87 = tpu.memref_squeeze %dma_start3A_86 : memref<1x128xi32, #tpu.memory_space<vmem>> -> memref<128xi32, #tpu.memory_space<vmem>>
          %dma_start3A_88 = arith.constant 0 : i32
          %dma_start3A_89 = tpu.memref_slice %arg33[%dma_start3A_88] : memref<41472xf32, #tpu.memory_space<vmem_shared>> -> memref<41472xf32, #tpu.memory_space<vmem_shared>>
          tpu.enqueue_indirect_dma source(%arg9 : memref<128xf32, #tpu.memory_space<vmem>>) target(%dma_start3A_89 : memref<41472xf32, #tpu.memory_space<vmem_shared>>) offsets(%dma_start3A_87 : memref<128xi32, #tpu.memory_space<vmem>>) semaphore(%run_scoped3A_85 : memref<!tpu.dma_semaphore, #tpu.memory_space<semaphore_mem>>)
          %dma_wait3A = arith.constant 0 : i32
          %dma_wait3A_90 = tpu.memref_slice %arg7[%run_scoped3A_72, %dma_wait3A] : memref<1x128xi32, #tpu.memory_space<vmem>> -> memref<1x128xi32, #tpu.memory_space<vmem>>
          %dma_wait3A_91 = tpu.memref_squeeze %dma_wait3A_90 : memref<1x128xi32, #tpu.memory_space<vmem>> -> memref<128xi32, #tpu.memory_space<vmem>>
          %dma_wait3A_92 = arith.constant 0 : i32
          %dma_wait3A_93 = tpu.memref_slice %arg33[%dma_wait3A_92] : memref<41472xf32, #tpu.memory_space<vmem_shared>> -> memref<41472xf32, #tpu.memory_space<vmem_shared>>
          tpu.wait_indirect_dma semaphore(%run_scoped3A_85 : memref<!tpu.dma_semaphore, #tpu.memory_space<semaphore_mem>>) src(%arg9 : memref<128xf32, #tpu.memory_space<vmem>>) dst(%dma_wait3A_93 : memref<41472xf32, #tpu.memory_space<vmem_shared>>)
          tpu.yield
        }) : () -> ()
        %run_scoped3A_73 = arith.constant 0 : i32
        "tpu.region"() ({
          %run_scoped3A_85 = tpu.sem_alloc : memref<!tpu.dma_semaphore, #tpu.memory_space<semaphore_mem>>
          %dma_start3A = arith.constant 0 : i32
          %dma_start3A_86 = tpu.memref_slice %arg7[%run_scoped3A_73, %dma_start3A] : memref<1x128xi32, #tpu.memory_space<vmem>> -> memref<1x128xi32, #tpu.memory_space<vmem>>
          %dma_start3A_87 = tpu.memref_squeeze %dma_start3A_86 : memref<1x128xi32, #tpu.memory_space<vmem>> -> memref<128xi32, #tpu.memory_space<vmem>>
          %dma_start3A_88 = arith.constant 0 : i32
          %dma_start3A_89 = tpu.memref_slice %arg34[%dma_start3A_88] : memref<41472xf32, #tpu.memory_space<vmem_shared>> -> memref<41472xf32, #tpu.memory_space<vmem_shared>>
          tpu.enqueue_indirect_dma source(%arg9 : memref<128xf32, #tpu.memory_space<vmem>>) target(%dma_start3A_89 : memref<41472xf32, #tpu.memory_space<vmem_shared>>) offsets(%dma_start3A_87 : memref<128xi32, #tpu.memory_space<vmem>>) semaphore(%run_scoped3A_85 : memref<!tpu.dma_semaphore, #tpu.memory_space<semaphore_mem>>)
          %dma_wait3A = arith.constant 0 : i32
          %dma_wait3A_90 = tpu.memref_slice %arg7[%run_scoped3A_73, %dma_wait3A] : memref<1x128xi32, #tpu.memory_space<vmem>> -> memref<1x128xi32, #tpu.memory_space<vmem>>
          %dma_wait3A_91 = tpu.memref_squeeze %dma_wait3A_90 : memref<1x128xi32, #tpu.memory_space<vmem>> -> memref<128xi32, #tpu.memory_space<vmem>>
          %dma_wait3A_92 = arith.constant 0 : i32
          %dma_wait3A_93 = tpu.memref_slice %arg34[%dma_wait3A_92] : memref<41472xf32, #tpu.memory_space<vmem_shared>> -> memref<41472xf32, #tpu.memory_space<vmem_shared>>
          tpu.wait_indirect_dma semaphore(%run_scoped3A_85 : memref<!tpu.dma_semaphore, #tpu.memory_space<semaphore_mem>>) src(%arg9 : memref<128xf32, #tpu.memory_space<vmem>>) dst(%dma_wait3A_93 : memref<41472xf32, #tpu.memory_space<vmem_shared>>)
          tpu.yield
        }) : () -> ()
        %run_scoped3A_74 = arith.constant 0 : i32
        "tpu.region"() ({
          %run_scoped3A_85 = tpu.sem_alloc : memref<!tpu.dma_semaphore, #tpu.memory_space<semaphore_mem>>
          %dma_start3A = arith.constant 0 : i32
          %dma_start3A_86 = tpu.memref_slice %arg7[%run_scoped3A_74, %dma_start3A] : memref<1x128xi32, #tpu.memory_space<vmem>> -> memref<1x128xi32, #tpu.memory_space<vmem>>
          %dma_start3A_87 = tpu.memref_squeeze %dma_start3A_86 : memref<1x128xi32, #tpu.memory_space<vmem>> -> memref<128xi32, #tpu.memory_space<vmem>>
          %dma_start3A_88 = arith.constant 0 : i32
          %dma_start3A_89 = tpu.memref_slice %arg35[%dma_start3A_88] : memref<41472xf32, #tpu.memory_space<vmem_shared>> -> memref<41472xf32, #tpu.memory_space<vmem_shared>>
          tpu.enqueue_indirect_dma source(%arg9 : memref<128xf32, #tpu.memory_space<vmem>>) target(%dma_start3A_89 : memref<41472xf32, #tpu.memory_space<vmem_shared>>) offsets(%dma_start3A_87 : memref<128xi32, #tpu.memory_space<vmem>>) semaphore(%run_scoped3A_85 : memref<!tpu.dma_semaphore, #tpu.memory_space<semaphore_mem>>)
          %dma_wait3A = arith.constant 0 : i32
          %dma_wait3A_90 = tpu.memref_slice %arg7[%run_scoped3A_74, %dma_wait3A] : memref<1x128xi32, #tpu.memory_space<vmem>> -> memref<1x128xi32, #tpu.memory_space<vmem>>
          %dma_wait3A_91 = tpu.memref_squeeze %dma_wait3A_90 : memref<1x128xi32, #tpu.memory_space<vmem>> -> memref<128xi32, #tpu.memory_space<vmem>>
          %dma_wait3A_92 = arith.constant 0 : i32
          %dma_wait3A_93 = tpu.memref_slice %arg35[%dma_wait3A_92] : memref<41472xf32, #tpu.memory_space<vmem_shared>> -> memref<41472xf32, #tpu.memory_space<vmem_shared>>
          tpu.wait_indirect_dma semaphore(%run_scoped3A_85 : memref<!tpu.dma_semaphore, #tpu.memory_space<semaphore_mem>>) src(%arg9 : memref<128xf32, #tpu.memory_space<vmem>>) dst(%dma_wait3A_93 : memref<41472xf32, #tpu.memory_space<vmem_shared>>)
          tpu.yield
        }) : () -> ()
        %run_scoped3A_75 = arith.constant 0 : i32
        "tpu.region"() ({
          %run_scoped3A_85 = tpu.sem_alloc : memref<!tpu.dma_semaphore, #tpu.memory_space<semaphore_mem>>
          %dma_start3A = arith.constant 0 : i32
          %dma_start3A_86 = tpu.memref_slice %arg7[%run_scoped3A_75, %dma_start3A] : memref<1x128xi32, #tpu.memory_space<vmem>> -> memref<1x128xi32, #tpu.memory_space<vmem>>
          %dma_start3A_87 = tpu.memref_squeeze %dma_start3A_86 : memref<1x128xi32, #tpu.memory_space<vmem>> -> memref<128xi32, #tpu.memory_space<vmem>>
          %dma_start3A_88 = arith.constant 0 : i32
          %dma_start3A_89 = tpu.memref_slice %arg36[%dma_start3A_88] : memref<41472xf32, #tpu.memory_space<vmem_shared>> -> memref<41472xf32, #tpu.memory_space<vmem_shared>>
          tpu.enqueue_indirect_dma source(%arg9 : memref<128xf32, #tpu.memory_space<vmem>>) target(%dma_start3A_89 : memref<41472xf32, #tpu.memory_space<vmem_shared>>) offsets(%dma_start3A_87 : memref<128xi32, #tpu.memory_space<vmem>>) semaphore(%run_scoped3A_85 : memref<!tpu.dma_semaphore, #tpu.memory_space<semaphore_mem>>)
          %dma_wait3A = arith.constant 0 : i32
          %dma_wait3A_90 = tpu.memref_slice %arg7[%run_scoped3A_75, %dma_wait3A] : memref<1x128xi32, #tpu.memory_space<vmem>> -> memref<1x128xi32, #tpu.memory_space<vmem>>
          %dma_wait3A_91 = tpu.memref_squeeze %dma_wait3A_90 : memref<1x128xi32, #tpu.memory_space<vmem>> -> memref<128xi32, #tpu.memory_space<vmem>>
          %dma_wait3A_92 = arith.constant 0 : i32
          %dma_wait3A_93 = tpu.memref_slice %arg36[%dma_wait3A_92] : memref<41472xf32, #tpu.memory_space<vmem_shared>> -> memref<41472xf32, #tpu.memory_space<vmem_shared>>
          tpu.wait_indirect_dma semaphore(%run_scoped3A_85 : memref<!tpu.dma_semaphore, #tpu.memory_space<semaphore_mem>>) src(%arg9 : memref<128xf32, #tpu.memory_space<vmem>>) dst(%dma_wait3A_93 : memref<41472xf32, #tpu.memory_space<vmem_shared>>)
          tpu.yield
        }) : () -> ()
        %run_scoped3A_76 = arith.constant 0 : i32
        "tpu.region"() ({
          %run_scoped3A_85 = tpu.sem_alloc : memref<!tpu.dma_semaphore, #tpu.memory_space<semaphore_mem>>
          %dma_start3A = arith.constant 0 : i32
          %dma_start3A_86 = tpu.memref_slice %arg7[%run_scoped3A_76, %dma_start3A] : memref<1x128xi32, #tpu.memory_space<vmem>> -> memref<1x128xi32, #tpu.memory_space<vmem>>
          %dma_start3A_87 = tpu.memref_squeeze %dma_start3A_86 : memref<1x128xi32, #tpu.memory_space<vmem>> -> memref<128xi32, #tpu.memory_space<vmem>>
          %dma_start3A_88 = arith.constant 0 : i32
          %dma_start3A_89 = tpu.memref_slice %arg37[%dma_start3A_88] : memref<41472xf32, #tpu.memory_space<vmem_shared>> -> memref<41472xf32, #tpu.memory_space<vmem_shared>>
          tpu.enqueue_indirect_dma source(%arg9 : memref<128xf32, #tpu.memory_space<vmem>>) target(%dma_start3A_89 : memref<41472xf32, #tpu.memory_space<vmem_shared>>) offsets(%dma_start3A_87 : memref<128xi32, #tpu.memory_space<vmem>>) semaphore(%run_scoped3A_85 : memref<!tpu.dma_semaphore, #tpu.memory_space<semaphore_mem>>)
          %dma_wait3A = arith.constant 0 : i32
          %dma_wait3A_90 = tpu.memref_slice %arg7[%run_scoped3A_76, %dma_wait3A] : memref<1x128xi32, #tpu.memory_space<vmem>> -> memref<1x128xi32, #tpu.memory_space<vmem>>
          %dma_wait3A_91 = tpu.memref_squeeze %dma_wait3A_90 : memref<1x128xi32, #tpu.memory_space<vmem>> -> memref<128xi32, #tpu.memory_space<vmem>>
          %dma_wait3A_92 = arith.constant 0 : i32
          %dma_wait3A_93 = tpu.memref_slice %arg37[%dma_wait3A_92] : memref<41472xf32, #tpu.memory_space<vmem_shared>> -> memref<41472xf32, #tpu.memory_space<vmem_shared>>
          tpu.wait_indirect_dma semaphore(%run_scoped3A_85 : memref<!tpu.dma_semaphore, #tpu.memory_space<semaphore_mem>>) src(%arg9 : memref<128xf32, #tpu.memory_space<vmem>>) dst(%dma_wait3A_93 : memref<41472xf32, #tpu.memory_space<vmem_shared>>)
          tpu.yield
        }) : () -> ()
        %run_scoped3A_77 = arith.constant 0 : i32
        "tpu.region"() ({
          %run_scoped3A_85 = tpu.sem_alloc : memref<!tpu.dma_semaphore, #tpu.memory_space<semaphore_mem>>
          %dma_start3A = arith.constant 0 : i32
          %dma_start3A_86 = tpu.memref_slice %arg7[%run_scoped3A_77, %dma_start3A] : memref<1x128xi32, #tpu.memory_space<vmem>> -> memref<1x128xi32, #tpu.memory_space<vmem>>
          %dma_start3A_87 = tpu.memref_squeeze %dma_start3A_86 : memref<1x128xi32, #tpu.memory_space<vmem>> -> memref<128xi32, #tpu.memory_space<vmem>>
          %dma_start3A_88 = arith.constant 0 : i32
          %dma_start3A_89 = tpu.memref_slice %arg38[%dma_start3A_88] : memref<41472xf32, #tpu.memory_space<vmem_shared>> -> memref<41472xf32, #tpu.memory_space<vmem_shared>>
          tpu.enqueue_indirect_dma source(%arg9 : memref<128xf32, #tpu.memory_space<vmem>>) target(%dma_start3A_89 : memref<41472xf32, #tpu.memory_space<vmem_shared>>) offsets(%dma_start3A_87 : memref<128xi32, #tpu.memory_space<vmem>>) semaphore(%run_scoped3A_85 : memref<!tpu.dma_semaphore, #tpu.memory_space<semaphore_mem>>)
          %dma_wait3A = arith.constant 0 : i32
          %dma_wait3A_90 = tpu.memref_slice %arg7[%run_scoped3A_77, %dma_wait3A] : memref<1x128xi32, #tpu.memory_space<vmem>> -> memref<1x128xi32, #tpu.memory_space<vmem>>
          %dma_wait3A_91 = tpu.memref_squeeze %dma_wait3A_90 : memref<1x128xi32, #tpu.memory_space<vmem>> -> memref<128xi32, #tpu.memory_space<vmem>>
          %dma_wait3A_92 = arith.constant 0 : i32
          %dma_wait3A_93 = tpu.memref_slice %arg38[%dma_wait3A_92] : memref<41472xf32, #tpu.memory_space<vmem_shared>> -> memref<41472xf32, #tpu.memory_space<vmem_shared>>
          tpu.wait_indirect_dma semaphore(%run_scoped3A_85 : memref<!tpu.dma_semaphore, #tpu.memory_space<semaphore_mem>>) src(%arg9 : memref<128xf32, #tpu.memory_space<vmem>>) dst(%dma_wait3A_93 : memref<41472xf32, #tpu.memory_space<vmem_shared>>)
          tpu.yield
        }) : () -> ()
        %run_scoped3A_78 = arith.constant 0 : i32
        "tpu.region"() ({
          %run_scoped3A_85 = tpu.sem_alloc : memref<!tpu.dma_semaphore, #tpu.memory_space<semaphore_mem>>
          %dma_start3A = arith.constant 0 : i32
          %dma_start3A_86 = tpu.memref_slice %arg7[%run_scoped3A_78, %dma_start3A] : memref<1x128xi32, #tpu.memory_space<vmem>> -> memref<1x128xi32, #tpu.memory_space<vmem>>
          %dma_start3A_87 = tpu.memref_squeeze %dma_start3A_86 : memref<1x128xi32, #tpu.memory_space<vmem>> -> memref<128xi32, #tpu.memory_space<vmem>>
          %dma_start3A_88 = arith.constant 0 : i32
          %dma_start3A_89 = tpu.memref_slice %arg39[%dma_start3A_88] : memref<41472xf32, #tpu.memory_space<vmem_shared>> -> memref<41472xf32, #tpu.memory_space<vmem_shared>>
          tpu.enqueue_indirect_dma source(%arg9 : memref<128xf32, #tpu.memory_space<vmem>>) target(%dma_start3A_89 : memref<41472xf32, #tpu.memory_space<vmem_shared>>) offsets(%dma_start3A_87 : memref<128xi32, #tpu.memory_space<vmem>>) semaphore(%run_scoped3A_85 : memref<!tpu.dma_semaphore, #tpu.memory_space<semaphore_mem>>)
          %dma_wait3A = arith.constant 0 : i32
          %dma_wait3A_90 = tpu.memref_slice %arg7[%run_scoped3A_78, %dma_wait3A] : memref<1x128xi32, #tpu.memory_space<vmem>> -> memref<1x128xi32, #tpu.memory_space<vmem>>
          %dma_wait3A_91 = tpu.memref_squeeze %dma_wait3A_90 : memref<1x128xi32, #tpu.memory_space<vmem>> -> memref<128xi32, #tpu.memory_space<vmem>>
          %dma_wait3A_92 = arith.constant 0 : i32
          %dma_wait3A_93 = tpu.memref_slice %arg39[%dma_wait3A_92] : memref<41472xf32, #tpu.memory_space<vmem_shared>> -> memref<41472xf32, #tpu.memory_space<vmem_shared>>
          tpu.wait_indirect_dma semaphore(%run_scoped3A_85 : memref<!tpu.dma_semaphore, #tpu.memory_space<semaphore_mem>>) src(%arg9 : memref<128xf32, #tpu.memory_space<vmem>>) dst(%dma_wait3A_93 : memref<41472xf32, #tpu.memory_space<vmem_shared>>)
          tpu.yield
        }) : () -> ()
        %run_scoped3A_79 = arith.constant 0 : i32
        "tpu.region"() ({
          %run_scoped3A_85 = tpu.sem_alloc : memref<!tpu.dma_semaphore, #tpu.memory_space<semaphore_mem>>
          %dma_start3A = arith.constant 0 : i32
          %dma_start3A_86 = tpu.memref_slice %arg7[%run_scoped3A_79, %dma_start3A] : memref<1x128xi32, #tpu.memory_space<vmem>> -> memref<1x128xi32, #tpu.memory_space<vmem>>
          %dma_start3A_87 = tpu.memref_squeeze %dma_start3A_86 : memref<1x128xi32, #tpu.memory_space<vmem>> -> memref<128xi32, #tpu.memory_space<vmem>>
          %dma_start3A_88 = arith.constant 0 : i32
          %dma_start3A_89 = tpu.memref_slice %arg40[%dma_start3A_88] : memref<41472xf32, #tpu.memory_space<vmem_shared>> -> memref<41472xf32, #tpu.memory_space<vmem_shared>>
          tpu.enqueue_indirect_dma source(%arg9 : memref<128xf32, #tpu.memory_space<vmem>>) target(%dma_start3A_89 : memref<41472xf32, #tpu.memory_space<vmem_shared>>) offsets(%dma_start3A_87 : memref<128xi32, #tpu.memory_space<vmem>>) semaphore(%run_scoped3A_85 : memref<!tpu.dma_semaphore, #tpu.memory_space<semaphore_mem>>)
          %dma_wait3A = arith.constant 0 : i32
          %dma_wait3A_90 = tpu.memref_slice %arg7[%run_scoped3A_79, %dma_wait3A] : memref<1x128xi32, #tpu.memory_space<vmem>> -> memref<1x128xi32, #tpu.memory_space<vmem>>
          %dma_wait3A_91 = tpu.memref_squeeze %dma_wait3A_90 : memref<1x128xi32, #tpu.memory_space<vmem>> -> memref<128xi32, #tpu.memory_space<vmem>>
          %dma_wait3A_92 = arith.constant 0 : i32
          %dma_wait3A_93 = tpu.memref_slice %arg40[%dma_wait3A_92] : memref<41472xf32, #tpu.memory_space<vmem_shared>> -> memref<41472xf32, #tpu.memory_space<vmem_shared>>
          tpu.wait_indirect_dma semaphore(%run_scoped3A_85 : memref<!tpu.dma_semaphore, #tpu.memory_space<semaphore_mem>>) src(%arg9 : memref<128xf32, #tpu.memory_space<vmem>>) dst(%dma_wait3A_93 : memref<41472xf32, #tpu.memory_space<vmem_shared>>)
          tpu.yield
        }) : () -> ()
        %run_scoped3A_80 = arith.constant 0 : i32
        "tpu.region"() ({
          %run_scoped3A_85 = tpu.sem_alloc : memref<!tpu.dma_semaphore, #tpu.memory_space<semaphore_mem>>
          %dma_start3A = arith.constant 0 : i32
          %dma_start3A_86 = tpu.memref_slice %arg7[%run_scoped3A_80, %dma_start3A] : memref<1x128xi32, #tpu.memory_space<vmem>> -> memref<1x128xi32, #tpu.memory_space<vmem>>
          %dma_start3A_87 = tpu.memref_squeeze %dma_start3A_86 : memref<1x128xi32, #tpu.memory_space<vmem>> -> memref<128xi32, #tpu.memory_space<vmem>>
          %dma_start3A_88 = arith.constant 0 : i32
          %dma_start3A_89 = tpu.memref_slice %arg41[%dma_start3A_88] : memref<41472xf32, #tpu.memory_space<vmem_shared>> -> memref<41472xf32, #tpu.memory_space<vmem_shared>>
          tpu.enqueue_indirect_dma source(%arg9 : memref<128xf32, #tpu.memory_space<vmem>>) target(%dma_start3A_89 : memref<41472xf32, #tpu.memory_space<vmem_shared>>) offsets(%dma_start3A_87 : memref<128xi32, #tpu.memory_space<vmem>>) semaphore(%run_scoped3A_85 : memref<!tpu.dma_semaphore, #tpu.memory_space<semaphore_mem>>)
          %dma_wait3A = arith.constant 0 : i32
          %dma_wait3A_90 = tpu.memref_slice %arg7[%run_scoped3A_80, %dma_wait3A] : memref<1x128xi32, #tpu.memory_space<vmem>> -> memref<1x128xi32, #tpu.memory_space<vmem>>
          %dma_wait3A_91 = tpu.memref_squeeze %dma_wait3A_90 : memref<1x128xi32, #tpu.memory_space<vmem>> -> memref<128xi32, #tpu.memory_space<vmem>>
          %dma_wait3A_92 = arith.constant 0 : i32
          %dma_wait3A_93 = tpu.memref_slice %arg41[%dma_wait3A_92] : memref<41472xf32, #tpu.memory_space<vmem_shared>> -> memref<41472xf32, #tpu.memory_space<vmem_shared>>
          tpu.wait_indirect_dma semaphore(%run_scoped3A_85 : memref<!tpu.dma_semaphore, #tpu.memory_space<semaphore_mem>>) src(%arg9 : memref<128xf32, #tpu.memory_space<vmem>>) dst(%dma_wait3A_93 : memref<41472xf32, #tpu.memory_space<vmem_shared>>)
          tpu.yield
        }) : () -> ()
        %run_scoped3A_81 = arith.constant 0 : i32
        "tpu.region"() ({
          %run_scoped3A_85 = tpu.sem_alloc : memref<!tpu.dma_semaphore, #tpu.memory_space<semaphore_mem>>
          %dma_start3A = arith.constant 0 : i32
          %dma_start3A_86 = tpu.memref_slice %arg7[%run_scoped3A_81, %dma_start3A] : memref<1x128xi32, #tpu.memory_space<vmem>> -> memref<1x128xi32, #tpu.memory_space<vmem>>
          %dma_start3A_87 = tpu.memref_squeeze %dma_start3A_86 : memref<1x128xi32, #tpu.memory_space<vmem>> -> memref<128xi32, #tpu.memory_space<vmem>>
          %dma_start3A_88 = arith.constant 0 : i32
          %dma_start3A_89 = tpu.memref_slice %arg42[%dma_start3A_88] : memref<41472xf32, #tpu.memory_space<vmem_shared>> -> memref<41472xf32, #tpu.memory_space<vmem_shared>>
          tpu.enqueue_indirect_dma source(%arg9 : memref<128xf32, #tpu.memory_space<vmem>>) target(%dma_start3A_89 : memref<41472xf32, #tpu.memory_space<vmem_shared>>) offsets(%dma_start3A_87 : memref<128xi32, #tpu.memory_space<vmem>>) semaphore(%run_scoped3A_85 : memref<!tpu.dma_semaphore, #tpu.memory_space<semaphore_mem>>)
          %dma_wait3A = arith.constant 0 : i32
          %dma_wait3A_90 = tpu.memref_slice %arg7[%run_scoped3A_81, %dma_wait3A] : memref<1x128xi32, #tpu.memory_space<vmem>> -> memref<1x128xi32, #tpu.memory_space<vmem>>
          %dma_wait3A_91 = tpu.memref_squeeze %dma_wait3A_90 : memref<1x128xi32, #tpu.memory_space<vmem>> -> memref<128xi32, #tpu.memory_space<vmem>>
          %dma_wait3A_92 = arith.constant 0 : i32
          %dma_wait3A_93 = tpu.memref_slice %arg42[%dma_wait3A_92] : memref<41472xf32, #tpu.memory_space<vmem_shared>> -> memref<41472xf32, #tpu.memory_space<vmem_shared>>
          tpu.wait_indirect_dma semaphore(%run_scoped3A_85 : memref<!tpu.dma_semaphore, #tpu.memory_space<semaphore_mem>>) src(%arg9 : memref<128xf32, #tpu.memory_space<vmem>>) dst(%dma_wait3A_93 : memref<41472xf32, #tpu.memory_space<vmem_shared>>)
          tpu.yield
        }) : () -> ()
        %run_scoped3A_82 = arith.constant 0 : i32
        "tpu.region"() ({
          %run_scoped3A_85 = tpu.sem_alloc : memref<!tpu.dma_semaphore, #tpu.memory_space<semaphore_mem>>
          %dma_start3A = arith.constant 0 : i32
          %dma_start3A_86 = tpu.memref_slice %arg7[%run_scoped3A_82, %dma_start3A] : memref<1x128xi32, #tpu.memory_space<vmem>> -> memref<1x128xi32, #tpu.memory_space<vmem>>
          %dma_start3A_87 = tpu.memref_squeeze %dma_start3A_86 : memref<1x128xi32, #tpu.memory_space<vmem>> -> memref<128xi32, #tpu.memory_space<vmem>>
          %dma_start3A_88 = arith.constant 0 : i32
          %dma_start3A_89 = tpu.memref_slice %arg43[%dma_start3A_88] : memref<41472xf32, #tpu.memory_space<vmem_shared>> -> memref<41472xf32, #tpu.memory_space<vmem_shared>>
          tpu.enqueue_indirect_dma source(%arg9 : memref<128xf32, #tpu.memory_space<vmem>>) target(%dma_start3A_89 : memref<41472xf32, #tpu.memory_space<vmem_shared>>) offsets(%dma_start3A_87 : memref<128xi32, #tpu.memory_space<vmem>>) semaphore(%run_scoped3A_85 : memref<!tpu.dma_semaphore, #tpu.memory_space<semaphore_mem>>)
          %dma_wait3A = arith.constant 0 : i32
          %dma_wait3A_90 = tpu.memref_slice %arg7[%run_scoped3A_82, %dma_wait3A] : memref<1x128xi32, #tpu.memory_space<vmem>> -> memref<1x128xi32, #tpu.memory_space<vmem>>
          %dma_wait3A_91 = tpu.memref_squeeze %dma_wait3A_90 : memref<1x128xi32, #tpu.memory_space<vmem>> -> memref<128xi32, #tpu.memory_space<vmem>>
          %dma_wait3A_92 = arith.constant 0 : i32
          %dma_wait3A_93 = tpu.memref_slice %arg43[%dma_wait3A_92] : memref<41472xf32, #tpu.memory_space<vmem_shared>> -> memref<41472xf32, #tpu.memory_space<vmem_shared>>
          tpu.wait_indirect_dma semaphore(%run_scoped3A_85 : memref<!tpu.dma_semaphore, #tpu.memory_space<semaphore_mem>>) src(%arg9 : memref<128xf32, #tpu.memory_space<vmem>>) dst(%dma_wait3A_93 : memref<41472xf32, #tpu.memory_space<vmem_shared>>)
          tpu.yield
        }) : () -> ()
        %run_scoped3A_83 = arith.constant 0 : i32
        "tpu.region"() ({
          %run_scoped3A_85 = tpu.sem_alloc : memref<!tpu.dma_semaphore, #tpu.memory_space<semaphore_mem>>
          %dma_start3A = arith.constant 0 : i32
          %dma_start3A_86 = tpu.memref_slice %arg7[%run_scoped3A_83, %dma_start3A] : memref<1x128xi32, #tpu.memory_space<vmem>> -> memref<1x128xi32, #tpu.memory_space<vmem>>
          %dma_start3A_87 = tpu.memref_squeeze %dma_start3A_86 : memref<1x128xi32, #tpu.memory_space<vmem>> -> memref<128xi32, #tpu.memory_space<vmem>>
          %dma_start3A_88 = arith.constant 0 : i32
          %dma_start3A_89 = tpu.memref_slice %arg44[%dma_start3A_88] : memref<41472xf32, #tpu.memory_space<vmem_shared>> -> memref<41472xf32, #tpu.memory_space<vmem_shared>>
          tpu.enqueue_indirect_dma source(%arg9 : memref<128xf32, #tpu.memory_space<vmem>>) target(%dma_start3A_89 : memref<41472xf32, #tpu.memory_space<vmem_shared>>) offsets(%dma_start3A_87 : memref<128xi32, #tpu.memory_space<vmem>>) semaphore(%run_scoped3A_85 : memref<!tpu.dma_semaphore, #tpu.memory_space<semaphore_mem>>)
          %dma_wait3A = arith.constant 0 : i32
          %dma_wait3A_90 = tpu.memref_slice %arg7[%run_scoped3A_83, %dma_wait3A] : memref<1x128xi32, #tpu.memory_space<vmem>> -> memref<1x128xi32, #tpu.memory_space<vmem>>
          %dma_wait3A_91 = tpu.memref_squeeze %dma_wait3A_90 : memref<1x128xi32, #tpu.memory_space<vmem>> -> memref<128xi32, #tpu.memory_space<vmem>>
          %dma_wait3A_92 = arith.constant 0 : i32
          %dma_wait3A_93 = tpu.memref_slice %arg44[%dma_wait3A_92] : memref<41472xf32, #tpu.memory_space<vmem_shared>> -> memref<41472xf32, #tpu.memory_space<vmem_shared>>
          tpu.wait_indirect_dma semaphore(%run_scoped3A_85 : memref<!tpu.dma_semaphore, #tpu.memory_space<semaphore_mem>>) src(%arg9 : memref<128xf32, #tpu.memory_space<vmem>>) dst(%dma_wait3A_93 : memref<41472xf32, #tpu.memory_space<vmem_shared>>)
          tpu.yield
        }) : () -> ()
        %scan3A_84 = arith.constant 0 : i32
        scf.yield %scan3A_84 : i32
      }
      %scan3A_21 = arith.constant 20 : i32
      %barrier3A = arith.constant 0 : index
      tpu.barrier barrier_id(%barrier3A)
      %scan3A_22 = arith.constant 0 : i32
      %scan3A_23 = arith.constant 0 : i32
      %scan3A_24 = arith.constant 21 : i32
      %scan3A_25 = arith.addi %scan3A_23, %scan3A_24 : i32
      %scan3A_26 = arith.constant 1 : i32
      %scan3A_27 = scf.for %scan3A_39 = %scan3A_23 to %scan3A_25 step %scan3A_26 iter_args(%scan3A_40 = %scan3A_22) -> (i32)  : i32 {
        %mul3A_41 = arith.constant 896 : i32
        %mul3A_42 = arith.muli %scan3A_39, %mul3A_41 : i32
        %add3A_43 = arith.addi %mul3A_2, %mul3A_42 : i32
        %multiple_of3A = tpu.assume_multiple %add3A_43, 8 : i32
        "tpu.region"() ({
          %run_scoped3A = tpu.sem_alloc : memref<!tpu.dma_semaphore, #tpu.memory_space<semaphore_mem>>
          %dma_start3A = tpu.memref_slice %arg2[%multiple_of3A] : memref<602112xi32, #tpu.memory_space<hbm>> -> memref<896xi32, #tpu.memory_space<hbm>>
          %dma_start3A_52 = tpu.memref_slice %arg2[%multiple_of3A] : memref<602112xi32, #tpu.memory_space<hbm>> -> memref<896xi32, #tpu.memory_space<hbm>>
          tpu.enqueue_dma source(%dma_start3A_52 : memref<896xi32, #tpu.memory_space<hbm>>) target(%arg6 : memref<896xi32, #tpu.memory_space<vmem>>) target_semaphore(%run_scoped3A : memref<!tpu.dma_semaphore, #tpu.memory_space<semaphore_mem>>)
          %dma_wait3A = tpu.memref_slice %arg2[%multiple_of3A] : memref<602112xi32, #tpu.memory_space<hbm>> -> memref<896xi32, #tpu.memory_space<hbm>>
          %dma_wait3A_53 = tpu.memref_slice %arg2[%multiple_of3A] : memref<602112xi32, #tpu.memory_space<hbm>> -> memref<896xi32, #tpu.memory_space<hbm>>
          tpu.wait_dma2 semaphore(%run_scoped3A : memref<!tpu.dma_semaphore, #tpu.memory_space<semaphore_mem>>) src(%dma_wait3A_53 : memref<896xi32, #tpu.memory_space<hbm>>) dst(%arg6 : memref<896xi32, #tpu.memory_space<vmem>>)
          tpu.yield
        }) : () -> ()
        "tpu.region"() ({
          %run_scoped3A = tpu.sem_alloc : memref<!tpu.dma_semaphore, #tpu.memory_space<semaphore_mem>>
          %dma_start3A = arith.constant 0 : i32
          %dma_start3A_52 = tpu.memref_slice %arg3[%dma_start3A, %multiple_of3A] : memref<40x602112xf32, #tpu.memory_space<hbm>> -> memref<40x896xf32, #tpu.memory_space<hbm>>
          %dma_start3A_53 = arith.constant 0 : i32
          %dma_start3A_54 = tpu.memref_slice %arg3[%dma_start3A_53, %multiple_of3A] : memref<40x602112xf32, #tpu.memory_space<hbm>> -> memref<40x896xf32, #tpu.memory_space<hbm>>
          tpu.enqueue_dma source(%dma_start3A_54 : memref<40x896xf32, #tpu.memory_space<hbm>>) target(%arg8 : memref<40x896xf32, #tpu.memory_space<vmem>>) target_semaphore(%run_scoped3A : memref<!tpu.dma_semaphore, #tpu.memory_space<semaphore_mem>>)
          %dma_wait3A = arith.constant 0 : i32
          %dma_wait3A_55 = tpu.memref_slice %arg3[%dma_wait3A, %multiple_of3A] : memref<40x602112xf32, #tpu.memory_space<hbm>> -> memref<40x896xf32, #tpu.memory_space<hbm>>
          %dma_wait3A_56 = arith.constant 0 : i32
          %dma_wait3A_57 = tpu.memref_slice %arg3[%dma_wait3A_56, %multiple_of3A] : memref<40x602112xf32, #tpu.memory_space<hbm>> -> memref<40x896xf32, #tpu.memory_space<hbm>>
          tpu.wait_dma2 semaphore(%run_scoped3A : memref<!tpu.dma_semaphore, #tpu.memory_space<semaphore_mem>>) src(%dma_wait3A_57 : memref<40x896xf32, #tpu.memory_space<hbm>>) dst(%arg8 : memref<40x896xf32, #tpu.memory_space<vmem>>)
          tpu.yield
        }) : () -> ()
        %scan3A_44 = arith.constant 0 : i32
        %scan3A_45 = arith.constant 0 : i32
        %scan3A_46 = arith.constant 7 : i32
        %scan3A_47 = arith.addi %scan3A_45, %scan3A_46 : i32
        %scan3A_48 = arith.constant 1 : i32
        %scan3A_49 = scf.for %scan3A_52 = %scan3A_45 to %scan3A_47 step %scan3A_48 iter_args(%scan3A_53 = %scan3A_44) -> (i32)  : i32 {
          %scan3A_54 = arith.constant 0 : i32
          %scan3A_55 = arith.constant 0 : i32
          %scan3A_56 = arith.constant 8 : i32
          %scan3A_57 = arith.addi %scan3A_55, %scan3A_56 : i32
          %scan3A_58 = arith.constant 1 : i32
          %scan3A_59 = scf.for %scan3A_132 = %scan3A_55 to %scan3A_57 step %scan3A_58 iter_args(%scan3A_133 = %scan3A_54) -> (i32)  : i32 {
            %mul3A_134 = arith.constant 128 : i32
            %mul3A_135 = arith.muli %scan3A_52, %mul3A_134 : i32
            %mul3A_136 = arith.constant 16 : i32
            %mul3A_137 = arith.muli %scan3A_132, %mul3A_136 : i32
            %add3A_138 = arith.addi %mul3A_135, %mul3A_137 : i32
            %get3A = arith.index_cast %add3A_138 : i32 to index
            %get3A_139 = tpu.vector_load %arg6[%get3A] {strides = array<i32>} : memref<896xi32, #tpu.memory_space<vmem>>, vector<16xi32>,
            %get3A_140 = vector.shape_cast %get3A_139 : vector<16xi32> to vector<16xi32>
            %ge3A = vector.broadcast %mul3A_14 : i32 to vector<16xi32>
            %ge3A_141 = arith.cmpi sge, %get3A_140, %ge3A : vector<16xi32>
            %add3A_142 = arith.constant 40960 : i32
            %add3A_143 = arith.addi %mul3A_14, %add3A_142 : i32
            %lt3A = vector.broadcast %add3A_143 : i32 to vector<16xi32>
            %lt3A_144 = arith.cmpi slt, %get3A_140, %lt3A : vector<16xi32>
            %and3A = arith.andi %ge3A_141, %lt3A_144 : vector<16xi1>
            %mul3A_145 = arith.constant 16 : i32
            %mul3A_146 = arith.muli %scan3A_132, %mul3A_145 : i32
            %add3A_147 = vector.broadcast %mul3A_146 : i32 to vector<16xi32>
            %add3A_148 = arith.addi %iota3A, %add3A_147 : vector<16xi32>
            %add3A_149 = vector.broadcast %scan3A_52 : i32 to vector<16xi32>
            %add3A_150 = arith.addi %add3A_148, %add3A_149 : vector<16xi32>
            %and3A_151 = arith.constant 511 : i32
            %and3A_152 = vector.broadcast %and3A_151 : i32 to vector<16xi32>
            %and3A_153 = arith.andi %add3A_150, %and3A_152 : vector<16xi32>
            %add3A_154 = arith.constant 40960 : i32
            %add3A_155 = vector.broadcast %add3A_154 : i32 to vector<16xi32>
            %add3A_156 = arith.addi %add3A_155, %and3A_153 : vector<16xi32>
            %sub3A = vector.broadcast %mul3A_14 : i32 to vector<16xi32>
            %sub3A_157 = arith.subi %get3A_140, %sub3A : vector<16xi32>
            %select_n3A = arith.select %and3A, %sub3A_157, %add3A_156 : vector<16xi1>, vector<16xi32>
            %mul3A_158 = arith.constant 16 : i32
            %mul3A_159 = arith.muli %scan3A_132, %mul3A_158 : i32
            %swap3A = arith.constant 0 : i32
            %swap3A_160 = arith.index_cast %swap3A : i32 to index
            %swap3A_161 = arith.index_cast %mul3A_159 : i32 to index
            %swap3A_162 = tpu.vector_load %arg7[%swap3A_160, %swap3A_161] {strides = array<i32>} : memref<1x128xi32, #tpu.memory_space<vmem>>, vector<1x16xi32>,
            %swap3A_163 = vector.shape_cast %swap3A_162 : vector<1x16xi32> to vector<16xi32>
            %swap3A_164 = vector.shape_cast %select_n3A : vector<16xi32> to vector<1x16xi32>
            tpu.vector_store %arg7[%swap3A_160, %swap3A_161], %swap3A_164 {strides = array<i32>} : memref<1x128xi32, #tpu.memory_space<vmem>>, vector<1x16xi32>,
            %scan3A_165 = arith.constant 0 : i32
            scf.yield %scan3A_165 : i32
          }
          %scan3A_60 = arith.constant 8 : i32
          %mul3A_61 = arith.constant 128 : i32
          %mul3A_62 = arith.muli %scan3A_52, %mul3A_61 : i32
          %multiple_of3A_63 = tpu.assume_multiple %mul3A_62, 8 : i32
          %run_scoped3A = arith.constant 0 : i32
          %run_scoped3A_64 = arith.constant 0 : i32
          "tpu.region"() ({
            %run_scoped3A_132 = tpu.sem_alloc : memref<!tpu.dma_semaphore, #tpu.memory_space<semaphore_mem>>
            %dma_start3A = tpu.memref_slice %arg8[%run_scoped3A, %multiple_of3A_63] : memref<40x896xf32, #tpu.memory_space<vmem>> -> memref<1x128xf32, #tpu.memory_space<vmem>>
            %dma_start3A_133 = tpu.memref_squeeze %dma_start3A : memref<1x128xf32, #tpu.memory_space<vmem>> -> memref<128xf32, #tpu.memory_space<vmem>>
            %dma_start3A_134 = arith.constant 0 : i32
            %dma_start3A_135 = tpu.memref_slice %arg7[%run_scoped3A_64, %dma_start3A_134] : memref<1x128xi32, #tpu.memory_space<vmem>> -> memref<1x128xi32, #tpu.memory_space<vmem>>
            %dma_start3A_136 = tpu.memref_squeeze %dma_start3A_135 : memref<1x128xi32, #tpu.memory_space<vmem>> -> memref<128xi32, #tpu.memory_space<vmem>>
            %dma_start3A_137 = arith.constant 0 : i32
            %dma_start3A_138 = tpu.memref_slice %arg11[%dma_start3A_137] : memref<41472xf32, #tpu.memory_space<vmem_shared>> -> memref<41472xf32, #tpu.memory_space<vmem_shared>>
            tpu.enqueue_indirect_dma source(%dma_start3A_133 : memref<128xf32, #tpu.memory_space<vmem>>) target(%dma_start3A_138 : memref<41472xf32, #tpu.memory_space<vmem_shared>>) offsets(%dma_start3A_136 : memref<128xi32, #tpu.memory_space<vmem>>) semaphore(%run_scoped3A_132 : memref<!tpu.dma_semaphore, #tpu.memory_space<semaphore_mem>>) {add = true}
            %dma_wait3A = tpu.memref_slice %arg8[%run_scoped3A, %multiple_of3A_63] : memref<40x896xf32, #tpu.memory_space<vmem>> -> memref<1x128xf32, #tpu.memory_space<vmem>>
            %dma_wait3A_139 = tpu.memref_squeeze %dma_wait3A : memref<1x128xf32, #tpu.memory_space<vmem>> -> memref<128xf32, #tpu.memory_space<vmem>>
            %dma_wait3A_140 = arith.constant 0 : i32
            %dma_wait3A_141 = tpu.memref_slice %arg7[%run_scoped3A_64, %dma_wait3A_140] : memref<1x128xi32, #tpu.memory_space<vmem>> -> memref<1x128xi32, #tpu.memory_space<vmem>>
            %dma_wait3A_142 = tpu.memref_squeeze %dma_wait3A_141 : memref<1x128xi32, #tpu.memory_space<vmem>> -> memref<128xi32, #tpu.memory_space<vmem>>
            %dma_wait3A_143 = arith.constant 0 : i32
            %dma_wait3A_144 = tpu.memref_slice %arg11[%dma_wait3A_143] : memref<41472xf32, #tpu.memory_space<vmem_shared>> -> memref<41472xf32, #tpu.memory_space<vmem_shared>>
            tpu.wait_indirect_dma semaphore(%run_scoped3A_132 : memref<!tpu.dma_semaphore, #tpu.memory_space<semaphore_mem>>) src(%dma_wait3A_139 : memref<128xf32, #tpu.memory_space<vmem>>) dst(%dma_wait3A_144 : memref<41472xf32, #tpu.memory_space<vmem_shared>>)
            tpu.yield
          }) : () -> ()
          %run_scoped3A_65 = arith.constant 1 : i32
          %run_scoped3A_66 = arith.constant 0 : i32
          "tpu.region"() ({
            %run_scoped3A_132 = tpu.sem_alloc : memref<!tpu.dma_semaphore, #tpu.memory_space<semaphore_mem>>
            %dma_start3A = tpu.memref_slice %arg8[%run_scoped3A_65, %multiple_of3A_63] : memref<40x896xf32, #tpu.memory_space<vmem>> -> memref<1x128xf32, #tpu.memory_space<vmem>>
            %dma_start3A_133 = tpu.memref_squeeze %dma_start3A : memref<1x128xf32, #tpu.memory_space<vmem>> -> memref<128xf32, #tpu.memory_space<vmem>>
            %dma_start3A_134 = arith.constant 0 : i32
            %dma_start3A_135 = tpu.memref_slice %arg7[%run_scoped3A_66, %dma_start3A_134] : memref<1x128xi32, #tpu.memory_space<vmem>> -> memref<1x128xi32, #tpu.memory_space<vmem>>
            %dma_start3A_136 = tpu.memref_squeeze %dma_start3A_135 : memref<1x128xi32, #tpu.memory_space<vmem>> -> memref<128xi32, #tpu.memory_space<vmem>>
            %dma_start3A_137 = arith.constant 0 : i32
            %dma_start3A_138 = tpu.memref_slice %arg12[%dma_start3A_137] : memref<41472xf32, #tpu.memory_space<vmem_shared>> -> memref<41472xf32, #tpu.memory_space<vmem_shared>>
            tpu.enqueue_indirect_dma source(%dma_start3A_133 : memref<128xf32, #tpu.memory_space<vmem>>) target(%dma_start3A_138 : memref<41472xf32, #tpu.memory_space<vmem_shared>>) offsets(%dma_start3A_136 : memref<128xi32, #tpu.memory_space<vmem>>) semaphore(%run_scoped3A_132 : memref<!tpu.dma_semaphore, #tpu.memory_space<semaphore_mem>>) {add = true}
            %dma_wait3A = tpu.memref_slice %arg8[%run_scoped3A_65, %multiple_of3A_63] : memref<40x896xf32, #tpu.memory_space<vmem>> -> memref<1x128xf32, #tpu.memory_space<vmem>>
            %dma_wait3A_139 = tpu.memref_squeeze %dma_wait3A : memref<1x128xf32, #tpu.memory_space<vmem>> -> memref<128xf32, #tpu.memory_space<vmem>>
            %dma_wait3A_140 = arith.constant 0 : i32
            %dma_wait3A_141 = tpu.memref_slice %arg7[%run_scoped3A_66, %dma_wait3A_140] : memref<1x128xi32, #tpu.memory_space<vmem>> -> memref<1x128xi32, #tpu.memory_space<vmem>>
            %dma_wait3A_142 = tpu.memref_squeeze %dma_wait3A_141 : memref<1x128xi32, #tpu.memory_space<vmem>> -> memref<128xi32, #tpu.memory_space<vmem>>
            %dma_wait3A_143 = arith.constant 0 : i32
            %dma_wait3A_144 = tpu.memref_slice %arg12[%dma_wait3A_143] : memref<41472xf32, #tpu.memory_space<vmem_shared>> -> memref<41472xf32, #tpu.memory_space<vmem_shared>>
            tpu.wait_indirect_dma semaphore(%run_scoped3A_132 : memref<!tpu.dma_semaphore, #tpu.memory_space<semaphore_mem>>) src(%dma_wait3A_139 : memref<128xf32, #tpu.memory_space<vmem>>) dst(%dma_wait3A_144 : memref<41472xf32, #tpu.memory_space<vmem_shared>>)
            tpu.yield
          }) : () -> ()
          %run_scoped3A_67 = arith.constant 2 : i32
          %run_scoped3A_68 = arith.constant 0 : i32
          "tpu.region"() ({
            %run_scoped3A_132 = tpu.sem_alloc : memref<!tpu.dma_semaphore, #tpu.memory_space<semaphore_mem>>
            %dma_start3A = tpu.memref_slice %arg8[%run_scoped3A_67, %multiple_of3A_63] : memref<40x896xf32, #tpu.memory_space<vmem>> -> memref<1x128xf32, #tpu.memory_space<vmem>>
            %dma_start3A_133 = tpu.memref_squeeze %dma_start3A : memref<1x128xf32, #tpu.memory_space<vmem>> -> memref<128xf32, #tpu.memory_space<vmem>>
            %dma_start3A_134 = arith.constant 0 : i32
            %dma_start3A_135 = tpu.memref_slice %arg7[%run_scoped3A_68, %dma_start3A_134] : memref<1x128xi32, #tpu.memory_space<vmem>> -> memref<1x128xi32, #tpu.memory_space<vmem>>
            %dma_start3A_136 = tpu.memref_squeeze %dma_start3A_135 : memref<1x128xi32, #tpu.memory_space<vmem>> -> memref<128xi32, #tpu.memory_space<vmem>>
            %dma_start3A_137 = arith.constant 0 : i32
            %dma_start3A_138 = tpu.memref_slice %arg13[%dma_start3A_137] : memref<41472xf32, #tpu.memory_space<vmem_shared>> -> memref<41472xf32, #tpu.memory_space<vmem_shared>>
            tpu.enqueue_indirect_dma source(%dma_start3A_133 : memref<128xf32, #tpu.memory_space<vmem>>) target(%dma_start3A_138 : memref<41472xf32, #tpu.memory_space<vmem_shared>>) offsets(%dma_start3A_136 : memref<128xi32, #tpu.memory_space<vmem>>) semaphore(%run_scoped3A_132 : memref<!tpu.dma_semaphore, #tpu.memory_space<semaphore_mem>>) {add = true}
            %dma_wait3A = tpu.memref_slice %arg8[%run_scoped3A_67, %multiple_of3A_63] : memref<40x896xf32, #tpu.memory_space<vmem>> -> memref<1x128xf32, #tpu.memory_space<vmem>>
            %dma_wait3A_139 = tpu.memref_squeeze %dma_wait3A : memref<1x128xf32, #tpu.memory_space<vmem>> -> memref<128xf32, #tpu.memory_space<vmem>>
            %dma_wait3A_140 = arith.constant 0 : i32
            %dma_wait3A_141 = tpu.memref_slice %arg7[%run_scoped3A_68, %dma_wait3A_140] : memref<1x128xi32, #tpu.memory_space<vmem>> -> memref<1x128xi32, #tpu.memory_space<vmem>>
            %dma_wait3A_142 = tpu.memref_squeeze %dma_wait3A_141 : memref<1x128xi32, #tpu.memory_space<vmem>> -> memref<128xi32, #tpu.memory_space<vmem>>
            %dma_wait3A_143 = arith.constant 0 : i32
            %dma_wait3A_144 = tpu.memref_slice %arg13[%dma_wait3A_143] : memref<41472xf32, #tpu.memory_space<vmem_shared>> -> memref<41472xf32, #tpu.memory_space<vmem_shared>>
            tpu.wait_indirect_dma semaphore(%run_scoped3A_132 : memref<!tpu.dma_semaphore, #tpu.memory_space<semaphore_mem>>) src(%dma_wait3A_139 : memref<128xf32, #tpu.memory_space<vmem>>) dst(%dma_wait3A_144 : memref<41472xf32, #tpu.memory_space<vmem_shared>>)
            tpu.yield
          }) : () -> ()
          %run_scoped3A_69 = arith.constant 3 : i32
          %run_scoped3A_70 = arith.constant 0 : i32
          "tpu.region"() ({
            %run_scoped3A_132 = tpu.sem_alloc : memref<!tpu.dma_semaphore, #tpu.memory_space<semaphore_mem>>
            %dma_start3A = tpu.memref_slice %arg8[%run_scoped3A_69, %multiple_of3A_63] : memref<40x896xf32, #tpu.memory_space<vmem>> -> memref<1x128xf32, #tpu.memory_space<vmem>>
            %dma_start3A_133 = tpu.memref_squeeze %dma_start3A : memref<1x128xf32, #tpu.memory_space<vmem>> -> memref<128xf32, #tpu.memory_space<vmem>>
            %dma_start3A_134 = arith.constant 0 : i32
            %dma_start3A_135 = tpu.memref_slice %arg7[%run_scoped3A_70, %dma_start3A_134] : memref<1x128xi32, #tpu.memory_space<vmem>> -> memref<1x128xi32, #tpu.memory_space<vmem>>
            %dma_start3A_136 = tpu.memref_squeeze %dma_start3A_135 : memref<1x128xi32, #tpu.memory_space<vmem>> -> memref<128xi32, #tpu.memory_space<vmem>>
            %dma_start3A_137 = arith.constant 0 : i32
            %dma_start3A_138 = tpu.memref_slice %arg14[%dma_start3A_137] : memref<41472xf32, #tpu.memory_space<vmem_shared>> -> memref<41472xf32, #tpu.memory_space<vmem_shared>>
            tpu.enqueue_indirect_dma source(%dma_start3A_133 : memref<128xf32, #tpu.memory_space<vmem>>) target(%dma_start3A_138 : memref<41472xf32, #tpu.memory_space<vmem_shared>>) offsets(%dma_start3A_136 : memref<128xi32, #tpu.memory_space<vmem>>) semaphore(%run_scoped3A_132 : memref<!tpu.dma_semaphore, #tpu.memory_space<semaphore_mem>>) {add = true}
            %dma_wait3A = tpu.memref_slice %arg8[%run_scoped3A_69, %multiple_of3A_63] : memref<40x896xf32, #tpu.memory_space<vmem>> -> memref<1x128xf32, #tpu.memory_space<vmem>>
            %dma_wait3A_139 = tpu.memref_squeeze %dma_wait3A : memref<1x128xf32, #tpu.memory_space<vmem>> -> memref<128xf32, #tpu.memory_space<vmem>>
            %dma_wait3A_140 = arith.constant 0 : i32
            %dma_wait3A_141 = tpu.memref_slice %arg7[%run_scoped3A_70, %dma_wait3A_140] : memref<1x128xi32, #tpu.memory_space<vmem>> -> memref<1x128xi32, #tpu.memory_space<vmem>>
            %dma_wait3A_142 = tpu.memref_squeeze %dma_wait3A_141 : memref<1x128xi32, #tpu.memory_space<vmem>> -> memref<128xi32, #tpu.memory_space<vmem>>
            %dma_wait3A_143 = arith.constant 0 : i32
            %dma_wait3A_144 = tpu.memref_slice %arg14[%dma_wait3A_143] : memref<41472xf32, #tpu.memory_space<vmem_shared>> -> memref<41472xf32, #tpu.memory_space<vmem_shared>>
            tpu.wait_indirect_dma semaphore(%run_scoped3A_132 : memref<!tpu.dma_semaphore, #tpu.memory_space<semaphore_mem>>) src(%dma_wait3A_139 : memref<128xf32, #tpu.memory_space<vmem>>) dst(%dma_wait3A_144 : memref<41472xf32, #tpu.memory_space<vmem_shared>>)
            tpu.yield
          }) : () -> ()
          %run_scoped3A_71 = arith.constant 4 : i32
          %run_scoped3A_72 = arith.constant 0 : i32
          "tpu.region"() ({
            %run_scoped3A_132 = tpu.sem_alloc : memref<!tpu.dma_semaphore, #tpu.memory_space<semaphore_mem>>
            %dma_start3A = tpu.memref_slice %arg8[%run_scoped3A_71, %multiple_of3A_63] : memref<40x896xf32, #tpu.memory_space<vmem>> -> memref<1x128xf32, #tpu.memory_space<vmem>>
            %dma_start3A_133 = tpu.memref_squeeze %dma_start3A : memref<1x128xf32, #tpu.memory_space<vmem>> -> memref<128xf32, #tpu.memory_space<vmem>>
            %dma_start3A_134 = arith.constant 0 : i32
            %dma_start3A_135 = tpu.memref_slice %arg7[%run_scoped3A_72, %dma_start3A_134] : memref<1x128xi32, #tpu.memory_space<vmem>> -> memref<1x128xi32, #tpu.memory_space<vmem>>
            %dma_start3A_136 = tpu.memref_squeeze %dma_start3A_135 : memref<1x128xi32, #tpu.memory_space<vmem>> -> memref<128xi32, #tpu.memory_space<vmem>>
            %dma_start3A_137 = arith.constant 0 : i32
            %dma_start3A_138 = tpu.memref_slice %arg15[%dma_start3A_137] : memref<41472xf32, #tpu.memory_space<vmem_shared>> -> memref<41472xf32, #tpu.memory_space<vmem_shared>>
            tpu.enqueue_indirect_dma source(%dma_start3A_133 : memref<128xf32, #tpu.memory_space<vmem>>) target(%dma_start3A_138 : memref<41472xf32, #tpu.memory_space<vmem_shared>>) offsets(%dma_start3A_136 : memref<128xi32, #tpu.memory_space<vmem>>) semaphore(%run_scoped3A_132 : memref<!tpu.dma_semaphore, #tpu.memory_space<semaphore_mem>>) {add = true}
            %dma_wait3A = tpu.memref_slice %arg8[%run_scoped3A_71, %multiple_of3A_63] : memref<40x896xf32, #tpu.memory_space<vmem>> -> memref<1x128xf32, #tpu.memory_space<vmem>>
            %dma_wait3A_139 = tpu.memref_squeeze %dma_wait3A : memref<1x128xf32, #tpu.memory_space<vmem>> -> memref<128xf32, #tpu.memory_space<vmem>>
            %dma_wait3A_140 = arith.constant 0 : i32
            %dma_wait3A_141 = tpu.memref_slice %arg7[%run_scoped3A_72, %dma_wait3A_140] : memref<1x128xi32, #tpu.memory_space<vmem>> -> memref<1x128xi32, #tpu.memory_space<vmem>>
            %dma_wait3A_142 = tpu.memref_squeeze %dma_wait3A_141 : memref<1x128xi32, #tpu.memory_space<vmem>> -> memref<128xi32, #tpu.memory_space<vmem>>
            %dma_wait3A_143 = arith.constant 0 : i32
            %dma_wait3A_144 = tpu.memref_slice %arg15[%dma_wait3A_143] : memref<41472xf32, #tpu.memory_space<vmem_shared>> -> memref<41472xf32, #tpu.memory_space<vmem_shared>>
            tpu.wait_indirect_dma semaphore(%run_scoped3A_132 : memref<!tpu.dma_semaphore, #tpu.memory_space<semaphore_mem>>) src(%dma_wait3A_139 : memref<128xf32, #tpu.memory_space<vmem>>) dst(%dma_wait3A_144 : memref<41472xf32, #tpu.memory_space<vmem_shared>>)
            tpu.yield
          }) : () -> ()
          %run_scoped3A_73 = arith.constant 5 : i32
          %run_scoped3A_74 = arith.constant 0 : i32
          "tpu.region"() ({
            %run_scoped3A_132 = tpu.sem_alloc : memref<!tpu.dma_semaphore, #tpu.memory_space<semaphore_mem>>
            %dma_start3A = tpu.memref_slice %arg8[%run_scoped3A_73, %multiple_of3A_63] : memref<40x896xf32, #tpu.memory_space<vmem>> -> memref<1x128xf32, #tpu.memory_space<vmem>>
            %dma_start3A_133 = tpu.memref_squeeze %dma_start3A : memref<1x128xf32, #tpu.memory_space<vmem>> -> memref<128xf32, #tpu.memory_space<vmem>>
            %dma_start3A_134 = arith.constant 0 : i32
            %dma_start3A_135 = tpu.memref_slice %arg7[%run_scoped3A_74, %dma_start3A_134] : memref<1x128xi32, #tpu.memory_space<vmem>> -> memref<1x128xi32, #tpu.memory_space<vmem>>
            %dma_start3A_136 = tpu.memref_squeeze %dma_start3A_135 : memref<1x128xi32, #tpu.memory_space<vmem>> -> memref<128xi32, #tpu.memory_space<vmem>>
            %dma_start3A_137 = arith.constant 0 : i32
            %dma_start3A_138 = tpu.memref_slice %arg16[%dma_start3A_137] : memref<41472xf32, #tpu.memory_space<vmem_shared>> -> memref<41472xf32, #tpu.memory_space<vmem_shared>>
            tpu.enqueue_indirect_dma source(%dma_start3A_133 : memref<128xf32, #tpu.memory_space<vmem>>) target(%dma_start3A_138 : memref<41472xf32, #tpu.memory_space<vmem_shared>>) offsets(%dma_start3A_136 : memref<128xi32, #tpu.memory_space<vmem>>) semaphore(%run_scoped3A_132 : memref<!tpu.dma_semaphore, #tpu.memory_space<semaphore_mem>>) {add = true}
            %dma_wait3A = tpu.memref_slice %arg8[%run_scoped3A_73, %multiple_of3A_63] : memref<40x896xf32, #tpu.memory_space<vmem>> -> memref<1x128xf32, #tpu.memory_space<vmem>>
            %dma_wait3A_139 = tpu.memref_squeeze %dma_wait3A : memref<1x128xf32, #tpu.memory_space<vmem>> -> memref<128xf32, #tpu.memory_space<vmem>>
            %dma_wait3A_140 = arith.constant 0 : i32
            %dma_wait3A_141 = tpu.memref_slice %arg7[%run_scoped3A_74, %dma_wait3A_140] : memref<1x128xi32, #tpu.memory_space<vmem>> -> memref<1x128xi32, #tpu.memory_space<vmem>>
            %dma_wait3A_142 = tpu.memref_squeeze %dma_wait3A_141 : memref<1x128xi32, #tpu.memory_space<vmem>> -> memref<128xi32, #tpu.memory_space<vmem>>
            %dma_wait3A_143 = arith.constant 0 : i32
            %dma_wait3A_144 = tpu.memref_slice %arg16[%dma_wait3A_143] : memref<41472xf32, #tpu.memory_space<vmem_shared>> -> memref<41472xf32, #tpu.memory_space<vmem_shared>>
            tpu.wait_indirect_dma semaphore(%run_scoped3A_132 : memref<!tpu.dma_semaphore, #tpu.memory_space<semaphore_mem>>) src(%dma_wait3A_139 : memref<128xf32, #tpu.memory_space<vmem>>) dst(%dma_wait3A_144 : memref<41472xf32, #tpu.memory_space<vmem_shared>>)
            tpu.yield
          }) : () -> ()
          %run_scoped3A_75 = arith.constant 6 : i32
          %run_scoped3A_76 = arith.constant 0 : i32
          "tpu.region"() ({
            %run_scoped3A_132 = tpu.sem_alloc : memref<!tpu.dma_semaphore, #tpu.memory_space<semaphore_mem>>
            %dma_start3A = tpu.memref_slice %arg8[%run_scoped3A_75, %multiple_of3A_63] : memref<40x896xf32, #tpu.memory_space<vmem>> -> memref<1x128xf32, #tpu.memory_space<vmem>>
            %dma_start3A_133 = tpu.memref_squeeze %dma_start3A : memref<1x128xf32, #tpu.memory_space<vmem>> -> memref<128xf32, #tpu.memory_space<vmem>>
            %dma_start3A_134 = arith.constant 0 : i32
            %dma_start3A_135 = tpu.memref_slice %arg7[%run_scoped3A_76, %dma_start3A_134] : memref<1x128xi32, #tpu.memory_space<vmem>> -> memref<1x128xi32, #tpu.memory_space<vmem>>
            %dma_start3A_136 = tpu.memref_squeeze %dma_start3A_135 : memref<1x128xi32, #tpu.memory_space<vmem>> -> memref<128xi32, #tpu.memory_space<vmem>>
            %dma_start3A_137 = arith.constant 0 : i32
            %dma_start3A_138 = tpu.memref_slice %arg17[%dma_start3A_137] : memref<41472xf32, #tpu.memory_space<vmem_shared>> -> memref<41472xf32, #tpu.memory_space<vmem_shared>>
            tpu.enqueue_indirect_dma source(%dma_start3A_133 : memref<128xf32, #tpu.memory_space<vmem>>) target(%dma_start3A_138 : memref<41472xf32, #tpu.memory_space<vmem_shared>>) offsets(%dma_start3A_136 : memref<128xi32, #tpu.memory_space<vmem>>) semaphore(%run_scoped3A_132 : memref<!tpu.dma_semaphore, #tpu.memory_space<semaphore_mem>>) {add = true}
            %dma_wait3A = tpu.memref_slice %arg8[%run_scoped3A_75, %multiple_of3A_63] : memref<40x896xf32, #tpu.memory_space<vmem>> -> memref<1x128xf32, #tpu.memory_space<vmem>>
            %dma_wait3A_139 = tpu.memref_squeeze %dma_wait3A : memref<1x128xf32, #tpu.memory_space<vmem>> -> memref<128xf32, #tpu.memory_space<vmem>>
            %dma_wait3A_140 = arith.constant 0 : i32
            %dma_wait3A_141 = tpu.memref_slice %arg7[%run_scoped3A_76, %dma_wait3A_140] : memref<1x128xi32, #tpu.memory_space<vmem>> -> memref<1x128xi32, #tpu.memory_space<vmem>>
            %dma_wait3A_142 = tpu.memref_squeeze %dma_wait3A_141 : memref<1x128xi32, #tpu.memory_space<vmem>> -> memref<128xi32, #tpu.memory_space<vmem>>
            %dma_wait3A_143 = arith.constant 0 : i32
            %dma_wait3A_144 = tpu.memref_slice %arg17[%dma_wait3A_143] : memref<41472xf32, #tpu.memory_space<vmem_shared>> -> memref<41472xf32, #tpu.memory_space<vmem_shared>>
            tpu.wait_indirect_dma semaphore(%run_scoped3A_132 : memref<!tpu.dma_semaphore, #tpu.memory_space<semaphore_mem>>) src(%dma_wait3A_139 : memref<128xf32, #tpu.memory_space<vmem>>) dst(%dma_wait3A_144 : memref<41472xf32, #tpu.memory_space<vmem_shared>>)
            tpu.yield
          }) : () -> ()
          %run_scoped3A_77 = arith.constant 7 : i32
          %run_scoped3A_78 = arith.constant 0 : i32
          "tpu.region"() ({
            %run_scoped3A_132 = tpu.sem_alloc : memref<!tpu.dma_semaphore, #tpu.memory_space<semaphore_mem>>
            %dma_start3A = tpu.memref_slice %arg8[%run_scoped3A_77, %multiple_of3A_63] : memref<40x896xf32, #tpu.memory_space<vmem>> -> memref<1x128xf32, #tpu.memory_space<vmem>>
            %dma_start3A_133 = tpu.memref_squeeze %dma_start3A : memref<1x128xf32, #tpu.memory_space<vmem>> -> memref<128xf32, #tpu.memory_space<vmem>>
            %dma_start3A_134 = arith.constant 0 : i32
            %dma_start3A_135 = tpu.memref_slice %arg7[%run_scoped3A_78, %dma_start3A_134] : memref<1x128xi32, #tpu.memory_space<vmem>> -> memref<1x128xi32, #tpu.memory_space<vmem>>
            %dma_start3A_136 = tpu.memref_squeeze %dma_start3A_135 : memref<1x128xi32, #tpu.memory_space<vmem>> -> memref<128xi32, #tpu.memory_space<vmem>>
            %dma_start3A_137 = arith.constant 0 : i32
            %dma_start3A_138 = tpu.memref_slice %arg18[%dma_start3A_137] : memref<41472xf32, #tpu.memory_space<vmem_shared>> -> memref<41472xf32, #tpu.memory_space<vmem_shared>>
            tpu.enqueue_indirect_dma source(%dma_start3A_133 : memref<128xf32, #tpu.memory_space<vmem>>) target(%dma_start3A_138 : memref<41472xf32, #tpu.memory_space<vmem_shared>>) offsets(%dma_start3A_136 : memref<128xi32, #tpu.memory_space<vmem>>) semaphore(%run_scoped3A_132 : memref<!tpu.dma_semaphore, #tpu.memory_space<semaphore_mem>>) {add = true}
            %dma_wait3A = tpu.memref_slice %arg8[%run_scoped3A_77, %multiple_of3A_63] : memref<40x896xf32, #tpu.memory_space<vmem>> -> memref<1x128xf32, #tpu.memory_space<vmem>>
            %dma_wait3A_139 = tpu.memref_squeeze %dma_wait3A : memref<1x128xf32, #tpu.memory_space<vmem>> -> memref<128xf32, #tpu.memory_space<vmem>>
            %dma_wait3A_140 = arith.constant 0 : i32
            %dma_wait3A_141 = tpu.memref_slice %arg7[%run_scoped3A_78, %dma_wait3A_140] : memref<1x128xi32, #tpu.memory_space<vmem>> -> memref<1x128xi32, #tpu.memory_space<vmem>>
            %dma_wait3A_142 = tpu.memref_squeeze %dma_wait3A_141 : memref<1x128xi32, #tpu.memory_space<vmem>> -> memref<128xi32, #tpu.memory_space<vmem>>
            %dma_wait3A_143 = arith.constant 0 : i32
            %dma_wait3A_144 = tpu.memref_slice %arg18[%dma_wait3A_143] : memref<41472xf32, #tpu.memory_space<vmem_shared>> -> memref<41472xf32, #tpu.memory_space<vmem_shared>>
            tpu.wait_indirect_dma semaphore(%run_scoped3A_132 : memref<!tpu.dma_semaphore, #tpu.memory_space<semaphore_mem>>) src(%dma_wait3A_139 : memref<128xf32, #tpu.memory_space<vmem>>) dst(%dma_wait3A_144 : memref<41472xf32, #tpu.memory_space<vmem_shared>>)
            tpu.yield
          }) : () -> ()
          %run_scoped3A_79 = arith.constant 8 : i32
          %run_scoped3A_80 = arith.constant 0 : i32
          "tpu.region"() ({
            %run_scoped3A_132 = tpu.sem_alloc : memref<!tpu.dma_semaphore, #tpu.memory_space<semaphore_mem>>
            %dma_start3A = tpu.memref_slice %arg8[%run_scoped3A_79, %multiple_of3A_63] : memref<40x896xf32, #tpu.memory_space<vmem>> -> memref<1x128xf32, #tpu.memory_space<vmem>>
            %dma_start3A_133 = tpu.memref_squeeze %dma_start3A : memref<1x128xf32, #tpu.memory_space<vmem>> -> memref<128xf32, #tpu.memory_space<vmem>>
            %dma_start3A_134 = arith.constant 0 : i32
            %dma_start3A_135 = tpu.memref_slice %arg7[%run_scoped3A_80, %dma_start3A_134] : memref<1x128xi32, #tpu.memory_space<vmem>> -> memref<1x128xi32, #tpu.memory_space<vmem>>
            %dma_start3A_136 = tpu.memref_squeeze %dma_start3A_135 : memref<1x128xi32, #tpu.memory_space<vmem>> -> memref<128xi32, #tpu.memory_space<vmem>>
            %dma_start3A_137 = arith.constant 0 : i32
            %dma_start3A_138 = tpu.memref_slice %arg19[%dma_start3A_137] : memref<41472xf32, #tpu.memory_space<vmem_shared>> -> memref<41472xf32, #tpu.memory_space<vmem_shared>>
            tpu.enqueue_indirect_dma source(%dma_start3A_133 : memref<128xf32, #tpu.memory_space<vmem>>) target(%dma_start3A_138 : memref<41472xf32, #tpu.memory_space<vmem_shared>>) offsets(%dma_start3A_136 : memref<128xi32, #tpu.memory_space<vmem>>) semaphore(%run_scoped3A_132 : memref<!tpu.dma_semaphore, #tpu.memory_space<semaphore_mem>>) {add = true}
            %dma_wait3A = tpu.memref_slice %arg8[%run_scoped3A_79, %multiple_of3A_63] : memref<40x896xf32, #tpu.memory_space<vmem>> -> memref<1x128xf32, #tpu.memory_space<vmem>>
            %dma_wait3A_139 = tpu.memref_squeeze %dma_wait3A : memref<1x128xf32, #tpu.memory_space<vmem>> -> memref<128xf32, #tpu.memory_space<vmem>>
            %dma_wait3A_140 = arith.constant 0 : i32
            %dma_wait3A_141 = tpu.memref_slice %arg7[%run_scoped3A_80, %dma_wait3A_140] : memref<1x128xi32, #tpu.memory_space<vmem>> -> memref<1x128xi32, #tpu.memory_space<vmem>>
            %dma_wait3A_142 = tpu.memref_squeeze %dma_wait3A_141 : memref<1x128xi32, #tpu.memory_space<vmem>> -> memref<128xi32, #tpu.memory_space<vmem>>
            %dma_wait3A_143 = arith.constant 0 : i32
            %dma_wait3A_144 = tpu.memref_slice %arg19[%dma_wait3A_143] : memref<41472xf32, #tpu.memory_space<vmem_shared>> -> memref<41472xf32, #tpu.memory_space<vmem_shared>>
            tpu.wait_indirect_dma semaphore(%run_scoped3A_132 : memref<!tpu.dma_semaphore, #tpu.memory_space<semaphore_mem>>) src(%dma_wait3A_139 : memref<128xf32, #tpu.memory_space<vmem>>) dst(%dma_wait3A_144 : memref<41472xf32, #tpu.memory_space<vmem_shared>>)
            tpu.yield
          }) : () -> ()
          %run_scoped3A_81 = arith.constant 9 : i32
          %run_scoped3A_82 = arith.constant 0 : i32
          "tpu.region"() ({
            %run_scoped3A_132 = tpu.sem_alloc : memref<!tpu.dma_semaphore, #tpu.memory_space<semaphore_mem>>
            %dma_start3A = tpu.memref_slice %arg8[%run_scoped3A_81, %multiple_of3A_63] : memref<40x896xf32, #tpu.memory_space<vmem>> -> memref<1x128xf32, #tpu.memory_space<vmem>>
            %dma_start3A_133 = tpu.memref_squeeze %dma_start3A : memref<1x128xf32, #tpu.memory_space<vmem>> -> memref<128xf32, #tpu.memory_space<vmem>>
            %dma_start3A_134 = arith.constant 0 : i32
            %dma_start3A_135 = tpu.memref_slice %arg7[%run_scoped3A_82, %dma_start3A_134] : memref<1x128xi32, #tpu.memory_space<vmem>> -> memref<1x128xi32, #tpu.memory_space<vmem>>
            %dma_start3A_136 = tpu.memref_squeeze %dma_start3A_135 : memref<1x128xi32, #tpu.memory_space<vmem>> -> memref<128xi32, #tpu.memory_space<vmem>>
            %dma_start3A_137 = arith.constant 0 : i32
            %dma_start3A_138 = tpu.memref_slice %arg20[%dma_start3A_137] : memref<41472xf32, #tpu.memory_space<vmem_shared>> -> memref<41472xf32, #tpu.memory_space<vmem_shared>>
            tpu.enqueue_indirect_dma source(%dma_start3A_133 : memref<128xf32, #tpu.memory_space<vmem>>) target(%dma_start3A_138 : memref<41472xf32, #tpu.memory_space<vmem_shared>>) offsets(%dma_start3A_136 : memref<128xi32, #tpu.memory_space<vmem>>) semaphore(%run_scoped3A_132 : memref<!tpu.dma_semaphore, #tpu.memory_space<semaphore_mem>>) {add = true}
            %dma_wait3A = tpu.memref_slice %arg8[%run_scoped3A_81, %multiple_of3A_63] : memref<40x896xf32, #tpu.memory_space<vmem>> -> memref<1x128xf32, #tpu.memory_space<vmem>>
            %dma_wait3A_139 = tpu.memref_squeeze %dma_wait3A : memref<1x128xf32, #tpu.memory_space<vmem>> -> memref<128xf32, #tpu.memory_space<vmem>>
            %dma_wait3A_140 = arith.constant 0 : i32
            %dma_wait3A_141 = tpu.memref_slice %arg7[%run_scoped3A_82, %dma_wait3A_140] : memref<1x128xi32, #tpu.memory_space<vmem>> -> memref<1x128xi32, #tpu.memory_space<vmem>>
            %dma_wait3A_142 = tpu.memref_squeeze %dma_wait3A_141 : memref<1x128xi32, #tpu.memory_space<vmem>> -> memref<128xi32, #tpu.memory_space<vmem>>
            %dma_wait3A_143 = arith.constant 0 : i32
            %dma_wait3A_144 = tpu.memref_slice %arg20[%dma_wait3A_143] : memref<41472xf32, #tpu.memory_space<vmem_shared>> -> memref<41472xf32, #tpu.memory_space<vmem_shared>>
            tpu.wait_indirect_dma semaphore(%run_scoped3A_132 : memref<!tpu.dma_semaphore, #tpu.memory_space<semaphore_mem>>) src(%dma_wait3A_139 : memref<128xf32, #tpu.memory_space<vmem>>) dst(%dma_wait3A_144 : memref<41472xf32, #tpu.memory_space<vmem_shared>>)
            tpu.yield
          }) : () -> ()
          %run_scoped3A_83 = arith.constant 10 : i32
          %run_scoped3A_84 = arith.constant 0 : i32
          "tpu.region"() ({
            %run_scoped3A_132 = tpu.sem_alloc : memref<!tpu.dma_semaphore, #tpu.memory_space<semaphore_mem>>
            %dma_start3A = tpu.memref_slice %arg8[%run_scoped3A_83, %multiple_of3A_63] : memref<40x896xf32, #tpu.memory_space<vmem>> -> memref<1x128xf32, #tpu.memory_space<vmem>>
            %dma_start3A_133 = tpu.memref_squeeze %dma_start3A : memref<1x128xf32, #tpu.memory_space<vmem>> -> memref<128xf32, #tpu.memory_space<vmem>>
            %dma_start3A_134 = arith.constant 0 : i32
            %dma_start3A_135 = tpu.memref_slice %arg7[%run_scoped3A_84, %dma_start3A_134] : memref<1x128xi32, #tpu.memory_space<vmem>> -> memref<1x128xi32, #tpu.memory_space<vmem>>
            %dma_start3A_136 = tpu.memref_squeeze %dma_start3A_135 : memref<1x128xi32, #tpu.memory_space<vmem>> -> memref<128xi32, #tpu.memory_space<vmem>>
            %dma_start3A_137 = arith.constant 0 : i32
            %dma_start3A_138 = tpu.memref_slice %arg21[%dma_start3A_137] : memref<41472xf32, #tpu.memory_space<vmem_shared>> -> memref<41472xf32, #tpu.memory_space<vmem_shared>>
            tpu.enqueue_indirect_dma source(%dma_start3A_133 : memref<128xf32, #tpu.memory_space<vmem>>) target(%dma_start3A_138 : memref<41472xf32, #tpu.memory_space<vmem_shared>>) offsets(%dma_start3A_136 : memref<128xi32, #tpu.memory_space<vmem>>) semaphore(%run_scoped3A_132 : memref<!tpu.dma_semaphore, #tpu.memory_space<semaphore_mem>>) {add = true}
            %dma_wait3A = tpu.memref_slice %arg8[%run_scoped3A_83, %multiple_of3A_63] : memref<40x896xf32, #tpu.memory_space<vmem>> -> memref<1x128xf32, #tpu.memory_space<vmem>>
            %dma_wait3A_139 = tpu.memref_squeeze %dma_wait3A : memref<1x128xf32, #tpu.memory_space<vmem>> -> memref<128xf32, #tpu.memory_space<vmem>>
            %dma_wait3A_140 = arith.constant 0 : i32
            %dma_wait3A_141 = tpu.memref_slice %arg7[%run_scoped3A_84, %dma_wait3A_140] : memref<1x128xi32, #tpu.memory_space<vmem>> -> memref<1x128xi32, #tpu.memory_space<vmem>>
            %dma_wait3A_142 = tpu.memref_squeeze %dma_wait3A_141 : memref<1x128xi32, #tpu.memory_space<vmem>> -> memref<128xi32, #tpu.memory_space<vmem>>
            %dma_wait3A_143 = arith.constant 0 : i32
            %dma_wait3A_144 = tpu.memref_slice %arg21[%dma_wait3A_143] : memref<41472xf32, #tpu.memory_space<vmem_shared>> -> memref<41472xf32, #tpu.memory_space<vmem_shared>>
            tpu.wait_indirect_dma semaphore(%run_scoped3A_132 : memref<!tpu.dma_semaphore, #tpu.memory_space<semaphore_mem>>) src(%dma_wait3A_139 : memref<128xf32, #tpu.memory_space<vmem>>) dst(%dma_wait3A_144 : memref<41472xf32, #tpu.memory_space<vmem_shared>>)
            tpu.yield
          }) : () -> ()
          %run_scoped3A_85 = arith.constant 11 : i32
          %run_scoped3A_86 = arith.constant 0 : i32
          "tpu.region"() ({
            %run_scoped3A_132 = tpu.sem_alloc : memref<!tpu.dma_semaphore, #tpu.memory_space<semaphore_mem>>
            %dma_start3A = tpu.memref_slice %arg8[%run_scoped3A_85, %multiple_of3A_63] : memref<40x896xf32, #tpu.memory_space<vmem>> -> memref<1x128xf32, #tpu.memory_space<vmem>>
            %dma_start3A_133 = tpu.memref_squeeze %dma_start3A : memref<1x128xf32, #tpu.memory_space<vmem>> -> memref<128xf32, #tpu.memory_space<vmem>>
            %dma_start3A_134 = arith.constant 0 : i32
            %dma_start3A_135 = tpu.memref_slice %arg7[%run_scoped3A_86, %dma_start3A_134] : memref<1x128xi32, #tpu.memory_space<vmem>> -> memref<1x128xi32, #tpu.memory_space<vmem>>
            %dma_start3A_136 = tpu.memref_squeeze %dma_start3A_135 : memref<1x128xi32, #tpu.memory_space<vmem>> -> memref<128xi32, #tpu.memory_space<vmem>>
            %dma_start3A_137 = arith.constant 0 : i32
            %dma_start3A_138 = tpu.memref_slice %arg22[%dma_start3A_137] : memref<41472xf32, #tpu.memory_space<vmem_shared>> -> memref<41472xf32, #tpu.memory_space<vmem_shared>>
            tpu.enqueue_indirect_dma source(%dma_start3A_133 : memref<128xf32, #tpu.memory_space<vmem>>) target(%dma_start3A_138 : memref<41472xf32, #tpu.memory_space<vmem_shared>>) offsets(%dma_start3A_136 : memref<128xi32, #tpu.memory_space<vmem>>) semaphore(%run_scoped3A_132 : memref<!tpu.dma_semaphore, #tpu.memory_space<semaphore_mem>>) {add = true}
            %dma_wait3A = tpu.memref_slice %arg8[%run_scoped3A_85, %multiple_of3A_63] : memref<40x896xf32, #tpu.memory_space<vmem>> -> memref<1x128xf32, #tpu.memory_space<vmem>>
            %dma_wait3A_139 = tpu.memref_squeeze %dma_wait3A : memref<1x128xf32, #tpu.memory_space<vmem>> -> memref<128xf32, #tpu.memory_space<vmem>>
            %dma_wait3A_140 = arith.constant 0 : i32
            %dma_wait3A_141 = tpu.memref_slice %arg7[%run_scoped3A_86, %dma_wait3A_140] : memref<1x128xi32, #tpu.memory_space<vmem>> -> memref<1x128xi32, #tpu.memory_space<vmem>>
            %dma_wait3A_142 = tpu.memref_squeeze %dma_wait3A_141 : memref<1x128xi32, #tpu.memory_space<vmem>> -> memref<128xi32, #tpu.memory_space<vmem>>
            %dma_wait3A_143 = arith.constant 0 : i32
            %dma_wait3A_144 = tpu.memref_slice %arg22[%dma_wait3A_143] : memref<41472xf32, #tpu.memory_space<vmem_shared>> -> memref<41472xf32, #tpu.memory_space<vmem_shared>>
            tpu.wait_indirect_dma semaphore(%run_scoped3A_132 : memref<!tpu.dma_semaphore, #tpu.memory_space<semaphore_mem>>) src(%dma_wait3A_139 : memref<128xf32, #tpu.memory_space<vmem>>) dst(%dma_wait3A_144 : memref<41472xf32, #tpu.memory_space<vmem_shared>>)
            tpu.yield
          }) : () -> ()
          %run_scoped3A_87 = arith.constant 12 : i32
          %run_scoped3A_88 = arith.constant 0 : i32
          "tpu.region"() ({
            %run_scoped3A_132 = tpu.sem_alloc : memref<!tpu.dma_semaphore, #tpu.memory_space<semaphore_mem>>
            %dma_start3A = tpu.memref_slice %arg8[%run_scoped3A_87, %multiple_of3A_63] : memref<40x896xf32, #tpu.memory_space<vmem>> -> memref<1x128xf32, #tpu.memory_space<vmem>>
            %dma_start3A_133 = tpu.memref_squeeze %dma_start3A : memref<1x128xf32, #tpu.memory_space<vmem>> -> memref<128xf32, #tpu.memory_space<vmem>>
            %dma_start3A_134 = arith.constant 0 : i32
            %dma_start3A_135 = tpu.memref_slice %arg7[%run_scoped3A_88, %dma_start3A_134] : memref<1x128xi32, #tpu.memory_space<vmem>> -> memref<1x128xi32, #tpu.memory_space<vmem>>
            %dma_start3A_136 = tpu.memref_squeeze %dma_start3A_135 : memref<1x128xi32, #tpu.memory_space<vmem>> -> memref<128xi32, #tpu.memory_space<vmem>>
            %dma_start3A_137 = arith.constant 0 : i32
            %dma_start3A_138 = tpu.memref_slice %arg23[%dma_start3A_137] : memref<41472xf32, #tpu.memory_space<vmem_shared>> -> memref<41472xf32, #tpu.memory_space<vmem_shared>>
            tpu.enqueue_indirect_dma source(%dma_start3A_133 : memref<128xf32, #tpu.memory_space<vmem>>) target(%dma_start3A_138 : memref<41472xf32, #tpu.memory_space<vmem_shared>>) offsets(%dma_start3A_136 : memref<128xi32, #tpu.memory_space<vmem>>) semaphore(%run_scoped3A_132 : memref<!tpu.dma_semaphore, #tpu.memory_space<semaphore_mem>>) {add = true}
            %dma_wait3A = tpu.memref_slice %arg8[%run_scoped3A_87, %multiple_of3A_63] : memref<40x896xf32, #tpu.memory_space<vmem>> -> memref<1x128xf32, #tpu.memory_space<vmem>>
            %dma_wait3A_139 = tpu.memref_squeeze %dma_wait3A : memref<1x128xf32, #tpu.memory_space<vmem>> -> memref<128xf32, #tpu.memory_space<vmem>>
            %dma_wait3A_140 = arith.constant 0 : i32
            %dma_wait3A_141 = tpu.memref_slice %arg7[%run_scoped3A_88, %dma_wait3A_140] : memref<1x128xi32, #tpu.memory_space<vmem>> -> memref<1x128xi32, #tpu.memory_space<vmem>>
            %dma_wait3A_142 = tpu.memref_squeeze %dma_wait3A_141 : memref<1x128xi32, #tpu.memory_space<vmem>> -> memref<128xi32, #tpu.memory_space<vmem>>
            %dma_wait3A_143 = arith.constant 0 : i32
            %dma_wait3A_144 = tpu.memref_slice %arg23[%dma_wait3A_143] : memref<41472xf32, #tpu.memory_space<vmem_shared>> -> memref<41472xf32, #tpu.memory_space<vmem_shared>>
            tpu.wait_indirect_dma semaphore(%run_scoped3A_132 : memref<!tpu.dma_semaphore, #tpu.memory_space<semaphore_mem>>) src(%dma_wait3A_139 : memref<128xf32, #tpu.memory_space<vmem>>) dst(%dma_wait3A_144 : memref<41472xf32, #tpu.memory_space<vmem_shared>>)
            tpu.yield
          }) : () -> ()
          %run_scoped3A_89 = arith.constant 13 : i32
          %run_scoped3A_90 = arith.constant 0 : i32
          "tpu.region"() ({
            %run_scoped3A_132 = tpu.sem_alloc : memref<!tpu.dma_semaphore, #tpu.memory_space<semaphore_mem>>
            %dma_start3A = tpu.memref_slice %arg8[%run_scoped3A_89, %multiple_of3A_63] : memref<40x896xf32, #tpu.memory_space<vmem>> -> memref<1x128xf32, #tpu.memory_space<vmem>>
            %dma_start3A_133 = tpu.memref_squeeze %dma_start3A : memref<1x128xf32, #tpu.memory_space<vmem>> -> memref<128xf32, #tpu.memory_space<vmem>>
            %dma_start3A_134 = arith.constant 0 : i32
            %dma_start3A_135 = tpu.memref_slice %arg7[%run_scoped3A_90, %dma_start3A_134] : memref<1x128xi32, #tpu.memory_space<vmem>> -> memref<1x128xi32, #tpu.memory_space<vmem>>
            %dma_start3A_136 = tpu.memref_squeeze %dma_start3A_135 : memref<1x128xi32, #tpu.memory_space<vmem>> -> memref<128xi32, #tpu.memory_space<vmem>>
            %dma_start3A_137 = arith.constant 0 : i32
            %dma_start3A_138 = tpu.memref_slice %arg24[%dma_start3A_137] : memref<41472xf32, #tpu.memory_space<vmem_shared>> -> memref<41472xf32, #tpu.memory_space<vmem_shared>>
            tpu.enqueue_indirect_dma source(%dma_start3A_133 : memref<128xf32, #tpu.memory_space<vmem>>) target(%dma_start3A_138 : memref<41472xf32, #tpu.memory_space<vmem_shared>>) offsets(%dma_start3A_136 : memref<128xi32, #tpu.memory_space<vmem>>) semaphore(%run_scoped3A_132 : memref<!tpu.dma_semaphore, #tpu.memory_space<semaphore_mem>>) {add = true}
            %dma_wait3A = tpu.memref_slice %arg8[%run_scoped3A_89, %multiple_of3A_63] : memref<40x896xf32, #tpu.memory_space<vmem>> -> memref<1x128xf32, #tpu.memory_space<vmem>>
            %dma_wait3A_139 = tpu.memref_squeeze %dma_wait3A : memref<1x128xf32, #tpu.memory_space<vmem>> -> memref<128xf32, #tpu.memory_space<vmem>>
            %dma_wait3A_140 = arith.constant 0 : i32
            %dma_wait3A_141 = tpu.memref_slice %arg7[%run_scoped3A_90, %dma_wait3A_140] : memref<1x128xi32, #tpu.memory_space<vmem>> -> memref<1x128xi32, #tpu.memory_space<vmem>>
            %dma_wait3A_142 = tpu.memref_squeeze %dma_wait3A_141 : memref<1x128xi32, #tpu.memory_space<vmem>> -> memref<128xi32, #tpu.memory_space<vmem>>
            %dma_wait3A_143 = arith.constant 0 : i32
            %dma_wait3A_144 = tpu.memref_slice %arg24[%dma_wait3A_143] : memref<41472xf32, #tpu.memory_space<vmem_shared>> -> memref<41472xf32, #tpu.memory_space<vmem_shared>>
            tpu.wait_indirect_dma semaphore(%run_scoped3A_132 : memref<!tpu.dma_semaphore, #tpu.memory_space<semaphore_mem>>) src(%dma_wait3A_139 : memref<128xf32, #tpu.memory_space<vmem>>) dst(%dma_wait3A_144 : memref<41472xf32, #tpu.memory_space<vmem_shared>>)
            tpu.yield
          }) : () -> ()
          %run_scoped3A_91 = arith.constant 14 : i32
          %run_scoped3A_92 = arith.constant 0 : i32
          "tpu.region"() ({
            %run_scoped3A_132 = tpu.sem_alloc : memref<!tpu.dma_semaphore, #tpu.memory_space<semaphore_mem>>
            %dma_start3A = tpu.memref_slice %arg8[%run_scoped3A_91, %multiple_of3A_63] : memref<40x896xf32, #tpu.memory_space<vmem>> -> memref<1x128xf32, #tpu.memory_space<vmem>>
            %dma_start3A_133 = tpu.memref_squeeze %dma_start3A : memref<1x128xf32, #tpu.memory_space<vmem>> -> memref<128xf32, #tpu.memory_space<vmem>>
            %dma_start3A_134 = arith.constant 0 : i32
            %dma_start3A_135 = tpu.memref_slice %arg7[%run_scoped3A_92, %dma_start3A_134] : memref<1x128xi32, #tpu.memory_space<vmem>> -> memref<1x128xi32, #tpu.memory_space<vmem>>
            %dma_start3A_136 = tpu.memref_squeeze %dma_start3A_135 : memref<1x128xi32, #tpu.memory_space<vmem>> -> memref<128xi32, #tpu.memory_space<vmem>>
            %dma_start3A_137 = arith.constant 0 : i32
            %dma_start3A_138 = tpu.memref_slice %arg25[%dma_start3A_137] : memref<41472xf32, #tpu.memory_space<vmem_shared>> -> memref<41472xf32, #tpu.memory_space<vmem_shared>>
            tpu.enqueue_indirect_dma source(%dma_start3A_133 : memref<128xf32, #tpu.memory_space<vmem>>) target(%dma_start3A_138 : memref<41472xf32, #tpu.memory_space<vmem_shared>>) offsets(%dma_start3A_136 : memref<128xi32, #tpu.memory_space<vmem>>) semaphore(%run_scoped3A_132 : memref<!tpu.dma_semaphore, #tpu.memory_space<semaphore_mem>>) {add = true}
            %dma_wait3A = tpu.memref_slice %arg8[%run_scoped3A_91, %multiple_of3A_63] : memref<40x896xf32, #tpu.memory_space<vmem>> -> memref<1x128xf32, #tpu.memory_space<vmem>>
            %dma_wait3A_139 = tpu.memref_squeeze %dma_wait3A : memref<1x128xf32, #tpu.memory_space<vmem>> -> memref<128xf32, #tpu.memory_space<vmem>>
            %dma_wait3A_140 = arith.constant 0 : i32
            %dma_wait3A_141 = tpu.memref_slice %arg7[%run_scoped3A_92, %dma_wait3A_140] : memref<1x128xi32, #tpu.memory_space<vmem>> -> memref<1x128xi32, #tpu.memory_space<vmem>>
            %dma_wait3A_142 = tpu.memref_squeeze %dma_wait3A_141 : memref<1x128xi32, #tpu.memory_space<vmem>> -> memref<128xi32, #tpu.memory_space<vmem>>
            %dma_wait3A_143 = arith.constant 0 : i32
            %dma_wait3A_144 = tpu.memref_slice %arg25[%dma_wait3A_143] : memref<41472xf32, #tpu.memory_space<vmem_shared>> -> memref<41472xf32, #tpu.memory_space<vmem_shared>>
            tpu.wait_indirect_dma semaphore(%run_scoped3A_132 : memref<!tpu.dma_semaphore, #tpu.memory_space<semaphore_mem>>) src(%dma_wait3A_139 : memref<128xf32, #tpu.memory_space<vmem>>) dst(%dma_wait3A_144 : memref<41472xf32, #tpu.memory_space<vmem_shared>>)
            tpu.yield
          }) : () -> ()
          %run_scoped3A_93 = arith.constant 15 : i32
          %run_scoped3A_94 = arith.constant 0 : i32
          "tpu.region"() ({
            %run_scoped3A_132 = tpu.sem_alloc : memref<!tpu.dma_semaphore, #tpu.memory_space<semaphore_mem>>
            %dma_start3A = tpu.memref_slice %arg8[%run_scoped3A_93, %multiple_of3A_63] : memref<40x896xf32, #tpu.memory_space<vmem>> -> memref<1x128xf32, #tpu.memory_space<vmem>>
            %dma_start3A_133 = tpu.memref_squeeze %dma_start3A : memref<1x128xf32, #tpu.memory_space<vmem>> -> memref<128xf32, #tpu.memory_space<vmem>>
            %dma_start3A_134 = arith.constant 0 : i32
            %dma_start3A_135 = tpu.memref_slice %arg7[%run_scoped3A_94, %dma_start3A_134] : memref<1x128xi32, #tpu.memory_space<vmem>> -> memref<1x128xi32, #tpu.memory_space<vmem>>
            %dma_start3A_136 = tpu.memref_squeeze %dma_start3A_135 : memref<1x128xi32, #tpu.memory_space<vmem>> -> memref<128xi32, #tpu.memory_space<vmem>>
            %dma_start3A_137 = arith.constant 0 : i32
            %dma_start3A_138 = tpu.memref_slice %arg26[%dma_start3A_137] : memref<41472xf32, #tpu.memory_space<vmem_shared>> -> memref<41472xf32, #tpu.memory_space<vmem_shared>>
            tpu.enqueue_indirect_dma source(%dma_start3A_133 : memref<128xf32, #tpu.memory_space<vmem>>) target(%dma_start3A_138 : memref<41472xf32, #tpu.memory_space<vmem_shared>>) offsets(%dma_start3A_136 : memref<128xi32, #tpu.memory_space<vmem>>) semaphore(%run_scoped3A_132 : memref<!tpu.dma_semaphore, #tpu.memory_space<semaphore_mem>>) {add = true}
            %dma_wait3A = tpu.memref_slice %arg8[%run_scoped3A_93, %multiple_of3A_63] : memref<40x896xf32, #tpu.memory_space<vmem>> -> memref<1x128xf32, #tpu.memory_space<vmem>>
            %dma_wait3A_139 = tpu.memref_squeeze %dma_wait3A : memref<1x128xf32, #tpu.memory_space<vmem>> -> memref<128xf32, #tpu.memory_space<vmem>>
            %dma_wait3A_140 = arith.constant 0 : i32
            %dma_wait3A_141 = tpu.memref_slice %arg7[%run_scoped3A_94, %dma_wait3A_140] : memref<1x128xi32, #tpu.memory_space<vmem>> -> memref<1x128xi32, #tpu.memory_space<vmem>>
            %dma_wait3A_142 = tpu.memref_squeeze %dma_wait3A_141 : memref<1x128xi32, #tpu.memory_space<vmem>> -> memref<128xi32, #tpu.memory_space<vmem>>
            %dma_wait3A_143 = arith.constant 0 : i32
            %dma_wait3A_144 = tpu.memref_slice %arg26[%dma_wait3A_143] : memref<41472xf32, #tpu.memory_space<vmem_shared>> -> memref<41472xf32, #tpu.memory_space<vmem_shared>>
            tpu.wait_indirect_dma semaphore(%run_scoped3A_132 : memref<!tpu.dma_semaphore, #tpu.memory_space<semaphore_mem>>) src(%dma_wait3A_139 : memref<128xf32, #tpu.memory_space<vmem>>) dst(%dma_wait3A_144 : memref<41472xf32, #tpu.memory_space<vmem_shared>>)
            tpu.yield
          }) : () -> ()
          %run_scoped3A_95 = arith.constant 16 : i32
          %run_scoped3A_96 = arith.constant 0 : i32
          "tpu.region"() ({
            %run_scoped3A_132 = tpu.sem_alloc : memref<!tpu.dma_semaphore, #tpu.memory_space<semaphore_mem>>
            %dma_start3A = tpu.memref_slice %arg8[%run_scoped3A_95, %multiple_of3A_63] : memref<40x896xf32, #tpu.memory_space<vmem>> -> memref<1x128xf32, #tpu.memory_space<vmem>>
            %dma_start3A_133 = tpu.memref_squeeze %dma_start3A : memref<1x128xf32, #tpu.memory_space<vmem>> -> memref<128xf32, #tpu.memory_space<vmem>>
            %dma_start3A_134 = arith.constant 0 : i32
            %dma_start3A_135 = tpu.memref_slice %arg7[%run_scoped3A_96, %dma_start3A_134] : memref<1x128xi32, #tpu.memory_space<vmem>> -> memref<1x128xi32, #tpu.memory_space<vmem>>
            %dma_start3A_136 = tpu.memref_squeeze %dma_start3A_135 : memref<1x128xi32, #tpu.memory_space<vmem>> -> memref<128xi32, #tpu.memory_space<vmem>>
            %dma_start3A_137 = arith.constant 0 : i32
            %dma_start3A_138 = tpu.memref_slice %arg27[%dma_start3A_137] : memref<41472xf32, #tpu.memory_space<vmem_shared>> -> memref<41472xf32, #tpu.memory_space<vmem_shared>>
            tpu.enqueue_indirect_dma source(%dma_start3A_133 : memref<128xf32, #tpu.memory_space<vmem>>) target(%dma_start3A_138 : memref<41472xf32, #tpu.memory_space<vmem_shared>>) offsets(%dma_start3A_136 : memref<128xi32, #tpu.memory_space<vmem>>) semaphore(%run_scoped3A_132 : memref<!tpu.dma_semaphore, #tpu.memory_space<semaphore_mem>>) {add = true}
            %dma_wait3A = tpu.memref_slice %arg8[%run_scoped3A_95, %multiple_of3A_63] : memref<40x896xf32, #tpu.memory_space<vmem>> -> memref<1x128xf32, #tpu.memory_space<vmem>>
            %dma_wait3A_139 = tpu.memref_squeeze %dma_wait3A : memref<1x128xf32, #tpu.memory_space<vmem>> -> memref<128xf32, #tpu.memory_space<vmem>>
            %dma_wait3A_140 = arith.constant 0 : i32
            %dma_wait3A_141 = tpu.memref_slice %arg7[%run_scoped3A_96, %dma_wait3A_140] : memref<1x128xi32, #tpu.memory_space<vmem>> -> memref<1x128xi32, #tpu.memory_space<vmem>>
            %dma_wait3A_142 = tpu.memref_squeeze %dma_wait3A_141 : memref<1x128xi32, #tpu.memory_space<vmem>> -> memref<128xi32, #tpu.memory_space<vmem>>
            %dma_wait3A_143 = arith.constant 0 : i32
            %dma_wait3A_144 = tpu.memref_slice %arg27[%dma_wait3A_143] : memref<41472xf32, #tpu.memory_space<vmem_shared>> -> memref<41472xf32, #tpu.memory_space<vmem_shared>>
            tpu.wait_indirect_dma semaphore(%run_scoped3A_132 : memref<!tpu.dma_semaphore, #tpu.memory_space<semaphore_mem>>) src(%dma_wait3A_139 : memref<128xf32, #tpu.memory_space<vmem>>) dst(%dma_wait3A_144 : memref<41472xf32, #tpu.memory_space<vmem_shared>>)
            tpu.yield
          }) : () -> ()
          %run_scoped3A_97 = arith.constant 17 : i32
          %run_scoped3A_98 = arith.constant 0 : i32
          "tpu.region"() ({
            %run_scoped3A_132 = tpu.sem_alloc : memref<!tpu.dma_semaphore, #tpu.memory_space<semaphore_mem>>
            %dma_start3A = tpu.memref_slice %arg8[%run_scoped3A_97, %multiple_of3A_63] : memref<40x896xf32, #tpu.memory_space<vmem>> -> memref<1x128xf32, #tpu.memory_space<vmem>>
            %dma_start3A_133 = tpu.memref_squeeze %dma_start3A : memref<1x128xf32, #tpu.memory_space<vmem>> -> memref<128xf32, #tpu.memory_space<vmem>>
            %dma_start3A_134 = arith.constant 0 : i32
            %dma_start3A_135 = tpu.memref_slice %arg7[%run_scoped3A_98, %dma_start3A_134] : memref<1x128xi32, #tpu.memory_space<vmem>> -> memref<1x128xi32, #tpu.memory_space<vmem>>
            %dma_start3A_136 = tpu.memref_squeeze %dma_start3A_135 : memref<1x128xi32, #tpu.memory_space<vmem>> -> memref<128xi32, #tpu.memory_space<vmem>>
            %dma_start3A_137 = arith.constant 0 : i32
            %dma_start3A_138 = tpu.memref_slice %arg28[%dma_start3A_137] : memref<41472xf32, #tpu.memory_space<vmem_shared>> -> memref<41472xf32, #tpu.memory_space<vmem_shared>>
            tpu.enqueue_indirect_dma source(%dma_start3A_133 : memref<128xf32, #tpu.memory_space<vmem>>) target(%dma_start3A_138 : memref<41472xf32, #tpu.memory_space<vmem_shared>>) offsets(%dma_start3A_136 : memref<128xi32, #tpu.memory_space<vmem>>) semaphore(%run_scoped3A_132 : memref<!tpu.dma_semaphore, #tpu.memory_space<semaphore_mem>>) {add = true}
            %dma_wait3A = tpu.memref_slice %arg8[%run_scoped3A_97, %multiple_of3A_63] : memref<40x896xf32, #tpu.memory_space<vmem>> -> memref<1x128xf32, #tpu.memory_space<vmem>>
            %dma_wait3A_139 = tpu.memref_squeeze %dma_wait3A : memref<1x128xf32, #tpu.memory_space<vmem>> -> memref<128xf32, #tpu.memory_space<vmem>>
            %dma_wait3A_140 = arith.constant 0 : i32
            %dma_wait3A_141 = tpu.memref_slice %arg7[%run_scoped3A_98, %dma_wait3A_140] : memref<1x128xi32, #tpu.memory_space<vmem>> -> memref<1x128xi32, #tpu.memory_space<vmem>>
            %dma_wait3A_142 = tpu.memref_squeeze %dma_wait3A_141 : memref<1x128xi32, #tpu.memory_space<vmem>> -> memref<128xi32, #tpu.memory_space<vmem>>
            %dma_wait3A_143 = arith.constant 0 : i32
            %dma_wait3A_144 = tpu.memref_slice %arg28[%dma_wait3A_143] : memref<41472xf32, #tpu.memory_space<vmem_shared>> -> memref<41472xf32, #tpu.memory_space<vmem_shared>>
            tpu.wait_indirect_dma semaphore(%run_scoped3A_132 : memref<!tpu.dma_semaphore, #tpu.memory_space<semaphore_mem>>) src(%dma_wait3A_139 : memref<128xf32, #tpu.memory_space<vmem>>) dst(%dma_wait3A_144 : memref<41472xf32, #tpu.memory_space<vmem_shared>>)
            tpu.yield
          }) : () -> ()
          %run_scoped3A_99 = arith.constant 18 : i32
          %run_scoped3A_100 = arith.constant 0 : i32
          "tpu.region"() ({
            %run_scoped3A_132 = tpu.sem_alloc : memref<!tpu.dma_semaphore, #tpu.memory_space<semaphore_mem>>
            %dma_start3A = tpu.memref_slice %arg8[%run_scoped3A_99, %multiple_of3A_63] : memref<40x896xf32, #tpu.memory_space<vmem>> -> memref<1x128xf32, #tpu.memory_space<vmem>>
            %dma_start3A_133 = tpu.memref_squeeze %dma_start3A : memref<1x128xf32, #tpu.memory_space<vmem>> -> memref<128xf32, #tpu.memory_space<vmem>>
            %dma_start3A_134 = arith.constant 0 : i32
            %dma_start3A_135 = tpu.memref_slice %arg7[%run_scoped3A_100, %dma_start3A_134] : memref<1x128xi32, #tpu.memory_space<vmem>> -> memref<1x128xi32, #tpu.memory_space<vmem>>
            %dma_start3A_136 = tpu.memref_squeeze %dma_start3A_135 : memref<1x128xi32, #tpu.memory_space<vmem>> -> memref<128xi32, #tpu.memory_space<vmem>>
            %dma_start3A_137 = arith.constant 0 : i32
            %dma_start3A_138 = tpu.memref_slice %arg29[%dma_start3A_137] : memref<41472xf32, #tpu.memory_space<vmem_shared>> -> memref<41472xf32, #tpu.memory_space<vmem_shared>>
            tpu.enqueue_indirect_dma source(%dma_start3A_133 : memref<128xf32, #tpu.memory_space<vmem>>) target(%dma_start3A_138 : memref<41472xf32, #tpu.memory_space<vmem_shared>>) offsets(%dma_start3A_136 : memref<128xi32, #tpu.memory_space<vmem>>) semaphore(%run_scoped3A_132 : memref<!tpu.dma_semaphore, #tpu.memory_space<semaphore_mem>>) {add = true}
            %dma_wait3A = tpu.memref_slice %arg8[%run_scoped3A_99, %multiple_of3A_63] : memref<40x896xf32, #tpu.memory_space<vmem>> -> memref<1x128xf32, #tpu.memory_space<vmem>>
            %dma_wait3A_139 = tpu.memref_squeeze %dma_wait3A : memref<1x128xf32, #tpu.memory_space<vmem>> -> memref<128xf32, #tpu.memory_space<vmem>>
            %dma_wait3A_140 = arith.constant 0 : i32
            %dma_wait3A_141 = tpu.memref_slice %arg7[%run_scoped3A_100, %dma_wait3A_140] : memref<1x128xi32, #tpu.memory_space<vmem>> -> memref<1x128xi32, #tpu.memory_space<vmem>>
            %dma_wait3A_142 = tpu.memref_squeeze %dma_wait3A_141 : memref<1x128xi32, #tpu.memory_space<vmem>> -> memref<128xi32, #tpu.memory_space<vmem>>
            %dma_wait3A_143 = arith.constant 0 : i32
            %dma_wait3A_144 = tpu.memref_slice %arg29[%dma_wait3A_143] : memref<41472xf32, #tpu.memory_space<vmem_shared>> -> memref<41472xf32, #tpu.memory_space<vmem_shared>>
            tpu.wait_indirect_dma semaphore(%run_scoped3A_132 : memref<!tpu.dma_semaphore, #tpu.memory_space<semaphore_mem>>) src(%dma_wait3A_139 : memref<128xf32, #tpu.memory_space<vmem>>) dst(%dma_wait3A_144 : memref<41472xf32, #tpu.memory_space<vmem_shared>>)
            tpu.yield
          }) : () -> ()
          %run_scoped3A_101 = arith.constant 19 : i32
          %run_scoped3A_102 = arith.constant 0 : i32
          "tpu.region"() ({
            %run_scoped3A_132 = tpu.sem_alloc : memref<!tpu.dma_semaphore, #tpu.memory_space<semaphore_mem>>
            %dma_start3A = tpu.memref_slice %arg8[%run_scoped3A_101, %multiple_of3A_63] : memref<40x896xf32, #tpu.memory_space<vmem>> -> memref<1x128xf32, #tpu.memory_space<vmem>>
            %dma_start3A_133 = tpu.memref_squeeze %dma_start3A : memref<1x128xf32, #tpu.memory_space<vmem>> -> memref<128xf32, #tpu.memory_space<vmem>>
            %dma_start3A_134 = arith.constant 0 : i32
            %dma_start3A_135 = tpu.memref_slice %arg7[%run_scoped3A_102, %dma_start3A_134] : memref<1x128xi32, #tpu.memory_space<vmem>> -> memref<1x128xi32, #tpu.memory_space<vmem>>
            %dma_start3A_136 = tpu.memref_squeeze %dma_start3A_135 : memref<1x128xi32, #tpu.memory_space<vmem>> -> memref<128xi32, #tpu.memory_space<vmem>>
            %dma_start3A_137 = arith.constant 0 : i32
            %dma_start3A_138 = tpu.memref_slice %arg30[%dma_start3A_137] : memref<41472xf32, #tpu.memory_space<vmem_shared>> -> memref<41472xf32, #tpu.memory_space<vmem_shared>>
            tpu.enqueue_indirect_dma source(%dma_start3A_133 : memref<128xf32, #tpu.memory_space<vmem>>) target(%dma_start3A_138 : memref<41472xf32, #tpu.memory_space<vmem_shared>>) offsets(%dma_start3A_136 : memref<128xi32, #tpu.memory_space<vmem>>) semaphore(%run_scoped3A_132 : memref<!tpu.dma_semaphore, #tpu.memory_space<semaphore_mem>>) {add = true}
            %dma_wait3A = tpu.memref_slice %arg8[%run_scoped3A_101, %multiple_of3A_63] : memref<40x896xf32, #tpu.memory_space<vmem>> -> memref<1x128xf32, #tpu.memory_space<vmem>>
            %dma_wait3A_139 = tpu.memref_squeeze %dma_wait3A : memref<1x128xf32, #tpu.memory_space<vmem>> -> memref<128xf32, #tpu.memory_space<vmem>>
            %dma_wait3A_140 = arith.constant 0 : i32
            %dma_wait3A_141 = tpu.memref_slice %arg7[%run_scoped3A_102, %dma_wait3A_140] : memref<1x128xi32, #tpu.memory_space<vmem>> -> memref<1x128xi32, #tpu.memory_space<vmem>>
            %dma_wait3A_142 = tpu.memref_squeeze %dma_wait3A_141 : memref<1x128xi32, #tpu.memory_space<vmem>> -> memref<128xi32, #tpu.memory_space<vmem>>
            %dma_wait3A_143 = arith.constant 0 : i32
            %dma_wait3A_144 = tpu.memref_slice %arg30[%dma_wait3A_143] : memref<41472xf32, #tpu.memory_space<vmem_shared>> -> memref<41472xf32, #tpu.memory_space<vmem_shared>>
            tpu.wait_indirect_dma semaphore(%run_scoped3A_132 : memref<!tpu.dma_semaphore, #tpu.memory_space<semaphore_mem>>) src(%dma_wait3A_139 : memref<128xf32, #tpu.memory_space<vmem>>) dst(%dma_wait3A_144 : memref<41472xf32, #tpu.memory_space<vmem_shared>>)
            tpu.yield
          }) : () -> ()
          %run_scoped3A_103 = arith.constant 20 : i32
          %run_scoped3A_104 = arith.constant 0 : i32
          "tpu.region"() ({
            %run_scoped3A_132 = tpu.sem_alloc : memref<!tpu.dma_semaphore, #tpu.memory_space<semaphore_mem>>
            %dma_start3A = tpu.memref_slice %arg8[%run_scoped3A_103, %multiple_of3A_63] : memref<40x896xf32, #tpu.memory_space<vmem>> -> memref<1x128xf32, #tpu.memory_space<vmem>>
            %dma_start3A_133 = tpu.memref_squeeze %dma_start3A : memref<1x128xf32, #tpu.memory_space<vmem>> -> memref<128xf32, #tpu.memory_space<vmem>>
            %dma_start3A_134 = arith.constant 0 : i32
            %dma_start3A_135 = tpu.memref_slice %arg7[%run_scoped3A_104, %dma_start3A_134] : memref<1x128xi32, #tpu.memory_space<vmem>> -> memref<1x128xi32, #tpu.memory_space<vmem>>
            %dma_start3A_136 = tpu.memref_squeeze %dma_start3A_135 : memref<1x128xi32, #tpu.memory_space<vmem>> -> memref<128xi32, #tpu.memory_space<vmem>>
            %dma_start3A_137 = arith.constant 0 : i32
            %dma_start3A_138 = tpu.memref_slice %arg31[%dma_start3A_137] : memref<41472xf32, #tpu.memory_space<vmem_shared>> -> memref<41472xf32, #tpu.memory_space<vmem_shared>>
            tpu.enqueue_indirect_dma source(%dma_start3A_133 : memref<128xf32, #tpu.memory_space<vmem>>) target(%dma_start3A_138 : memref<41472xf32, #tpu.memory_space<vmem_shared>>) offsets(%dma_start3A_136 : memref<128xi32, #tpu.memory_space<vmem>>) semaphore(%run_scoped3A_132 : memref<!tpu.dma_semaphore, #tpu.memory_space<semaphore_mem>>) {add = true}
            %dma_wait3A = tpu.memref_slice %arg8[%run_scoped3A_103, %multiple_of3A_63] : memref<40x896xf32, #tpu.memory_space<vmem>> -> memref<1x128xf32, #tpu.memory_space<vmem>>
            %dma_wait3A_139 = tpu.memref_squeeze %dma_wait3A : memref<1x128xf32, #tpu.memory_space<vmem>> -> memref<128xf32, #tpu.memory_space<vmem>>
            %dma_wait3A_140 = arith.constant 0 : i32
            %dma_wait3A_141 = tpu.memref_slice %arg7[%run_scoped3A_104, %dma_wait3A_140] : memref<1x128xi32, #tpu.memory_space<vmem>> -> memref<1x128xi32, #tpu.memory_space<vmem>>
            %dma_wait3A_142 = tpu.memref_squeeze %dma_wait3A_141 : memref<1x128xi32, #tpu.memory_space<vmem>> -> memref<128xi32, #tpu.memory_space<vmem>>
            %dma_wait3A_143 = arith.constant 0 : i32
            %dma_wait3A_144 = tpu.memref_slice %arg31[%dma_wait3A_143] : memref<41472xf32, #tpu.memory_space<vmem_shared>> -> memref<41472xf32, #tpu.memory_space<vmem_shared>>
            tpu.wait_indirect_dma semaphore(%run_scoped3A_132 : memref<!tpu.dma_semaphore, #tpu.memory_space<semaphore_mem>>) src(%dma_wait3A_139 : memref<128xf32, #tpu.memory_space<vmem>>) dst(%dma_wait3A_144 : memref<41472xf32, #tpu.memory_space<vmem_shared>>)
            tpu.yield
          }) : () -> ()
          %run_scoped3A_105 = arith.constant 21 : i32
          %run_scoped3A_106 = arith.constant 0 : i32
          "tpu.region"() ({
            %run_scoped3A_132 = tpu.sem_alloc : memref<!tpu.dma_semaphore, #tpu.memory_space<semaphore_mem>>
            %dma_start3A = tpu.memref_slice %arg8[%run_scoped3A_105, %multiple_of3A_63] : memref<40x896xf32, #tpu.memory_space<vmem>> -> memref<1x128xf32, #tpu.memory_space<vmem>>
            %dma_start3A_133 = tpu.memref_squeeze %dma_start3A : memref<1x128xf32, #tpu.memory_space<vmem>> -> memref<128xf32, #tpu.memory_space<vmem>>
            %dma_start3A_134 = arith.constant 0 : i32
            %dma_start3A_135 = tpu.memref_slice %arg7[%run_scoped3A_106, %dma_start3A_134] : memref<1x128xi32, #tpu.memory_space<vmem>> -> memref<1x128xi32, #tpu.memory_space<vmem>>
            %dma_start3A_136 = tpu.memref_squeeze %dma_start3A_135 : memref<1x128xi32, #tpu.memory_space<vmem>> -> memref<128xi32, #tpu.memory_space<vmem>>
            %dma_start3A_137 = arith.constant 0 : i32
            %dma_start3A_138 = tpu.memref_slice %arg32[%dma_start3A_137] : memref<41472xf32, #tpu.memory_space<vmem_shared>> -> memref<41472xf32, #tpu.memory_space<vmem_shared>>
            tpu.enqueue_indirect_dma source(%dma_start3A_133 : memref<128xf32, #tpu.memory_space<vmem>>) target(%dma_start3A_138 : memref<41472xf32, #tpu.memory_space<vmem_shared>>) offsets(%dma_start3A_136 : memref<128xi32, #tpu.memory_space<vmem>>) semaphore(%run_scoped3A_132 : memref<!tpu.dma_semaphore, #tpu.memory_space<semaphore_mem>>) {add = true}
            %dma_wait3A = tpu.memref_slice %arg8[%run_scoped3A_105, %multiple_of3A_63] : memref<40x896xf32, #tpu.memory_space<vmem>> -> memref<1x128xf32, #tpu.memory_space<vmem>>
            %dma_wait3A_139 = tpu.memref_squeeze %dma_wait3A : memref<1x128xf32, #tpu.memory_space<vmem>> -> memref<128xf32, #tpu.memory_space<vmem>>
            %dma_wait3A_140 = arith.constant 0 : i32
            %dma_wait3A_141 = tpu.memref_slice %arg7[%run_scoped3A_106, %dma_wait3A_140] : memref<1x128xi32, #tpu.memory_space<vmem>> -> memref<1x128xi32, #tpu.memory_space<vmem>>
            %dma_wait3A_142 = tpu.memref_squeeze %dma_wait3A_141 : memref<1x128xi32, #tpu.memory_space<vmem>> -> memref<128xi32, #tpu.memory_space<vmem>>
            %dma_wait3A_143 = arith.constant 0 : i32
            %dma_wait3A_144 = tpu.memref_slice %arg32[%dma_wait3A_143] : memref<41472xf32, #tpu.memory_space<vmem_shared>> -> memref<41472xf32, #tpu.memory_space<vmem_shared>>
            tpu.wait_indirect_dma semaphore(%run_scoped3A_132 : memref<!tpu.dma_semaphore, #tpu.memory_space<semaphore_mem>>) src(%dma_wait3A_139 : memref<128xf32, #tpu.memory_space<vmem>>) dst(%dma_wait3A_144 : memref<41472xf32, #tpu.memory_space<vmem_shared>>)
            tpu.yield
          }) : () -> ()
          %run_scoped3A_107 = arith.constant 22 : i32
          %run_scoped3A_108 = arith.constant 0 : i32
          "tpu.region"() ({
            %run_scoped3A_132 = tpu.sem_alloc : memref<!tpu.dma_semaphore, #tpu.memory_space<semaphore_mem>>
            %dma_start3A = tpu.memref_slice %arg8[%run_scoped3A_107, %multiple_of3A_63] : memref<40x896xf32, #tpu.memory_space<vmem>> -> memref<1x128xf32, #tpu.memory_space<vmem>>
            %dma_start3A_133 = tpu.memref_squeeze %dma_start3A : memref<1x128xf32, #tpu.memory_space<vmem>> -> memref<128xf32, #tpu.memory_space<vmem>>
            %dma_start3A_134 = arith.constant 0 : i32
            %dma_start3A_135 = tpu.memref_slice %arg7[%run_scoped3A_108, %dma_start3A_134] : memref<1x128xi32, #tpu.memory_space<vmem>> -> memref<1x128xi32, #tpu.memory_space<vmem>>
            %dma_start3A_136 = tpu.memref_squeeze %dma_start3A_135 : memref<1x128xi32, #tpu.memory_space<vmem>> -> memref<128xi32, #tpu.memory_space<vmem>>
            %dma_start3A_137 = arith.constant 0 : i32
            %dma_start3A_138 = tpu.memref_slice %arg33[%dma_start3A_137] : memref<41472xf32, #tpu.memory_space<vmem_shared>> -> memref<41472xf32, #tpu.memory_space<vmem_shared>>
            tpu.enqueue_indirect_dma source(%dma_start3A_133 : memref<128xf32, #tpu.memory_space<vmem>>) target(%dma_start3A_138 : memref<41472xf32, #tpu.memory_space<vmem_shared>>) offsets(%dma_start3A_136 : memref<128xi32, #tpu.memory_space<vmem>>) semaphore(%run_scoped3A_132 : memref<!tpu.dma_semaphore, #tpu.memory_space<semaphore_mem>>) {add = true}
            %dma_wait3A = tpu.memref_slice %arg8[%run_scoped3A_107, %multiple_of3A_63] : memref<40x896xf32, #tpu.memory_space<vmem>> -> memref<1x128xf32, #tpu.memory_space<vmem>>
            %dma_wait3A_139 = tpu.memref_squeeze %dma_wait3A : memref<1x128xf32, #tpu.memory_space<vmem>> -> memref<128xf32, #tpu.memory_space<vmem>>
            %dma_wait3A_140 = arith.constant 0 : i32
            %dma_wait3A_141 = tpu.memref_slice %arg7[%run_scoped3A_108, %dma_wait3A_140] : memref<1x128xi32, #tpu.memory_space<vmem>> -> memref<1x128xi32, #tpu.memory_space<vmem>>
            %dma_wait3A_142 = tpu.memref_squeeze %dma_wait3A_141 : memref<1x128xi32, #tpu.memory_space<vmem>> -> memref<128xi32, #tpu.memory_space<vmem>>
            %dma_wait3A_143 = arith.constant 0 : i32
            %dma_wait3A_144 = tpu.memref_slice %arg33[%dma_wait3A_143] : memref<41472xf32, #tpu.memory_space<vmem_shared>> -> memref<41472xf32, #tpu.memory_space<vmem_shared>>
            tpu.wait_indirect_dma semaphore(%run_scoped3A_132 : memref<!tpu.dma_semaphore, #tpu.memory_space<semaphore_mem>>) src(%dma_wait3A_139 : memref<128xf32, #tpu.memory_space<vmem>>) dst(%dma_wait3A_144 : memref<41472xf32, #tpu.memory_space<vmem_shared>>)
            tpu.yield
          }) : () -> ()
          %run_scoped3A_109 = arith.constant 23 : i32
          %run_scoped3A_110 = arith.constant 0 : i32
          "tpu.region"() ({
            %run_scoped3A_132 = tpu.sem_alloc : memref<!tpu.dma_semaphore, #tpu.memory_space<semaphore_mem>>
            %dma_start3A = tpu.memref_slice %arg8[%run_scoped3A_109, %multiple_of3A_63] : memref<40x896xf32, #tpu.memory_space<vmem>> -> memref<1x128xf32, #tpu.memory_space<vmem>>
            %dma_start3A_133 = tpu.memref_squeeze %dma_start3A : memref<1x128xf32, #tpu.memory_space<vmem>> -> memref<128xf32, #tpu.memory_space<vmem>>
            %dma_start3A_134 = arith.constant 0 : i32
            %dma_start3A_135 = tpu.memref_slice %arg7[%run_scoped3A_110, %dma_start3A_134] : memref<1x128xi32, #tpu.memory_space<vmem>> -> memref<1x128xi32, #tpu.memory_space<vmem>>
            %dma_start3A_136 = tpu.memref_squeeze %dma_start3A_135 : memref<1x128xi32, #tpu.memory_space<vmem>> -> memref<128xi32, #tpu.memory_space<vmem>>
            %dma_start3A_137 = arith.constant 0 : i32
            %dma_start3A_138 = tpu.memref_slice %arg34[%dma_start3A_137] : memref<41472xf32, #tpu.memory_space<vmem_shared>> -> memref<41472xf32, #tpu.memory_space<vmem_shared>>
            tpu.enqueue_indirect_dma source(%dma_start3A_133 : memref<128xf32, #tpu.memory_space<vmem>>) target(%dma_start3A_138 : memref<41472xf32, #tpu.memory_space<vmem_shared>>) offsets(%dma_start3A_136 : memref<128xi32, #tpu.memory_space<vmem>>) semaphore(%run_scoped3A_132 : memref<!tpu.dma_semaphore, #tpu.memory_space<semaphore_mem>>) {add = true}
            %dma_wait3A = tpu.memref_slice %arg8[%run_scoped3A_109, %multiple_of3A_63] : memref<40x896xf32, #tpu.memory_space<vmem>> -> memref<1x128xf32, #tpu.memory_space<vmem>>
            %dma_wait3A_139 = tpu.memref_squeeze %dma_wait3A : memref<1x128xf32, #tpu.memory_space<vmem>> -> memref<128xf32, #tpu.memory_space<vmem>>
            %dma_wait3A_140 = arith.constant 0 : i32
            %dma_wait3A_141 = tpu.memref_slice %arg7[%run_scoped3A_110, %dma_wait3A_140] : memref<1x128xi32, #tpu.memory_space<vmem>> -> memref<1x128xi32, #tpu.memory_space<vmem>>
            %dma_wait3A_142 = tpu.memref_squeeze %dma_wait3A_141 : memref<1x128xi32, #tpu.memory_space<vmem>> -> memref<128xi32, #tpu.memory_space<vmem>>
            %dma_wait3A_143 = arith.constant 0 : i32
            %dma_wait3A_144 = tpu.memref_slice %arg34[%dma_wait3A_143] : memref<41472xf32, #tpu.memory_space<vmem_shared>> -> memref<41472xf32, #tpu.memory_space<vmem_shared>>
            tpu.wait_indirect_dma semaphore(%run_scoped3A_132 : memref<!tpu.dma_semaphore, #tpu.memory_space<semaphore_mem>>) src(%dma_wait3A_139 : memref<128xf32, #tpu.memory_space<vmem>>) dst(%dma_wait3A_144 : memref<41472xf32, #tpu.memory_space<vmem_shared>>)
            tpu.yield
          }) : () -> ()
          %run_scoped3A_111 = arith.constant 24 : i32
          %run_scoped3A_112 = arith.constant 0 : i32
          "tpu.region"() ({
            %run_scoped3A_132 = tpu.sem_alloc : memref<!tpu.dma_semaphore, #tpu.memory_space<semaphore_mem>>
            %dma_start3A = tpu.memref_slice %arg8[%run_scoped3A_111, %multiple_of3A_63] : memref<40x896xf32, #tpu.memory_space<vmem>> -> memref<1x128xf32, #tpu.memory_space<vmem>>
            %dma_start3A_133 = tpu.memref_squeeze %dma_start3A : memref<1x128xf32, #tpu.memory_space<vmem>> -> memref<128xf32, #tpu.memory_space<vmem>>
            %dma_start3A_134 = arith.constant 0 : i32
            %dma_start3A_135 = tpu.memref_slice %arg7[%run_scoped3A_112, %dma_start3A_134] : memref<1x128xi32, #tpu.memory_space<vmem>> -> memref<1x128xi32, #tpu.memory_space<vmem>>
            %dma_start3A_136 = tpu.memref_squeeze %dma_start3A_135 : memref<1x128xi32, #tpu.memory_space<vmem>> -> memref<128xi32, #tpu.memory_space<vmem>>
            %dma_start3A_137 = arith.constant 0 : i32
            %dma_start3A_138 = tpu.memref_slice %arg35[%dma_start3A_137] : memref<41472xf32, #tpu.memory_space<vmem_shared>> -> memref<41472xf32, #tpu.memory_space<vmem_shared>>
            tpu.enqueue_indirect_dma source(%dma_start3A_133 : memref<128xf32, #tpu.memory_space<vmem>>) target(%dma_start3A_138 : memref<41472xf32, #tpu.memory_space<vmem_shared>>) offsets(%dma_start3A_136 : memref<128xi32, #tpu.memory_space<vmem>>) semaphore(%run_scoped3A_132 : memref<!tpu.dma_semaphore, #tpu.memory_space<semaphore_mem>>) {add = true}
            %dma_wait3A = tpu.memref_slice %arg8[%run_scoped3A_111, %multiple_of3A_63] : memref<40x896xf32, #tpu.memory_space<vmem>> -> memref<1x128xf32, #tpu.memory_space<vmem>>
            %dma_wait3A_139 = tpu.memref_squeeze %dma_wait3A : memref<1x128xf32, #tpu.memory_space<vmem>> -> memref<128xf32, #tpu.memory_space<vmem>>
            %dma_wait3A_140 = arith.constant 0 : i32
            %dma_wait3A_141 = tpu.memref_slice %arg7[%run_scoped3A_112, %dma_wait3A_140] : memref<1x128xi32, #tpu.memory_space<vmem>> -> memref<1x128xi32, #tpu.memory_space<vmem>>
            %dma_wait3A_142 = tpu.memref_squeeze %dma_wait3A_141 : memref<1x128xi32, #tpu.memory_space<vmem>> -> memref<128xi32, #tpu.memory_space<vmem>>
            %dma_wait3A_143 = arith.constant 0 : i32
            %dma_wait3A_144 = tpu.memref_slice %arg35[%dma_wait3A_143] : memref<41472xf32, #tpu.memory_space<vmem_shared>> -> memref<41472xf32, #tpu.memory_space<vmem_shared>>
            tpu.wait_indirect_dma semaphore(%run_scoped3A_132 : memref<!tpu.dma_semaphore, #tpu.memory_space<semaphore_mem>>) src(%dma_wait3A_139 : memref<128xf32, #tpu.memory_space<vmem>>) dst(%dma_wait3A_144 : memref<41472xf32, #tpu.memory_space<vmem_shared>>)
            tpu.yield
          }) : () -> ()
          %run_scoped3A_113 = arith.constant 25 : i32
          %run_scoped3A_114 = arith.constant 0 : i32
          "tpu.region"() ({
            %run_scoped3A_132 = tpu.sem_alloc : memref<!tpu.dma_semaphore, #tpu.memory_space<semaphore_mem>>
            %dma_start3A = tpu.memref_slice %arg8[%run_scoped3A_113, %multiple_of3A_63] : memref<40x896xf32, #tpu.memory_space<vmem>> -> memref<1x128xf32, #tpu.memory_space<vmem>>
            %dma_start3A_133 = tpu.memref_squeeze %dma_start3A : memref<1x128xf32, #tpu.memory_space<vmem>> -> memref<128xf32, #tpu.memory_space<vmem>>
            %dma_start3A_134 = arith.constant 0 : i32
            %dma_start3A_135 = tpu.memref_slice %arg7[%run_scoped3A_114, %dma_start3A_134] : memref<1x128xi32, #tpu.memory_space<vmem>> -> memref<1x128xi32, #tpu.memory_space<vmem>>
            %dma_start3A_136 = tpu.memref_squeeze %dma_start3A_135 : memref<1x128xi32, #tpu.memory_space<vmem>> -> memref<128xi32, #tpu.memory_space<vmem>>
            %dma_start3A_137 = arith.constant 0 : i32
            %dma_start3A_138 = tpu.memref_slice %arg36[%dma_start3A_137] : memref<41472xf32, #tpu.memory_space<vmem_shared>> -> memref<41472xf32, #tpu.memory_space<vmem_shared>>
            tpu.enqueue_indirect_dma source(%dma_start3A_133 : memref<128xf32, #tpu.memory_space<vmem>>) target(%dma_start3A_138 : memref<41472xf32, #tpu.memory_space<vmem_shared>>) offsets(%dma_start3A_136 : memref<128xi32, #tpu.memory_space<vmem>>) semaphore(%run_scoped3A_132 : memref<!tpu.dma_semaphore, #tpu.memory_space<semaphore_mem>>) {add = true}
            %dma_wait3A = tpu.memref_slice %arg8[%run_scoped3A_113, %multiple_of3A_63] : memref<40x896xf32, #tpu.memory_space<vmem>> -> memref<1x128xf32, #tpu.memory_space<vmem>>
            %dma_wait3A_139 = tpu.memref_squeeze %dma_wait3A : memref<1x128xf32, #tpu.memory_space<vmem>> -> memref<128xf32, #tpu.memory_space<vmem>>
            %dma_wait3A_140 = arith.constant 0 : i32
            %dma_wait3A_141 = tpu.memref_slice %arg7[%run_scoped3A_114, %dma_wait3A_140] : memref<1x128xi32, #tpu.memory_space<vmem>> -> memref<1x128xi32, #tpu.memory_space<vmem>>
            %dma_wait3A_142 = tpu.memref_squeeze %dma_wait3A_141 : memref<1x128xi32, #tpu.memory_space<vmem>> -> memref<128xi32, #tpu.memory_space<vmem>>
            %dma_wait3A_143 = arith.constant 0 : i32
            %dma_wait3A_144 = tpu.memref_slice %arg36[%dma_wait3A_143] : memref<41472xf32, #tpu.memory_space<vmem_shared>> -> memref<41472xf32, #tpu.memory_space<vmem_shared>>
            tpu.wait_indirect_dma semaphore(%run_scoped3A_132 : memref<!tpu.dma_semaphore, #tpu.memory_space<semaphore_mem>>) src(%dma_wait3A_139 : memref<128xf32, #tpu.memory_space<vmem>>) dst(%dma_wait3A_144 : memref<41472xf32, #tpu.memory_space<vmem_shared>>)
            tpu.yield
          }) : () -> ()
          %run_scoped3A_115 = arith.constant 26 : i32
          %run_scoped3A_116 = arith.constant 0 : i32
          "tpu.region"() ({
            %run_scoped3A_132 = tpu.sem_alloc : memref<!tpu.dma_semaphore, #tpu.memory_space<semaphore_mem>>
            %dma_start3A = tpu.memref_slice %arg8[%run_scoped3A_115, %multiple_of3A_63] : memref<40x896xf32, #tpu.memory_space<vmem>> -> memref<1x128xf32, #tpu.memory_space<vmem>>
            %dma_start3A_133 = tpu.memref_squeeze %dma_start3A : memref<1x128xf32, #tpu.memory_space<vmem>> -> memref<128xf32, #tpu.memory_space<vmem>>
            %dma_start3A_134 = arith.constant 0 : i32
            %dma_start3A_135 = tpu.memref_slice %arg7[%run_scoped3A_116, %dma_start3A_134] : memref<1x128xi32, #tpu.memory_space<vmem>> -> memref<1x128xi32, #tpu.memory_space<vmem>>
            %dma_start3A_136 = tpu.memref_squeeze %dma_start3A_135 : memref<1x128xi32, #tpu.memory_space<vmem>> -> memref<128xi32, #tpu.memory_space<vmem>>
            %dma_start3A_137 = arith.constant 0 : i32
            %dma_start3A_138 = tpu.memref_slice %arg37[%dma_start3A_137] : memref<41472xf32, #tpu.memory_space<vmem_shared>> -> memref<41472xf32, #tpu.memory_space<vmem_shared>>
            tpu.enqueue_indirect_dma source(%dma_start3A_133 : memref<128xf32, #tpu.memory_space<vmem>>) target(%dma_start3A_138 : memref<41472xf32, #tpu.memory_space<vmem_shared>>) offsets(%dma_start3A_136 : memref<128xi32, #tpu.memory_space<vmem>>) semaphore(%run_scoped3A_132 : memref<!tpu.dma_semaphore, #tpu.memory_space<semaphore_mem>>) {add = true}
            %dma_wait3A = tpu.memref_slice %arg8[%run_scoped3A_115, %multiple_of3A_63] : memref<40x896xf32, #tpu.memory_space<vmem>> -> memref<1x128xf32, #tpu.memory_space<vmem>>
            %dma_wait3A_139 = tpu.memref_squeeze %dma_wait3A : memref<1x128xf32, #tpu.memory_space<vmem>> -> memref<128xf32, #tpu.memory_space<vmem>>
            %dma_wait3A_140 = arith.constant 0 : i32
            %dma_wait3A_141 = tpu.memref_slice %arg7[%run_scoped3A_116, %dma_wait3A_140] : memref<1x128xi32, #tpu.memory_space<vmem>> -> memref<1x128xi32, #tpu.memory_space<vmem>>
            %dma_wait3A_142 = tpu.memref_squeeze %dma_wait3A_141 : memref<1x128xi32, #tpu.memory_space<vmem>> -> memref<128xi32, #tpu.memory_space<vmem>>
            %dma_wait3A_143 = arith.constant 0 : i32
            %dma_wait3A_144 = tpu.memref_slice %arg37[%dma_wait3A_143] : memref<41472xf32, #tpu.memory_space<vmem_shared>> -> memref<41472xf32, #tpu.memory_space<vmem_shared>>
            tpu.wait_indirect_dma semaphore(%run_scoped3A_132 : memref<!tpu.dma_semaphore, #tpu.memory_space<semaphore_mem>>) src(%dma_wait3A_139 : memref<128xf32, #tpu.memory_space<vmem>>) dst(%dma_wait3A_144 : memref<41472xf32, #tpu.memory_space<vmem_shared>>)
            tpu.yield
          }) : () -> ()
          %run_scoped3A_117 = arith.constant 27 : i32
          %run_scoped3A_118 = arith.constant 0 : i32
          "tpu.region"() ({
            %run_scoped3A_132 = tpu.sem_alloc : memref<!tpu.dma_semaphore, #tpu.memory_space<semaphore_mem>>
            %dma_start3A = tpu.memref_slice %arg8[%run_scoped3A_117, %multiple_of3A_63] : memref<40x896xf32, #tpu.memory_space<vmem>> -> memref<1x128xf32, #tpu.memory_space<vmem>>
            %dma_start3A_133 = tpu.memref_squeeze %dma_start3A : memref<1x128xf32, #tpu.memory_space<vmem>> -> memref<128xf32, #tpu.memory_space<vmem>>
            %dma_start3A_134 = arith.constant 0 : i32
            %dma_start3A_135 = tpu.memref_slice %arg7[%run_scoped3A_118, %dma_start3A_134] : memref<1x128xi32, #tpu.memory_space<vmem>> -> memref<1x128xi32, #tpu.memory_space<vmem>>
            %dma_start3A_136 = tpu.memref_squeeze %dma_start3A_135 : memref<1x128xi32, #tpu.memory_space<vmem>> -> memref<128xi32, #tpu.memory_space<vmem>>
            %dma_start3A_137 = arith.constant 0 : i32
            %dma_start3A_138 = tpu.memref_slice %arg38[%dma_start3A_137] : memref<41472xf32, #tpu.memory_space<vmem_shared>> -> memref<41472xf32, #tpu.memory_space<vmem_shared>>
            tpu.enqueue_indirect_dma source(%dma_start3A_133 : memref<128xf32, #tpu.memory_space<vmem>>) target(%dma_start3A_138 : memref<41472xf32, #tpu.memory_space<vmem_shared>>) offsets(%dma_start3A_136 : memref<128xi32, #tpu.memory_space<vmem>>) semaphore(%run_scoped3A_132 : memref<!tpu.dma_semaphore, #tpu.memory_space<semaphore_mem>>) {add = true}
            %dma_wait3A = tpu.memref_slice %arg8[%run_scoped3A_117, %multiple_of3A_63] : memref<40x896xf32, #tpu.memory_space<vmem>> -> memref<1x128xf32, #tpu.memory_space<vmem>>
            %dma_wait3A_139 = tpu.memref_squeeze %dma_wait3A : memref<1x128xf32, #tpu.memory_space<vmem>> -> memref<128xf32, #tpu.memory_space<vmem>>
            %dma_wait3A_140 = arith.constant 0 : i32
            %dma_wait3A_141 = tpu.memref_slice %arg7[%run_scoped3A_118, %dma_wait3A_140] : memref<1x128xi32, #tpu.memory_space<vmem>> -> memref<1x128xi32, #tpu.memory_space<vmem>>
            %dma_wait3A_142 = tpu.memref_squeeze %dma_wait3A_141 : memref<1x128xi32, #tpu.memory_space<vmem>> -> memref<128xi32, #tpu.memory_space<vmem>>
            %dma_wait3A_143 = arith.constant 0 : i32
            %dma_wait3A_144 = tpu.memref_slice %arg38[%dma_wait3A_143] : memref<41472xf32, #tpu.memory_space<vmem_shared>> -> memref<41472xf32, #tpu.memory_space<vmem_shared>>
            tpu.wait_indirect_dma semaphore(%run_scoped3A_132 : memref<!tpu.dma_semaphore, #tpu.memory_space<semaphore_mem>>) src(%dma_wait3A_139 : memref<128xf32, #tpu.memory_space<vmem>>) dst(%dma_wait3A_144 : memref<41472xf32, #tpu.memory_space<vmem_shared>>)
            tpu.yield
          }) : () -> ()
          %run_scoped3A_119 = arith.constant 28 : i32
          %run_scoped3A_120 = arith.constant 0 : i32
          "tpu.region"() ({
            %run_scoped3A_132 = tpu.sem_alloc : memref<!tpu.dma_semaphore, #tpu.memory_space<semaphore_mem>>
            %dma_start3A = tpu.memref_slice %arg8[%run_scoped3A_119, %multiple_of3A_63] : memref<40x896xf32, #tpu.memory_space<vmem>> -> memref<1x128xf32, #tpu.memory_space<vmem>>
            %dma_start3A_133 = tpu.memref_squeeze %dma_start3A : memref<1x128xf32, #tpu.memory_space<vmem>> -> memref<128xf32, #tpu.memory_space<vmem>>
            %dma_start3A_134 = arith.constant 0 : i32
            %dma_start3A_135 = tpu.memref_slice %arg7[%run_scoped3A_120, %dma_start3A_134] : memref<1x128xi32, #tpu.memory_space<vmem>> -> memref<1x128xi32, #tpu.memory_space<vmem>>
            %dma_start3A_136 = tpu.memref_squeeze %dma_start3A_135 : memref<1x128xi32, #tpu.memory_space<vmem>> -> memref<128xi32, #tpu.memory_space<vmem>>
            %dma_start3A_137 = arith.constant 0 : i32
            %dma_start3A_138 = tpu.memref_slice %arg39[%dma_start3A_137] : memref<41472xf32, #tpu.memory_space<vmem_shared>> -> memref<41472xf32, #tpu.memory_space<vmem_shared>>
            tpu.enqueue_indirect_dma source(%dma_start3A_133 : memref<128xf32, #tpu.memory_space<vmem>>) target(%dma_start3A_138 : memref<41472xf32, #tpu.memory_space<vmem_shared>>) offsets(%dma_start3A_136 : memref<128xi32, #tpu.memory_space<vmem>>) semaphore(%run_scoped3A_132 : memref<!tpu.dma_semaphore, #tpu.memory_space<semaphore_mem>>) {add = true}
            %dma_wait3A = tpu.memref_slice %arg8[%run_scoped3A_119, %multiple_of3A_63] : memref<40x896xf32, #tpu.memory_space<vmem>> -> memref<1x128xf32, #tpu.memory_space<vmem>>
            %dma_wait3A_139 = tpu.memref_squeeze %dma_wait3A : memref<1x128xf32, #tpu.memory_space<vmem>> -> memref<128xf32, #tpu.memory_space<vmem>>
            %dma_wait3A_140 = arith.constant 0 : i32
            %dma_wait3A_141 = tpu.memref_slice %arg7[%run_scoped3A_120, %dma_wait3A_140] : memref<1x128xi32, #tpu.memory_space<vmem>> -> memref<1x128xi32, #tpu.memory_space<vmem>>
            %dma_wait3A_142 = tpu.memref_squeeze %dma_wait3A_141 : memref<1x128xi32, #tpu.memory_space<vmem>> -> memref<128xi32, #tpu.memory_space<vmem>>
            %dma_wait3A_143 = arith.constant 0 : i32
            %dma_wait3A_144 = tpu.memref_slice %arg39[%dma_wait3A_143] : memref<41472xf32, #tpu.memory_space<vmem_shared>> -> memref<41472xf32, #tpu.memory_space<vmem_shared>>
            tpu.wait_indirect_dma semaphore(%run_scoped3A_132 : memref<!tpu.dma_semaphore, #tpu.memory_space<semaphore_mem>>) src(%dma_wait3A_139 : memref<128xf32, #tpu.memory_space<vmem>>) dst(%dma_wait3A_144 : memref<41472xf32, #tpu.memory_space<vmem_shared>>)
            tpu.yield
          }) : () -> ()
          %run_scoped3A_121 = arith.constant 29 : i32
          %run_scoped3A_122 = arith.constant 0 : i32
          "tpu.region"() ({
            %run_scoped3A_132 = tpu.sem_alloc : memref<!tpu.dma_semaphore, #tpu.memory_space<semaphore_mem>>
            %dma_start3A = tpu.memref_slice %arg8[%run_scoped3A_121, %multiple_of3A_63] : memref<40x896xf32, #tpu.memory_space<vmem>> -> memref<1x128xf32, #tpu.memory_space<vmem>>
            %dma_start3A_133 = tpu.memref_squeeze %dma_start3A : memref<1x128xf32, #tpu.memory_space<vmem>> -> memref<128xf32, #tpu.memory_space<vmem>>
            %dma_start3A_134 = arith.constant 0 : i32
            %dma_start3A_135 = tpu.memref_slice %arg7[%run_scoped3A_122, %dma_start3A_134] : memref<1x128xi32, #tpu.memory_space<vmem>> -> memref<1x128xi32, #tpu.memory_space<vmem>>
            %dma_start3A_136 = tpu.memref_squeeze %dma_start3A_135 : memref<1x128xi32, #tpu.memory_space<vmem>> -> memref<128xi32, #tpu.memory_space<vmem>>
            %dma_start3A_137 = arith.constant 0 : i32
            %dma_start3A_138 = tpu.memref_slice %arg40[%dma_start3A_137] : memref<41472xf32, #tpu.memory_space<vmem_shared>> -> memref<41472xf32, #tpu.memory_space<vmem_shared>>
            tpu.enqueue_indirect_dma source(%dma_start3A_133 : memref<128xf32, #tpu.memory_space<vmem>>) target(%dma_start3A_138 : memref<41472xf32, #tpu.memory_space<vmem_shared>>) offsets(%dma_start3A_136 : memref<128xi32, #tpu.memory_space<vmem>>) semaphore(%run_scoped3A_132 : memref<!tpu.dma_semaphore, #tpu.memory_space<semaphore_mem>>) {add = true}
            %dma_wait3A = tpu.memref_slice %arg8[%run_scoped3A_121, %multiple_of3A_63] : memref<40x896xf32, #tpu.memory_space<vmem>> -> memref<1x128xf32, #tpu.memory_space<vmem>>
            %dma_wait3A_139 = tpu.memref_squeeze %dma_wait3A : memref<1x128xf32, #tpu.memory_space<vmem>> -> memref<128xf32, #tpu.memory_space<vmem>>
            %dma_wait3A_140 = arith.constant 0 : i32
            %dma_wait3A_141 = tpu.memref_slice %arg7[%run_scoped3A_122, %dma_wait3A_140] : memref<1x128xi32, #tpu.memory_space<vmem>> -> memref<1x128xi32, #tpu.memory_space<vmem>>
            %dma_wait3A_142 = tpu.memref_squeeze %dma_wait3A_141 : memref<1x128xi32, #tpu.memory_space<vmem>> -> memref<128xi32, #tpu.memory_space<vmem>>
            %dma_wait3A_143 = arith.constant 0 : i32
            %dma_wait3A_144 = tpu.memref_slice %arg40[%dma_wait3A_143] : memref<41472xf32, #tpu.memory_space<vmem_shared>> -> memref<41472xf32, #tpu.memory_space<vmem_shared>>
            tpu.wait_indirect_dma semaphore(%run_scoped3A_132 : memref<!tpu.dma_semaphore, #tpu.memory_space<semaphore_mem>>) src(%dma_wait3A_139 : memref<128xf32, #tpu.memory_space<vmem>>) dst(%dma_wait3A_144 : memref<41472xf32, #tpu.memory_space<vmem_shared>>)
            tpu.yield
          }) : () -> ()
          %run_scoped3A_123 = arith.constant 30 : i32
          %run_scoped3A_124 = arith.constant 0 : i32
          "tpu.region"() ({
            %run_scoped3A_132 = tpu.sem_alloc : memref<!tpu.dma_semaphore, #tpu.memory_space<semaphore_mem>>
            %dma_start3A = tpu.memref_slice %arg8[%run_scoped3A_123, %multiple_of3A_63] : memref<40x896xf32, #tpu.memory_space<vmem>> -> memref<1x128xf32, #tpu.memory_space<vmem>>
            %dma_start3A_133 = tpu.memref_squeeze %dma_start3A : memref<1x128xf32, #tpu.memory_space<vmem>> -> memref<128xf32, #tpu.memory_space<vmem>>
            %dma_start3A_134 = arith.constant 0 : i32
            %dma_start3A_135 = tpu.memref_slice %arg7[%run_scoped3A_124, %dma_start3A_134] : memref<1x128xi32, #tpu.memory_space<vmem>> -> memref<1x128xi32, #tpu.memory_space<vmem>>
            %dma_start3A_136 = tpu.memref_squeeze %dma_start3A_135 : memref<1x128xi32, #tpu.memory_space<vmem>> -> memref<128xi32, #tpu.memory_space<vmem>>
            %dma_start3A_137 = arith.constant 0 : i32
            %dma_start3A_138 = tpu.memref_slice %arg41[%dma_start3A_137] : memref<41472xf32, #tpu.memory_space<vmem_shared>> -> memref<41472xf32, #tpu.memory_space<vmem_shared>>
            tpu.enqueue_indirect_dma source(%dma_start3A_133 : memref<128xf32, #tpu.memory_space<vmem>>) target(%dma_start3A_138 : memref<41472xf32, #tpu.memory_space<vmem_shared>>) offsets(%dma_start3A_136 : memref<128xi32, #tpu.memory_space<vmem>>) semaphore(%run_scoped3A_132 : memref<!tpu.dma_semaphore, #tpu.memory_space<semaphore_mem>>) {add = true}
            %dma_wait3A = tpu.memref_slice %arg8[%run_scoped3A_123, %multiple_of3A_63] : memref<40x896xf32, #tpu.memory_space<vmem>> -> memref<1x128xf32, #tpu.memory_space<vmem>>
            %dma_wait3A_139 = tpu.memref_squeeze %dma_wait3A : memref<1x128xf32, #tpu.memory_space<vmem>> -> memref<128xf32, #tpu.memory_space<vmem>>
            %dma_wait3A_140 = arith.constant 0 : i32
            %dma_wait3A_141 = tpu.memref_slice %arg7[%run_scoped3A_124, %dma_wait3A_140] : memref<1x128xi32, #tpu.memory_space<vmem>> -> memref<1x128xi32, #tpu.memory_space<vmem>>
            %dma_wait3A_142 = tpu.memref_squeeze %dma_wait3A_141 : memref<1x128xi32, #tpu.memory_space<vmem>> -> memref<128xi32, #tpu.memory_space<vmem>>
            %dma_wait3A_143 = arith.constant 0 : i32
            %dma_wait3A_144 = tpu.memref_slice %arg41[%dma_wait3A_143] : memref<41472xf32, #tpu.memory_space<vmem_shared>> -> memref<41472xf32, #tpu.memory_space<vmem_shared>>
            tpu.wait_indirect_dma semaphore(%run_scoped3A_132 : memref<!tpu.dma_semaphore, #tpu.memory_space<semaphore_mem>>) src(%dma_wait3A_139 : memref<128xf32, #tpu.memory_space<vmem>>) dst(%dma_wait3A_144 : memref<41472xf32, #tpu.memory_space<vmem_shared>>)
            tpu.yield
          }) : () -> ()
          %run_scoped3A_125 = arith.constant 31 : i32
          %run_scoped3A_126 = arith.constant 0 : i32
          "tpu.region"() ({
            %run_scoped3A_132 = tpu.sem_alloc : memref<!tpu.dma_semaphore, #tpu.memory_space<semaphore_mem>>
            %dma_start3A = tpu.memref_slice %arg8[%run_scoped3A_125, %multiple_of3A_63] : memref<40x896xf32, #tpu.memory_space<vmem>> -> memref<1x128xf32, #tpu.memory_space<vmem>>
            %dma_start3A_133 = tpu.memref_squeeze %dma_start3A : memref<1x128xf32, #tpu.memory_space<vmem>> -> memref<128xf32, #tpu.memory_space<vmem>>
            %dma_start3A_134 = arith.constant 0 : i32
            %dma_start3A_135 = tpu.memref_slice %arg7[%run_scoped3A_126, %dma_start3A_134] : memref<1x128xi32, #tpu.memory_space<vmem>> -> memref<1x128xi32, #tpu.memory_space<vmem>>
            %dma_start3A_136 = tpu.memref_squeeze %dma_start3A_135 : memref<1x128xi32, #tpu.memory_space<vmem>> -> memref<128xi32, #tpu.memory_space<vmem>>
            %dma_start3A_137 = arith.constant 0 : i32
            %dma_start3A_138 = tpu.memref_slice %arg42[%dma_start3A_137] : memref<41472xf32, #tpu.memory_space<vmem_shared>> -> memref<41472xf32, #tpu.memory_space<vmem_shared>>
            tpu.enqueue_indirect_dma source(%dma_start3A_133 : memref<128xf32, #tpu.memory_space<vmem>>) target(%dma_start3A_138 : memref<41472xf32, #tpu.memory_space<vmem_shared>>) offsets(%dma_start3A_136 : memref<128xi32, #tpu.memory_space<vmem>>) semaphore(%run_scoped3A_132 : memref<!tpu.dma_semaphore, #tpu.memory_space<semaphore_mem>>) {add = true}
            %dma_wait3A = tpu.memref_slice %arg8[%run_scoped3A_125, %multiple_of3A_63] : memref<40x896xf32, #tpu.memory_space<vmem>> -> memref<1x128xf32, #tpu.memory_space<vmem>>
            %dma_wait3A_139 = tpu.memref_squeeze %dma_wait3A : memref<1x128xf32, #tpu.memory_space<vmem>> -> memref<128xf32, #tpu.memory_space<vmem>>
            %dma_wait3A_140 = arith.constant 0 : i32
            %dma_wait3A_141 = tpu.memref_slice %arg7[%run_scoped3A_126, %dma_wait3A_140] : memref<1x128xi32, #tpu.memory_space<vmem>> -> memref<1x128xi32, #tpu.memory_space<vmem>>
            %dma_wait3A_142 = tpu.memref_squeeze %dma_wait3A_141 : memref<1x128xi32, #tpu.memory_space<vmem>> -> memref<128xi32, #tpu.memory_space<vmem>>
            %dma_wait3A_143 = arith.constant 0 : i32
            %dma_wait3A_144 = tpu.memref_slice %arg42[%dma_wait3A_143] : memref<41472xf32, #tpu.memory_space<vmem_shared>> -> memref<41472xf32, #tpu.memory_space<vmem_shared>>
            tpu.wait_indirect_dma semaphore(%run_scoped3A_132 : memref<!tpu.dma_semaphore, #tpu.memory_space<semaphore_mem>>) src(%dma_wait3A_139 : memref<128xf32, #tpu.memory_space<vmem>>) dst(%dma_wait3A_144 : memref<41472xf32, #tpu.memory_space<vmem_shared>>)
            tpu.yield
          }) : () -> ()
          %run_scoped3A_127 = arith.constant 32 : i32
          %run_scoped3A_128 = arith.constant 0 : i32
          "tpu.region"() ({
            %run_scoped3A_132 = tpu.sem_alloc : memref<!tpu.dma_semaphore, #tpu.memory_space<semaphore_mem>>
            %dma_start3A = tpu.memref_slice %arg8[%run_scoped3A_127, %multiple_of3A_63] : memref<40x896xf32, #tpu.memory_space<vmem>> -> memref<1x128xf32, #tpu.memory_space<vmem>>
            %dma_start3A_133 = tpu.memref_squeeze %dma_start3A : memref<1x128xf32, #tpu.memory_space<vmem>> -> memref<128xf32, #tpu.memory_space<vmem>>
            %dma_start3A_134 = arith.constant 0 : i32
            %dma_start3A_135 = tpu.memref_slice %arg7[%run_scoped3A_128, %dma_start3A_134] : memref<1x128xi32, #tpu.memory_space<vmem>> -> memref<1x128xi32, #tpu.memory_space<vmem>>
            %dma_start3A_136 = tpu.memref_squeeze %dma_start3A_135 : memref<1x128xi32, #tpu.memory_space<vmem>> -> memref<128xi32, #tpu.memory_space<vmem>>
            %dma_start3A_137 = arith.constant 0 : i32
            %dma_start3A_138 = tpu.memref_slice %arg43[%dma_start3A_137] : memref<41472xf32, #tpu.memory_space<vmem_shared>> -> memref<41472xf32, #tpu.memory_space<vmem_shared>>
            tpu.enqueue_indirect_dma source(%dma_start3A_133 : memref<128xf32, #tpu.memory_space<vmem>>) target(%dma_start3A_138 : memref<41472xf32, #tpu.memory_space<vmem_shared>>) offsets(%dma_start3A_136 : memref<128xi32, #tpu.memory_space<vmem>>) semaphore(%run_scoped3A_132 : memref<!tpu.dma_semaphore, #tpu.memory_space<semaphore_mem>>) {add = true}
            %dma_wait3A = tpu.memref_slice %arg8[%run_scoped3A_127, %multiple_of3A_63] : memref<40x896xf32, #tpu.memory_space<vmem>> -> memref<1x128xf32, #tpu.memory_space<vmem>>
            %dma_wait3A_139 = tpu.memref_squeeze %dma_wait3A : memref<1x128xf32, #tpu.memory_space<vmem>> -> memref<128xf32, #tpu.memory_space<vmem>>
            %dma_wait3A_140 = arith.constant 0 : i32
            %dma_wait3A_141 = tpu.memref_slice %arg7[%run_scoped3A_128, %dma_wait3A_140] : memref<1x128xi32, #tpu.memory_space<vmem>> -> memref<1x128xi32, #tpu.memory_space<vmem>>
            %dma_wait3A_142 = tpu.memref_squeeze %dma_wait3A_141 : memref<1x128xi32, #tpu.memory_space<vmem>> -> memref<128xi32, #tpu.memory_space<vmem>>
            %dma_wait3A_143 = arith.constant 0 : i32
            %dma_wait3A_144 = tpu.memref_slice %arg43[%dma_wait3A_143] : memref<41472xf32, #tpu.memory_space<vmem_shared>> -> memref<41472xf32, #tpu.memory_space<vmem_shared>>
            tpu.wait_indirect_dma semaphore(%run_scoped3A_132 : memref<!tpu.dma_semaphore, #tpu.memory_space<semaphore_mem>>) src(%dma_wait3A_139 : memref<128xf32, #tpu.memory_space<vmem>>) dst(%dma_wait3A_144 : memref<41472xf32, #tpu.memory_space<vmem_shared>>)
            tpu.yield
          }) : () -> ()
          %run_scoped3A_129 = arith.constant 33 : i32
          %run_scoped3A_130 = arith.constant 0 : i32
          "tpu.region"() ({
            %run_scoped3A_132 = tpu.sem_alloc : memref<!tpu.dma_semaphore, #tpu.memory_space<semaphore_mem>>
            %dma_start3A = tpu.memref_slice %arg8[%run_scoped3A_129, %multiple_of3A_63] : memref<40x896xf32, #tpu.memory_space<vmem>> -> memref<1x128xf32, #tpu.memory_space<vmem>>
            %dma_start3A_133 = tpu.memref_squeeze %dma_start3A : memref<1x128xf32, #tpu.memory_space<vmem>> -> memref<128xf32, #tpu.memory_space<vmem>>
            %dma_start3A_134 = arith.constant 0 : i32
            %dma_start3A_135 = tpu.memref_slice %arg7[%run_scoped3A_130, %dma_start3A_134] : memref<1x128xi32, #tpu.memory_space<vmem>> -> memref<1x128xi32, #tpu.memory_space<vmem>>
            %dma_start3A_136 = tpu.memref_squeeze %dma_start3A_135 : memref<1x128xi32, #tpu.memory_space<vmem>> -> memref<128xi32, #tpu.memory_space<vmem>>
            %dma_start3A_137 = arith.constant 0 : i32
            %dma_start3A_138 = tpu.memref_slice %arg44[%dma_start3A_137] : memref<41472xf32, #tpu.memory_space<vmem_shared>> -> memref<41472xf32, #tpu.memory_space<vmem_shared>>
            tpu.enqueue_indirect_dma source(%dma_start3A_133 : memref<128xf32, #tpu.memory_space<vmem>>) target(%dma_start3A_138 : memref<41472xf32, #tpu.memory_space<vmem_shared>>) offsets(%dma_start3A_136 : memref<128xi32, #tpu.memory_space<vmem>>) semaphore(%run_scoped3A_132 : memref<!tpu.dma_semaphore, #tpu.memory_space<semaphore_mem>>) {add = true}
            %dma_wait3A = tpu.memref_slice %arg8[%run_scoped3A_129, %multiple_of3A_63] : memref<40x896xf32, #tpu.memory_space<vmem>> -> memref<1x128xf32, #tpu.memory_space<vmem>>
            %dma_wait3A_139 = tpu.memref_squeeze %dma_wait3A : memref<1x128xf32, #tpu.memory_space<vmem>> -> memref<128xf32, #tpu.memory_space<vmem>>
            %dma_wait3A_140 = arith.constant 0 : i32
            %dma_wait3A_141 = tpu.memref_slice %arg7[%run_scoped3A_130, %dma_wait3A_140] : memref<1x128xi32, #tpu.memory_space<vmem>> -> memref<1x128xi32, #tpu.memory_space<vmem>>
            %dma_wait3A_142 = tpu.memref_squeeze %dma_wait3A_141 : memref<1x128xi32, #tpu.memory_space<vmem>> -> memref<128xi32, #tpu.memory_space<vmem>>
            %dma_wait3A_143 = arith.constant 0 : i32
            %dma_wait3A_144 = tpu.memref_slice %arg44[%dma_wait3A_143] : memref<41472xf32, #tpu.memory_space<vmem_shared>> -> memref<41472xf32, #tpu.memory_space<vmem_shared>>
            tpu.wait_indirect_dma semaphore(%run_scoped3A_132 : memref<!tpu.dma_semaphore, #tpu.memory_space<semaphore_mem>>) src(%dma_wait3A_139 : memref<128xf32, #tpu.memory_space<vmem>>) dst(%dma_wait3A_144 : memref<41472xf32, #tpu.memory_space<vmem_shared>>)
            tpu.yield
          }) : () -> ()
          %scan3A_131 = arith.constant 0 : i32
          scf.yield %scan3A_131 : i32
        }
        %scan3A_50 = arith.constant 7 : i32
        %scan3A_51 = arith.constant 0 : i32
        scf.yield %scan3A_51 : i32
      }
      %scan3A_28 = arith.constant 21 : i32
      %barrier3A_29 = arith.constant 0 : index
      tpu.barrier barrier_id(%barrier3A_29)
      %scan3A_30 = arith.constant 0 : i32
      %scan3A_31 = arith.constant 0 : i32
      %scan3A_32 = arith.constant 20 : i32
      %scan3A_33 = arith.addi %scan3A_31, %scan3A_32 : i32
      %scan3A_34 = arith.constant 1 : i32
      %scan3A_35 = scf.for %scan3A_39 = %scan3A_31 to %scan3A_33 step %scan3A_34 iter_args(%scan3A_40 = %scan3A_30) -> (i32)  : i32 {
        %mul3A_41 = arith.constant 128 : i32
        %mul3A_42 = arith.muli %scan3A_39, %mul3A_41 : i32
        %add3A_43 = arith.addi %mul3A_4, %mul3A_42 : i32
        %scan3A_44 = arith.constant 0 : i32
        %scan3A_45 = arith.constant 0 : i32
        %scan3A_46 = arith.constant 8 : i32
        %scan3A_47 = arith.addi %scan3A_45, %scan3A_46 : i32
        %scan3A_48 = arith.constant 1 : i32
        %scan3A_49 = scf.for %scan3A_123 = %scan3A_45 to %scan3A_47 step %scan3A_48 iter_args(%scan3A_124 = %scan3A_44) -> (i32)  : i32 {
          %mul3A_125 = arith.constant 16 : i32
          %mul3A_126 = arith.muli %scan3A_123, %mul3A_125 : i32
          %add3A_127 = arith.addi %add3A_43, %mul3A_126 : i32
          %add3A_128 = vector.broadcast %add3A_127 : i32 to vector<16xi32>
          %add3A_129 = arith.addi %iota3A, %add3A_128 : vector<16xi32>
          %mul3A_130 = arith.constant 16 : i32
          %mul3A_131 = arith.muli %scan3A_123, %mul3A_130 : i32
          %swap3A = arith.constant 0 : i32
          %swap3A_132 = arith.index_cast %swap3A : i32 to index
          %swap3A_133 = arith.index_cast %mul3A_131 : i32 to index
          %swap3A_134 = tpu.vector_load %arg7[%swap3A_132, %swap3A_133] {strides = array<i32>} : memref<1x128xi32, #tpu.memory_space<vmem>>, vector<1x16xi32>,
          %swap3A_135 = vector.shape_cast %swap3A_134 : vector<1x16xi32> to vector<16xi32>
          %swap3A_136 = vector.shape_cast %add3A_129 : vector<16xi32> to vector<1x16xi32>
          tpu.vector_store %arg7[%swap3A_132, %swap3A_133], %swap3A_136 {strides = array<i32>} : memref<1x128xi32, #tpu.memory_space<vmem>>, vector<1x16xi32>,
          %scan3A_137 = arith.constant 0 : i32
          scf.yield %scan3A_137 : i32
        }
        %scan3A_50 = arith.constant 8 : i32
        %add3A_51 = arith.addi %mul3A_14, %mul3A_4 : i32
        %mul3A_52 = arith.constant 128 : i32
        %mul3A_53 = arith.muli %scan3A_39, %mul3A_52 : i32
        %add3A_54 = arith.addi %add3A_51, %mul3A_53 : i32
        %multiple_of3A = tpu.assume_multiple %add3A_54, 8 : i32
        %run_scoped3A = arith.constant 0 : i32
        "tpu.region"() ({
          %run_scoped3A_123 = tpu.sem_alloc : memref<!tpu.dma_semaphore, #tpu.memory_space<semaphore_mem>>
          %dma_start3A = arith.constant 0 : i32
          %dma_start3A_124 = tpu.memref_slice %arg7[%run_scoped3A, %dma_start3A] : memref<1x128xi32, #tpu.memory_space<vmem>> -> memref<1x128xi32, #tpu.memory_space<vmem>>
          %dma_start3A_125 = tpu.memref_squeeze %dma_start3A_124 : memref<1x128xi32, #tpu.memory_space<vmem>> -> memref<128xi32, #tpu.memory_space<vmem>>
          %dma_start3A_126 = arith.constant 0 : i32
          %dma_start3A_127 = tpu.memref_slice %arg11[%dma_start3A_126] : memref<41472xf32, #tpu.memory_space<vmem_shared>> -> memref<41472xf32, #tpu.memory_space<vmem_shared>>
          tpu.enqueue_indirect_dma source(%dma_start3A_127 : memref<41472xf32, #tpu.memory_space<vmem_shared>>) target(%arg10 : memref<128xf32, #tpu.memory_space<vmem>>) offsets(%dma_start3A_125 : memref<128xi32, #tpu.memory_space<vmem>>) semaphore(%run_scoped3A_123 : memref<!tpu.dma_semaphore, #tpu.memory_space<semaphore_mem>>)
          %dma_wait3A = arith.constant 0 : i32
          %dma_wait3A_128 = tpu.memref_slice %arg7[%run_scoped3A, %dma_wait3A] : memref<1x128xi32, #tpu.memory_space<vmem>> -> memref<1x128xi32, #tpu.memory_space<vmem>>
          %dma_wait3A_129 = tpu.memref_squeeze %dma_wait3A_128 : memref<1x128xi32, #tpu.memory_space<vmem>> -> memref<128xi32, #tpu.memory_space<vmem>>
          %dma_wait3A_130 = arith.constant 0 : i32
          %dma_wait3A_131 = tpu.memref_slice %arg11[%dma_wait3A_130] : memref<41472xf32, #tpu.memory_space<vmem_shared>> -> memref<41472xf32, #tpu.memory_space<vmem_shared>>
          tpu.wait_indirect_dma semaphore(%run_scoped3A_123 : memref<!tpu.dma_semaphore, #tpu.memory_space<semaphore_mem>>) src(%dma_wait3A_131 : memref<41472xf32, #tpu.memory_space<vmem_shared>>) dst(%arg10 : memref<128xf32, #tpu.memory_space<vmem>>)
          tpu.yield
        }) : () -> ()
        %run_scoped3A_55 = arith.constant 0 : i32
        "tpu.region"() ({
          %run_scoped3A_123 = tpu.sem_alloc : memref<!tpu.dma_semaphore, #tpu.memory_space<semaphore_mem>>
          %dma_start3A = tpu.memref_slice %arg5[%arg0, %run_scoped3A_55, %multiple_of3A] : memref<2x34x286720xf32, #tpu.memory_space<hbm>> -> memref<1x1x128xf32, #tpu.memory_space<hbm>>
          %dma_start3A_124 = tpu.memref_squeeze %dma_start3A : memref<1x1x128xf32, #tpu.memory_space<hbm>> -> memref<128xf32, #tpu.memory_space<hbm>>
          %dma_start3A_125 = tpu.memref_slice %arg5[%arg0, %run_scoped3A_55, %multiple_of3A] : memref<2x34x286720xf32, #tpu.memory_space<hbm>> -> memref<1x1x128xf32, #tpu.memory_space<hbm>>
          %dma_start3A_126 = tpu.memref_squeeze %dma_start3A_125 : memref<1x1x128xf32, #tpu.memory_space<hbm>> -> memref<128xf32, #tpu.memory_space<hbm>>
          tpu.enqueue_dma source(%arg10 : memref<128xf32, #tpu.memory_space<vmem>>) target(%dma_start3A_126 : memref<128xf32, #tpu.memory_space<hbm>>) target_semaphore(%run_scoped3A_123 : memref<!tpu.dma_semaphore, #tpu.memory_space<semaphore_mem>>)
          %dma_wait3A = tpu.memref_slice %arg5[%arg0, %run_scoped3A_55, %multiple_of3A] : memref<2x34x286720xf32, #tpu.memory_space<hbm>> -> memref<1x1x128xf32, #tpu.memory_space<hbm>>
          %dma_wait3A_127 = tpu.memref_squeeze %dma_wait3A : memref<1x1x128xf32, #tpu.memory_space<hbm>> -> memref<128xf32, #tpu.memory_space<hbm>>
          %dma_wait3A_128 = tpu.memref_slice %arg5[%arg0, %run_scoped3A_55, %multiple_of3A] : memref<2x34x286720xf32, #tpu.memory_space<hbm>> -> memref<1x1x128xf32, #tpu.memory_space<hbm>>
          %dma_wait3A_129 = tpu.memref_squeeze %dma_wait3A_128 : memref<1x1x128xf32, #tpu.memory_space<hbm>> -> memref<128xf32, #tpu.memory_space<hbm>>
          tpu.wait_dma2 semaphore(%run_scoped3A_123 : memref<!tpu.dma_semaphore, #tpu.memory_space<semaphore_mem>>) src(%arg10 : memref<128xf32, #tpu.memory_space<vmem>>) dst(%dma_wait3A_129 : memref<128xf32, #tpu.memory_space<hbm>>)
          tpu.yield
        }) : () -> ()
        %run_scoped3A_56 = arith.constant 0 : i32
        "tpu.region"() ({
          %run_scoped3A_123 = tpu.sem_alloc : memref<!tpu.dma_semaphore, #tpu.memory_space<semaphore_mem>>
          %dma_start3A = arith.constant 0 : i32
          %dma_start3A_124 = tpu.memref_slice %arg7[%run_scoped3A_56, %dma_start3A] : memref<1x128xi32, #tpu.memory_space<vmem>> -> memref<1x128xi32, #tpu.memory_space<vmem>>
          %dma_start3A_125 = tpu.memref_squeeze %dma_start3A_124 : memref<1x128xi32, #tpu.memory_space<vmem>> -> memref<128xi32, #tpu.memory_space<vmem>>
          %dma_start3A_126 = arith.constant 0 : i32
          %dma_start3A_127 = tpu.memref_slice %arg12[%dma_start3A_126] : memref<41472xf32, #tpu.memory_space<vmem_shared>> -> memref<41472xf32, #tpu.memory_space<vmem_shared>>
          tpu.enqueue_indirect_dma source(%dma_start3A_127 : memref<41472xf32, #tpu.memory_space<vmem_shared>>) target(%arg10 : memref<128xf32, #tpu.memory_space<vmem>>) offsets(%dma_start3A_125 : memref<128xi32, #tpu.memory_space<vmem>>) semaphore(%run_scoped3A_123 : memref<!tpu.dma_semaphore, #tpu.memory_space<semaphore_mem>>)
          %dma_wait3A = arith.constant 0 : i32
          %dma_wait3A_128 = tpu.memref_slice %arg7[%run_scoped3A_56, %dma_wait3A] : memref<1x128xi32, #tpu.memory_space<vmem>> -> memref<1x128xi32, #tpu.memory_space<vmem>>
          %dma_wait3A_129 = tpu.memref_squeeze %dma_wait3A_128 : memref<1x128xi32, #tpu.memory_space<vmem>> -> memref<128xi32, #tpu.memory_space<vmem>>
          %dma_wait3A_130 = arith.constant 0 : i32
          %dma_wait3A_131 = tpu.memref_slice %arg12[%dma_wait3A_130] : memref<41472xf32, #tpu.memory_space<vmem_shared>> -> memref<41472xf32, #tpu.memory_space<vmem_shared>>
          tpu.wait_indirect_dma semaphore(%run_scoped3A_123 : memref<!tpu.dma_semaphore, #tpu.memory_space<semaphore_mem>>) src(%dma_wait3A_131 : memref<41472xf32, #tpu.memory_space<vmem_shared>>) dst(%arg10 : memref<128xf32, #tpu.memory_space<vmem>>)
          tpu.yield
        }) : () -> ()
        %run_scoped3A_57 = arith.constant 1 : i32
        "tpu.region"() ({
          %run_scoped3A_123 = tpu.sem_alloc : memref<!tpu.dma_semaphore, #tpu.memory_space<semaphore_mem>>
          %dma_start3A = tpu.memref_slice %arg5[%arg0, %run_scoped3A_57, %multiple_of3A] : memref<2x34x286720xf32, #tpu.memory_space<hbm>> -> memref<1x1x128xf32, #tpu.memory_space<hbm>>
          %dma_start3A_124 = tpu.memref_squeeze %dma_start3A : memref<1x1x128xf32, #tpu.memory_space<hbm>> -> memref<128xf32, #tpu.memory_space<hbm>>
          %dma_start3A_125 = tpu.memref_slice %arg5[%arg0, %run_scoped3A_57, %multiple_of3A] : memref<2x34x286720xf32, #tpu.memory_space<hbm>> -> memref<1x1x128xf32, #tpu.memory_space<hbm>>
          %dma_start3A_126 = tpu.memref_squeeze %dma_start3A_125 : memref<1x1x128xf32, #tpu.memory_space<hbm>> -> memref<128xf32, #tpu.memory_space<hbm>>
          tpu.enqueue_dma source(%arg10 : memref<128xf32, #tpu.memory_space<vmem>>) target(%dma_start3A_126 : memref<128xf32, #tpu.memory_space<hbm>>) target_semaphore(%run_scoped3A_123 : memref<!tpu.dma_semaphore, #tpu.memory_space<semaphore_mem>>)
          %dma_wait3A = tpu.memref_slice %arg5[%arg0, %run_scoped3A_57, %multiple_of3A] : memref<2x34x286720xf32, #tpu.memory_space<hbm>> -> memref<1x1x128xf32, #tpu.memory_space<hbm>>
          %dma_wait3A_127 = tpu.memref_squeeze %dma_wait3A : memref<1x1x128xf32, #tpu.memory_space<hbm>> -> memref<128xf32, #tpu.memory_space<hbm>>
          %dma_wait3A_128 = tpu.memref_slice %arg5[%arg0, %run_scoped3A_57, %multiple_of3A] : memref<2x34x286720xf32, #tpu.memory_space<hbm>> -> memref<1x1x128xf32, #tpu.memory_space<hbm>>
          %dma_wait3A_129 = tpu.memref_squeeze %dma_wait3A_128 : memref<1x1x128xf32, #tpu.memory_space<hbm>> -> memref<128xf32, #tpu.memory_space<hbm>>
          tpu.wait_dma2 semaphore(%run_scoped3A_123 : memref<!tpu.dma_semaphore, #tpu.memory_space<semaphore_mem>>) src(%arg10 : memref<128xf32, #tpu.memory_space<vmem>>) dst(%dma_wait3A_129 : memref<128xf32, #tpu.memory_space<hbm>>)
          tpu.yield
        }) : () -> ()
        %run_scoped3A_58 = arith.constant 0 : i32
        "tpu.region"() ({
          %run_scoped3A_123 = tpu.sem_alloc : memref<!tpu.dma_semaphore, #tpu.memory_space<semaphore_mem>>
          %dma_start3A = arith.constant 0 : i32
          %dma_start3A_124 = tpu.memref_slice %arg7[%run_scoped3A_58, %dma_start3A] : memref<1x128xi32, #tpu.memory_space<vmem>> -> memref<1x128xi32, #tpu.memory_space<vmem>>
          %dma_start3A_125 = tpu.memref_squeeze %dma_start3A_124 : memref<1x128xi32, #tpu.memory_space<vmem>> -> memref<128xi32, #tpu.memory_space<vmem>>
          %dma_start3A_126 = arith.constant 0 : i32
          %dma_start3A_127 = tpu.memref_slice %arg13[%dma_start3A_126] : memref<41472xf32, #tpu.memory_space<vmem_shared>> -> memref<41472xf32, #tpu.memory_space<vmem_shared>>
          tpu.enqueue_indirect_dma source(%dma_start3A_127 : memref<41472xf32, #tpu.memory_space<vmem_shared>>) target(%arg10 : memref<128xf32, #tpu.memory_space<vmem>>) offsets(%dma_start3A_125 : memref<128xi32, #tpu.memory_space<vmem>>) semaphore(%run_scoped3A_123 : memref<!tpu.dma_semaphore, #tpu.memory_space<semaphore_mem>>)
          %dma_wait3A = arith.constant 0 : i32
          %dma_wait3A_128 = tpu.memref_slice %arg7[%run_scoped3A_58, %dma_wait3A] : memref<1x128xi32, #tpu.memory_space<vmem>> -> memref<1x128xi32, #tpu.memory_space<vmem>>
          %dma_wait3A_129 = tpu.memref_squeeze %dma_wait3A_128 : memref<1x128xi32, #tpu.memory_space<vmem>> -> memref<128xi32, #tpu.memory_space<vmem>>
          %dma_wait3A_130 = arith.constant 0 : i32
          %dma_wait3A_131 = tpu.memref_slice %arg13[%dma_wait3A_130] : memref<41472xf32, #tpu.memory_space<vmem_shared>> -> memref<41472xf32, #tpu.memory_space<vmem_shared>>
          tpu.wait_indirect_dma semaphore(%run_scoped3A_123 : memref<!tpu.dma_semaphore, #tpu.memory_space<semaphore_mem>>) src(%dma_wait3A_131 : memref<41472xf32, #tpu.memory_space<vmem_shared>>) dst(%arg10 : memref<128xf32, #tpu.memory_space<vmem>>)
          tpu.yield
        }) : () -> ()
        %run_scoped3A_59 = arith.constant 2 : i32
        "tpu.region"() ({
          %run_scoped3A_123 = tpu.sem_alloc : memref<!tpu.dma_semaphore, #tpu.memory_space<semaphore_mem>>
          %dma_start3A = tpu.memref_slice %arg5[%arg0, %run_scoped3A_59, %multiple_of3A] : memref<2x34x286720xf32, #tpu.memory_space<hbm>> -> memref<1x1x128xf32, #tpu.memory_space<hbm>>
          %dma_start3A_124 = tpu.memref_squeeze %dma_start3A : memref<1x1x128xf32, #tpu.memory_space<hbm>> -> memref<128xf32, #tpu.memory_space<hbm>>
          %dma_start3A_125 = tpu.memref_slice %arg5[%arg0, %run_scoped3A_59, %multiple_of3A] : memref<2x34x286720xf32, #tpu.memory_space<hbm>> -> memref<1x1x128xf32, #tpu.memory_space<hbm>>
          %dma_start3A_126 = tpu.memref_squeeze %dma_start3A_125 : memref<1x1x128xf32, #tpu.memory_space<hbm>> -> memref<128xf32, #tpu.memory_space<hbm>>
          tpu.enqueue_dma source(%arg10 : memref<128xf32, #tpu.memory_space<vmem>>) target(%dma_start3A_126 : memref<128xf32, #tpu.memory_space<hbm>>) target_semaphore(%run_scoped3A_123 : memref<!tpu.dma_semaphore, #tpu.memory_space<semaphore_mem>>)
          %dma_wait3A = tpu.memref_slice %arg5[%arg0, %run_scoped3A_59, %multiple_of3A] : memref<2x34x286720xf32, #tpu.memory_space<hbm>> -> memref<1x1x128xf32, #tpu.memory_space<hbm>>
          %dma_wait3A_127 = tpu.memref_squeeze %dma_wait3A : memref<1x1x128xf32, #tpu.memory_space<hbm>> -> memref<128xf32, #tpu.memory_space<hbm>>
          %dma_wait3A_128 = tpu.memref_slice %arg5[%arg0, %run_scoped3A_59, %multiple_of3A] : memref<2x34x286720xf32, #tpu.memory_space<hbm>> -> memref<1x1x128xf32, #tpu.memory_space<hbm>>
          %dma_wait3A_129 = tpu.memref_squeeze %dma_wait3A_128 : memref<1x1x128xf32, #tpu.memory_space<hbm>> -> memref<128xf32, #tpu.memory_space<hbm>>
          tpu.wait_dma2 semaphore(%run_scoped3A_123 : memref<!tpu.dma_semaphore, #tpu.memory_space<semaphore_mem>>) src(%arg10 : memref<128xf32, #tpu.memory_space<vmem>>) dst(%dma_wait3A_129 : memref<128xf32, #tpu.memory_space<hbm>>)
          tpu.yield
        }) : () -> ()
        %run_scoped3A_60 = arith.constant 0 : i32
        "tpu.region"() ({
          %run_scoped3A_123 = tpu.sem_alloc : memref<!tpu.dma_semaphore, #tpu.memory_space<semaphore_mem>>
          %dma_start3A = arith.constant 0 : i32
          %dma_start3A_124 = tpu.memref_slice %arg7[%run_scoped3A_60, %dma_start3A] : memref<1x128xi32, #tpu.memory_space<vmem>> -> memref<1x128xi32, #tpu.memory_space<vmem>>
          %dma_start3A_125 = tpu.memref_squeeze %dma_start3A_124 : memref<1x128xi32, #tpu.memory_space<vmem>> -> memref<128xi32, #tpu.memory_space<vmem>>
          %dma_start3A_126 = arith.constant 0 : i32
          %dma_start3A_127 = tpu.memref_slice %arg14[%dma_start3A_126] : memref<41472xf32, #tpu.memory_space<vmem_shared>> -> memref<41472xf32, #tpu.memory_space<vmem_shared>>
          tpu.enqueue_indirect_dma source(%dma_start3A_127 : memref<41472xf32, #tpu.memory_space<vmem_shared>>) target(%arg10 : memref<128xf32, #tpu.memory_space<vmem>>) offsets(%dma_start3A_125 : memref<128xi32, #tpu.memory_space<vmem>>) semaphore(%run_scoped3A_123 : memref<!tpu.dma_semaphore, #tpu.memory_space<semaphore_mem>>)
          %dma_wait3A = arith.constant 0 : i32
          %dma_wait3A_128 = tpu.memref_slice %arg7[%run_scoped3A_60, %dma_wait3A] : memref<1x128xi32, #tpu.memory_space<vmem>> -> memref<1x128xi32, #tpu.memory_space<vmem>>
          %dma_wait3A_129 = tpu.memref_squeeze %dma_wait3A_128 : memref<1x128xi32, #tpu.memory_space<vmem>> -> memref<128xi32, #tpu.memory_space<vmem>>
          %dma_wait3A_130 = arith.constant 0 : i32
          %dma_wait3A_131 = tpu.memref_slice %arg14[%dma_wait3A_130] : memref<41472xf32, #tpu.memory_space<vmem_shared>> -> memref<41472xf32, #tpu.memory_space<vmem_shared>>
          tpu.wait_indirect_dma semaphore(%run_scoped3A_123 : memref<!tpu.dma_semaphore, #tpu.memory_space<semaphore_mem>>) src(%dma_wait3A_131 : memref<41472xf32, #tpu.memory_space<vmem_shared>>) dst(%arg10 : memref<128xf32, #tpu.memory_space<vmem>>)
          tpu.yield
        }) : () -> ()
        %run_scoped3A_61 = arith.constant 3 : i32
        "tpu.region"() ({
          %run_scoped3A_123 = tpu.sem_alloc : memref<!tpu.dma_semaphore, #tpu.memory_space<semaphore_mem>>
          %dma_start3A = tpu.memref_slice %arg5[%arg0, %run_scoped3A_61, %multiple_of3A] : memref<2x34x286720xf32, #tpu.memory_space<hbm>> -> memref<1x1x128xf32, #tpu.memory_space<hbm>>
          %dma_start3A_124 = tpu.memref_squeeze %dma_start3A : memref<1x1x128xf32, #tpu.memory_space<hbm>> -> memref<128xf32, #tpu.memory_space<hbm>>
          %dma_start3A_125 = tpu.memref_slice %arg5[%arg0, %run_scoped3A_61, %multiple_of3A] : memref<2x34x286720xf32, #tpu.memory_space<hbm>> -> memref<1x1x128xf32, #tpu.memory_space<hbm>>
          %dma_start3A_126 = tpu.memref_squeeze %dma_start3A_125 : memref<1x1x128xf32, #tpu.memory_space<hbm>> -> memref<128xf32, #tpu.memory_space<hbm>>
          tpu.enqueue_dma source(%arg10 : memref<128xf32, #tpu.memory_space<vmem>>) target(%dma_start3A_126 : memref<128xf32, #tpu.memory_space<hbm>>) target_semaphore(%run_scoped3A_123 : memref<!tpu.dma_semaphore, #tpu.memory_space<semaphore_mem>>)
          %dma_wait3A = tpu.memref_slice %arg5[%arg0, %run_scoped3A_61, %multiple_of3A] : memref<2x34x286720xf32, #tpu.memory_space<hbm>> -> memref<1x1x128xf32, #tpu.memory_space<hbm>>
          %dma_wait3A_127 = tpu.memref_squeeze %dma_wait3A : memref<1x1x128xf32, #tpu.memory_space<hbm>> -> memref<128xf32, #tpu.memory_space<hbm>>
          %dma_wait3A_128 = tpu.memref_slice %arg5[%arg0, %run_scoped3A_61, %multiple_of3A] : memref<2x34x286720xf32, #tpu.memory_space<hbm>> -> memref<1x1x128xf32, #tpu.memory_space<hbm>>
          %dma_wait3A_129 = tpu.memref_squeeze %dma_wait3A_128 : memref<1x1x128xf32, #tpu.memory_space<hbm>> -> memref<128xf32, #tpu.memory_space<hbm>>
          tpu.wait_dma2 semaphore(%run_scoped3A_123 : memref<!tpu.dma_semaphore, #tpu.memory_space<semaphore_mem>>) src(%arg10 : memref<128xf32, #tpu.memory_space<vmem>>) dst(%dma_wait3A_129 : memref<128xf32, #tpu.memory_space<hbm>>)
          tpu.yield
        }) : () -> ()
        %run_scoped3A_62 = arith.constant 0 : i32
        "tpu.region"() ({
          %run_scoped3A_123 = tpu.sem_alloc : memref<!tpu.dma_semaphore, #tpu.memory_space<semaphore_mem>>
          %dma_start3A = arith.constant 0 : i32
          %dma_start3A_124 = tpu.memref_slice %arg7[%run_scoped3A_62, %dma_start3A] : memref<1x128xi32, #tpu.memory_space<vmem>> -> memref<1x128xi32, #tpu.memory_space<vmem>>
          %dma_start3A_125 = tpu.memref_squeeze %dma_start3A_124 : memref<1x128xi32, #tpu.memory_space<vmem>> -> memref<128xi32, #tpu.memory_space<vmem>>
          %dma_start3A_126 = arith.constant 0 : i32
          %dma_start3A_127 = tpu.memref_slice %arg15[%dma_start3A_126] : memref<41472xf32, #tpu.memory_space<vmem_shared>> -> memref<41472xf32, #tpu.memory_space<vmem_shared>>
          tpu.enqueue_indirect_dma source(%dma_start3A_127 : memref<41472xf32, #tpu.memory_space<vmem_shared>>) target(%arg10 : memref<128xf32, #tpu.memory_space<vmem>>) offsets(%dma_start3A_125 : memref<128xi32, #tpu.memory_space<vmem>>) semaphore(%run_scoped3A_123 : memref<!tpu.dma_semaphore, #tpu.memory_space<semaphore_mem>>)
          %dma_wait3A = arith.constant 0 : i32
          %dma_wait3A_128 = tpu.memref_slice %arg7[%run_scoped3A_62, %dma_wait3A] : memref<1x128xi32, #tpu.memory_space<vmem>> -> memref<1x128xi32, #tpu.memory_space<vmem>>
          %dma_wait3A_129 = tpu.memref_squeeze %dma_wait3A_128 : memref<1x128xi32, #tpu.memory_space<vmem>> -> memref<128xi32, #tpu.memory_space<vmem>>
          %dma_wait3A_130 = arith.constant 0 : i32
          %dma_wait3A_131 = tpu.memref_slice %arg15[%dma_wait3A_130] : memref<41472xf32, #tpu.memory_space<vmem_shared>> -> memref<41472xf32, #tpu.memory_space<vmem_shared>>
          tpu.wait_indirect_dma semaphore(%run_scoped3A_123 : memref<!tpu.dma_semaphore, #tpu.memory_space<semaphore_mem>>) src(%dma_wait3A_131 : memref<41472xf32, #tpu.memory_space<vmem_shared>>) dst(%arg10 : memref<128xf32, #tpu.memory_space<vmem>>)
          tpu.yield
        }) : () -> ()
        %run_scoped3A_63 = arith.constant 4 : i32
        "tpu.region"() ({
          %run_scoped3A_123 = tpu.sem_alloc : memref<!tpu.dma_semaphore, #tpu.memory_space<semaphore_mem>>
          %dma_start3A = tpu.memref_slice %arg5[%arg0, %run_scoped3A_63, %multiple_of3A] : memref<2x34x286720xf32, #tpu.memory_space<hbm>> -> memref<1x1x128xf32, #tpu.memory_space<hbm>>
          %dma_start3A_124 = tpu.memref_squeeze %dma_start3A : memref<1x1x128xf32, #tpu.memory_space<hbm>> -> memref<128xf32, #tpu.memory_space<hbm>>
          %dma_start3A_125 = tpu.memref_slice %arg5[%arg0, %run_scoped3A_63, %multiple_of3A] : memref<2x34x286720xf32, #tpu.memory_space<hbm>> -> memref<1x1x128xf32, #tpu.memory_space<hbm>>
          %dma_start3A_126 = tpu.memref_squeeze %dma_start3A_125 : memref<1x1x128xf32, #tpu.memory_space<hbm>> -> memref<128xf32, #tpu.memory_space<hbm>>
          tpu.enqueue_dma source(%arg10 : memref<128xf32, #tpu.memory_space<vmem>>) target(%dma_start3A_126 : memref<128xf32, #tpu.memory_space<hbm>>) target_semaphore(%run_scoped3A_123 : memref<!tpu.dma_semaphore, #tpu.memory_space<semaphore_mem>>)
          %dma_wait3A = tpu.memref_slice %arg5[%arg0, %run_scoped3A_63, %multiple_of3A] : memref<2x34x286720xf32, #tpu.memory_space<hbm>> -> memref<1x1x128xf32, #tpu.memory_space<hbm>>
          %dma_wait3A_127 = tpu.memref_squeeze %dma_wait3A : memref<1x1x128xf32, #tpu.memory_space<hbm>> -> memref<128xf32, #tpu.memory_space<hbm>>
          %dma_wait3A_128 = tpu.memref_slice %arg5[%arg0, %run_scoped3A_63, %multiple_of3A] : memref<2x34x286720xf32, #tpu.memory_space<hbm>> -> memref<1x1x128xf32, #tpu.memory_space<hbm>>
          %dma_wait3A_129 = tpu.memref_squeeze %dma_wait3A_128 : memref<1x1x128xf32, #tpu.memory_space<hbm>> -> memref<128xf32, #tpu.memory_space<hbm>>
          tpu.wait_dma2 semaphore(%run_scoped3A_123 : memref<!tpu.dma_semaphore, #tpu.memory_space<semaphore_mem>>) src(%arg10 : memref<128xf32, #tpu.memory_space<vmem>>) dst(%dma_wait3A_129 : memref<128xf32, #tpu.memory_space<hbm>>)
          tpu.yield
        }) : () -> ()
        %run_scoped3A_64 = arith.constant 0 : i32
        "tpu.region"() ({
          %run_scoped3A_123 = tpu.sem_alloc : memref<!tpu.dma_semaphore, #tpu.memory_space<semaphore_mem>>
          %dma_start3A = arith.constant 0 : i32
          %dma_start3A_124 = tpu.memref_slice %arg7[%run_scoped3A_64, %dma_start3A] : memref<1x128xi32, #tpu.memory_space<vmem>> -> memref<1x128xi32, #tpu.memory_space<vmem>>
          %dma_start3A_125 = tpu.memref_squeeze %dma_start3A_124 : memref<1x128xi32, #tpu.memory_space<vmem>> -> memref<128xi32, #tpu.memory_space<vmem>>
          %dma_start3A_126 = arith.constant 0 : i32
          %dma_start3A_127 = tpu.memref_slice %arg16[%dma_start3A_126] : memref<41472xf32, #tpu.memory_space<vmem_shared>> -> memref<41472xf32, #tpu.memory_space<vmem_shared>>
          tpu.enqueue_indirect_dma source(%dma_start3A_127 : memref<41472xf32, #tpu.memory_space<vmem_shared>>) target(%arg10 : memref<128xf32, #tpu.memory_space<vmem>>) offsets(%dma_start3A_125 : memref<128xi32, #tpu.memory_space<vmem>>) semaphore(%run_scoped3A_123 : memref<!tpu.dma_semaphore, #tpu.memory_space<semaphore_mem>>)
          %dma_wait3A = arith.constant 0 : i32
          %dma_wait3A_128 = tpu.memref_slice %arg7[%run_scoped3A_64, %dma_wait3A] : memref<1x128xi32, #tpu.memory_space<vmem>> -> memref<1x128xi32, #tpu.memory_space<vmem>>
          %dma_wait3A_129 = tpu.memref_squeeze %dma_wait3A_128 : memref<1x128xi32, #tpu.memory_space<vmem>> -> memref<128xi32, #tpu.memory_space<vmem>>
          %dma_wait3A_130 = arith.constant 0 : i32
          %dma_wait3A_131 = tpu.memref_slice %arg16[%dma_wait3A_130] : memref<41472xf32, #tpu.memory_space<vmem_shared>> -> memref<41472xf32, #tpu.memory_space<vmem_shared>>
          tpu.wait_indirect_dma semaphore(%run_scoped3A_123 : memref<!tpu.dma_semaphore, #tpu.memory_space<semaphore_mem>>) src(%dma_wait3A_131 : memref<41472xf32, #tpu.memory_space<vmem_shared>>) dst(%arg10 : memref<128xf32, #tpu.memory_space<vmem>>)
          tpu.yield
        }) : () -> ()
        %run_scoped3A_65 = arith.constant 5 : i32
        "tpu.region"() ({
          %run_scoped3A_123 = tpu.sem_alloc : memref<!tpu.dma_semaphore, #tpu.memory_space<semaphore_mem>>
          %dma_start3A = tpu.memref_slice %arg5[%arg0, %run_scoped3A_65, %multiple_of3A] : memref<2x34x286720xf32, #tpu.memory_space<hbm>> -> memref<1x1x128xf32, #tpu.memory_space<hbm>>
          %dma_start3A_124 = tpu.memref_squeeze %dma_start3A : memref<1x1x128xf32, #tpu.memory_space<hbm>> -> memref<128xf32, #tpu.memory_space<hbm>>
          %dma_start3A_125 = tpu.memref_slice %arg5[%arg0, %run_scoped3A_65, %multiple_of3A] : memref<2x34x286720xf32, #tpu.memory_space<hbm>> -> memref<1x1x128xf32, #tpu.memory_space<hbm>>
          %dma_start3A_126 = tpu.memref_squeeze %dma_start3A_125 : memref<1x1x128xf32, #tpu.memory_space<hbm>> -> memref<128xf32, #tpu.memory_space<hbm>>
          tpu.enqueue_dma source(%arg10 : memref<128xf32, #tpu.memory_space<vmem>>) target(%dma_start3A_126 : memref<128xf32, #tpu.memory_space<hbm>>) target_semaphore(%run_scoped3A_123 : memref<!tpu.dma_semaphore, #tpu.memory_space<semaphore_mem>>)
          %dma_wait3A = tpu.memref_slice %arg5[%arg0, %run_scoped3A_65, %multiple_of3A] : memref<2x34x286720xf32, #tpu.memory_space<hbm>> -> memref<1x1x128xf32, #tpu.memory_space<hbm>>
          %dma_wait3A_127 = tpu.memref_squeeze %dma_wait3A : memref<1x1x128xf32, #tpu.memory_space<hbm>> -> memref<128xf32, #tpu.memory_space<hbm>>
          %dma_wait3A_128 = tpu.memref_slice %arg5[%arg0, %run_scoped3A_65, %multiple_of3A] : memref<2x34x286720xf32, #tpu.memory_space<hbm>> -> memref<1x1x128xf32, #tpu.memory_space<hbm>>
          %dma_wait3A_129 = tpu.memref_squeeze %dma_wait3A_128 : memref<1x1x128xf32, #tpu.memory_space<hbm>> -> memref<128xf32, #tpu.memory_space<hbm>>
          tpu.wait_dma2 semaphore(%run_scoped3A_123 : memref<!tpu.dma_semaphore, #tpu.memory_space<semaphore_mem>>) src(%arg10 : memref<128xf32, #tpu.memory_space<vmem>>) dst(%dma_wait3A_129 : memref<128xf32, #tpu.memory_space<hbm>>)
          tpu.yield
        }) : () -> ()
        %run_scoped3A_66 = arith.constant 0 : i32
        "tpu.region"() ({
          %run_scoped3A_123 = tpu.sem_alloc : memref<!tpu.dma_semaphore, #tpu.memory_space<semaphore_mem>>
          %dma_start3A = arith.constant 0 : i32
          %dma_start3A_124 = tpu.memref_slice %arg7[%run_scoped3A_66, %dma_start3A] : memref<1x128xi32, #tpu.memory_space<vmem>> -> memref<1x128xi32, #tpu.memory_space<vmem>>
          %dma_start3A_125 = tpu.memref_squeeze %dma_start3A_124 : memref<1x128xi32, #tpu.memory_space<vmem>> -> memref<128xi32, #tpu.memory_space<vmem>>
          %dma_start3A_126 = arith.constant 0 : i32
          %dma_start3A_127 = tpu.memref_slice %arg17[%dma_start3A_126] : memref<41472xf32, #tpu.memory_space<vmem_shared>> -> memref<41472xf32, #tpu.memory_space<vmem_shared>>
          tpu.enqueue_indirect_dma source(%dma_start3A_127 : memref<41472xf32, #tpu.memory_space<vmem_shared>>) target(%arg10 : memref<128xf32, #tpu.memory_space<vmem>>) offsets(%dma_start3A_125 : memref<128xi32, #tpu.memory_space<vmem>>) semaphore(%run_scoped3A_123 : memref<!tpu.dma_semaphore, #tpu.memory_space<semaphore_mem>>)
          %dma_wait3A = arith.constant 0 : i32
          %dma_wait3A_128 = tpu.memref_slice %arg7[%run_scoped3A_66, %dma_wait3A] : memref<1x128xi32, #tpu.memory_space<vmem>> -> memref<1x128xi32, #tpu.memory_space<vmem>>
          %dma_wait3A_129 = tpu.memref_squeeze %dma_wait3A_128 : memref<1x128xi32, #tpu.memory_space<vmem>> -> memref<128xi32, #tpu.memory_space<vmem>>
          %dma_wait3A_130 = arith.constant 0 : i32
          %dma_wait3A_131 = tpu.memref_slice %arg17[%dma_wait3A_130] : memref<41472xf32, #tpu.memory_space<vmem_shared>> -> memref<41472xf32, #tpu.memory_space<vmem_shared>>
          tpu.wait_indirect_dma semaphore(%run_scoped3A_123 : memref<!tpu.dma_semaphore, #tpu.memory_space<semaphore_mem>>) src(%dma_wait3A_131 : memref<41472xf32, #tpu.memory_space<vmem_shared>>) dst(%arg10 : memref<128xf32, #tpu.memory_space<vmem>>)
          tpu.yield
        }) : () -> ()
        %run_scoped3A_67 = arith.constant 6 : i32
        "tpu.region"() ({
          %run_scoped3A_123 = tpu.sem_alloc : memref<!tpu.dma_semaphore, #tpu.memory_space<semaphore_mem>>
          %dma_start3A = tpu.memref_slice %arg5[%arg0, %run_scoped3A_67, %multiple_of3A] : memref<2x34x286720xf32, #tpu.memory_space<hbm>> -> memref<1x1x128xf32, #tpu.memory_space<hbm>>
          %dma_start3A_124 = tpu.memref_squeeze %dma_start3A : memref<1x1x128xf32, #tpu.memory_space<hbm>> -> memref<128xf32, #tpu.memory_space<hbm>>
          %dma_start3A_125 = tpu.memref_slice %arg5[%arg0, %run_scoped3A_67, %multiple_of3A] : memref<2x34x286720xf32, #tpu.memory_space<hbm>> -> memref<1x1x128xf32, #tpu.memory_space<hbm>>
          %dma_start3A_126 = tpu.memref_squeeze %dma_start3A_125 : memref<1x1x128xf32, #tpu.memory_space<hbm>> -> memref<128xf32, #tpu.memory_space<hbm>>
          tpu.enqueue_dma source(%arg10 : memref<128xf32, #tpu.memory_space<vmem>>) target(%dma_start3A_126 : memref<128xf32, #tpu.memory_space<hbm>>) target_semaphore(%run_scoped3A_123 : memref<!tpu.dma_semaphore, #tpu.memory_space<semaphore_mem>>)
          %dma_wait3A = tpu.memref_slice %arg5[%arg0, %run_scoped3A_67, %multiple_of3A] : memref<2x34x286720xf32, #tpu.memory_space<hbm>> -> memref<1x1x128xf32, #tpu.memory_space<hbm>>
          %dma_wait3A_127 = tpu.memref_squeeze %dma_wait3A : memref<1x1x128xf32, #tpu.memory_space<hbm>> -> memref<128xf32, #tpu.memory_space<hbm>>
          %dma_wait3A_128 = tpu.memref_slice %arg5[%arg0, %run_scoped3A_67, %multiple_of3A] : memref<2x34x286720xf32, #tpu.memory_space<hbm>> -> memref<1x1x128xf32, #tpu.memory_space<hbm>>
          %dma_wait3A_129 = tpu.memref_squeeze %dma_wait3A_128 : memref<1x1x128xf32, #tpu.memory_space<hbm>> -> memref<128xf32, #tpu.memory_space<hbm>>
          tpu.wait_dma2 semaphore(%run_scoped3A_123 : memref<!tpu.dma_semaphore, #tpu.memory_space<semaphore_mem>>) src(%arg10 : memref<128xf32, #tpu.memory_space<vmem>>) dst(%dma_wait3A_129 : memref<128xf32, #tpu.memory_space<hbm>>)
          tpu.yield
        }) : () -> ()
        %run_scoped3A_68 = arith.constant 0 : i32
        "tpu.region"() ({
          %run_scoped3A_123 = tpu.sem_alloc : memref<!tpu.dma_semaphore, #tpu.memory_space<semaphore_mem>>
          %dma_start3A = arith.constant 0 : i32
          %dma_start3A_124 = tpu.memref_slice %arg7[%run_scoped3A_68, %dma_start3A] : memref<1x128xi32, #tpu.memory_space<vmem>> -> memref<1x128xi32, #tpu.memory_space<vmem>>
          %dma_start3A_125 = tpu.memref_squeeze %dma_start3A_124 : memref<1x128xi32, #tpu.memory_space<vmem>> -> memref<128xi32, #tpu.memory_space<vmem>>
          %dma_start3A_126 = arith.constant 0 : i32
          %dma_start3A_127 = tpu.memref_slice %arg18[%dma_start3A_126] : memref<41472xf32, #tpu.memory_space<vmem_shared>> -> memref<41472xf32, #tpu.memory_space<vmem_shared>>
          tpu.enqueue_indirect_dma source(%dma_start3A_127 : memref<41472xf32, #tpu.memory_space<vmem_shared>>) target(%arg10 : memref<128xf32, #tpu.memory_space<vmem>>) offsets(%dma_start3A_125 : memref<128xi32, #tpu.memory_space<vmem>>) semaphore(%run_scoped3A_123 : memref<!tpu.dma_semaphore, #tpu.memory_space<semaphore_mem>>)
          %dma_wait3A = arith.constant 0 : i32
          %dma_wait3A_128 = tpu.memref_slice %arg7[%run_scoped3A_68, %dma_wait3A] : memref<1x128xi32, #tpu.memory_space<vmem>> -> memref<1x128xi32, #tpu.memory_space<vmem>>
          %dma_wait3A_129 = tpu.memref_squeeze %dma_wait3A_128 : memref<1x128xi32, #tpu.memory_space<vmem>> -> memref<128xi32, #tpu.memory_space<vmem>>
          %dma_wait3A_130 = arith.constant 0 : i32
          %dma_wait3A_131 = tpu.memref_slice %arg18[%dma_wait3A_130] : memref<41472xf32, #tpu.memory_space<vmem_shared>> -> memref<41472xf32, #tpu.memory_space<vmem_shared>>
          tpu.wait_indirect_dma semaphore(%run_scoped3A_123 : memref<!tpu.dma_semaphore, #tpu.memory_space<semaphore_mem>>) src(%dma_wait3A_131 : memref<41472xf32, #tpu.memory_space<vmem_shared>>) dst(%arg10 : memref<128xf32, #tpu.memory_space<vmem>>)
          tpu.yield
        }) : () -> ()
        %run_scoped3A_69 = arith.constant 7 : i32
        "tpu.region"() ({
          %run_scoped3A_123 = tpu.sem_alloc : memref<!tpu.dma_semaphore, #tpu.memory_space<semaphore_mem>>
          %dma_start3A = tpu.memref_slice %arg5[%arg0, %run_scoped3A_69, %multiple_of3A] : memref<2x34x286720xf32, #tpu.memory_space<hbm>> -> memref<1x1x128xf32, #tpu.memory_space<hbm>>
          %dma_start3A_124 = tpu.memref_squeeze %dma_start3A : memref<1x1x128xf32, #tpu.memory_space<hbm>> -> memref<128xf32, #tpu.memory_space<hbm>>
          %dma_start3A_125 = tpu.memref_slice %arg5[%arg0, %run_scoped3A_69, %multiple_of3A] : memref<2x34x286720xf32, #tpu.memory_space<hbm>> -> memref<1x1x128xf32, #tpu.memory_space<hbm>>
          %dma_start3A_126 = tpu.memref_squeeze %dma_start3A_125 : memref<1x1x128xf32, #tpu.memory_space<hbm>> -> memref<128xf32, #tpu.memory_space<hbm>>
          tpu.enqueue_dma source(%arg10 : memref<128xf32, #tpu.memory_space<vmem>>) target(%dma_start3A_126 : memref<128xf32, #tpu.memory_space<hbm>>) target_semaphore(%run_scoped3A_123 : memref<!tpu.dma_semaphore, #tpu.memory_space<semaphore_mem>>)
          %dma_wait3A = tpu.memref_slice %arg5[%arg0, %run_scoped3A_69, %multiple_of3A] : memref<2x34x286720xf32, #tpu.memory_space<hbm>> -> memref<1x1x128xf32, #tpu.memory_space<hbm>>
          %dma_wait3A_127 = tpu.memref_squeeze %dma_wait3A : memref<1x1x128xf32, #tpu.memory_space<hbm>> -> memref<128xf32, #tpu.memory_space<hbm>>
          %dma_wait3A_128 = tpu.memref_slice %arg5[%arg0, %run_scoped3A_69, %multiple_of3A] : memref<2x34x286720xf32, #tpu.memory_space<hbm>> -> memref<1x1x128xf32, #tpu.memory_space<hbm>>
          %dma_wait3A_129 = tpu.memref_squeeze %dma_wait3A_128 : memref<1x1x128xf32, #tpu.memory_space<hbm>> -> memref<128xf32, #tpu.memory_space<hbm>>
          tpu.wait_dma2 semaphore(%run_scoped3A_123 : memref<!tpu.dma_semaphore, #tpu.memory_space<semaphore_mem>>) src(%arg10 : memref<128xf32, #tpu.memory_space<vmem>>) dst(%dma_wait3A_129 : memref<128xf32, #tpu.memory_space<hbm>>)
          tpu.yield
        }) : () -> ()
        %run_scoped3A_70 = arith.constant 0 : i32
        "tpu.region"() ({
          %run_scoped3A_123 = tpu.sem_alloc : memref<!tpu.dma_semaphore, #tpu.memory_space<semaphore_mem>>
          %dma_start3A = arith.constant 0 : i32
          %dma_start3A_124 = tpu.memref_slice %arg7[%run_scoped3A_70, %dma_start3A] : memref<1x128xi32, #tpu.memory_space<vmem>> -> memref<1x128xi32, #tpu.memory_space<vmem>>
          %dma_start3A_125 = tpu.memref_squeeze %dma_start3A_124 : memref<1x128xi32, #tpu.memory_space<vmem>> -> memref<128xi32, #tpu.memory_space<vmem>>
          %dma_start3A_126 = arith.constant 0 : i32
          %dma_start3A_127 = tpu.memref_slice %arg19[%dma_start3A_126] : memref<41472xf32, #tpu.memory_space<vmem_shared>> -> memref<41472xf32, #tpu.memory_space<vmem_shared>>
          tpu.enqueue_indirect_dma source(%dma_start3A_127 : memref<41472xf32, #tpu.memory_space<vmem_shared>>) target(%arg10 : memref<128xf32, #tpu.memory_space<vmem>>) offsets(%dma_start3A_125 : memref<128xi32, #tpu.memory_space<vmem>>) semaphore(%run_scoped3A_123 : memref<!tpu.dma_semaphore, #tpu.memory_space<semaphore_mem>>)
          %dma_wait3A = arith.constant 0 : i32
          %dma_wait3A_128 = tpu.memref_slice %arg7[%run_scoped3A_70, %dma_wait3A] : memref<1x128xi32, #tpu.memory_space<vmem>> -> memref<1x128xi32, #tpu.memory_space<vmem>>
          %dma_wait3A_129 = tpu.memref_squeeze %dma_wait3A_128 : memref<1x128xi32, #tpu.memory_space<vmem>> -> memref<128xi32, #tpu.memory_space<vmem>>
          %dma_wait3A_130 = arith.constant 0 : i32
          %dma_wait3A_131 = tpu.memref_slice %arg19[%dma_wait3A_130] : memref<41472xf32, #tpu.memory_space<vmem_shared>> -> memref<41472xf32, #tpu.memory_space<vmem_shared>>
          tpu.wait_indirect_dma semaphore(%run_scoped3A_123 : memref<!tpu.dma_semaphore, #tpu.memory_space<semaphore_mem>>) src(%dma_wait3A_131 : memref<41472xf32, #tpu.memory_space<vmem_shared>>) dst(%arg10 : memref<128xf32, #tpu.memory_space<vmem>>)
          tpu.yield
        }) : () -> ()
        %run_scoped3A_71 = arith.constant 8 : i32
        "tpu.region"() ({
          %run_scoped3A_123 = tpu.sem_alloc : memref<!tpu.dma_semaphore, #tpu.memory_space<semaphore_mem>>
          %dma_start3A = tpu.memref_slice %arg5[%arg0, %run_scoped3A_71, %multiple_of3A] : memref<2x34x286720xf32, #tpu.memory_space<hbm>> -> memref<1x1x128xf32, #tpu.memory_space<hbm>>
          %dma_start3A_124 = tpu.memref_squeeze %dma_start3A : memref<1x1x128xf32, #tpu.memory_space<hbm>> -> memref<128xf32, #tpu.memory_space<hbm>>
          %dma_start3A_125 = tpu.memref_slice %arg5[%arg0, %run_scoped3A_71, %multiple_of3A] : memref<2x34x286720xf32, #tpu.memory_space<hbm>> -> memref<1x1x128xf32, #tpu.memory_space<hbm>>
          %dma_start3A_126 = tpu.memref_squeeze %dma_start3A_125 : memref<1x1x128xf32, #tpu.memory_space<hbm>> -> memref<128xf32, #tpu.memory_space<hbm>>
          tpu.enqueue_dma source(%arg10 : memref<128xf32, #tpu.memory_space<vmem>>) target(%dma_start3A_126 : memref<128xf32, #tpu.memory_space<hbm>>) target_semaphore(%run_scoped3A_123 : memref<!tpu.dma_semaphore, #tpu.memory_space<semaphore_mem>>)
          %dma_wait3A = tpu.memref_slice %arg5[%arg0, %run_scoped3A_71, %multiple_of3A] : memref<2x34x286720xf32, #tpu.memory_space<hbm>> -> memref<1x1x128xf32, #tpu.memory_space<hbm>>
          %dma_wait3A_127 = tpu.memref_squeeze %dma_wait3A : memref<1x1x128xf32, #tpu.memory_space<hbm>> -> memref<128xf32, #tpu.memory_space<hbm>>
          %dma_wait3A_128 = tpu.memref_slice %arg5[%arg0, %run_scoped3A_71, %multiple_of3A] : memref<2x34x286720xf32, #tpu.memory_space<hbm>> -> memref<1x1x128xf32, #tpu.memory_space<hbm>>
          %dma_wait3A_129 = tpu.memref_squeeze %dma_wait3A_128 : memref<1x1x128xf32, #tpu.memory_space<hbm>> -> memref<128xf32, #tpu.memory_space<hbm>>
          tpu.wait_dma2 semaphore(%run_scoped3A_123 : memref<!tpu.dma_semaphore, #tpu.memory_space<semaphore_mem>>) src(%arg10 : memref<128xf32, #tpu.memory_space<vmem>>) dst(%dma_wait3A_129 : memref<128xf32, #tpu.memory_space<hbm>>)
          tpu.yield
        }) : () -> ()
        %run_scoped3A_72 = arith.constant 0 : i32
        "tpu.region"() ({
          %run_scoped3A_123 = tpu.sem_alloc : memref<!tpu.dma_semaphore, #tpu.memory_space<semaphore_mem>>
          %dma_start3A = arith.constant 0 : i32
          %dma_start3A_124 = tpu.memref_slice %arg7[%run_scoped3A_72, %dma_start3A] : memref<1x128xi32, #tpu.memory_space<vmem>> -> memref<1x128xi32, #tpu.memory_space<vmem>>
          %dma_start3A_125 = tpu.memref_squeeze %dma_start3A_124 : memref<1x128xi32, #tpu.memory_space<vmem>> -> memref<128xi32, #tpu.memory_space<vmem>>
          %dma_start3A_126 = arith.constant 0 : i32
          %dma_start3A_127 = tpu.memref_slice %arg20[%dma_start3A_126] : memref<41472xf32, #tpu.memory_space<vmem_shared>> -> memref<41472xf32, #tpu.memory_space<vmem_shared>>
          tpu.enqueue_indirect_dma source(%dma_start3A_127 : memref<41472xf32, #tpu.memory_space<vmem_shared>>) target(%arg10 : memref<128xf32, #tpu.memory_space<vmem>>) offsets(%dma_start3A_125 : memref<128xi32, #tpu.memory_space<vmem>>) semaphore(%run_scoped3A_123 : memref<!tpu.dma_semaphore, #tpu.memory_space<semaphore_mem>>)
          %dma_wait3A = arith.constant 0 : i32
          %dma_wait3A_128 = tpu.memref_slice %arg7[%run_scoped3A_72, %dma_wait3A] : memref<1x128xi32, #tpu.memory_space<vmem>> -> memref<1x128xi32, #tpu.memory_space<vmem>>
          %dma_wait3A_129 = tpu.memref_squeeze %dma_wait3A_128 : memref<1x128xi32, #tpu.memory_space<vmem>> -> memref<128xi32, #tpu.memory_space<vmem>>
          %dma_wait3A_130 = arith.constant 0 : i32
          %dma_wait3A_131 = tpu.memref_slice %arg20[%dma_wait3A_130] : memref<41472xf32, #tpu.memory_space<vmem_shared>> -> memref<41472xf32, #tpu.memory_space<vmem_shared>>
          tpu.wait_indirect_dma semaphore(%run_scoped3A_123 : memref<!tpu.dma_semaphore, #tpu.memory_space<semaphore_mem>>) src(%dma_wait3A_131 : memref<41472xf32, #tpu.memory_space<vmem_shared>>) dst(%arg10 : memref<128xf32, #tpu.memory_space<vmem>>)
          tpu.yield
        }) : () -> ()
        %run_scoped3A_73 = arith.constant 9 : i32
        "tpu.region"() ({
          %run_scoped3A_123 = tpu.sem_alloc : memref<!tpu.dma_semaphore, #tpu.memory_space<semaphore_mem>>
          %dma_start3A = tpu.memref_slice %arg5[%arg0, %run_scoped3A_73, %multiple_of3A] : memref<2x34x286720xf32, #tpu.memory_space<hbm>> -> memref<1x1x128xf32, #tpu.memory_space<hbm>>
          %dma_start3A_124 = tpu.memref_squeeze %dma_start3A : memref<1x1x128xf32, #tpu.memory_space<hbm>> -> memref<128xf32, #tpu.memory_space<hbm>>
          %dma_start3A_125 = tpu.memref_slice %arg5[%arg0, %run_scoped3A_73, %multiple_of3A] : memref<2x34x286720xf32, #tpu.memory_space<hbm>> -> memref<1x1x128xf32, #tpu.memory_space<hbm>>
          %dma_start3A_126 = tpu.memref_squeeze %dma_start3A_125 : memref<1x1x128xf32, #tpu.memory_space<hbm>> -> memref<128xf32, #tpu.memory_space<hbm>>
          tpu.enqueue_dma source(%arg10 : memref<128xf32, #tpu.memory_space<vmem>>) target(%dma_start3A_126 : memref<128xf32, #tpu.memory_space<hbm>>) target_semaphore(%run_scoped3A_123 : memref<!tpu.dma_semaphore, #tpu.memory_space<semaphore_mem>>)
          %dma_wait3A = tpu.memref_slice %arg5[%arg0, %run_scoped3A_73, %multiple_of3A] : memref<2x34x286720xf32, #tpu.memory_space<hbm>> -> memref<1x1x128xf32, #tpu.memory_space<hbm>>
          %dma_wait3A_127 = tpu.memref_squeeze %dma_wait3A : memref<1x1x128xf32, #tpu.memory_space<hbm>> -> memref<128xf32, #tpu.memory_space<hbm>>
          %dma_wait3A_128 = tpu.memref_slice %arg5[%arg0, %run_scoped3A_73, %multiple_of3A] : memref<2x34x286720xf32, #tpu.memory_space<hbm>> -> memref<1x1x128xf32, #tpu.memory_space<hbm>>
          %dma_wait3A_129 = tpu.memref_squeeze %dma_wait3A_128 : memref<1x1x128xf32, #tpu.memory_space<hbm>> -> memref<128xf32, #tpu.memory_space<hbm>>
          tpu.wait_dma2 semaphore(%run_scoped3A_123 : memref<!tpu.dma_semaphore, #tpu.memory_space<semaphore_mem>>) src(%arg10 : memref<128xf32, #tpu.memory_space<vmem>>) dst(%dma_wait3A_129 : memref<128xf32, #tpu.memory_space<hbm>>)
          tpu.yield
        }) : () -> ()
        %run_scoped3A_74 = arith.constant 0 : i32
        "tpu.region"() ({
          %run_scoped3A_123 = tpu.sem_alloc : memref<!tpu.dma_semaphore, #tpu.memory_space<semaphore_mem>>
          %dma_start3A = arith.constant 0 : i32
          %dma_start3A_124 = tpu.memref_slice %arg7[%run_scoped3A_74, %dma_start3A] : memref<1x128xi32, #tpu.memory_space<vmem>> -> memref<1x128xi32, #tpu.memory_space<vmem>>
          %dma_start3A_125 = tpu.memref_squeeze %dma_start3A_124 : memref<1x128xi32, #tpu.memory_space<vmem>> -> memref<128xi32, #tpu.memory_space<vmem>>
          %dma_start3A_126 = arith.constant 0 : i32
          %dma_start3A_127 = tpu.memref_slice %arg21[%dma_start3A_126] : memref<41472xf32, #tpu.memory_space<vmem_shared>> -> memref<41472xf32, #tpu.memory_space<vmem_shared>>
          tpu.enqueue_indirect_dma source(%dma_start3A_127 : memref<41472xf32, #tpu.memory_space<vmem_shared>>) target(%arg10 : memref<128xf32, #tpu.memory_space<vmem>>) offsets(%dma_start3A_125 : memref<128xi32, #tpu.memory_space<vmem>>) semaphore(%run_scoped3A_123 : memref<!tpu.dma_semaphore, #tpu.memory_space<semaphore_mem>>)
          %dma_wait3A = arith.constant 0 : i32
          %dma_wait3A_128 = tpu.memref_slice %arg7[%run_scoped3A_74, %dma_wait3A] : memref<1x128xi32, #tpu.memory_space<vmem>> -> memref<1x128xi32, #tpu.memory_space<vmem>>
          %dma_wait3A_129 = tpu.memref_squeeze %dma_wait3A_128 : memref<1x128xi32, #tpu.memory_space<vmem>> -> memref<128xi32, #tpu.memory_space<vmem>>
          %dma_wait3A_130 = arith.constant 0 : i32
          %dma_wait3A_131 = tpu.memref_slice %arg21[%dma_wait3A_130] : memref<41472xf32, #tpu.memory_space<vmem_shared>> -> memref<41472xf32, #tpu.memory_space<vmem_shared>>
          tpu.wait_indirect_dma semaphore(%run_scoped3A_123 : memref<!tpu.dma_semaphore, #tpu.memory_space<semaphore_mem>>) src(%dma_wait3A_131 : memref<41472xf32, #tpu.memory_space<vmem_shared>>) dst(%arg10 : memref<128xf32, #tpu.memory_space<vmem>>)
          tpu.yield
        }) : () -> ()
        %run_scoped3A_75 = arith.constant 10 : i32
        "tpu.region"() ({
          %run_scoped3A_123 = tpu.sem_alloc : memref<!tpu.dma_semaphore, #tpu.memory_space<semaphore_mem>>
          %dma_start3A = tpu.memref_slice %arg5[%arg0, %run_scoped3A_75, %multiple_of3A] : memref<2x34x286720xf32, #tpu.memory_space<hbm>> -> memref<1x1x128xf32, #tpu.memory_space<hbm>>
          %dma_start3A_124 = tpu.memref_squeeze %dma_start3A : memref<1x1x128xf32, #tpu.memory_space<hbm>> -> memref<128xf32, #tpu.memory_space<hbm>>
          %dma_start3A_125 = tpu.memref_slice %arg5[%arg0, %run_scoped3A_75, %multiple_of3A] : memref<2x34x286720xf32, #tpu.memory_space<hbm>> -> memref<1x1x128xf32, #tpu.memory_space<hbm>>
          %dma_start3A_126 = tpu.memref_squeeze %dma_start3A_125 : memref<1x1x128xf32, #tpu.memory_space<hbm>> -> memref<128xf32, #tpu.memory_space<hbm>>
          tpu.enqueue_dma source(%arg10 : memref<128xf32, #tpu.memory_space<vmem>>) target(%dma_start3A_126 : memref<128xf32, #tpu.memory_space<hbm>>) target_semaphore(%run_scoped3A_123 : memref<!tpu.dma_semaphore, #tpu.memory_space<semaphore_mem>>)
          %dma_wait3A = tpu.memref_slice %arg5[%arg0, %run_scoped3A_75, %multiple_of3A] : memref<2x34x286720xf32, #tpu.memory_space<hbm>> -> memref<1x1x128xf32, #tpu.memory_space<hbm>>
          %dma_wait3A_127 = tpu.memref_squeeze %dma_wait3A : memref<1x1x128xf32, #tpu.memory_space<hbm>> -> memref<128xf32, #tpu.memory_space<hbm>>
          %dma_wait3A_128 = tpu.memref_slice %arg5[%arg0, %run_scoped3A_75, %multiple_of3A] : memref<2x34x286720xf32, #tpu.memory_space<hbm>> -> memref<1x1x128xf32, #tpu.memory_space<hbm>>
          %dma_wait3A_129 = tpu.memref_squeeze %dma_wait3A_128 : memref<1x1x128xf32, #tpu.memory_space<hbm>> -> memref<128xf32, #tpu.memory_space<hbm>>
          tpu.wait_dma2 semaphore(%run_scoped3A_123 : memref<!tpu.dma_semaphore, #tpu.memory_space<semaphore_mem>>) src(%arg10 : memref<128xf32, #tpu.memory_space<vmem>>) dst(%dma_wait3A_129 : memref<128xf32, #tpu.memory_space<hbm>>)
          tpu.yield
        }) : () -> ()
        %run_scoped3A_76 = arith.constant 0 : i32
        "tpu.region"() ({
          %run_scoped3A_123 = tpu.sem_alloc : memref<!tpu.dma_semaphore, #tpu.memory_space<semaphore_mem>>
          %dma_start3A = arith.constant 0 : i32
          %dma_start3A_124 = tpu.memref_slice %arg7[%run_scoped3A_76, %dma_start3A] : memref<1x128xi32, #tpu.memory_space<vmem>> -> memref<1x128xi32, #tpu.memory_space<vmem>>
          %dma_start3A_125 = tpu.memref_squeeze %dma_start3A_124 : memref<1x128xi32, #tpu.memory_space<vmem>> -> memref<128xi32, #tpu.memory_space<vmem>>
          %dma_start3A_126 = arith.constant 0 : i32
          %dma_start3A_127 = tpu.memref_slice %arg22[%dma_start3A_126] : memref<41472xf32, #tpu.memory_space<vmem_shared>> -> memref<41472xf32, #tpu.memory_space<vmem_shared>>
          tpu.enqueue_indirect_dma source(%dma_start3A_127 : memref<41472xf32, #tpu.memory_space<vmem_shared>>) target(%arg10 : memref<128xf32, #tpu.memory_space<vmem>>) offsets(%dma_start3A_125 : memref<128xi32, #tpu.memory_space<vmem>>) semaphore(%run_scoped3A_123 : memref<!tpu.dma_semaphore, #tpu.memory_space<semaphore_mem>>)
          %dma_wait3A = arith.constant 0 : i32
          %dma_wait3A_128 = tpu.memref_slice %arg7[%run_scoped3A_76, %dma_wait3A] : memref<1x128xi32, #tpu.memory_space<vmem>> -> memref<1x128xi32, #tpu.memory_space<vmem>>
          %dma_wait3A_129 = tpu.memref_squeeze %dma_wait3A_128 : memref<1x128xi32, #tpu.memory_space<vmem>> -> memref<128xi32, #tpu.memory_space<vmem>>
          %dma_wait3A_130 = arith.constant 0 : i32
          %dma_wait3A_131 = tpu.memref_slice %arg22[%dma_wait3A_130] : memref<41472xf32, #tpu.memory_space<vmem_shared>> -> memref<41472xf32, #tpu.memory_space<vmem_shared>>
          tpu.wait_indirect_dma semaphore(%run_scoped3A_123 : memref<!tpu.dma_semaphore, #tpu.memory_space<semaphore_mem>>) src(%dma_wait3A_131 : memref<41472xf32, #tpu.memory_space<vmem_shared>>) dst(%arg10 : memref<128xf32, #tpu.memory_space<vmem>>)
          tpu.yield
        }) : () -> ()
        %run_scoped3A_77 = arith.constant 11 : i32
        "tpu.region"() ({
          %run_scoped3A_123 = tpu.sem_alloc : memref<!tpu.dma_semaphore, #tpu.memory_space<semaphore_mem>>
          %dma_start3A = tpu.memref_slice %arg5[%arg0, %run_scoped3A_77, %multiple_of3A] : memref<2x34x286720xf32, #tpu.memory_space<hbm>> -> memref<1x1x128xf32, #tpu.memory_space<hbm>>
          %dma_start3A_124 = tpu.memref_squeeze %dma_start3A : memref<1x1x128xf32, #tpu.memory_space<hbm>> -> memref<128xf32, #tpu.memory_space<hbm>>
          %dma_start3A_125 = tpu.memref_slice %arg5[%arg0, %run_scoped3A_77, %multiple_of3A] : memref<2x34x286720xf32, #tpu.memory_space<hbm>> -> memref<1x1x128xf32, #tpu.memory_space<hbm>>
          %dma_start3A_126 = tpu.memref_squeeze %dma_start3A_125 : memref<1x1x128xf32, #tpu.memory_space<hbm>> -> memref<128xf32, #tpu.memory_space<hbm>>
          tpu.enqueue_dma source(%arg10 : memref<128xf32, #tpu.memory_space<vmem>>) target(%dma_start3A_126 : memref<128xf32, #tpu.memory_space<hbm>>) target_semaphore(%run_scoped3A_123 : memref<!tpu.dma_semaphore, #tpu.memory_space<semaphore_mem>>)
          %dma_wait3A = tpu.memref_slice %arg5[%arg0, %run_scoped3A_77, %multiple_of3A] : memref<2x34x286720xf32, #tpu.memory_space<hbm>> -> memref<1x1x128xf32, #tpu.memory_space<hbm>>
          %dma_wait3A_127 = tpu.memref_squeeze %dma_wait3A : memref<1x1x128xf32, #tpu.memory_space<hbm>> -> memref<128xf32, #tpu.memory_space<hbm>>
          %dma_wait3A_128 = tpu.memref_slice %arg5[%arg0, %run_scoped3A_77, %multiple_of3A] : memref<2x34x286720xf32, #tpu.memory_space<hbm>> -> memref<1x1x128xf32, #tpu.memory_space<hbm>>
          %dma_wait3A_129 = tpu.memref_squeeze %dma_wait3A_128 : memref<1x1x128xf32, #tpu.memory_space<hbm>> -> memref<128xf32, #tpu.memory_space<hbm>>
          tpu.wait_dma2 semaphore(%run_scoped3A_123 : memref<!tpu.dma_semaphore, #tpu.memory_space<semaphore_mem>>) src(%arg10 : memref<128xf32, #tpu.memory_space<vmem>>) dst(%dma_wait3A_129 : memref<128xf32, #tpu.memory_space<hbm>>)
          tpu.yield
        }) : () -> ()
        %run_scoped3A_78 = arith.constant 0 : i32
        "tpu.region"() ({
          %run_scoped3A_123 = tpu.sem_alloc : memref<!tpu.dma_semaphore, #tpu.memory_space<semaphore_mem>>
          %dma_start3A = arith.constant 0 : i32
          %dma_start3A_124 = tpu.memref_slice %arg7[%run_scoped3A_78, %dma_start3A] : memref<1x128xi32, #tpu.memory_space<vmem>> -> memref<1x128xi32, #tpu.memory_space<vmem>>
          %dma_start3A_125 = tpu.memref_squeeze %dma_start3A_124 : memref<1x128xi32, #tpu.memory_space<vmem>> -> memref<128xi32, #tpu.memory_space<vmem>>
          %dma_start3A_126 = arith.constant 0 : i32
          %dma_start3A_127 = tpu.memref_slice %arg23[%dma_start3A_126] : memref<41472xf32, #tpu.memory_space<vmem_shared>> -> memref<41472xf32, #tpu.memory_space<vmem_shared>>
          tpu.enqueue_indirect_dma source(%dma_start3A_127 : memref<41472xf32, #tpu.memory_space<vmem_shared>>) target(%arg10 : memref<128xf32, #tpu.memory_space<vmem>>) offsets(%dma_start3A_125 : memref<128xi32, #tpu.memory_space<vmem>>) semaphore(%run_scoped3A_123 : memref<!tpu.dma_semaphore, #tpu.memory_space<semaphore_mem>>)
          %dma_wait3A = arith.constant 0 : i32
          %dma_wait3A_128 = tpu.memref_slice %arg7[%run_scoped3A_78, %dma_wait3A] : memref<1x128xi32, #tpu.memory_space<vmem>> -> memref<1x128xi32, #tpu.memory_space<vmem>>
          %dma_wait3A_129 = tpu.memref_squeeze %dma_wait3A_128 : memref<1x128xi32, #tpu.memory_space<vmem>> -> memref<128xi32, #tpu.memory_space<vmem>>
          %dma_wait3A_130 = arith.constant 0 : i32
          %dma_wait3A_131 = tpu.memref_slice %arg23[%dma_wait3A_130] : memref<41472xf32, #tpu.memory_space<vmem_shared>> -> memref<41472xf32, #tpu.memory_space<vmem_shared>>
          tpu.wait_indirect_dma semaphore(%run_scoped3A_123 : memref<!tpu.dma_semaphore, #tpu.memory_space<semaphore_mem>>) src(%dma_wait3A_131 : memref<41472xf32, #tpu.memory_space<vmem_shared>>) dst(%arg10 : memref<128xf32, #tpu.memory_space<vmem>>)
          tpu.yield
        }) : () -> ()
        %run_scoped3A_79 = arith.constant 12 : i32
        "tpu.region"() ({
          %run_scoped3A_123 = tpu.sem_alloc : memref<!tpu.dma_semaphore, #tpu.memory_space<semaphore_mem>>
          %dma_start3A = tpu.memref_slice %arg5[%arg0, %run_scoped3A_79, %multiple_of3A] : memref<2x34x286720xf32, #tpu.memory_space<hbm>> -> memref<1x1x128xf32, #tpu.memory_space<hbm>>
          %dma_start3A_124 = tpu.memref_squeeze %dma_start3A : memref<1x1x128xf32, #tpu.memory_space<hbm>> -> memref<128xf32, #tpu.memory_space<hbm>>
          %dma_start3A_125 = tpu.memref_slice %arg5[%arg0, %run_scoped3A_79, %multiple_of3A] : memref<2x34x286720xf32, #tpu.memory_space<hbm>> -> memref<1x1x128xf32, #tpu.memory_space<hbm>>
          %dma_start3A_126 = tpu.memref_squeeze %dma_start3A_125 : memref<1x1x128xf32, #tpu.memory_space<hbm>> -> memref<128xf32, #tpu.memory_space<hbm>>
          tpu.enqueue_dma source(%arg10 : memref<128xf32, #tpu.memory_space<vmem>>) target(%dma_start3A_126 : memref<128xf32, #tpu.memory_space<hbm>>) target_semaphore(%run_scoped3A_123 : memref<!tpu.dma_semaphore, #tpu.memory_space<semaphore_mem>>)
          %dma_wait3A = tpu.memref_slice %arg5[%arg0, %run_scoped3A_79, %multiple_of3A] : memref<2x34x286720xf32, #tpu.memory_space<hbm>> -> memref<1x1x128xf32, #tpu.memory_space<hbm>>
          %dma_wait3A_127 = tpu.memref_squeeze %dma_wait3A : memref<1x1x128xf32, #tpu.memory_space<hbm>> -> memref<128xf32, #tpu.memory_space<hbm>>
          %dma_wait3A_128 = tpu.memref_slice %arg5[%arg0, %run_scoped3A_79, %multiple_of3A] : memref<2x34x286720xf32, #tpu.memory_space<hbm>> -> memref<1x1x128xf32, #tpu.memory_space<hbm>>
          %dma_wait3A_129 = tpu.memref_squeeze %dma_wait3A_128 : memref<1x1x128xf32, #tpu.memory_space<hbm>> -> memref<128xf32, #tpu.memory_space<hbm>>
          tpu.wait_dma2 semaphore(%run_scoped3A_123 : memref<!tpu.dma_semaphore, #tpu.memory_space<semaphore_mem>>) src(%arg10 : memref<128xf32, #tpu.memory_space<vmem>>) dst(%dma_wait3A_129 : memref<128xf32, #tpu.memory_space<hbm>>)
          tpu.yield
        }) : () -> ()
        %run_scoped3A_80 = arith.constant 0 : i32
        "tpu.region"() ({
          %run_scoped3A_123 = tpu.sem_alloc : memref<!tpu.dma_semaphore, #tpu.memory_space<semaphore_mem>>
          %dma_start3A = arith.constant 0 : i32
          %dma_start3A_124 = tpu.memref_slice %arg7[%run_scoped3A_80, %dma_start3A] : memref<1x128xi32, #tpu.memory_space<vmem>> -> memref<1x128xi32, #tpu.memory_space<vmem>>
          %dma_start3A_125 = tpu.memref_squeeze %dma_start3A_124 : memref<1x128xi32, #tpu.memory_space<vmem>> -> memref<128xi32, #tpu.memory_space<vmem>>
          %dma_start3A_126 = arith.constant 0 : i32
          %dma_start3A_127 = tpu.memref_slice %arg24[%dma_start3A_126] : memref<41472xf32, #tpu.memory_space<vmem_shared>> -> memref<41472xf32, #tpu.memory_space<vmem_shared>>
          tpu.enqueue_indirect_dma source(%dma_start3A_127 : memref<41472xf32, #tpu.memory_space<vmem_shared>>) target(%arg10 : memref<128xf32, #tpu.memory_space<vmem>>) offsets(%dma_start3A_125 : memref<128xi32, #tpu.memory_space<vmem>>) semaphore(%run_scoped3A_123 : memref<!tpu.dma_semaphore, #tpu.memory_space<semaphore_mem>>)
          %dma_wait3A = arith.constant 0 : i32
          %dma_wait3A_128 = tpu.memref_slice %arg7[%run_scoped3A_80, %dma_wait3A] : memref<1x128xi32, #tpu.memory_space<vmem>> -> memref<1x128xi32, #tpu.memory_space<vmem>>
          %dma_wait3A_129 = tpu.memref_squeeze %dma_wait3A_128 : memref<1x128xi32, #tpu.memory_space<vmem>> -> memref<128xi32, #tpu.memory_space<vmem>>
          %dma_wait3A_130 = arith.constant 0 : i32
          %dma_wait3A_131 = tpu.memref_slice %arg24[%dma_wait3A_130] : memref<41472xf32, #tpu.memory_space<vmem_shared>> -> memref<41472xf32, #tpu.memory_space<vmem_shared>>
          tpu.wait_indirect_dma semaphore(%run_scoped3A_123 : memref<!tpu.dma_semaphore, #tpu.memory_space<semaphore_mem>>) src(%dma_wait3A_131 : memref<41472xf32, #tpu.memory_space<vmem_shared>>) dst(%arg10 : memref<128xf32, #tpu.memory_space<vmem>>)
          tpu.yield
        }) : () -> ()
        %run_scoped3A_81 = arith.constant 13 : i32
        "tpu.region"() ({
          %run_scoped3A_123 = tpu.sem_alloc : memref<!tpu.dma_semaphore, #tpu.memory_space<semaphore_mem>>
          %dma_start3A = tpu.memref_slice %arg5[%arg0, %run_scoped3A_81, %multiple_of3A] : memref<2x34x286720xf32, #tpu.memory_space<hbm>> -> memref<1x1x128xf32, #tpu.memory_space<hbm>>
          %dma_start3A_124 = tpu.memref_squeeze %dma_start3A : memref<1x1x128xf32, #tpu.memory_space<hbm>> -> memref<128xf32, #tpu.memory_space<hbm>>
          %dma_start3A_125 = tpu.memref_slice %arg5[%arg0, %run_scoped3A_81, %multiple_of3A] : memref<2x34x286720xf32, #tpu.memory_space<hbm>> -> memref<1x1x128xf32, #tpu.memory_space<hbm>>
          %dma_start3A_126 = tpu.memref_squeeze %dma_start3A_125 : memref<1x1x128xf32, #tpu.memory_space<hbm>> -> memref<128xf32, #tpu.memory_space<hbm>>
          tpu.enqueue_dma source(%arg10 : memref<128xf32, #tpu.memory_space<vmem>>) target(%dma_start3A_126 : memref<128xf32, #tpu.memory_space<hbm>>) target_semaphore(%run_scoped3A_123 : memref<!tpu.dma_semaphore, #tpu.memory_space<semaphore_mem>>)
          %dma_wait3A = tpu.memref_slice %arg5[%arg0, %run_scoped3A_81, %multiple_of3A] : memref<2x34x286720xf32, #tpu.memory_space<hbm>> -> memref<1x1x128xf32, #tpu.memory_space<hbm>>
          %dma_wait3A_127 = tpu.memref_squeeze %dma_wait3A : memref<1x1x128xf32, #tpu.memory_space<hbm>> -> memref<128xf32, #tpu.memory_space<hbm>>
          %dma_wait3A_128 = tpu.memref_slice %arg5[%arg0, %run_scoped3A_81, %multiple_of3A] : memref<2x34x286720xf32, #tpu.memory_space<hbm>> -> memref<1x1x128xf32, #tpu.memory_space<hbm>>
          %dma_wait3A_129 = tpu.memref_squeeze %dma_wait3A_128 : memref<1x1x128xf32, #tpu.memory_space<hbm>> -> memref<128xf32, #tpu.memory_space<hbm>>
          tpu.wait_dma2 semaphore(%run_scoped3A_123 : memref<!tpu.dma_semaphore, #tpu.memory_space<semaphore_mem>>) src(%arg10 : memref<128xf32, #tpu.memory_space<vmem>>) dst(%dma_wait3A_129 : memref<128xf32, #tpu.memory_space<hbm>>)
          tpu.yield
        }) : () -> ()
        %run_scoped3A_82 = arith.constant 0 : i32
        "tpu.region"() ({
          %run_scoped3A_123 = tpu.sem_alloc : memref<!tpu.dma_semaphore, #tpu.memory_space<semaphore_mem>>
          %dma_start3A = arith.constant 0 : i32
          %dma_start3A_124 = tpu.memref_slice %arg7[%run_scoped3A_82, %dma_start3A] : memref<1x128xi32, #tpu.memory_space<vmem>> -> memref<1x128xi32, #tpu.memory_space<vmem>>
          %dma_start3A_125 = tpu.memref_squeeze %dma_start3A_124 : memref<1x128xi32, #tpu.memory_space<vmem>> -> memref<128xi32, #tpu.memory_space<vmem>>
          %dma_start3A_126 = arith.constant 0 : i32
          %dma_start3A_127 = tpu.memref_slice %arg25[%dma_start3A_126] : memref<41472xf32, #tpu.memory_space<vmem_shared>> -> memref<41472xf32, #tpu.memory_space<vmem_shared>>
          tpu.enqueue_indirect_dma source(%dma_start3A_127 : memref<41472xf32, #tpu.memory_space<vmem_shared>>) target(%arg10 : memref<128xf32, #tpu.memory_space<vmem>>) offsets(%dma_start3A_125 : memref<128xi32, #tpu.memory_space<vmem>>) semaphore(%run_scoped3A_123 : memref<!tpu.dma_semaphore, #tpu.memory_space<semaphore_mem>>)
          %dma_wait3A = arith.constant 0 : i32
          %dma_wait3A_128 = tpu.memref_slice %arg7[%run_scoped3A_82, %dma_wait3A] : memref<1x128xi32, #tpu.memory_space<vmem>> -> memref<1x128xi32, #tpu.memory_space<vmem>>
          %dma_wait3A_129 = tpu.memref_squeeze %dma_wait3A_128 : memref<1x128xi32, #tpu.memory_space<vmem>> -> memref<128xi32, #tpu.memory_space<vmem>>
          %dma_wait3A_130 = arith.constant 0 : i32
          %dma_wait3A_131 = tpu.memref_slice %arg25[%dma_wait3A_130] : memref<41472xf32, #tpu.memory_space<vmem_shared>> -> memref<41472xf32, #tpu.memory_space<vmem_shared>>
          tpu.wait_indirect_dma semaphore(%run_scoped3A_123 : memref<!tpu.dma_semaphore, #tpu.memory_space<semaphore_mem>>) src(%dma_wait3A_131 : memref<41472xf32, #tpu.memory_space<vmem_shared>>) dst(%arg10 : memref<128xf32, #tpu.memory_space<vmem>>)
          tpu.yield
        }) : () -> ()
        %run_scoped3A_83 = arith.constant 14 : i32
        "tpu.region"() ({
          %run_scoped3A_123 = tpu.sem_alloc : memref<!tpu.dma_semaphore, #tpu.memory_space<semaphore_mem>>
          %dma_start3A = tpu.memref_slice %arg5[%arg0, %run_scoped3A_83, %multiple_of3A] : memref<2x34x286720xf32, #tpu.memory_space<hbm>> -> memref<1x1x128xf32, #tpu.memory_space<hbm>>
          %dma_start3A_124 = tpu.memref_squeeze %dma_start3A : memref<1x1x128xf32, #tpu.memory_space<hbm>> -> memref<128xf32, #tpu.memory_space<hbm>>
          %dma_start3A_125 = tpu.memref_slice %arg5[%arg0, %run_scoped3A_83, %multiple_of3A] : memref<2x34x286720xf32, #tpu.memory_space<hbm>> -> memref<1x1x128xf32, #tpu.memory_space<hbm>>
          %dma_start3A_126 = tpu.memref_squeeze %dma_start3A_125 : memref<1x1x128xf32, #tpu.memory_space<hbm>> -> memref<128xf32, #tpu.memory_space<hbm>>
          tpu.enqueue_dma source(%arg10 : memref<128xf32, #tpu.memory_space<vmem>>) target(%dma_start3A_126 : memref<128xf32, #tpu.memory_space<hbm>>) target_semaphore(%run_scoped3A_123 : memref<!tpu.dma_semaphore, #tpu.memory_space<semaphore_mem>>)
          %dma_wait3A = tpu.memref_slice %arg5[%arg0, %run_scoped3A_83, %multiple_of3A] : memref<2x34x286720xf32, #tpu.memory_space<hbm>> -> memref<1x1x128xf32, #tpu.memory_space<hbm>>
          %dma_wait3A_127 = tpu.memref_squeeze %dma_wait3A : memref<1x1x128xf32, #tpu.memory_space<hbm>> -> memref<128xf32, #tpu.memory_space<hbm>>
          %dma_wait3A_128 = tpu.memref_slice %arg5[%arg0, %run_scoped3A_83, %multiple_of3A] : memref<2x34x286720xf32, #tpu.memory_space<hbm>> -> memref<1x1x128xf32, #tpu.memory_space<hbm>>
          %dma_wait3A_129 = tpu.memref_squeeze %dma_wait3A_128 : memref<1x1x128xf32, #tpu.memory_space<hbm>> -> memref<128xf32, #tpu.memory_space<hbm>>
          tpu.wait_dma2 semaphore(%run_scoped3A_123 : memref<!tpu.dma_semaphore, #tpu.memory_space<semaphore_mem>>) src(%arg10 : memref<128xf32, #tpu.memory_space<vmem>>) dst(%dma_wait3A_129 : memref<128xf32, #tpu.memory_space<hbm>>)
          tpu.yield
        }) : () -> ()
        %run_scoped3A_84 = arith.constant 0 : i32
        "tpu.region"() ({
          %run_scoped3A_123 = tpu.sem_alloc : memref<!tpu.dma_semaphore, #tpu.memory_space<semaphore_mem>>
          %dma_start3A = arith.constant 0 : i32
          %dma_start3A_124 = tpu.memref_slice %arg7[%run_scoped3A_84, %dma_start3A] : memref<1x128xi32, #tpu.memory_space<vmem>> -> memref<1x128xi32, #tpu.memory_space<vmem>>
          %dma_start3A_125 = tpu.memref_squeeze %dma_start3A_124 : memref<1x128xi32, #tpu.memory_space<vmem>> -> memref<128xi32, #tpu.memory_space<vmem>>
          %dma_start3A_126 = arith.constant 0 : i32
          %dma_start3A_127 = tpu.memref_slice %arg26[%dma_start3A_126] : memref<41472xf32, #tpu.memory_space<vmem_shared>> -> memref<41472xf32, #tpu.memory_space<vmem_shared>>
          tpu.enqueue_indirect_dma source(%dma_start3A_127 : memref<41472xf32, #tpu.memory_space<vmem_shared>>) target(%arg10 : memref<128xf32, #tpu.memory_space<vmem>>) offsets(%dma_start3A_125 : memref<128xi32, #tpu.memory_space<vmem>>) semaphore(%run_scoped3A_123 : memref<!tpu.dma_semaphore, #tpu.memory_space<semaphore_mem>>)
          %dma_wait3A = arith.constant 0 : i32
          %dma_wait3A_128 = tpu.memref_slice %arg7[%run_scoped3A_84, %dma_wait3A] : memref<1x128xi32, #tpu.memory_space<vmem>> -> memref<1x128xi32, #tpu.memory_space<vmem>>
          %dma_wait3A_129 = tpu.memref_squeeze %dma_wait3A_128 : memref<1x128xi32, #tpu.memory_space<vmem>> -> memref<128xi32, #tpu.memory_space<vmem>>
          %dma_wait3A_130 = arith.constant 0 : i32
          %dma_wait3A_131 = tpu.memref_slice %arg26[%dma_wait3A_130] : memref<41472xf32, #tpu.memory_space<vmem_shared>> -> memref<41472xf32, #tpu.memory_space<vmem_shared>>
          tpu.wait_indirect_dma semaphore(%run_scoped3A_123 : memref<!tpu.dma_semaphore, #tpu.memory_space<semaphore_mem>>) src(%dma_wait3A_131 : memref<41472xf32, #tpu.memory_space<vmem_shared>>) dst(%arg10 : memref<128xf32, #tpu.memory_space<vmem>>)
          tpu.yield
        }) : () -> ()
        %run_scoped3A_85 = arith.constant 15 : i32
        "tpu.region"() ({
          %run_scoped3A_123 = tpu.sem_alloc : memref<!tpu.dma_semaphore, #tpu.memory_space<semaphore_mem>>
          %dma_start3A = tpu.memref_slice %arg5[%arg0, %run_scoped3A_85, %multiple_of3A] : memref<2x34x286720xf32, #tpu.memory_space<hbm>> -> memref<1x1x128xf32, #tpu.memory_space<hbm>>
          %dma_start3A_124 = tpu.memref_squeeze %dma_start3A : memref<1x1x128xf32, #tpu.memory_space<hbm>> -> memref<128xf32, #tpu.memory_space<hbm>>
          %dma_start3A_125 = tpu.memref_slice %arg5[%arg0, %run_scoped3A_85, %multiple_of3A] : memref<2x34x286720xf32, #tpu.memory_space<hbm>> -> memref<1x1x128xf32, #tpu.memory_space<hbm>>
          %dma_start3A_126 = tpu.memref_squeeze %dma_start3A_125 : memref<1x1x128xf32, #tpu.memory_space<hbm>> -> memref<128xf32, #tpu.memory_space<hbm>>
          tpu.enqueue_dma source(%arg10 : memref<128xf32, #tpu.memory_space<vmem>>) target(%dma_start3A_126 : memref<128xf32, #tpu.memory_space<hbm>>) target_semaphore(%run_scoped3A_123 : memref<!tpu.dma_semaphore, #tpu.memory_space<semaphore_mem>>)
          %dma_wait3A = tpu.memref_slice %arg5[%arg0, %run_scoped3A_85, %multiple_of3A] : memref<2x34x286720xf32, #tpu.memory_space<hbm>> -> memref<1x1x128xf32, #tpu.memory_space<hbm>>
          %dma_wait3A_127 = tpu.memref_squeeze %dma_wait3A : memref<1x1x128xf32, #tpu.memory_space<hbm>> -> memref<128xf32, #tpu.memory_space<hbm>>
          %dma_wait3A_128 = tpu.memref_slice %arg5[%arg0, %run_scoped3A_85, %multiple_of3A] : memref<2x34x286720xf32, #tpu.memory_space<hbm>> -> memref<1x1x128xf32, #tpu.memory_space<hbm>>
          %dma_wait3A_129 = tpu.memref_squeeze %dma_wait3A_128 : memref<1x1x128xf32, #tpu.memory_space<hbm>> -> memref<128xf32, #tpu.memory_space<hbm>>
          tpu.wait_dma2 semaphore(%run_scoped3A_123 : memref<!tpu.dma_semaphore, #tpu.memory_space<semaphore_mem>>) src(%arg10 : memref<128xf32, #tpu.memory_space<vmem>>) dst(%dma_wait3A_129 : memref<128xf32, #tpu.memory_space<hbm>>)
          tpu.yield
        }) : () -> ()
        %run_scoped3A_86 = arith.constant 0 : i32
        "tpu.region"() ({
          %run_scoped3A_123 = tpu.sem_alloc : memref<!tpu.dma_semaphore, #tpu.memory_space<semaphore_mem>>
          %dma_start3A = arith.constant 0 : i32
          %dma_start3A_124 = tpu.memref_slice %arg7[%run_scoped3A_86, %dma_start3A] : memref<1x128xi32, #tpu.memory_space<vmem>> -> memref<1x128xi32, #tpu.memory_space<vmem>>
          %dma_start3A_125 = tpu.memref_squeeze %dma_start3A_124 : memref<1x128xi32, #tpu.memory_space<vmem>> -> memref<128xi32, #tpu.memory_space<vmem>>
          %dma_start3A_126 = arith.constant 0 : i32
          %dma_start3A_127 = tpu.memref_slice %arg27[%dma_start3A_126] : memref<41472xf32, #tpu.memory_space<vmem_shared>> -> memref<41472xf32, #tpu.memory_space<vmem_shared>>
          tpu.enqueue_indirect_dma source(%dma_start3A_127 : memref<41472xf32, #tpu.memory_space<vmem_shared>>) target(%arg10 : memref<128xf32, #tpu.memory_space<vmem>>) offsets(%dma_start3A_125 : memref<128xi32, #tpu.memory_space<vmem>>) semaphore(%run_scoped3A_123 : memref<!tpu.dma_semaphore, #tpu.memory_space<semaphore_mem>>)
          %dma_wait3A = arith.constant 0 : i32
          %dma_wait3A_128 = tpu.memref_slice %arg7[%run_scoped3A_86, %dma_wait3A] : memref<1x128xi32, #tpu.memory_space<vmem>> -> memref<1x128xi32, #tpu.memory_space<vmem>>
          %dma_wait3A_129 = tpu.memref_squeeze %dma_wait3A_128 : memref<1x128xi32, #tpu.memory_space<vmem>> -> memref<128xi32, #tpu.memory_space<vmem>>
          %dma_wait3A_130 = arith.constant 0 : i32
          %dma_wait3A_131 = tpu.memref_slice %arg27[%dma_wait3A_130] : memref<41472xf32, #tpu.memory_space<vmem_shared>> -> memref<41472xf32, #tpu.memory_space<vmem_shared>>
          tpu.wait_indirect_dma semaphore(%run_scoped3A_123 : memref<!tpu.dma_semaphore, #tpu.memory_space<semaphore_mem>>) src(%dma_wait3A_131 : memref<41472xf32, #tpu.memory_space<vmem_shared>>) dst(%arg10 : memref<128xf32, #tpu.memory_space<vmem>>)
          tpu.yield
        }) : () -> ()
        %run_scoped3A_87 = arith.constant 16 : i32
        "tpu.region"() ({
          %run_scoped3A_123 = tpu.sem_alloc : memref<!tpu.dma_semaphore, #tpu.memory_space<semaphore_mem>>
          %dma_start3A = tpu.memref_slice %arg5[%arg0, %run_scoped3A_87, %multiple_of3A] : memref<2x34x286720xf32, #tpu.memory_space<hbm>> -> memref<1x1x128xf32, #tpu.memory_space<hbm>>
          %dma_start3A_124 = tpu.memref_squeeze %dma_start3A : memref<1x1x128xf32, #tpu.memory_space<hbm>> -> memref<128xf32, #tpu.memory_space<hbm>>
          %dma_start3A_125 = tpu.memref_slice %arg5[%arg0, %run_scoped3A_87, %multiple_of3A] : memref<2x34x286720xf32, #tpu.memory_space<hbm>> -> memref<1x1x128xf32, #tpu.memory_space<hbm>>
          %dma_start3A_126 = tpu.memref_squeeze %dma_start3A_125 : memref<1x1x128xf32, #tpu.memory_space<hbm>> -> memref<128xf32, #tpu.memory_space<hbm>>
          tpu.enqueue_dma source(%arg10 : memref<128xf32, #tpu.memory_space<vmem>>) target(%dma_start3A_126 : memref<128xf32, #tpu.memory_space<hbm>>) target_semaphore(%run_scoped3A_123 : memref<!tpu.dma_semaphore, #tpu.memory_space<semaphore_mem>>)
          %dma_wait3A = tpu.memref_slice %arg5[%arg0, %run_scoped3A_87, %multiple_of3A] : memref<2x34x286720xf32, #tpu.memory_space<hbm>> -> memref<1x1x128xf32, #tpu.memory_space<hbm>>
          %dma_wait3A_127 = tpu.memref_squeeze %dma_wait3A : memref<1x1x128xf32, #tpu.memory_space<hbm>> -> memref<128xf32, #tpu.memory_space<hbm>>
          %dma_wait3A_128 = tpu.memref_slice %arg5[%arg0, %run_scoped3A_87, %multiple_of3A] : memref<2x34x286720xf32, #tpu.memory_space<hbm>> -> memref<1x1x128xf32, #tpu.memory_space<hbm>>
          %dma_wait3A_129 = tpu.memref_squeeze %dma_wait3A_128 : memref<1x1x128xf32, #tpu.memory_space<hbm>> -> memref<128xf32, #tpu.memory_space<hbm>>
          tpu.wait_dma2 semaphore(%run_scoped3A_123 : memref<!tpu.dma_semaphore, #tpu.memory_space<semaphore_mem>>) src(%arg10 : memref<128xf32, #tpu.memory_space<vmem>>) dst(%dma_wait3A_129 : memref<128xf32, #tpu.memory_space<hbm>>)
          tpu.yield
        }) : () -> ()
        %run_scoped3A_88 = arith.constant 0 : i32
        "tpu.region"() ({
          %run_scoped3A_123 = tpu.sem_alloc : memref<!tpu.dma_semaphore, #tpu.memory_space<semaphore_mem>>
          %dma_start3A = arith.constant 0 : i32
          %dma_start3A_124 = tpu.memref_slice %arg7[%run_scoped3A_88, %dma_start3A] : memref<1x128xi32, #tpu.memory_space<vmem>> -> memref<1x128xi32, #tpu.memory_space<vmem>>
          %dma_start3A_125 = tpu.memref_squeeze %dma_start3A_124 : memref<1x128xi32, #tpu.memory_space<vmem>> -> memref<128xi32, #tpu.memory_space<vmem>>
          %dma_start3A_126 = arith.constant 0 : i32
          %dma_start3A_127 = tpu.memref_slice %arg28[%dma_start3A_126] : memref<41472xf32, #tpu.memory_space<vmem_shared>> -> memref<41472xf32, #tpu.memory_space<vmem_shared>>
          tpu.enqueue_indirect_dma source(%dma_start3A_127 : memref<41472xf32, #tpu.memory_space<vmem_shared>>) target(%arg10 : memref<128xf32, #tpu.memory_space<vmem>>) offsets(%dma_start3A_125 : memref<128xi32, #tpu.memory_space<vmem>>) semaphore(%run_scoped3A_123 : memref<!tpu.dma_semaphore, #tpu.memory_space<semaphore_mem>>)
          %dma_wait3A = arith.constant 0 : i32
          %dma_wait3A_128 = tpu.memref_slice %arg7[%run_scoped3A_88, %dma_wait3A] : memref<1x128xi32, #tpu.memory_space<vmem>> -> memref<1x128xi32, #tpu.memory_space<vmem>>
          %dma_wait3A_129 = tpu.memref_squeeze %dma_wait3A_128 : memref<1x128xi32, #tpu.memory_space<vmem>> -> memref<128xi32, #tpu.memory_space<vmem>>
          %dma_wait3A_130 = arith.constant 0 : i32
          %dma_wait3A_131 = tpu.memref_slice %arg28[%dma_wait3A_130] : memref<41472xf32, #tpu.memory_space<vmem_shared>> -> memref<41472xf32, #tpu.memory_space<vmem_shared>>
          tpu.wait_indirect_dma semaphore(%run_scoped3A_123 : memref<!tpu.dma_semaphore, #tpu.memory_space<semaphore_mem>>) src(%dma_wait3A_131 : memref<41472xf32, #tpu.memory_space<vmem_shared>>) dst(%arg10 : memref<128xf32, #tpu.memory_space<vmem>>)
          tpu.yield
        }) : () -> ()
        %run_scoped3A_89 = arith.constant 17 : i32
        "tpu.region"() ({
          %run_scoped3A_123 = tpu.sem_alloc : memref<!tpu.dma_semaphore, #tpu.memory_space<semaphore_mem>>
          %dma_start3A = tpu.memref_slice %arg5[%arg0, %run_scoped3A_89, %multiple_of3A] : memref<2x34x286720xf32, #tpu.memory_space<hbm>> -> memref<1x1x128xf32, #tpu.memory_space<hbm>>
          %dma_start3A_124 = tpu.memref_squeeze %dma_start3A : memref<1x1x128xf32, #tpu.memory_space<hbm>> -> memref<128xf32, #tpu.memory_space<hbm>>
          %dma_start3A_125 = tpu.memref_slice %arg5[%arg0, %run_scoped3A_89, %multiple_of3A] : memref<2x34x286720xf32, #tpu.memory_space<hbm>> -> memref<1x1x128xf32, #tpu.memory_space<hbm>>
          %dma_start3A_126 = tpu.memref_squeeze %dma_start3A_125 : memref<1x1x128xf32, #tpu.memory_space<hbm>> -> memref<128xf32, #tpu.memory_space<hbm>>
          tpu.enqueue_dma source(%arg10 : memref<128xf32, #tpu.memory_space<vmem>>) target(%dma_start3A_126 : memref<128xf32, #tpu.memory_space<hbm>>) target_semaphore(%run_scoped3A_123 : memref<!tpu.dma_semaphore, #tpu.memory_space<semaphore_mem>>)
          %dma_wait3A = tpu.memref_slice %arg5[%arg0, %run_scoped3A_89, %multiple_of3A] : memref<2x34x286720xf32, #tpu.memory_space<hbm>> -> memref<1x1x128xf32, #tpu.memory_space<hbm>>
          %dma_wait3A_127 = tpu.memref_squeeze %dma_wait3A : memref<1x1x128xf32, #tpu.memory_space<hbm>> -> memref<128xf32, #tpu.memory_space<hbm>>
          %dma_wait3A_128 = tpu.memref_slice %arg5[%arg0, %run_scoped3A_89, %multiple_of3A] : memref<2x34x286720xf32, #tpu.memory_space<hbm>> -> memref<1x1x128xf32, #tpu.memory_space<hbm>>
          %dma_wait3A_129 = tpu.memref_squeeze %dma_wait3A_128 : memref<1x1x128xf32, #tpu.memory_space<hbm>> -> memref<128xf32, #tpu.memory_space<hbm>>
          tpu.wait_dma2 semaphore(%run_scoped3A_123 : memref<!tpu.dma_semaphore, #tpu.memory_space<semaphore_mem>>) src(%arg10 : memref<128xf32, #tpu.memory_space<vmem>>) dst(%dma_wait3A_129 : memref<128xf32, #tpu.memory_space<hbm>>)
          tpu.yield
        }) : () -> ()
        %run_scoped3A_90 = arith.constant 0 : i32
        "tpu.region"() ({
          %run_scoped3A_123 = tpu.sem_alloc : memref<!tpu.dma_semaphore, #tpu.memory_space<semaphore_mem>>
          %dma_start3A = arith.constant 0 : i32
          %dma_start3A_124 = tpu.memref_slice %arg7[%run_scoped3A_90, %dma_start3A] : memref<1x128xi32, #tpu.memory_space<vmem>> -> memref<1x128xi32, #tpu.memory_space<vmem>>
          %dma_start3A_125 = tpu.memref_squeeze %dma_start3A_124 : memref<1x128xi32, #tpu.memory_space<vmem>> -> memref<128xi32, #tpu.memory_space<vmem>>
          %dma_start3A_126 = arith.constant 0 : i32
          %dma_start3A_127 = tpu.memref_slice %arg29[%dma_start3A_126] : memref<41472xf32, #tpu.memory_space<vmem_shared>> -> memref<41472xf32, #tpu.memory_space<vmem_shared>>
          tpu.enqueue_indirect_dma source(%dma_start3A_127 : memref<41472xf32, #tpu.memory_space<vmem_shared>>) target(%arg10 : memref<128xf32, #tpu.memory_space<vmem>>) offsets(%dma_start3A_125 : memref<128xi32, #tpu.memory_space<vmem>>) semaphore(%run_scoped3A_123 : memref<!tpu.dma_semaphore, #tpu.memory_space<semaphore_mem>>)
          %dma_wait3A = arith.constant 0 : i32
          %dma_wait3A_128 = tpu.memref_slice %arg7[%run_scoped3A_90, %dma_wait3A] : memref<1x128xi32, #tpu.memory_space<vmem>> -> memref<1x128xi32, #tpu.memory_space<vmem>>
          %dma_wait3A_129 = tpu.memref_squeeze %dma_wait3A_128 : memref<1x128xi32, #tpu.memory_space<vmem>> -> memref<128xi32, #tpu.memory_space<vmem>>
          %dma_wait3A_130 = arith.constant 0 : i32
          %dma_wait3A_131 = tpu.memref_slice %arg29[%dma_wait3A_130] : memref<41472xf32, #tpu.memory_space<vmem_shared>> -> memref<41472xf32, #tpu.memory_space<vmem_shared>>
          tpu.wait_indirect_dma semaphore(%run_scoped3A_123 : memref<!tpu.dma_semaphore, #tpu.memory_space<semaphore_mem>>) src(%dma_wait3A_131 : memref<41472xf32, #tpu.memory_space<vmem_shared>>) dst(%arg10 : memref<128xf32, #tpu.memory_space<vmem>>)
          tpu.yield
        }) : () -> ()
        %run_scoped3A_91 = arith.constant 18 : i32
        "tpu.region"() ({
          %run_scoped3A_123 = tpu.sem_alloc : memref<!tpu.dma_semaphore, #tpu.memory_space<semaphore_mem>>
          %dma_start3A = tpu.memref_slice %arg5[%arg0, %run_scoped3A_91, %multiple_of3A] : memref<2x34x286720xf32, #tpu.memory_space<hbm>> -> memref<1x1x128xf32, #tpu.memory_space<hbm>>
          %dma_start3A_124 = tpu.memref_squeeze %dma_start3A : memref<1x1x128xf32, #tpu.memory_space<hbm>> -> memref<128xf32, #tpu.memory_space<hbm>>
          %dma_start3A_125 = tpu.memref_slice %arg5[%arg0, %run_scoped3A_91, %multiple_of3A] : memref<2x34x286720xf32, #tpu.memory_space<hbm>> -> memref<1x1x128xf32, #tpu.memory_space<hbm>>
          %dma_start3A_126 = tpu.memref_squeeze %dma_start3A_125 : memref<1x1x128xf32, #tpu.memory_space<hbm>> -> memref<128xf32, #tpu.memory_space<hbm>>
          tpu.enqueue_dma source(%arg10 : memref<128xf32, #tpu.memory_space<vmem>>) target(%dma_start3A_126 : memref<128xf32, #tpu.memory_space<hbm>>) target_semaphore(%run_scoped3A_123 : memref<!tpu.dma_semaphore, #tpu.memory_space<semaphore_mem>>)
          %dma_wait3A = tpu.memref_slice %arg5[%arg0, %run_scoped3A_91, %multiple_of3A] : memref<2x34x286720xf32, #tpu.memory_space<hbm>> -> memref<1x1x128xf32, #tpu.memory_space<hbm>>
          %dma_wait3A_127 = tpu.memref_squeeze %dma_wait3A : memref<1x1x128xf32, #tpu.memory_space<hbm>> -> memref<128xf32, #tpu.memory_space<hbm>>
          %dma_wait3A_128 = tpu.memref_slice %arg5[%arg0, %run_scoped3A_91, %multiple_of3A] : memref<2x34x286720xf32, #tpu.memory_space<hbm>> -> memref<1x1x128xf32, #tpu.memory_space<hbm>>
          %dma_wait3A_129 = tpu.memref_squeeze %dma_wait3A_128 : memref<1x1x128xf32, #tpu.memory_space<hbm>> -> memref<128xf32, #tpu.memory_space<hbm>>
          tpu.wait_dma2 semaphore(%run_scoped3A_123 : memref<!tpu.dma_semaphore, #tpu.memory_space<semaphore_mem>>) src(%arg10 : memref<128xf32, #tpu.memory_space<vmem>>) dst(%dma_wait3A_129 : memref<128xf32, #tpu.memory_space<hbm>>)
          tpu.yield
        }) : () -> ()
        %run_scoped3A_92 = arith.constant 0 : i32
        "tpu.region"() ({
          %run_scoped3A_123 = tpu.sem_alloc : memref<!tpu.dma_semaphore, #tpu.memory_space<semaphore_mem>>
          %dma_start3A = arith.constant 0 : i32
          %dma_start3A_124 = tpu.memref_slice %arg7[%run_scoped3A_92, %dma_start3A] : memref<1x128xi32, #tpu.memory_space<vmem>> -> memref<1x128xi32, #tpu.memory_space<vmem>>
          %dma_start3A_125 = tpu.memref_squeeze %dma_start3A_124 : memref<1x128xi32, #tpu.memory_space<vmem>> -> memref<128xi32, #tpu.memory_space<vmem>>
          %dma_start3A_126 = arith.constant 0 : i32
          %dma_start3A_127 = tpu.memref_slice %arg30[%dma_start3A_126] : memref<41472xf32, #tpu.memory_space<vmem_shared>> -> memref<41472xf32, #tpu.memory_space<vmem_shared>>
          tpu.enqueue_indirect_dma source(%dma_start3A_127 : memref<41472xf32, #tpu.memory_space<vmem_shared>>) target(%arg10 : memref<128xf32, #tpu.memory_space<vmem>>) offsets(%dma_start3A_125 : memref<128xi32, #tpu.memory_space<vmem>>) semaphore(%run_scoped3A_123 : memref<!tpu.dma_semaphore, #tpu.memory_space<semaphore_mem>>)
          %dma_wait3A = arith.constant 0 : i32
          %dma_wait3A_128 = tpu.memref_slice %arg7[%run_scoped3A_92, %dma_wait3A] : memref<1x128xi32, #tpu.memory_space<vmem>> -> memref<1x128xi32, #tpu.memory_space<vmem>>
          %dma_wait3A_129 = tpu.memref_squeeze %dma_wait3A_128 : memref<1x128xi32, #tpu.memory_space<vmem>> -> memref<128xi32, #tpu.memory_space<vmem>>
          %dma_wait3A_130 = arith.constant 0 : i32
          %dma_wait3A_131 = tpu.memref_slice %arg30[%dma_wait3A_130] : memref<41472xf32, #tpu.memory_space<vmem_shared>> -> memref<41472xf32, #tpu.memory_space<vmem_shared>>
          tpu.wait_indirect_dma semaphore(%run_scoped3A_123 : memref<!tpu.dma_semaphore, #tpu.memory_space<semaphore_mem>>) src(%dma_wait3A_131 : memref<41472xf32, #tpu.memory_space<vmem_shared>>) dst(%arg10 : memref<128xf32, #tpu.memory_space<vmem>>)
          tpu.yield
        }) : () -> ()
        %run_scoped3A_93 = arith.constant 19 : i32
        "tpu.region"() ({
          %run_scoped3A_123 = tpu.sem_alloc : memref<!tpu.dma_semaphore, #tpu.memory_space<semaphore_mem>>
          %dma_start3A = tpu.memref_slice %arg5[%arg0, %run_scoped3A_93, %multiple_of3A] : memref<2x34x286720xf32, #tpu.memory_space<hbm>> -> memref<1x1x128xf32, #tpu.memory_space<hbm>>
          %dma_start3A_124 = tpu.memref_squeeze %dma_start3A : memref<1x1x128xf32, #tpu.memory_space<hbm>> -> memref<128xf32, #tpu.memory_space<hbm>>
          %dma_start3A_125 = tpu.memref_slice %arg5[%arg0, %run_scoped3A_93, %multiple_of3A] : memref<2x34x286720xf32, #tpu.memory_space<hbm>> -> memref<1x1x128xf32, #tpu.memory_space<hbm>>
          %dma_start3A_126 = tpu.memref_squeeze %dma_start3A_125 : memref<1x1x128xf32, #tpu.memory_space<hbm>> -> memref<128xf32, #tpu.memory_space<hbm>>
          tpu.enqueue_dma source(%arg10 : memref<128xf32, #tpu.memory_space<vmem>>) target(%dma_start3A_126 : memref<128xf32, #tpu.memory_space<hbm>>) target_semaphore(%run_scoped3A_123 : memref<!tpu.dma_semaphore, #tpu.memory_space<semaphore_mem>>)
          %dma_wait3A = tpu.memref_slice %arg5[%arg0, %run_scoped3A_93, %multiple_of3A] : memref<2x34x286720xf32, #tpu.memory_space<hbm>> -> memref<1x1x128xf32, #tpu.memory_space<hbm>>
          %dma_wait3A_127 = tpu.memref_squeeze %dma_wait3A : memref<1x1x128xf32, #tpu.memory_space<hbm>> -> memref<128xf32, #tpu.memory_space<hbm>>
          %dma_wait3A_128 = tpu.memref_slice %arg5[%arg0, %run_scoped3A_93, %multiple_of3A] : memref<2x34x286720xf32, #tpu.memory_space<hbm>> -> memref<1x1x128xf32, #tpu.memory_space<hbm>>
          %dma_wait3A_129 = tpu.memref_squeeze %dma_wait3A_128 : memref<1x1x128xf32, #tpu.memory_space<hbm>> -> memref<128xf32, #tpu.memory_space<hbm>>
          tpu.wait_dma2 semaphore(%run_scoped3A_123 : memref<!tpu.dma_semaphore, #tpu.memory_space<semaphore_mem>>) src(%arg10 : memref<128xf32, #tpu.memory_space<vmem>>) dst(%dma_wait3A_129 : memref<128xf32, #tpu.memory_space<hbm>>)
          tpu.yield
        }) : () -> ()
        %run_scoped3A_94 = arith.constant 0 : i32
        "tpu.region"() ({
          %run_scoped3A_123 = tpu.sem_alloc : memref<!tpu.dma_semaphore, #tpu.memory_space<semaphore_mem>>
          %dma_start3A = arith.constant 0 : i32
          %dma_start3A_124 = tpu.memref_slice %arg7[%run_scoped3A_94, %dma_start3A] : memref<1x128xi32, #tpu.memory_space<vmem>> -> memref<1x128xi32, #tpu.memory_space<vmem>>
          %dma_start3A_125 = tpu.memref_squeeze %dma_start3A_124 : memref<1x128xi32, #tpu.memory_space<vmem>> -> memref<128xi32, #tpu.memory_space<vmem>>
          %dma_start3A_126 = arith.constant 0 : i32
          %dma_start3A_127 = tpu.memref_slice %arg31[%dma_start3A_126] : memref<41472xf32, #tpu.memory_space<vmem_shared>> -> memref<41472xf32, #tpu.memory_space<vmem_shared>>
          tpu.enqueue_indirect_dma source(%dma_start3A_127 : memref<41472xf32, #tpu.memory_space<vmem_shared>>) target(%arg10 : memref<128xf32, #tpu.memory_space<vmem>>) offsets(%dma_start3A_125 : memref<128xi32, #tpu.memory_space<vmem>>) semaphore(%run_scoped3A_123 : memref<!tpu.dma_semaphore, #tpu.memory_space<semaphore_mem>>)
          %dma_wait3A = arith.constant 0 : i32
          %dma_wait3A_128 = tpu.memref_slice %arg7[%run_scoped3A_94, %dma_wait3A] : memref<1x128xi32, #tpu.memory_space<vmem>> -> memref<1x128xi32, #tpu.memory_space<vmem>>
          %dma_wait3A_129 = tpu.memref_squeeze %dma_wait3A_128 : memref<1x128xi32, #tpu.memory_space<vmem>> -> memref<128xi32, #tpu.memory_space<vmem>>
          %dma_wait3A_130 = arith.constant 0 : i32
          %dma_wait3A_131 = tpu.memref_slice %arg31[%dma_wait3A_130] : memref<41472xf32, #tpu.memory_space<vmem_shared>> -> memref<41472xf32, #tpu.memory_space<vmem_shared>>
          tpu.wait_indirect_dma semaphore(%run_scoped3A_123 : memref<!tpu.dma_semaphore, #tpu.memory_space<semaphore_mem>>) src(%dma_wait3A_131 : memref<41472xf32, #tpu.memory_space<vmem_shared>>) dst(%arg10 : memref<128xf32, #tpu.memory_space<vmem>>)
          tpu.yield
        }) : () -> ()
        %run_scoped3A_95 = arith.constant 20 : i32
        "tpu.region"() ({
          %run_scoped3A_123 = tpu.sem_alloc : memref<!tpu.dma_semaphore, #tpu.memory_space<semaphore_mem>>
          %dma_start3A = tpu.memref_slice %arg5[%arg0, %run_scoped3A_95, %multiple_of3A] : memref<2x34x286720xf32, #tpu.memory_space<hbm>> -> memref<1x1x128xf32, #tpu.memory_space<hbm>>
          %dma_start3A_124 = tpu.memref_squeeze %dma_start3A : memref<1x1x128xf32, #tpu.memory_space<hbm>> -> memref<128xf32, #tpu.memory_space<hbm>>
          %dma_start3A_125 = tpu.memref_slice %arg5[%arg0, %run_scoped3A_95, %multiple_of3A] : memref<2x34x286720xf32, #tpu.memory_space<hbm>> -> memref<1x1x128xf32, #tpu.memory_space<hbm>>
          %dma_start3A_126 = tpu.memref_squeeze %dma_start3A_125 : memref<1x1x128xf32, #tpu.memory_space<hbm>> -> memref<128xf32, #tpu.memory_space<hbm>>
          tpu.enqueue_dma source(%arg10 : memref<128xf32, #tpu.memory_space<vmem>>) target(%dma_start3A_126 : memref<128xf32, #tpu.memory_space<hbm>>) target_semaphore(%run_scoped3A_123 : memref<!tpu.dma_semaphore, #tpu.memory_space<semaphore_mem>>)
          %dma_wait3A = tpu.memref_slice %arg5[%arg0, %run_scoped3A_95, %multiple_of3A] : memref<2x34x286720xf32, #tpu.memory_space<hbm>> -> memref<1x1x128xf32, #tpu.memory_space<hbm>>
          %dma_wait3A_127 = tpu.memref_squeeze %dma_wait3A : memref<1x1x128xf32, #tpu.memory_space<hbm>> -> memref<128xf32, #tpu.memory_space<hbm>>
          %dma_wait3A_128 = tpu.memref_slice %arg5[%arg0, %run_scoped3A_95, %multiple_of3A] : memref<2x34x286720xf32, #tpu.memory_space<hbm>> -> memref<1x1x128xf32, #tpu.memory_space<hbm>>
          %dma_wait3A_129 = tpu.memref_squeeze %dma_wait3A_128 : memref<1x1x128xf32, #tpu.memory_space<hbm>> -> memref<128xf32, #tpu.memory_space<hbm>>
          tpu.wait_dma2 semaphore(%run_scoped3A_123 : memref<!tpu.dma_semaphore, #tpu.memory_space<semaphore_mem>>) src(%arg10 : memref<128xf32, #tpu.memory_space<vmem>>) dst(%dma_wait3A_129 : memref<128xf32, #tpu.memory_space<hbm>>)
          tpu.yield
        }) : () -> ()
        %run_scoped3A_96 = arith.constant 0 : i32
        "tpu.region"() ({
          %run_scoped3A_123 = tpu.sem_alloc : memref<!tpu.dma_semaphore, #tpu.memory_space<semaphore_mem>>
          %dma_start3A = arith.constant 0 : i32
          %dma_start3A_124 = tpu.memref_slice %arg7[%run_scoped3A_96, %dma_start3A] : memref<1x128xi32, #tpu.memory_space<vmem>> -> memref<1x128xi32, #tpu.memory_space<vmem>>
          %dma_start3A_125 = tpu.memref_squeeze %dma_start3A_124 : memref<1x128xi32, #tpu.memory_space<vmem>> -> memref<128xi32, #tpu.memory_space<vmem>>
          %dma_start3A_126 = arith.constant 0 : i32
          %dma_start3A_127 = tpu.memref_slice %arg32[%dma_start3A_126] : memref<41472xf32, #tpu.memory_space<vmem_shared>> -> memref<41472xf32, #tpu.memory_space<vmem_shared>>
          tpu.enqueue_indirect_dma source(%dma_start3A_127 : memref<41472xf32, #tpu.memory_space<vmem_shared>>) target(%arg10 : memref<128xf32, #tpu.memory_space<vmem>>) offsets(%dma_start3A_125 : memref<128xi32, #tpu.memory_space<vmem>>) semaphore(%run_scoped3A_123 : memref<!tpu.dma_semaphore, #tpu.memory_space<semaphore_mem>>)
          %dma_wait3A = arith.constant 0 : i32
          %dma_wait3A_128 = tpu.memref_slice %arg7[%run_scoped3A_96, %dma_wait3A] : memref<1x128xi32, #tpu.memory_space<vmem>> -> memref<1x128xi32, #tpu.memory_space<vmem>>
          %dma_wait3A_129 = tpu.memref_squeeze %dma_wait3A_128 : memref<1x128xi32, #tpu.memory_space<vmem>> -> memref<128xi32, #tpu.memory_space<vmem>>
          %dma_wait3A_130 = arith.constant 0 : i32
          %dma_wait3A_131 = tpu.memref_slice %arg32[%dma_wait3A_130] : memref<41472xf32, #tpu.memory_space<vmem_shared>> -> memref<41472xf32, #tpu.memory_space<vmem_shared>>
          tpu.wait_indirect_dma semaphore(%run_scoped3A_123 : memref<!tpu.dma_semaphore, #tpu.memory_space<semaphore_mem>>) src(%dma_wait3A_131 : memref<41472xf32, #tpu.memory_space<vmem_shared>>) dst(%arg10 : memref<128xf32, #tpu.memory_space<vmem>>)
          tpu.yield
        }) : () -> ()
        %run_scoped3A_97 = arith.constant 21 : i32
        "tpu.region"() ({
          %run_scoped3A_123 = tpu.sem_alloc : memref<!tpu.dma_semaphore, #tpu.memory_space<semaphore_mem>>
          %dma_start3A = tpu.memref_slice %arg5[%arg0, %run_scoped3A_97, %multiple_of3A] : memref<2x34x286720xf32, #tpu.memory_space<hbm>> -> memref<1x1x128xf32, #tpu.memory_space<hbm>>
          %dma_start3A_124 = tpu.memref_squeeze %dma_start3A : memref<1x1x128xf32, #tpu.memory_space<hbm>> -> memref<128xf32, #tpu.memory_space<hbm>>
          %dma_start3A_125 = tpu.memref_slice %arg5[%arg0, %run_scoped3A_97, %multiple_of3A] : memref<2x34x286720xf32, #tpu.memory_space<hbm>> -> memref<1x1x128xf32, #tpu.memory_space<hbm>>
          %dma_start3A_126 = tpu.memref_squeeze %dma_start3A_125 : memref<1x1x128xf32, #tpu.memory_space<hbm>> -> memref<128xf32, #tpu.memory_space<hbm>>
          tpu.enqueue_dma source(%arg10 : memref<128xf32, #tpu.memory_space<vmem>>) target(%dma_start3A_126 : memref<128xf32, #tpu.memory_space<hbm>>) target_semaphore(%run_scoped3A_123 : memref<!tpu.dma_semaphore, #tpu.memory_space<semaphore_mem>>)
          %dma_wait3A = tpu.memref_slice %arg5[%arg0, %run_scoped3A_97, %multiple_of3A] : memref<2x34x286720xf32, #tpu.memory_space<hbm>> -> memref<1x1x128xf32, #tpu.memory_space<hbm>>
          %dma_wait3A_127 = tpu.memref_squeeze %dma_wait3A : memref<1x1x128xf32, #tpu.memory_space<hbm>> -> memref<128xf32, #tpu.memory_space<hbm>>
          %dma_wait3A_128 = tpu.memref_slice %arg5[%arg0, %run_scoped3A_97, %multiple_of3A] : memref<2x34x286720xf32, #tpu.memory_space<hbm>> -> memref<1x1x128xf32, #tpu.memory_space<hbm>>
          %dma_wait3A_129 = tpu.memref_squeeze %dma_wait3A_128 : memref<1x1x128xf32, #tpu.memory_space<hbm>> -> memref<128xf32, #tpu.memory_space<hbm>>
          tpu.wait_dma2 semaphore(%run_scoped3A_123 : memref<!tpu.dma_semaphore, #tpu.memory_space<semaphore_mem>>) src(%arg10 : memref<128xf32, #tpu.memory_space<vmem>>) dst(%dma_wait3A_129 : memref<128xf32, #tpu.memory_space<hbm>>)
          tpu.yield
        }) : () -> ()
        %run_scoped3A_98 = arith.constant 0 : i32
        "tpu.region"() ({
          %run_scoped3A_123 = tpu.sem_alloc : memref<!tpu.dma_semaphore, #tpu.memory_space<semaphore_mem>>
          %dma_start3A = arith.constant 0 : i32
          %dma_start3A_124 = tpu.memref_slice %arg7[%run_scoped3A_98, %dma_start3A] : memref<1x128xi32, #tpu.memory_space<vmem>> -> memref<1x128xi32, #tpu.memory_space<vmem>>
          %dma_start3A_125 = tpu.memref_squeeze %dma_start3A_124 : memref<1x128xi32, #tpu.memory_space<vmem>> -> memref<128xi32, #tpu.memory_space<vmem>>
          %dma_start3A_126 = arith.constant 0 : i32
          %dma_start3A_127 = tpu.memref_slice %arg33[%dma_start3A_126] : memref<41472xf32, #tpu.memory_space<vmem_shared>> -> memref<41472xf32, #tpu.memory_space<vmem_shared>>
          tpu.enqueue_indirect_dma source(%dma_start3A_127 : memref<41472xf32, #tpu.memory_space<vmem_shared>>) target(%arg10 : memref<128xf32, #tpu.memory_space<vmem>>) offsets(%dma_start3A_125 : memref<128xi32, #tpu.memory_space<vmem>>) semaphore(%run_scoped3A_123 : memref<!tpu.dma_semaphore, #tpu.memory_space<semaphore_mem>>)
          %dma_wait3A = arith.constant 0 : i32
          %dma_wait3A_128 = tpu.memref_slice %arg7[%run_scoped3A_98, %dma_wait3A] : memref<1x128xi32, #tpu.memory_space<vmem>> -> memref<1x128xi32, #tpu.memory_space<vmem>>
          %dma_wait3A_129 = tpu.memref_squeeze %dma_wait3A_128 : memref<1x128xi32, #tpu.memory_space<vmem>> -> memref<128xi32, #tpu.memory_space<vmem>>
          %dma_wait3A_130 = arith.constant 0 : i32
          %dma_wait3A_131 = tpu.memref_slice %arg33[%dma_wait3A_130] : memref<41472xf32, #tpu.memory_space<vmem_shared>> -> memref<41472xf32, #tpu.memory_space<vmem_shared>>
          tpu.wait_indirect_dma semaphore(%run_scoped3A_123 : memref<!tpu.dma_semaphore, #tpu.memory_space<semaphore_mem>>) src(%dma_wait3A_131 : memref<41472xf32, #tpu.memory_space<vmem_shared>>) dst(%arg10 : memref<128xf32, #tpu.memory_space<vmem>>)
          tpu.yield
        }) : () -> ()
        %run_scoped3A_99 = arith.constant 22 : i32
        "tpu.region"() ({
          %run_scoped3A_123 = tpu.sem_alloc : memref<!tpu.dma_semaphore, #tpu.memory_space<semaphore_mem>>
          %dma_start3A = tpu.memref_slice %arg5[%arg0, %run_scoped3A_99, %multiple_of3A] : memref<2x34x286720xf32, #tpu.memory_space<hbm>> -> memref<1x1x128xf32, #tpu.memory_space<hbm>>
          %dma_start3A_124 = tpu.memref_squeeze %dma_start3A : memref<1x1x128xf32, #tpu.memory_space<hbm>> -> memref<128xf32, #tpu.memory_space<hbm>>
          %dma_start3A_125 = tpu.memref_slice %arg5[%arg0, %run_scoped3A_99, %multiple_of3A] : memref<2x34x286720xf32, #tpu.memory_space<hbm>> -> memref<1x1x128xf32, #tpu.memory_space<hbm>>
          %dma_start3A_126 = tpu.memref_squeeze %dma_start3A_125 : memref<1x1x128xf32, #tpu.memory_space<hbm>> -> memref<128xf32, #tpu.memory_space<hbm>>
          tpu.enqueue_dma source(%arg10 : memref<128xf32, #tpu.memory_space<vmem>>) target(%dma_start3A_126 : memref<128xf32, #tpu.memory_space<hbm>>) target_semaphore(%run_scoped3A_123 : memref<!tpu.dma_semaphore, #tpu.memory_space<semaphore_mem>>)
          %dma_wait3A = tpu.memref_slice %arg5[%arg0, %run_scoped3A_99, %multiple_of3A] : memref<2x34x286720xf32, #tpu.memory_space<hbm>> -> memref<1x1x128xf32, #tpu.memory_space<hbm>>
          %dma_wait3A_127 = tpu.memref_squeeze %dma_wait3A : memref<1x1x128xf32, #tpu.memory_space<hbm>> -> memref<128xf32, #tpu.memory_space<hbm>>
          %dma_wait3A_128 = tpu.memref_slice %arg5[%arg0, %run_scoped3A_99, %multiple_of3A] : memref<2x34x286720xf32, #tpu.memory_space<hbm>> -> memref<1x1x128xf32, #tpu.memory_space<hbm>>
          %dma_wait3A_129 = tpu.memref_squeeze %dma_wait3A_128 : memref<1x1x128xf32, #tpu.memory_space<hbm>> -> memref<128xf32, #tpu.memory_space<hbm>>
          tpu.wait_dma2 semaphore(%run_scoped3A_123 : memref<!tpu.dma_semaphore, #tpu.memory_space<semaphore_mem>>) src(%arg10 : memref<128xf32, #tpu.memory_space<vmem>>) dst(%dma_wait3A_129 : memref<128xf32, #tpu.memory_space<hbm>>)
          tpu.yield
        }) : () -> ()
        %run_scoped3A_100 = arith.constant 0 : i32
        "tpu.region"() ({
          %run_scoped3A_123 = tpu.sem_alloc : memref<!tpu.dma_semaphore, #tpu.memory_space<semaphore_mem>>
          %dma_start3A = arith.constant 0 : i32
          %dma_start3A_124 = tpu.memref_slice %arg7[%run_scoped3A_100, %dma_start3A] : memref<1x128xi32, #tpu.memory_space<vmem>> -> memref<1x128xi32, #tpu.memory_space<vmem>>
          %dma_start3A_125 = tpu.memref_squeeze %dma_start3A_124 : memref<1x128xi32, #tpu.memory_space<vmem>> -> memref<128xi32, #tpu.memory_space<vmem>>
          %dma_start3A_126 = arith.constant 0 : i32
          %dma_start3A_127 = tpu.memref_slice %arg34[%dma_start3A_126] : memref<41472xf32, #tpu.memory_space<vmem_shared>> -> memref<41472xf32, #tpu.memory_space<vmem_shared>>
          tpu.enqueue_indirect_dma source(%dma_start3A_127 : memref<41472xf32, #tpu.memory_space<vmem_shared>>) target(%arg10 : memref<128xf32, #tpu.memory_space<vmem>>) offsets(%dma_start3A_125 : memref<128xi32, #tpu.memory_space<vmem>>) semaphore(%run_scoped3A_123 : memref<!tpu.dma_semaphore, #tpu.memory_space<semaphore_mem>>)
          %dma_wait3A = arith.constant 0 : i32
          %dma_wait3A_128 = tpu.memref_slice %arg7[%run_scoped3A_100, %dma_wait3A] : memref<1x128xi32, #tpu.memory_space<vmem>> -> memref<1x128xi32, #tpu.memory_space<vmem>>
          %dma_wait3A_129 = tpu.memref_squeeze %dma_wait3A_128 : memref<1x128xi32, #tpu.memory_space<vmem>> -> memref<128xi32, #tpu.memory_space<vmem>>
          %dma_wait3A_130 = arith.constant 0 : i32
          %dma_wait3A_131 = tpu.memref_slice %arg34[%dma_wait3A_130] : memref<41472xf32, #tpu.memory_space<vmem_shared>> -> memref<41472xf32, #tpu.memory_space<vmem_shared>>
          tpu.wait_indirect_dma semaphore(%run_scoped3A_123 : memref<!tpu.dma_semaphore, #tpu.memory_space<semaphore_mem>>) src(%dma_wait3A_131 : memref<41472xf32, #tpu.memory_space<vmem_shared>>) dst(%arg10 : memref<128xf32, #tpu.memory_space<vmem>>)
          tpu.yield
        }) : () -> ()
        %run_scoped3A_101 = arith.constant 23 : i32
        "tpu.region"() ({
          %run_scoped3A_123 = tpu.sem_alloc : memref<!tpu.dma_semaphore, #tpu.memory_space<semaphore_mem>>
          %dma_start3A = tpu.memref_slice %arg5[%arg0, %run_scoped3A_101, %multiple_of3A] : memref<2x34x286720xf32, #tpu.memory_space<hbm>> -> memref<1x1x128xf32, #tpu.memory_space<hbm>>
          %dma_start3A_124 = tpu.memref_squeeze %dma_start3A : memref<1x1x128xf32, #tpu.memory_space<hbm>> -> memref<128xf32, #tpu.memory_space<hbm>>
          %dma_start3A_125 = tpu.memref_slice %arg5[%arg0, %run_scoped3A_101, %multiple_of3A] : memref<2x34x286720xf32, #tpu.memory_space<hbm>> -> memref<1x1x128xf32, #tpu.memory_space<hbm>>
          %dma_start3A_126 = tpu.memref_squeeze %dma_start3A_125 : memref<1x1x128xf32, #tpu.memory_space<hbm>> -> memref<128xf32, #tpu.memory_space<hbm>>
          tpu.enqueue_dma source(%arg10 : memref<128xf32, #tpu.memory_space<vmem>>) target(%dma_start3A_126 : memref<128xf32, #tpu.memory_space<hbm>>) target_semaphore(%run_scoped3A_123 : memref<!tpu.dma_semaphore, #tpu.memory_space<semaphore_mem>>)
          %dma_wait3A = tpu.memref_slice %arg5[%arg0, %run_scoped3A_101, %multiple_of3A] : memref<2x34x286720xf32, #tpu.memory_space<hbm>> -> memref<1x1x128xf32, #tpu.memory_space<hbm>>
          %dma_wait3A_127 = tpu.memref_squeeze %dma_wait3A : memref<1x1x128xf32, #tpu.memory_space<hbm>> -> memref<128xf32, #tpu.memory_space<hbm>>
          %dma_wait3A_128 = tpu.memref_slice %arg5[%arg0, %run_scoped3A_101, %multiple_of3A] : memref<2x34x286720xf32, #tpu.memory_space<hbm>> -> memref<1x1x128xf32, #tpu.memory_space<hbm>>
          %dma_wait3A_129 = tpu.memref_squeeze %dma_wait3A_128 : memref<1x1x128xf32, #tpu.memory_space<hbm>> -> memref<128xf32, #tpu.memory_space<hbm>>
          tpu.wait_dma2 semaphore(%run_scoped3A_123 : memref<!tpu.dma_semaphore, #tpu.memory_space<semaphore_mem>>) src(%arg10 : memref<128xf32, #tpu.memory_space<vmem>>) dst(%dma_wait3A_129 : memref<128xf32, #tpu.memory_space<hbm>>)
          tpu.yield
        }) : () -> ()
        %run_scoped3A_102 = arith.constant 0 : i32
        "tpu.region"() ({
          %run_scoped3A_123 = tpu.sem_alloc : memref<!tpu.dma_semaphore, #tpu.memory_space<semaphore_mem>>
          %dma_start3A = arith.constant 0 : i32
          %dma_start3A_124 = tpu.memref_slice %arg7[%run_scoped3A_102, %dma_start3A] : memref<1x128xi32, #tpu.memory_space<vmem>> -> memref<1x128xi32, #tpu.memory_space<vmem>>
          %dma_start3A_125 = tpu.memref_squeeze %dma_start3A_124 : memref<1x128xi32, #tpu.memory_space<vmem>> -> memref<128xi32, #tpu.memory_space<vmem>>
          %dma_start3A_126 = arith.constant 0 : i32
          %dma_start3A_127 = tpu.memref_slice %arg35[%dma_start3A_126] : memref<41472xf32, #tpu.memory_space<vmem_shared>> -> memref<41472xf32, #tpu.memory_space<vmem_shared>>
          tpu.enqueue_indirect_dma source(%dma_start3A_127 : memref<41472xf32, #tpu.memory_space<vmem_shared>>) target(%arg10 : memref<128xf32, #tpu.memory_space<vmem>>) offsets(%dma_start3A_125 : memref<128xi32, #tpu.memory_space<vmem>>) semaphore(%run_scoped3A_123 : memref<!tpu.dma_semaphore, #tpu.memory_space<semaphore_mem>>)
          %dma_wait3A = arith.constant 0 : i32
          %dma_wait3A_128 = tpu.memref_slice %arg7[%run_scoped3A_102, %dma_wait3A] : memref<1x128xi32, #tpu.memory_space<vmem>> -> memref<1x128xi32, #tpu.memory_space<vmem>>
          %dma_wait3A_129 = tpu.memref_squeeze %dma_wait3A_128 : memref<1x128xi32, #tpu.memory_space<vmem>> -> memref<128xi32, #tpu.memory_space<vmem>>
          %dma_wait3A_130 = arith.constant 0 : i32
          %dma_wait3A_131 = tpu.memref_slice %arg35[%dma_wait3A_130] : memref<41472xf32, #tpu.memory_space<vmem_shared>> -> memref<41472xf32, #tpu.memory_space<vmem_shared>>
          tpu.wait_indirect_dma semaphore(%run_scoped3A_123 : memref<!tpu.dma_semaphore, #tpu.memory_space<semaphore_mem>>) src(%dma_wait3A_131 : memref<41472xf32, #tpu.memory_space<vmem_shared>>) dst(%arg10 : memref<128xf32, #tpu.memory_space<vmem>>)
          tpu.yield
        }) : () -> ()
        %run_scoped3A_103 = arith.constant 24 : i32
        "tpu.region"() ({
          %run_scoped3A_123 = tpu.sem_alloc : memref<!tpu.dma_semaphore, #tpu.memory_space<semaphore_mem>>
          %dma_start3A = tpu.memref_slice %arg5[%arg0, %run_scoped3A_103, %multiple_of3A] : memref<2x34x286720xf32, #tpu.memory_space<hbm>> -> memref<1x1x128xf32, #tpu.memory_space<hbm>>
          %dma_start3A_124 = tpu.memref_squeeze %dma_start3A : memref<1x1x128xf32, #tpu.memory_space<hbm>> -> memref<128xf32, #tpu.memory_space<hbm>>
          %dma_start3A_125 = tpu.memref_slice %arg5[%arg0, %run_scoped3A_103, %multiple_of3A] : memref<2x34x286720xf32, #tpu.memory_space<hbm>> -> memref<1x1x128xf32, #tpu.memory_space<hbm>>
          %dma_start3A_126 = tpu.memref_squeeze %dma_start3A_125 : memref<1x1x128xf32, #tpu.memory_space<hbm>> -> memref<128xf32, #tpu.memory_space<hbm>>
          tpu.enqueue_dma source(%arg10 : memref<128xf32, #tpu.memory_space<vmem>>) target(%dma_start3A_126 : memref<128xf32, #tpu.memory_space<hbm>>) target_semaphore(%run_scoped3A_123 : memref<!tpu.dma_semaphore, #tpu.memory_space<semaphore_mem>>)
          %dma_wait3A = tpu.memref_slice %arg5[%arg0, %run_scoped3A_103, %multiple_of3A] : memref<2x34x286720xf32, #tpu.memory_space<hbm>> -> memref<1x1x128xf32, #tpu.memory_space<hbm>>
          %dma_wait3A_127 = tpu.memref_squeeze %dma_wait3A : memref<1x1x128xf32, #tpu.memory_space<hbm>> -> memref<128xf32, #tpu.memory_space<hbm>>
          %dma_wait3A_128 = tpu.memref_slice %arg5[%arg0, %run_scoped3A_103, %multiple_of3A] : memref<2x34x286720xf32, #tpu.memory_space<hbm>> -> memref<1x1x128xf32, #tpu.memory_space<hbm>>
          %dma_wait3A_129 = tpu.memref_squeeze %dma_wait3A_128 : memref<1x1x128xf32, #tpu.memory_space<hbm>> -> memref<128xf32, #tpu.memory_space<hbm>>
          tpu.wait_dma2 semaphore(%run_scoped3A_123 : memref<!tpu.dma_semaphore, #tpu.memory_space<semaphore_mem>>) src(%arg10 : memref<128xf32, #tpu.memory_space<vmem>>) dst(%dma_wait3A_129 : memref<128xf32, #tpu.memory_space<hbm>>)
          tpu.yield
        }) : () -> ()
        %run_scoped3A_104 = arith.constant 0 : i32
        "tpu.region"() ({
          %run_scoped3A_123 = tpu.sem_alloc : memref<!tpu.dma_semaphore, #tpu.memory_space<semaphore_mem>>
          %dma_start3A = arith.constant 0 : i32
          %dma_start3A_124 = tpu.memref_slice %arg7[%run_scoped3A_104, %dma_start3A] : memref<1x128xi32, #tpu.memory_space<vmem>> -> memref<1x128xi32, #tpu.memory_space<vmem>>
          %dma_start3A_125 = tpu.memref_squeeze %dma_start3A_124 : memref<1x128xi32, #tpu.memory_space<vmem>> -> memref<128xi32, #tpu.memory_space<vmem>>
          %dma_start3A_126 = arith.constant 0 : i32
          %dma_start3A_127 = tpu.memref_slice %arg36[%dma_start3A_126] : memref<41472xf32, #tpu.memory_space<vmem_shared>> -> memref<41472xf32, #tpu.memory_space<vmem_shared>>
          tpu.enqueue_indirect_dma source(%dma_start3A_127 : memref<41472xf32, #tpu.memory_space<vmem_shared>>) target(%arg10 : memref<128xf32, #tpu.memory_space<vmem>>) offsets(%dma_start3A_125 : memref<128xi32, #tpu.memory_space<vmem>>) semaphore(%run_scoped3A_123 : memref<!tpu.dma_semaphore, #tpu.memory_space<semaphore_mem>>)
          %dma_wait3A = arith.constant 0 : i32
          %dma_wait3A_128 = tpu.memref_slice %arg7[%run_scoped3A_104, %dma_wait3A] : memref<1x128xi32, #tpu.memory_space<vmem>> -> memref<1x128xi32, #tpu.memory_space<vmem>>
          %dma_wait3A_129 = tpu.memref_squeeze %dma_wait3A_128 : memref<1x128xi32, #tpu.memory_space<vmem>> -> memref<128xi32, #tpu.memory_space<vmem>>
          %dma_wait3A_130 = arith.constant 0 : i32
          %dma_wait3A_131 = tpu.memref_slice %arg36[%dma_wait3A_130] : memref<41472xf32, #tpu.memory_space<vmem_shared>> -> memref<41472xf32, #tpu.memory_space<vmem_shared>>
          tpu.wait_indirect_dma semaphore(%run_scoped3A_123 : memref<!tpu.dma_semaphore, #tpu.memory_space<semaphore_mem>>) src(%dma_wait3A_131 : memref<41472xf32, #tpu.memory_space<vmem_shared>>) dst(%arg10 : memref<128xf32, #tpu.memory_space<vmem>>)
          tpu.yield
        }) : () -> ()
        %run_scoped3A_105 = arith.constant 25 : i32
        "tpu.region"() ({
          %run_scoped3A_123 = tpu.sem_alloc : memref<!tpu.dma_semaphore, #tpu.memory_space<semaphore_mem>>
          %dma_start3A = tpu.memref_slice %arg5[%arg0, %run_scoped3A_105, %multiple_of3A] : memref<2x34x286720xf32, #tpu.memory_space<hbm>> -> memref<1x1x128xf32, #tpu.memory_space<hbm>>
          %dma_start3A_124 = tpu.memref_squeeze %dma_start3A : memref<1x1x128xf32, #tpu.memory_space<hbm>> -> memref<128xf32, #tpu.memory_space<hbm>>
          %dma_start3A_125 = tpu.memref_slice %arg5[%arg0, %run_scoped3A_105, %multiple_of3A] : memref<2x34x286720xf32, #tpu.memory_space<hbm>> -> memref<1x1x128xf32, #tpu.memory_space<hbm>>
          %dma_start3A_126 = tpu.memref_squeeze %dma_start3A_125 : memref<1x1x128xf32, #tpu.memory_space<hbm>> -> memref<128xf32, #tpu.memory_space<hbm>>
          tpu.enqueue_dma source(%arg10 : memref<128xf32, #tpu.memory_space<vmem>>) target(%dma_start3A_126 : memref<128xf32, #tpu.memory_space<hbm>>) target_semaphore(%run_scoped3A_123 : memref<!tpu.dma_semaphore, #tpu.memory_space<semaphore_mem>>)
          %dma_wait3A = tpu.memref_slice %arg5[%arg0, %run_scoped3A_105, %multiple_of3A] : memref<2x34x286720xf32, #tpu.memory_space<hbm>> -> memref<1x1x128xf32, #tpu.memory_space<hbm>>
          %dma_wait3A_127 = tpu.memref_squeeze %dma_wait3A : memref<1x1x128xf32, #tpu.memory_space<hbm>> -> memref<128xf32, #tpu.memory_space<hbm>>
          %dma_wait3A_128 = tpu.memref_slice %arg5[%arg0, %run_scoped3A_105, %multiple_of3A] : memref<2x34x286720xf32, #tpu.memory_space<hbm>> -> memref<1x1x128xf32, #tpu.memory_space<hbm>>
          %dma_wait3A_129 = tpu.memref_squeeze %dma_wait3A_128 : memref<1x1x128xf32, #tpu.memory_space<hbm>> -> memref<128xf32, #tpu.memory_space<hbm>>
          tpu.wait_dma2 semaphore(%run_scoped3A_123 : memref<!tpu.dma_semaphore, #tpu.memory_space<semaphore_mem>>) src(%arg10 : memref<128xf32, #tpu.memory_space<vmem>>) dst(%dma_wait3A_129 : memref<128xf32, #tpu.memory_space<hbm>>)
          tpu.yield
        }) : () -> ()
        %run_scoped3A_106 = arith.constant 0 : i32
        "tpu.region"() ({
          %run_scoped3A_123 = tpu.sem_alloc : memref<!tpu.dma_semaphore, #tpu.memory_space<semaphore_mem>>
          %dma_start3A = arith.constant 0 : i32
          %dma_start3A_124 = tpu.memref_slice %arg7[%run_scoped3A_106, %dma_start3A] : memref<1x128xi32, #tpu.memory_space<vmem>> -> memref<1x128xi32, #tpu.memory_space<vmem>>
          %dma_start3A_125 = tpu.memref_squeeze %dma_start3A_124 : memref<1x128xi32, #tpu.memory_space<vmem>> -> memref<128xi32, #tpu.memory_space<vmem>>
          %dma_start3A_126 = arith.constant 0 : i32
          %dma_start3A_127 = tpu.memref_slice %arg37[%dma_start3A_126] : memref<41472xf32, #tpu.memory_space<vmem_shared>> -> memref<41472xf32, #tpu.memory_space<vmem_shared>>
          tpu.enqueue_indirect_dma source(%dma_start3A_127 : memref<41472xf32, #tpu.memory_space<vmem_shared>>) target(%arg10 : memref<128xf32, #tpu.memory_space<vmem>>) offsets(%dma_start3A_125 : memref<128xi32, #tpu.memory_space<vmem>>) semaphore(%run_scoped3A_123 : memref<!tpu.dma_semaphore, #tpu.memory_space<semaphore_mem>>)
          %dma_wait3A = arith.constant 0 : i32
          %dma_wait3A_128 = tpu.memref_slice %arg7[%run_scoped3A_106, %dma_wait3A] : memref<1x128xi32, #tpu.memory_space<vmem>> -> memref<1x128xi32, #tpu.memory_space<vmem>>
          %dma_wait3A_129 = tpu.memref_squeeze %dma_wait3A_128 : memref<1x128xi32, #tpu.memory_space<vmem>> -> memref<128xi32, #tpu.memory_space<vmem>>
          %dma_wait3A_130 = arith.constant 0 : i32
          %dma_wait3A_131 = tpu.memref_slice %arg37[%dma_wait3A_130] : memref<41472xf32, #tpu.memory_space<vmem_shared>> -> memref<41472xf32, #tpu.memory_space<vmem_shared>>
          tpu.wait_indirect_dma semaphore(%run_scoped3A_123 : memref<!tpu.dma_semaphore, #tpu.memory_space<semaphore_mem>>) src(%dma_wait3A_131 : memref<41472xf32, #tpu.memory_space<vmem_shared>>) dst(%arg10 : memref<128xf32, #tpu.memory_space<vmem>>)
          tpu.yield
        }) : () -> ()
        %run_scoped3A_107 = arith.constant 26 : i32
        "tpu.region"() ({
          %run_scoped3A_123 = tpu.sem_alloc : memref<!tpu.dma_semaphore, #tpu.memory_space<semaphore_mem>>
          %dma_start3A = tpu.memref_slice %arg5[%arg0, %run_scoped3A_107, %multiple_of3A] : memref<2x34x286720xf32, #tpu.memory_space<hbm>> -> memref<1x1x128xf32, #tpu.memory_space<hbm>>
          %dma_start3A_124 = tpu.memref_squeeze %dma_start3A : memref<1x1x128xf32, #tpu.memory_space<hbm>> -> memref<128xf32, #tpu.memory_space<hbm>>
          %dma_start3A_125 = tpu.memref_slice %arg5[%arg0, %run_scoped3A_107, %multiple_of3A] : memref<2x34x286720xf32, #tpu.memory_space<hbm>> -> memref<1x1x128xf32, #tpu.memory_space<hbm>>
          %dma_start3A_126 = tpu.memref_squeeze %dma_start3A_125 : memref<1x1x128xf32, #tpu.memory_space<hbm>> -> memref<128xf32, #tpu.memory_space<hbm>>
          tpu.enqueue_dma source(%arg10 : memref<128xf32, #tpu.memory_space<vmem>>) target(%dma_start3A_126 : memref<128xf32, #tpu.memory_space<hbm>>) target_semaphore(%run_scoped3A_123 : memref<!tpu.dma_semaphore, #tpu.memory_space<semaphore_mem>>)
          %dma_wait3A = tpu.memref_slice %arg5[%arg0, %run_scoped3A_107, %multiple_of3A] : memref<2x34x286720xf32, #tpu.memory_space<hbm>> -> memref<1x1x128xf32, #tpu.memory_space<hbm>>
          %dma_wait3A_127 = tpu.memref_squeeze %dma_wait3A : memref<1x1x128xf32, #tpu.memory_space<hbm>> -> memref<128xf32, #tpu.memory_space<hbm>>
          %dma_wait3A_128 = tpu.memref_slice %arg5[%arg0, %run_scoped3A_107, %multiple_of3A] : memref<2x34x286720xf32, #tpu.memory_space<hbm>> -> memref<1x1x128xf32, #tpu.memory_space<hbm>>
          %dma_wait3A_129 = tpu.memref_squeeze %dma_wait3A_128 : memref<1x1x128xf32, #tpu.memory_space<hbm>> -> memref<128xf32, #tpu.memory_space<hbm>>
          tpu.wait_dma2 semaphore(%run_scoped3A_123 : memref<!tpu.dma_semaphore, #tpu.memory_space<semaphore_mem>>) src(%arg10 : memref<128xf32, #tpu.memory_space<vmem>>) dst(%dma_wait3A_129 : memref<128xf32, #tpu.memory_space<hbm>>)
          tpu.yield
        }) : () -> ()
        %run_scoped3A_108 = arith.constant 0 : i32
        "tpu.region"() ({
          %run_scoped3A_123 = tpu.sem_alloc : memref<!tpu.dma_semaphore, #tpu.memory_space<semaphore_mem>>
          %dma_start3A = arith.constant 0 : i32
          %dma_start3A_124 = tpu.memref_slice %arg7[%run_scoped3A_108, %dma_start3A] : memref<1x128xi32, #tpu.memory_space<vmem>> -> memref<1x128xi32, #tpu.memory_space<vmem>>
          %dma_start3A_125 = tpu.memref_squeeze %dma_start3A_124 : memref<1x128xi32, #tpu.memory_space<vmem>> -> memref<128xi32, #tpu.memory_space<vmem>>
          %dma_start3A_126 = arith.constant 0 : i32
          %dma_start3A_127 = tpu.memref_slice %arg38[%dma_start3A_126] : memref<41472xf32, #tpu.memory_space<vmem_shared>> -> memref<41472xf32, #tpu.memory_space<vmem_shared>>
          tpu.enqueue_indirect_dma source(%dma_start3A_127 : memref<41472xf32, #tpu.memory_space<vmem_shared>>) target(%arg10 : memref<128xf32, #tpu.memory_space<vmem>>) offsets(%dma_start3A_125 : memref<128xi32, #tpu.memory_space<vmem>>) semaphore(%run_scoped3A_123 : memref<!tpu.dma_semaphore, #tpu.memory_space<semaphore_mem>>)
          %dma_wait3A = arith.constant 0 : i32
          %dma_wait3A_128 = tpu.memref_slice %arg7[%run_scoped3A_108, %dma_wait3A] : memref<1x128xi32, #tpu.memory_space<vmem>> -> memref<1x128xi32, #tpu.memory_space<vmem>>
          %dma_wait3A_129 = tpu.memref_squeeze %dma_wait3A_128 : memref<1x128xi32, #tpu.memory_space<vmem>> -> memref<128xi32, #tpu.memory_space<vmem>>
          %dma_wait3A_130 = arith.constant 0 : i32
          %dma_wait3A_131 = tpu.memref_slice %arg38[%dma_wait3A_130] : memref<41472xf32, #tpu.memory_space<vmem_shared>> -> memref<41472xf32, #tpu.memory_space<vmem_shared>>
          tpu.wait_indirect_dma semaphore(%run_scoped3A_123 : memref<!tpu.dma_semaphore, #tpu.memory_space<semaphore_mem>>) src(%dma_wait3A_131 : memref<41472xf32, #tpu.memory_space<vmem_shared>>) dst(%arg10 : memref<128xf32, #tpu.memory_space<vmem>>)
          tpu.yield
        }) : () -> ()
        %run_scoped3A_109 = arith.constant 27 : i32
        "tpu.region"() ({
          %run_scoped3A_123 = tpu.sem_alloc : memref<!tpu.dma_semaphore, #tpu.memory_space<semaphore_mem>>
          %dma_start3A = tpu.memref_slice %arg5[%arg0, %run_scoped3A_109, %multiple_of3A] : memref<2x34x286720xf32, #tpu.memory_space<hbm>> -> memref<1x1x128xf32, #tpu.memory_space<hbm>>
          %dma_start3A_124 = tpu.memref_squeeze %dma_start3A : memref<1x1x128xf32, #tpu.memory_space<hbm>> -> memref<128xf32, #tpu.memory_space<hbm>>
          %dma_start3A_125 = tpu.memref_slice %arg5[%arg0, %run_scoped3A_109, %multiple_of3A] : memref<2x34x286720xf32, #tpu.memory_space<hbm>> -> memref<1x1x128xf32, #tpu.memory_space<hbm>>
          %dma_start3A_126 = tpu.memref_squeeze %dma_start3A_125 : memref<1x1x128xf32, #tpu.memory_space<hbm>> -> memref<128xf32, #tpu.memory_space<hbm>>
          tpu.enqueue_dma source(%arg10 : memref<128xf32, #tpu.memory_space<vmem>>) target(%dma_start3A_126 : memref<128xf32, #tpu.memory_space<hbm>>) target_semaphore(%run_scoped3A_123 : memref<!tpu.dma_semaphore, #tpu.memory_space<semaphore_mem>>)
          %dma_wait3A = tpu.memref_slice %arg5[%arg0, %run_scoped3A_109, %multiple_of3A] : memref<2x34x286720xf32, #tpu.memory_space<hbm>> -> memref<1x1x128xf32, #tpu.memory_space<hbm>>
          %dma_wait3A_127 = tpu.memref_squeeze %dma_wait3A : memref<1x1x128xf32, #tpu.memory_space<hbm>> -> memref<128xf32, #tpu.memory_space<hbm>>
          %dma_wait3A_128 = tpu.memref_slice %arg5[%arg0, %run_scoped3A_109, %multiple_of3A] : memref<2x34x286720xf32, #tpu.memory_space<hbm>> -> memref<1x1x128xf32, #tpu.memory_space<hbm>>
          %dma_wait3A_129 = tpu.memref_squeeze %dma_wait3A_128 : memref<1x1x128xf32, #tpu.memory_space<hbm>> -> memref<128xf32, #tpu.memory_space<hbm>>
          tpu.wait_dma2 semaphore(%run_scoped3A_123 : memref<!tpu.dma_semaphore, #tpu.memory_space<semaphore_mem>>) src(%arg10 : memref<128xf32, #tpu.memory_space<vmem>>) dst(%dma_wait3A_129 : memref<128xf32, #tpu.memory_space<hbm>>)
          tpu.yield
        }) : () -> ()
        %run_scoped3A_110 = arith.constant 0 : i32
        "tpu.region"() ({
          %run_scoped3A_123 = tpu.sem_alloc : memref<!tpu.dma_semaphore, #tpu.memory_space<semaphore_mem>>
          %dma_start3A = arith.constant 0 : i32
          %dma_start3A_124 = tpu.memref_slice %arg7[%run_scoped3A_110, %dma_start3A] : memref<1x128xi32, #tpu.memory_space<vmem>> -> memref<1x128xi32, #tpu.memory_space<vmem>>
          %dma_start3A_125 = tpu.memref_squeeze %dma_start3A_124 : memref<1x128xi32, #tpu.memory_space<vmem>> -> memref<128xi32, #tpu.memory_space<vmem>>
          %dma_start3A_126 = arith.constant 0 : i32
          %dma_start3A_127 = tpu.memref_slice %arg39[%dma_start3A_126] : memref<41472xf32, #tpu.memory_space<vmem_shared>> -> memref<41472xf32, #tpu.memory_space<vmem_shared>>
          tpu.enqueue_indirect_dma source(%dma_start3A_127 : memref<41472xf32, #tpu.memory_space<vmem_shared>>) target(%arg10 : memref<128xf32, #tpu.memory_space<vmem>>) offsets(%dma_start3A_125 : memref<128xi32, #tpu.memory_space<vmem>>) semaphore(%run_scoped3A_123 : memref<!tpu.dma_semaphore, #tpu.memory_space<semaphore_mem>>)
          %dma_wait3A = arith.constant 0 : i32
          %dma_wait3A_128 = tpu.memref_slice %arg7[%run_scoped3A_110, %dma_wait3A] : memref<1x128xi32, #tpu.memory_space<vmem>> -> memref<1x128xi32, #tpu.memory_space<vmem>>
          %dma_wait3A_129 = tpu.memref_squeeze %dma_wait3A_128 : memref<1x128xi32, #tpu.memory_space<vmem>> -> memref<128xi32, #tpu.memory_space<vmem>>
          %dma_wait3A_130 = arith.constant 0 : i32
          %dma_wait3A_131 = tpu.memref_slice %arg39[%dma_wait3A_130] : memref<41472xf32, #tpu.memory_space<vmem_shared>> -> memref<41472xf32, #tpu.memory_space<vmem_shared>>
          tpu.wait_indirect_dma semaphore(%run_scoped3A_123 : memref<!tpu.dma_semaphore, #tpu.memory_space<semaphore_mem>>) src(%dma_wait3A_131 : memref<41472xf32, #tpu.memory_space<vmem_shared>>) dst(%arg10 : memref<128xf32, #tpu.memory_space<vmem>>)
          tpu.yield
        }) : () -> ()
        %run_scoped3A_111 = arith.constant 28 : i32
        "tpu.region"() ({
          %run_scoped3A_123 = tpu.sem_alloc : memref<!tpu.dma_semaphore, #tpu.memory_space<semaphore_mem>>
          %dma_start3A = tpu.memref_slice %arg5[%arg0, %run_scoped3A_111, %multiple_of3A] : memref<2x34x286720xf32, #tpu.memory_space<hbm>> -> memref<1x1x128xf32, #tpu.memory_space<hbm>>
          %dma_start3A_124 = tpu.memref_squeeze %dma_start3A : memref<1x1x128xf32, #tpu.memory_space<hbm>> -> memref<128xf32, #tpu.memory_space<hbm>>
          %dma_start3A_125 = tpu.memref_slice %arg5[%arg0, %run_scoped3A_111, %multiple_of3A] : memref<2x34x286720xf32, #tpu.memory_space<hbm>> -> memref<1x1x128xf32, #tpu.memory_space<hbm>>
          %dma_start3A_126 = tpu.memref_squeeze %dma_start3A_125 : memref<1x1x128xf32, #tpu.memory_space<hbm>> -> memref<128xf32, #tpu.memory_space<hbm>>
          tpu.enqueue_dma source(%arg10 : memref<128xf32, #tpu.memory_space<vmem>>) target(%dma_start3A_126 : memref<128xf32, #tpu.memory_space<hbm>>) target_semaphore(%run_scoped3A_123 : memref<!tpu.dma_semaphore, #tpu.memory_space<semaphore_mem>>)
          %dma_wait3A = tpu.memref_slice %arg5[%arg0, %run_scoped3A_111, %multiple_of3A] : memref<2x34x286720xf32, #tpu.memory_space<hbm>> -> memref<1x1x128xf32, #tpu.memory_space<hbm>>
          %dma_wait3A_127 = tpu.memref_squeeze %dma_wait3A : memref<1x1x128xf32, #tpu.memory_space<hbm>> -> memref<128xf32, #tpu.memory_space<hbm>>
          %dma_wait3A_128 = tpu.memref_slice %arg5[%arg0, %run_scoped3A_111, %multiple_of3A] : memref<2x34x286720xf32, #tpu.memory_space<hbm>> -> memref<1x1x128xf32, #tpu.memory_space<hbm>>
          %dma_wait3A_129 = tpu.memref_squeeze %dma_wait3A_128 : memref<1x1x128xf32, #tpu.memory_space<hbm>> -> memref<128xf32, #tpu.memory_space<hbm>>
          tpu.wait_dma2 semaphore(%run_scoped3A_123 : memref<!tpu.dma_semaphore, #tpu.memory_space<semaphore_mem>>) src(%arg10 : memref<128xf32, #tpu.memory_space<vmem>>) dst(%dma_wait3A_129 : memref<128xf32, #tpu.memory_space<hbm>>)
          tpu.yield
        }) : () -> ()
        %run_scoped3A_112 = arith.constant 0 : i32
        "tpu.region"() ({
          %run_scoped3A_123 = tpu.sem_alloc : memref<!tpu.dma_semaphore, #tpu.memory_space<semaphore_mem>>
          %dma_start3A = arith.constant 0 : i32
          %dma_start3A_124 = tpu.memref_slice %arg7[%run_scoped3A_112, %dma_start3A] : memref<1x128xi32, #tpu.memory_space<vmem>> -> memref<1x128xi32, #tpu.memory_space<vmem>>
          %dma_start3A_125 = tpu.memref_squeeze %dma_start3A_124 : memref<1x128xi32, #tpu.memory_space<vmem>> -> memref<128xi32, #tpu.memory_space<vmem>>
          %dma_start3A_126 = arith.constant 0 : i32
          %dma_start3A_127 = tpu.memref_slice %arg40[%dma_start3A_126] : memref<41472xf32, #tpu.memory_space<vmem_shared>> -> memref<41472xf32, #tpu.memory_space<vmem_shared>>
          tpu.enqueue_indirect_dma source(%dma_start3A_127 : memref<41472xf32, #tpu.memory_space<vmem_shared>>) target(%arg10 : memref<128xf32, #tpu.memory_space<vmem>>) offsets(%dma_start3A_125 : memref<128xi32, #tpu.memory_space<vmem>>) semaphore(%run_scoped3A_123 : memref<!tpu.dma_semaphore, #tpu.memory_space<semaphore_mem>>)
          %dma_wait3A = arith.constant 0 : i32
          %dma_wait3A_128 = tpu.memref_slice %arg7[%run_scoped3A_112, %dma_wait3A] : memref<1x128xi32, #tpu.memory_space<vmem>> -> memref<1x128xi32, #tpu.memory_space<vmem>>
          %dma_wait3A_129 = tpu.memref_squeeze %dma_wait3A_128 : memref<1x128xi32, #tpu.memory_space<vmem>> -> memref<128xi32, #tpu.memory_space<vmem>>
          %dma_wait3A_130 = arith.constant 0 : i32
          %dma_wait3A_131 = tpu.memref_slice %arg40[%dma_wait3A_130] : memref<41472xf32, #tpu.memory_space<vmem_shared>> -> memref<41472xf32, #tpu.memory_space<vmem_shared>>
          tpu.wait_indirect_dma semaphore(%run_scoped3A_123 : memref<!tpu.dma_semaphore, #tpu.memory_space<semaphore_mem>>) src(%dma_wait3A_131 : memref<41472xf32, #tpu.memory_space<vmem_shared>>) dst(%arg10 : memref<128xf32, #tpu.memory_space<vmem>>)
          tpu.yield
        }) : () -> ()
        %run_scoped3A_113 = arith.constant 29 : i32
        "tpu.region"() ({
          %run_scoped3A_123 = tpu.sem_alloc : memref<!tpu.dma_semaphore, #tpu.memory_space<semaphore_mem>>
          %dma_start3A = tpu.memref_slice %arg5[%arg0, %run_scoped3A_113, %multiple_of3A] : memref<2x34x286720xf32, #tpu.memory_space<hbm>> -> memref<1x1x128xf32, #tpu.memory_space<hbm>>
          %dma_start3A_124 = tpu.memref_squeeze %dma_start3A : memref<1x1x128xf32, #tpu.memory_space<hbm>> -> memref<128xf32, #tpu.memory_space<hbm>>
          %dma_start3A_125 = tpu.memref_slice %arg5[%arg0, %run_scoped3A_113, %multiple_of3A] : memref<2x34x286720xf32, #tpu.memory_space<hbm>> -> memref<1x1x128xf32, #tpu.memory_space<hbm>>
          %dma_start3A_126 = tpu.memref_squeeze %dma_start3A_125 : memref<1x1x128xf32, #tpu.memory_space<hbm>> -> memref<128xf32, #tpu.memory_space<hbm>>
          tpu.enqueue_dma source(%arg10 : memref<128xf32, #tpu.memory_space<vmem>>) target(%dma_start3A_126 : memref<128xf32, #tpu.memory_space<hbm>>) target_semaphore(%run_scoped3A_123 : memref<!tpu.dma_semaphore, #tpu.memory_space<semaphore_mem>>)
          %dma_wait3A = tpu.memref_slice %arg5[%arg0, %run_scoped3A_113, %multiple_of3A] : memref<2x34x286720xf32, #tpu.memory_space<hbm>> -> memref<1x1x128xf32, #tpu.memory_space<hbm>>
          %dma_wait3A_127 = tpu.memref_squeeze %dma_wait3A : memref<1x1x128xf32, #tpu.memory_space<hbm>> -> memref<128xf32, #tpu.memory_space<hbm>>
          %dma_wait3A_128 = tpu.memref_slice %arg5[%arg0, %run_scoped3A_113, %multiple_of3A] : memref<2x34x286720xf32, #tpu.memory_space<hbm>> -> memref<1x1x128xf32, #tpu.memory_space<hbm>>
          %dma_wait3A_129 = tpu.memref_squeeze %dma_wait3A_128 : memref<1x1x128xf32, #tpu.memory_space<hbm>> -> memref<128xf32, #tpu.memory_space<hbm>>
          tpu.wait_dma2 semaphore(%run_scoped3A_123 : memref<!tpu.dma_semaphore, #tpu.memory_space<semaphore_mem>>) src(%arg10 : memref<128xf32, #tpu.memory_space<vmem>>) dst(%dma_wait3A_129 : memref<128xf32, #tpu.memory_space<hbm>>)
          tpu.yield
        }) : () -> ()
        %run_scoped3A_114 = arith.constant 0 : i32
        "tpu.region"() ({
          %run_scoped3A_123 = tpu.sem_alloc : memref<!tpu.dma_semaphore, #tpu.memory_space<semaphore_mem>>
          %dma_start3A = arith.constant 0 : i32
          %dma_start3A_124 = tpu.memref_slice %arg7[%run_scoped3A_114, %dma_start3A] : memref<1x128xi32, #tpu.memory_space<vmem>> -> memref<1x128xi32, #tpu.memory_space<vmem>>
          %dma_start3A_125 = tpu.memref_squeeze %dma_start3A_124 : memref<1x128xi32, #tpu.memory_space<vmem>> -> memref<128xi32, #tpu.memory_space<vmem>>
          %dma_start3A_126 = arith.constant 0 : i32
          %dma_start3A_127 = tpu.memref_slice %arg41[%dma_start3A_126] : memref<41472xf32, #tpu.memory_space<vmem_shared>> -> memref<41472xf32, #tpu.memory_space<vmem_shared>>
          tpu.enqueue_indirect_dma source(%dma_start3A_127 : memref<41472xf32, #tpu.memory_space<vmem_shared>>) target(%arg10 : memref<128xf32, #tpu.memory_space<vmem>>) offsets(%dma_start3A_125 : memref<128xi32, #tpu.memory_space<vmem>>) semaphore(%run_scoped3A_123 : memref<!tpu.dma_semaphore, #tpu.memory_space<semaphore_mem>>)
          %dma_wait3A = arith.constant 0 : i32
          %dma_wait3A_128 = tpu.memref_slice %arg7[%run_scoped3A_114, %dma_wait3A] : memref<1x128xi32, #tpu.memory_space<vmem>> -> memref<1x128xi32, #tpu.memory_space<vmem>>
          %dma_wait3A_129 = tpu.memref_squeeze %dma_wait3A_128 : memref<1x128xi32, #tpu.memory_space<vmem>> -> memref<128xi32, #tpu.memory_space<vmem>>
          %dma_wait3A_130 = arith.constant 0 : i32
          %dma_wait3A_131 = tpu.memref_slice %arg41[%dma_wait3A_130] : memref<41472xf32, #tpu.memory_space<vmem_shared>> -> memref<41472xf32, #tpu.memory_space<vmem_shared>>
          tpu.wait_indirect_dma semaphore(%run_scoped3A_123 : memref<!tpu.dma_semaphore, #tpu.memory_space<semaphore_mem>>) src(%dma_wait3A_131 : memref<41472xf32, #tpu.memory_space<vmem_shared>>) dst(%arg10 : memref<128xf32, #tpu.memory_space<vmem>>)
          tpu.yield
        }) : () -> ()
        %run_scoped3A_115 = arith.constant 30 : i32
        "tpu.region"() ({
          %run_scoped3A_123 = tpu.sem_alloc : memref<!tpu.dma_semaphore, #tpu.memory_space<semaphore_mem>>
          %dma_start3A = tpu.memref_slice %arg5[%arg0, %run_scoped3A_115, %multiple_of3A] : memref<2x34x286720xf32, #tpu.memory_space<hbm>> -> memref<1x1x128xf32, #tpu.memory_space<hbm>>
          %dma_start3A_124 = tpu.memref_squeeze %dma_start3A : memref<1x1x128xf32, #tpu.memory_space<hbm>> -> memref<128xf32, #tpu.memory_space<hbm>>
          %dma_start3A_125 = tpu.memref_slice %arg5[%arg0, %run_scoped3A_115, %multiple_of3A] : memref<2x34x286720xf32, #tpu.memory_space<hbm>> -> memref<1x1x128xf32, #tpu.memory_space<hbm>>
          %dma_start3A_126 = tpu.memref_squeeze %dma_start3A_125 : memref<1x1x128xf32, #tpu.memory_space<hbm>> -> memref<128xf32, #tpu.memory_space<hbm>>
          tpu.enqueue_dma source(%arg10 : memref<128xf32, #tpu.memory_space<vmem>>) target(%dma_start3A_126 : memref<128xf32, #tpu.memory_space<hbm>>) target_semaphore(%run_scoped3A_123 : memref<!tpu.dma_semaphore, #tpu.memory_space<semaphore_mem>>)
          %dma_wait3A = tpu.memref_slice %arg5[%arg0, %run_scoped3A_115, %multiple_of3A] : memref<2x34x286720xf32, #tpu.memory_space<hbm>> -> memref<1x1x128xf32, #tpu.memory_space<hbm>>
          %dma_wait3A_127 = tpu.memref_squeeze %dma_wait3A : memref<1x1x128xf32, #tpu.memory_space<hbm>> -> memref<128xf32, #tpu.memory_space<hbm>>
          %dma_wait3A_128 = tpu.memref_slice %arg5[%arg0, %run_scoped3A_115, %multiple_of3A] : memref<2x34x286720xf32, #tpu.memory_space<hbm>> -> memref<1x1x128xf32, #tpu.memory_space<hbm>>
          %dma_wait3A_129 = tpu.memref_squeeze %dma_wait3A_128 : memref<1x1x128xf32, #tpu.memory_space<hbm>> -> memref<128xf32, #tpu.memory_space<hbm>>
          tpu.wait_dma2 semaphore(%run_scoped3A_123 : memref<!tpu.dma_semaphore, #tpu.memory_space<semaphore_mem>>) src(%arg10 : memref<128xf32, #tpu.memory_space<vmem>>) dst(%dma_wait3A_129 : memref<128xf32, #tpu.memory_space<hbm>>)
          tpu.yield
        }) : () -> ()
        %run_scoped3A_116 = arith.constant 0 : i32
        "tpu.region"() ({
          %run_scoped3A_123 = tpu.sem_alloc : memref<!tpu.dma_semaphore, #tpu.memory_space<semaphore_mem>>
          %dma_start3A = arith.constant 0 : i32
          %dma_start3A_124 = tpu.memref_slice %arg7[%run_scoped3A_116, %dma_start3A] : memref<1x128xi32, #tpu.memory_space<vmem>> -> memref<1x128xi32, #tpu.memory_space<vmem>>
          %dma_start3A_125 = tpu.memref_squeeze %dma_start3A_124 : memref<1x128xi32, #tpu.memory_space<vmem>> -> memref<128xi32, #tpu.memory_space<vmem>>
          %dma_start3A_126 = arith.constant 0 : i32
          %dma_start3A_127 = tpu.memref_slice %arg42[%dma_start3A_126] : memref<41472xf32, #tpu.memory_space<vmem_shared>> -> memref<41472xf32, #tpu.memory_space<vmem_shared>>
          tpu.enqueue_indirect_dma source(%dma_start3A_127 : memref<41472xf32, #tpu.memory_space<vmem_shared>>) target(%arg10 : memref<128xf32, #tpu.memory_space<vmem>>) offsets(%dma_start3A_125 : memref<128xi32, #tpu.memory_space<vmem>>) semaphore(%run_scoped3A_123 : memref<!tpu.dma_semaphore, #tpu.memory_space<semaphore_mem>>)
          %dma_wait3A = arith.constant 0 : i32
          %dma_wait3A_128 = tpu.memref_slice %arg7[%run_scoped3A_116, %dma_wait3A] : memref<1x128xi32, #tpu.memory_space<vmem>> -> memref<1x128xi32, #tpu.memory_space<vmem>>
          %dma_wait3A_129 = tpu.memref_squeeze %dma_wait3A_128 : memref<1x128xi32, #tpu.memory_space<vmem>> -> memref<128xi32, #tpu.memory_space<vmem>>
          %dma_wait3A_130 = arith.constant 0 : i32
          %dma_wait3A_131 = tpu.memref_slice %arg42[%dma_wait3A_130] : memref<41472xf32, #tpu.memory_space<vmem_shared>> -> memref<41472xf32, #tpu.memory_space<vmem_shared>>
          tpu.wait_indirect_dma semaphore(%run_scoped3A_123 : memref<!tpu.dma_semaphore, #tpu.memory_space<semaphore_mem>>) src(%dma_wait3A_131 : memref<41472xf32, #tpu.memory_space<vmem_shared>>) dst(%arg10 : memref<128xf32, #tpu.memory_space<vmem>>)
          tpu.yield
        }) : () -> ()
        %run_scoped3A_117 = arith.constant 31 : i32
        "tpu.region"() ({
          %run_scoped3A_123 = tpu.sem_alloc : memref<!tpu.dma_semaphore, #tpu.memory_space<semaphore_mem>>
          %dma_start3A = tpu.memref_slice %arg5[%arg0, %run_scoped3A_117, %multiple_of3A] : memref<2x34x286720xf32, #tpu.memory_space<hbm>> -> memref<1x1x128xf32, #tpu.memory_space<hbm>>
          %dma_start3A_124 = tpu.memref_squeeze %dma_start3A : memref<1x1x128xf32, #tpu.memory_space<hbm>> -> memref<128xf32, #tpu.memory_space<hbm>>
          %dma_start3A_125 = tpu.memref_slice %arg5[%arg0, %run_scoped3A_117, %multiple_of3A] : memref<2x34x286720xf32, #tpu.memory_space<hbm>> -> memref<1x1x128xf32, #tpu.memory_space<hbm>>
          %dma_start3A_126 = tpu.memref_squeeze %dma_start3A_125 : memref<1x1x128xf32, #tpu.memory_space<hbm>> -> memref<128xf32, #tpu.memory_space<hbm>>
          tpu.enqueue_dma source(%arg10 : memref<128xf32, #tpu.memory_space<vmem>>) target(%dma_start3A_126 : memref<128xf32, #tpu.memory_space<hbm>>) target_semaphore(%run_scoped3A_123 : memref<!tpu.dma_semaphore, #tpu.memory_space<semaphore_mem>>)
          %dma_wait3A = tpu.memref_slice %arg5[%arg0, %run_scoped3A_117, %multiple_of3A] : memref<2x34x286720xf32, #tpu.memory_space<hbm>> -> memref<1x1x128xf32, #tpu.memory_space<hbm>>
          %dma_wait3A_127 = tpu.memref_squeeze %dma_wait3A : memref<1x1x128xf32, #tpu.memory_space<hbm>> -> memref<128xf32, #tpu.memory_space<hbm>>
          %dma_wait3A_128 = tpu.memref_slice %arg5[%arg0, %run_scoped3A_117, %multiple_of3A] : memref<2x34x286720xf32, #tpu.memory_space<hbm>> -> memref<1x1x128xf32, #tpu.memory_space<hbm>>
          %dma_wait3A_129 = tpu.memref_squeeze %dma_wait3A_128 : memref<1x1x128xf32, #tpu.memory_space<hbm>> -> memref<128xf32, #tpu.memory_space<hbm>>
          tpu.wait_dma2 semaphore(%run_scoped3A_123 : memref<!tpu.dma_semaphore, #tpu.memory_space<semaphore_mem>>) src(%arg10 : memref<128xf32, #tpu.memory_space<vmem>>) dst(%dma_wait3A_129 : memref<128xf32, #tpu.memory_space<hbm>>)
          tpu.yield
        }) : () -> ()
        %run_scoped3A_118 = arith.constant 0 : i32
        "tpu.region"() ({
          %run_scoped3A_123 = tpu.sem_alloc : memref<!tpu.dma_semaphore, #tpu.memory_space<semaphore_mem>>
          %dma_start3A = arith.constant 0 : i32
          %dma_start3A_124 = tpu.memref_slice %arg7[%run_scoped3A_118, %dma_start3A] : memref<1x128xi32, #tpu.memory_space<vmem>> -> memref<1x128xi32, #tpu.memory_space<vmem>>
          %dma_start3A_125 = tpu.memref_squeeze %dma_start3A_124 : memref<1x128xi32, #tpu.memory_space<vmem>> -> memref<128xi32, #tpu.memory_space<vmem>>
          %dma_start3A_126 = arith.constant 0 : i32
          %dma_start3A_127 = tpu.memref_slice %arg43[%dma_start3A_126] : memref<41472xf32, #tpu.memory_space<vmem_shared>> -> memref<41472xf32, #tpu.memory_space<vmem_shared>>
          tpu.enqueue_indirect_dma source(%dma_start3A_127 : memref<41472xf32, #tpu.memory_space<vmem_shared>>) target(%arg10 : memref<128xf32, #tpu.memory_space<vmem>>) offsets(%dma_start3A_125 : memref<128xi32, #tpu.memory_space<vmem>>) semaphore(%run_scoped3A_123 : memref<!tpu.dma_semaphore, #tpu.memory_space<semaphore_mem>>)
          %dma_wait3A = arith.constant 0 : i32
          %dma_wait3A_128 = tpu.memref_slice %arg7[%run_scoped3A_118, %dma_wait3A] : memref<1x128xi32, #tpu.memory_space<vmem>> -> memref<1x128xi32, #tpu.memory_space<vmem>>
          %dma_wait3A_129 = tpu.memref_squeeze %dma_wait3A_128 : memref<1x128xi32, #tpu.memory_space<vmem>> -> memref<128xi32, #tpu.memory_space<vmem>>
          %dma_wait3A_130 = arith.constant 0 : i32
          %dma_wait3A_131 = tpu.memref_slice %arg43[%dma_wait3A_130] : memref<41472xf32, #tpu.memory_space<vmem_shared>> -> memref<41472xf32, #tpu.memory_space<vmem_shared>>
          tpu.wait_indirect_dma semaphore(%run_scoped3A_123 : memref<!tpu.dma_semaphore, #tpu.memory_space<semaphore_mem>>) src(%dma_wait3A_131 : memref<41472xf32, #tpu.memory_space<vmem_shared>>) dst(%arg10 : memref<128xf32, #tpu.memory_space<vmem>>)
          tpu.yield
        }) : () -> ()
        %run_scoped3A_119 = arith.constant 32 : i32
        "tpu.region"() ({
          %run_scoped3A_123 = tpu.sem_alloc : memref<!tpu.dma_semaphore, #tpu.memory_space<semaphore_mem>>
          %dma_start3A = tpu.memref_slice %arg5[%arg0, %run_scoped3A_119, %multiple_of3A] : memref<2x34x286720xf32, #tpu.memory_space<hbm>> -> memref<1x1x128xf32, #tpu.memory_space<hbm>>
          %dma_start3A_124 = tpu.memref_squeeze %dma_start3A : memref<1x1x128xf32, #tpu.memory_space<hbm>> -> memref<128xf32, #tpu.memory_space<hbm>>
          %dma_start3A_125 = tpu.memref_slice %arg5[%arg0, %run_scoped3A_119, %multiple_of3A] : memref<2x34x286720xf32, #tpu.memory_space<hbm>> -> memref<1x1x128xf32, #tpu.memory_space<hbm>>
          %dma_start3A_126 = tpu.memref_squeeze %dma_start3A_125 : memref<1x1x128xf32, #tpu.memory_space<hbm>> -> memref<128xf32, #tpu.memory_space<hbm>>
          tpu.enqueue_dma source(%arg10 : memref<128xf32, #tpu.memory_space<vmem>>) target(%dma_start3A_126 : memref<128xf32, #tpu.memory_space<hbm>>) target_semaphore(%run_scoped3A_123 : memref<!tpu.dma_semaphore, #tpu.memory_space<semaphore_mem>>)
          %dma_wait3A = tpu.memref_slice %arg5[%arg0, %run_scoped3A_119, %multiple_of3A] : memref<2x34x286720xf32, #tpu.memory_space<hbm>> -> memref<1x1x128xf32, #tpu.memory_space<hbm>>
          %dma_wait3A_127 = tpu.memref_squeeze %dma_wait3A : memref<1x1x128xf32, #tpu.memory_space<hbm>> -> memref<128xf32, #tpu.memory_space<hbm>>
          %dma_wait3A_128 = tpu.memref_slice %arg5[%arg0, %run_scoped3A_119, %multiple_of3A] : memref<2x34x286720xf32, #tpu.memory_space<hbm>> -> memref<1x1x128xf32, #tpu.memory_space<hbm>>
          %dma_wait3A_129 = tpu.memref_squeeze %dma_wait3A_128 : memref<1x1x128xf32, #tpu.memory_space<hbm>> -> memref<128xf32, #tpu.memory_space<hbm>>
          tpu.wait_dma2 semaphore(%run_scoped3A_123 : memref<!tpu.dma_semaphore, #tpu.memory_space<semaphore_mem>>) src(%arg10 : memref<128xf32, #tpu.memory_space<vmem>>) dst(%dma_wait3A_129 : memref<128xf32, #tpu.memory_space<hbm>>)
          tpu.yield
        }) : () -> ()
        %run_scoped3A_120 = arith.constant 0 : i32
        "tpu.region"() ({
          %run_scoped3A_123 = tpu.sem_alloc : memref<!tpu.dma_semaphore, #tpu.memory_space<semaphore_mem>>
          %dma_start3A = arith.constant 0 : i32
          %dma_start3A_124 = tpu.memref_slice %arg7[%run_scoped3A_120, %dma_start3A] : memref<1x128xi32, #tpu.memory_space<vmem>> -> memref<1x128xi32, #tpu.memory_space<vmem>>
          %dma_start3A_125 = tpu.memref_squeeze %dma_start3A_124 : memref<1x128xi32, #tpu.memory_space<vmem>> -> memref<128xi32, #tpu.memory_space<vmem>>
          %dma_start3A_126 = arith.constant 0 : i32
          %dma_start3A_127 = tpu.memref_slice %arg44[%dma_start3A_126] : memref<41472xf32, #tpu.memory_space<vmem_shared>> -> memref<41472xf32, #tpu.memory_space<vmem_shared>>
          tpu.enqueue_indirect_dma source(%dma_start3A_127 : memref<41472xf32, #tpu.memory_space<vmem_shared>>) target(%arg10 : memref<128xf32, #tpu.memory_space<vmem>>) offsets(%dma_start3A_125 : memref<128xi32, #tpu.memory_space<vmem>>) semaphore(%run_scoped3A_123 : memref<!tpu.dma_semaphore, #tpu.memory_space<semaphore_mem>>)
          %dma_wait3A = arith.constant 0 : i32
          %dma_wait3A_128 = tpu.memref_slice %arg7[%run_scoped3A_120, %dma_wait3A] : memref<1x128xi32, #tpu.memory_space<vmem>> -> memref<1x128xi32, #tpu.memory_space<vmem>>
          %dma_wait3A_129 = tpu.memref_squeeze %dma_wait3A_128 : memref<1x128xi32, #tpu.memory_space<vmem>> -> memref<128xi32, #tpu.memory_space<vmem>>
          %dma_wait3A_130 = arith.constant 0 : i32
          %dma_wait3A_131 = tpu.memref_slice %arg44[%dma_wait3A_130] : memref<41472xf32, #tpu.memory_space<vmem_shared>> -> memref<41472xf32, #tpu.memory_space<vmem_shared>>
          tpu.wait_indirect_dma semaphore(%run_scoped3A_123 : memref<!tpu.dma_semaphore, #tpu.memory_space<semaphore_mem>>) src(%dma_wait3A_131 : memref<41472xf32, #tpu.memory_space<vmem_shared>>) dst(%arg10 : memref<128xf32, #tpu.memory_space<vmem>>)
          tpu.yield
        }) : () -> ()
        %run_scoped3A_121 = arith.constant 33 : i32
        "tpu.region"() ({
          %run_scoped3A_123 = tpu.sem_alloc : memref<!tpu.dma_semaphore, #tpu.memory_space<semaphore_mem>>
          %dma_start3A = tpu.memref_slice %arg5[%arg0, %run_scoped3A_121, %multiple_of3A] : memref<2x34x286720xf32, #tpu.memory_space<hbm>> -> memref<1x1x128xf32, #tpu.memory_space<hbm>>
          %dma_start3A_124 = tpu.memref_squeeze %dma_start3A : memref<1x1x128xf32, #tpu.memory_space<hbm>> -> memref<128xf32, #tpu.memory_space<hbm>>
          %dma_start3A_125 = tpu.memref_slice %arg5[%arg0, %run_scoped3A_121, %multiple_of3A] : memref<2x34x286720xf32, #tpu.memory_space<hbm>> -> memref<1x1x128xf32, #tpu.memory_space<hbm>>
          %dma_start3A_126 = tpu.memref_squeeze %dma_start3A_125 : memref<1x1x128xf32, #tpu.memory_space<hbm>> -> memref<128xf32, #tpu.memory_space<hbm>>
          tpu.enqueue_dma source(%arg10 : memref<128xf32, #tpu.memory_space<vmem>>) target(%dma_start3A_126 : memref<128xf32, #tpu.memory_space<hbm>>) target_semaphore(%run_scoped3A_123 : memref<!tpu.dma_semaphore, #tpu.memory_space<semaphore_mem>>)
          %dma_wait3A = tpu.memref_slice %arg5[%arg0, %run_scoped3A_121, %multiple_of3A] : memref<2x34x286720xf32, #tpu.memory_space<hbm>> -> memref<1x1x128xf32, #tpu.memory_space<hbm>>
          %dma_wait3A_127 = tpu.memref_squeeze %dma_wait3A : memref<1x1x128xf32, #tpu.memory_space<hbm>> -> memref<128xf32, #tpu.memory_space<hbm>>
          %dma_wait3A_128 = tpu.memref_slice %arg5[%arg0, %run_scoped3A_121, %multiple_of3A] : memref<2x34x286720xf32, #tpu.memory_space<hbm>> -> memref<1x1x128xf32, #tpu.memory_space<hbm>>
          %dma_wait3A_129 = tpu.memref_squeeze %dma_wait3A_128 : memref<1x1x128xf32, #tpu.memory_space<hbm>> -> memref<128xf32, #tpu.memory_space<hbm>>
          tpu.wait_dma2 semaphore(%run_scoped3A_123 : memref<!tpu.dma_semaphore, #tpu.memory_space<semaphore_mem>>) src(%arg10 : memref<128xf32, #tpu.memory_space<vmem>>) dst(%dma_wait3A_129 : memref<128xf32, #tpu.memory_space<hbm>>)
          tpu.yield
        }) : () -> ()
        %scan3A_122 = arith.constant 0 : i32
        scf.yield %scan3A_122 : i32
      }
      %scan3A_36 = arith.constant 20 : i32
      %barrier3A_37 = arith.constant 0 : index
      tpu.barrier barrier_id(%barrier3A_37)
      %scan3A_38 = arith.constant 0 : i32
      scf.yield %scan3A_38 : i32
    }
    %scan3A_10 = arith.constant 7 : i32
    return
  }
}

module attributes {stable_mosaic.version = 14 : i64} {
  func.func @_vox_body(%arg0: i32, %arg1: memref<56x512xf32, #tpu.memory_space<vmem>>, %arg2: memref<56x512xf32, #tpu.memory_space<vmem>>, %arg3: memref<56x512xf32, #tpu.memory_space<vmem>>, %arg4: memref<56x512xi32, #tpu.memory_space<vmem>>) attributes {dimension_semantics = [#tpu.dimension_semantics<arbitrary>], iteration_bounds = array<i64: 21>, scalar_prefetch = 0 : i64, scratch_operands = 0 : i64, tpu.core_type = #tpu.core_type<tc>, window_params = [{transform_indices = @transform_0, window_bounds = array<i64: 56, 512>}, {transform_indices = @transform_1, window_bounds = array<i64: 56, 512>}, {transform_indices = @transform_2, window_bounds = array<i64: 56, 512>}, {transform_indices = @transform_3, window_bounds = array<i64: 56, 512>}]} {
    %get3A = arith.constant 0 : index
    %get3A_0 = arith.constant 0 : index
    %get3A_1 = vector.load %arg1[%get3A, %get3A_0] : memref<56x512xf32, #tpu.memory_space<vmem>>, vector<56x512xf32>
    %div3A = arith.constant 4.000000e+00 : f32
    %div3A_2 = vector.broadcast %div3A : f32 to vector<56x512xf32>
    %div3A_3 = arith.divf %get3A_1, %div3A_2 : vector<56x512xf32>
    %tanh3A = math.tanh %div3A_3 : vector<56x512xf32>
    %add3A = arith.constant 1.000000e+00 : f32
    %add3A_4 = vector.broadcast %add3A : f32 to vector<56x512xf32>
    %add3A_5 = arith.addf %tanh3A, %add3A_4 : vector<56x512xf32>
    %mul3A = arith.constant 5.000000e-01 : f32
    %mul3A_6 = vector.broadcast %mul3A : f32 to vector<56x512xf32>
    %mul3A_7 = arith.mulf %add3A_5, %mul3A_6 : vector<56x512xf32>
    %mul3A_8 = arith.constant 6.400000e+01 : f32
    %mul3A_9 = vector.broadcast %mul3A_8 : f32 to vector<56x512xf32>
    %mul3A_10 = arith.mulf %mul3A_7, %mul3A_9 : vector<56x512xf32>
    %floor3A = math.floor %mul3A_10 : vector<56x512xf32>
    %jit3A = arith.constant 0 : i32
    %jit3A_11 = arith.constant 63 : i32
    %convert_element_type3A = arith.sitofp %jit3A : i32 to f32
    %max3A = vector.broadcast %convert_element_type3A : f32 to vector<56x512xf32>
    %max3A_12 = arith.maximumf %max3A, %floor3A : vector<56x512xf32>
    %convert_element_type3A_13 = arith.sitofp %jit3A_11 : i32 to f32
    %min3A = vector.broadcast %convert_element_type3A_13 : f32 to vector<56x512xf32>
    %min3A_14 = arith.minimumf %min3A, %max3A_12 : vector<56x512xf32>
    %convert_element_type3A_15 = arith.fptosi %min3A_14 : vector<56x512xf32> to vector<56x512xi32>
    %get3A_16 = arith.constant 0 : index
    %get3A_17 = arith.constant 0 : index
    %get3A_18 = vector.load %arg2[%get3A_16, %get3A_17] : memref<56x512xf32, #tpu.memory_space<vmem>>, vector<56x512xf32>
    %div3A_19 = arith.constant 4.000000e+00 : f32
    %div3A_20 = vector.broadcast %div3A_19 : f32 to vector<56x512xf32>
    %div3A_21 = arith.divf %get3A_18, %div3A_20 : vector<56x512xf32>
    %tanh3A_22 = math.tanh %div3A_21 : vector<56x512xf32>
    %add3A_23 = arith.constant 1.000000e+00 : f32
    %add3A_24 = vector.broadcast %add3A_23 : f32 to vector<56x512xf32>
    %add3A_25 = arith.addf %tanh3A_22, %add3A_24 : vector<56x512xf32>
    %mul3A_26 = arith.constant 5.000000e-01 : f32
    %mul3A_27 = vector.broadcast %mul3A_26 : f32 to vector<56x512xf32>
    %mul3A_28 = arith.mulf %add3A_25, %mul3A_27 : vector<56x512xf32>
    %mul3A_29 = arith.constant 6.400000e+01 : f32
    %mul3A_30 = vector.broadcast %mul3A_29 : f32 to vector<56x512xf32>
    %mul3A_31 = arith.mulf %mul3A_28, %mul3A_30 : vector<56x512xf32>
    %floor3A_32 = math.floor %mul3A_31 : vector<56x512xf32>
    %jit3A_33 = arith.constant 0 : i32
    %jit3A_34 = arith.constant 63 : i32
    %convert_element_type3A_35 = arith.sitofp %jit3A_33 : i32 to f32
    %max3A_36 = vector.broadcast %convert_element_type3A_35 : f32 to vector<56x512xf32>
    %max3A_37 = arith.maximumf %max3A_36, %floor3A_32 : vector<56x512xf32>
    %convert_element_type3A_38 = arith.sitofp %jit3A_34 : i32 to f32
    %min3A_39 = vector.broadcast %convert_element_type3A_38 : f32 to vector<56x512xf32>
    %min3A_40 = arith.minimumf %min3A_39, %max3A_37 : vector<56x512xf32>
    %convert_element_type3A_41 = arith.fptosi %min3A_40 : vector<56x512xf32> to vector<56x512xi32>
    %get3A_42 = arith.constant 0 : index
    %get3A_43 = arith.constant 0 : index
    %get3A_44 = vector.load %arg3[%get3A_42, %get3A_43] : memref<56x512xf32, #tpu.memory_space<vmem>>, vector<56x512xf32>
    %div3A_45 = arith.constant 4.000000e+00 : f32
    %div3A_46 = vector.broadcast %div3A_45 : f32 to vector<56x512xf32>
    %div3A_47 = arith.divf %get3A_44, %div3A_46 : vector<56x512xf32>
    %tanh3A_48 = math.tanh %div3A_47 : vector<56x512xf32>
    %add3A_49 = arith.constant 1.000000e+00 : f32
    %add3A_50 = vector.broadcast %add3A_49 : f32 to vector<56x512xf32>
    %add3A_51 = arith.addf %tanh3A_48, %add3A_50 : vector<56x512xf32>
    %mul3A_52 = arith.constant 5.000000e-01 : f32
    %mul3A_53 = vector.broadcast %mul3A_52 : f32 to vector<56x512xf32>
    %mul3A_54 = arith.mulf %add3A_51, %mul3A_53 : vector<56x512xf32>
    %mul3A_55 = arith.constant 6.400000e+01 : f32
    %mul3A_56 = vector.broadcast %mul3A_55 : f32 to vector<56x512xf32>
    %mul3A_57 = arith.mulf %mul3A_54, %mul3A_56 : vector<56x512xf32>
    %floor3A_58 = math.floor %mul3A_57 : vector<56x512xf32>
    %jit3A_59 = arith.constant 0 : i32
    %jit3A_60 = arith.constant 63 : i32
    %convert_element_type3A_61 = arith.sitofp %jit3A_59 : i32 to f32
    %max3A_62 = vector.broadcast %convert_element_type3A_61 : f32 to vector<56x512xf32>
    %max3A_63 = arith.maximumf %max3A_62, %floor3A_58 : vector<56x512xf32>
    %convert_element_type3A_64 = arith.sitofp %jit3A_60 : i32 to f32
    %min3A_65 = vector.broadcast %convert_element_type3A_64 : f32 to vector<56x512xf32>
    %min3A_66 = arith.minimumf %min3A_65, %max3A_63 : vector<56x512xf32>
    %convert_element_type3A_67 = arith.fptosi %min3A_66 : vector<56x512xf32> to vector<56x512xi32>
    %mul3A_68 = arith.constant 64 : i32
    %mul3A_69 = vector.broadcast %mul3A_68 : i32 to vector<56x512xi32>
    %mul3A_70 = arith.muli %convert_element_type3A_15, %mul3A_69 : vector<56x512xi32>
    %add3A_71 = arith.addi %mul3A_70, %convert_element_type3A_41 : vector<56x512xi32>
    %mul3A_72 = arith.constant 64 : i32
    %mul3A_73 = vector.broadcast %mul3A_72 : i32 to vector<56x512xi32>
    %mul3A_74 = arith.muli %add3A_71, %mul3A_73 : vector<56x512xi32>
    %add3A_75 = arith.addi %mul3A_74, %convert_element_type3A_67 : vector<56x512xi32>
    %swap3A = arith.constant 0 : index
    %swap3A_76 = arith.constant 0 : index
    %swap3A_77 = vector.load %arg4[%swap3A, %swap3A_76] : memref<56x512xi32, #tpu.memory_space<vmem>>, vector<56x512xi32>
    tpu.vector_store %arg4[%swap3A, %swap3A_76], %add3A_75 {strides = array<i32>} : memref<56x512xi32, #tpu.memory_space<vmem>>, vector<56x512xi32>,
    return
  }
  func.func @transform_0(%arg0: i32) -> (i32, i32) {
    %c0_i32 = arith.constant 0 : i32
    %c0_i32_0 = arith.constant 0 : i32
    return %arg0, %c0_i32 : i32, i32
  }
  func.func @transform_1(%arg0: i32) -> (i32, i32) {
    %c0_i32 = arith.constant 0 : i32
    %c0_i32_0 = arith.constant 0 : i32
    return %arg0, %c0_i32 : i32, i32
  }
  func.func @transform_2(%arg0: i32) -> (i32, i32) {
    %c0_i32 = arith.constant 0 : i32
    %c0_i32_0 = arith.constant 0 : i32
    return %arg0, %c0_i32 : i32, i32
  }
  func.func @transform_3(%arg0: i32) -> (i32, i32) {
    %c0_i32 = arith.constant 0 : i32
    %c0_i32_0 = arith.constant 0 : i32
    return %arg0, %c0_i32 : i32, i32
  }
}

module attributes {stable_mosaic.version = 14 : i64} {
  func.func @_tr_body(%arg0: i32, %arg1: memref<4096x33xf32, #tpu.memory_space<vmem>>, %arg2: memref<33x33xf32, #tpu.memory_space<vmem>>, %arg3: memref<40x4096xf32, #tpu.memory_space<vmem>>) attributes {dimension_semantics = [#tpu.dimension_semantics<arbitrary>], iteration_bounds = array<i64: 147>, scalar_prefetch = 0 : i64, scratch_operands = 0 : i64, tpu.core_type = #tpu.core_type<tc>, window_params = [{transform_indices = @transform_0, window_bounds = array<i64: 4096, 33>}, {pipeline_mode = #tpu.pipeline_mode<synchronous>, transform_indices = @transform_1, window_bounds = array<i64: 33, 33>}, {transform_indices = @transform_2, window_bounds = array<i64: 40, 4096>}]} {
    %get3A = arith.constant 0 : index
    %get3A_0 = arith.constant 0 : index
    %get3A_1 = vector.load %arg2[%get3A, %get3A_0] : memref<33x33xf32, #tpu.memory_space<vmem>>, vector<33x33xf32>
    %get3A_2 = arith.constant 0 : index
    %get3A_3 = arith.constant 0 : index
    %get3A_4 = vector.load %arg1[%get3A_2, %get3A_3] : memref<4096x33xf32, #tpu.memory_space<vmem>>, vector<4096x33xf32>
    %dot_general3A = arith.constant dense<0.000000e+00> : vector<33x4096xf32>
    %dot_general3A_5 = tpu.matmul %get3A_1, %get3A_4, %dot_general3A {dimension_numbers = #tpu.dot_dimension_numbers<[1], [1], [0], [0], [0, 0, 1, 0], [], []>, transpose_lhs_hint = false} : vector<33x33xf32>, vector<4096x33xf32>, vector<33x4096xf32> -> vector<33x4096xf32>
    %broadcast_in_dim3A = arith.constant 1.000000e+00 : f32
    %broadcast_in_dim3A_6 = vector.broadcast %broadcast_in_dim3A : f32 to vector<1x4096xf32>
    %broadcast_in_dim3A_7 = arith.constant 0.000000e+00 : f32
    %broadcast_in_dim3A_8 = vector.broadcast %broadcast_in_dim3A_7 : f32 to vector<6x4096xf32>
    %concatenate3A = tpu.concatenate %dot_general3A_5, %broadcast_in_dim3A_6, %broadcast_in_dim3A_8 in 0 : vector<33x4096xf32>, vector<1x4096xf32>, vector<6x4096xf32> -> vector<40x4096xf32>
    %swap3A = arith.constant 0 : index
    %swap3A_9 = arith.constant 0 : index
    %swap3A_10 = vector.load %arg3[%swap3A, %swap3A_9] : memref<40x4096xf32, #tpu.memory_space<vmem>>, vector<40x4096xf32>
    tpu.vector_store %arg3[%swap3A, %swap3A_9], %concatenate3A {strides = array<i32>} : memref<40x4096xf32, #tpu.memory_space<vmem>>, vector<40x4096xf32>,
    return
  }
  func.func @transform_0(%arg0: i32) -> (i32, i32) {
    %c0_i32 = arith.constant 0 : i32
    %c0_i32_0 = arith.constant 0 : i32
    return %arg0, %c0_i32 : i32, i32
  }
  func.func @transform_1(%arg0: i32) -> (i32, i32) {
    %c0_i32 = arith.constant 0 : i32
    %c0_i32_0 = arith.constant 0 : i32
    %c0_i32_1 = arith.constant 0 : i32
    return %c0_i32, %c0_i32_0 : i32, i32
  }
  func.func @transform_2(%arg0: i32) -> (i32, i32) {
    %c0_i32 = arith.constant 0 : i32
    %c0_i32_0 = arith.constant 0 : i32
    return %c0_i32, %arg0 : i32, i32
  }
}

module attributes {stable_mosaic.version = 14 : i64} {
  func.func @_head_body(%arg0: i32, %arg1: memref<1x34x2048xf32, #tpu.memory_space<vmem>>, %arg2: memref<1x34x2048xf32, #tpu.memory_space<vmem>>, %arg3: memref<33x33xf32, #tpu.memory_space<vmem>>, %arg4: memref<1x33xf32, #tpu.memory_space<vmem>>, %arg5: memref<2048x33xf32, #tpu.memory_space<vmem>>) attributes {dimension_semantics = [#tpu.dimension_semantics<arbitrary>], iteration_bounds = array<i64: 128>, scalar_prefetch = 0 : i64, scratch_operands = 0 : i64, tpu.core_type = #tpu.core_type<tc>, window_params = [{transform_indices = @transform_0, window_bounds = array<i64: 1, 34, 2048>}, {transform_indices = @transform_1, window_bounds = array<i64: 1, 34, 2048>}, {pipeline_mode = #tpu.pipeline_mode<synchronous>, transform_indices = @transform_2, window_bounds = array<i64: 33, 33>}, {pipeline_mode = #tpu.pipeline_mode<synchronous>, transform_indices = @transform_3, window_bounds = array<i64: 1, 33>}, {transform_indices = @transform_4, window_bounds = array<i64: 2048, 33>}]} {
    %get3A = arith.constant 0 : index
    %get3A_0 = arith.constant 0 : index
    %get3A_1 = arith.constant 0 : index
    %get3A_2 = vector.load %arg1[%get3A, %get3A_0, %get3A_1] : memref<1x34x2048xf32, #tpu.memory_space<vmem>>, vector<1x34x2048xf32>
    %get3A_3 = vector.shape_cast %get3A_2 : vector<1x34x2048xf32> to vector<34x2048xf32>
    %get3A_4 = arith.constant 0 : index
    %get3A_5 = arith.constant 0 : index
    %get3A_6 = arith.constant 0 : index
    %get3A_7 = vector.load %arg2[%get3A_4, %get3A_5, %get3A_6] : memref<1x34x2048xf32, #tpu.memory_space<vmem>>, vector<1x34x2048xf32>
    %get3A_8 = vector.shape_cast %get3A_7 : vector<1x34x2048xf32> to vector<34x2048xf32>
    %add3A = arith.addf %get3A_3, %get3A_8 : vector<34x2048xf32>
    %slice3A = vector.extract_strided_slice %add3A {offsets = [0, 0], sizes = [33, 2048], strides = [1, 1]} : vector<34x2048xf32> to vector<33x2048xf32>
    %slice3A_9 = vector.extract_strided_slice %add3A {offsets = [33, 0], sizes = [1, 2048], strides = [1, 1]} : vector<34x2048xf32> to vector<1x2048xf32>
    %max3A = arith.constant 1.000000e+00 : f32
    %max3A_10 = vector.broadcast %max3A : f32 to vector<1x2048xf32>
    %max3A_11 = arith.maximumf %slice3A_9, %max3A_10 : vector<1x2048xf32>
    %div3A = vector.broadcast %max3A_11 : vector<1x2048xf32> to vector<33x2048xf32>
    %div3A_12 = arith.divf %slice3A, %div3A : vector<33x2048xf32>
    %get3A_13 = arith.constant 0 : index
    %get3A_14 = arith.constant 0 : index
    %get3A_15 = vector.load %arg3[%get3A_13, %get3A_14] : memref<33x33xf32, #tpu.memory_space<vmem>>, vector<33x33xf32>
    %dot_general3A = arith.constant dense<0.000000e+00> : vector<2048x33xf32>
    %dot_general3A_16 = tpu.matmul %div3A_12, %get3A_15, %dot_general3A {dimension_numbers = #tpu.dot_dimension_numbers<[0], [0], [1], [1], [0, 1, 1, 1], [], []>, transpose_lhs_hint = false} : vector<33x2048xf32>, vector<33x33xf32>, vector<2048x33xf32> -> vector<2048x33xf32>
    %get3A_17 = arith.constant 0 : index
    %get3A_18 = arith.constant 0 : index
    %get3A_19 = vector.load %arg4[%get3A_17, %get3A_18] : memref<1x33xf32, #tpu.memory_space<vmem>>, vector<1x33xf32>
    %add3A_20 = vector.broadcast %get3A_19 : vector<1x33xf32> to vector<2048x33xf32>
    %add3A_21 = arith.addf %dot_general3A_16, %add3A_20 : vector<2048x33xf32>
    %iota3A = tpu.iota {dimensions = array<i32: 1>} : vector<2048x33xi32>
    %eq3A = arith.constant 32 : i32
    %eq3A_22 = vector.broadcast %eq3A : i32 to vector<2048x33xi32>
    %eq3A_23 = arith.cmpi eq, %iota3A, %eq3A_22 : vector<2048x33xi32>
    %jit3A = arith.constant 6.000000e+00 : f32
    %jit3A_24 = arith.constant 5.000000e+00 : f32
    %broadcast_in_dim3A = vector.broadcast %jit3A : f32 to vector<2048x33xf32>
    %broadcast_in_dim3A_25 = vector.broadcast %jit3A_24 : f32 to vector<2048x33xf32>
    %select_n3A = arith.select %eq3A_23, %broadcast_in_dim3A, %broadcast_in_dim3A_25 : vector<2048x33xi1>, vector<2048x33xf32>
    %div3A_26 = arith.divf %add3A_21, %select_n3A : vector<2048x33xf32>
    %tanh3A = math.tanh %div3A_26 : vector<2048x33xf32>
    %mul3A = arith.mulf %tanh3A, %select_n3A : vector<2048x33xf32>
    %swap3A = arith.constant 0 : index
    %swap3A_27 = arith.constant 0 : index
    %swap3A_28 = vector.load %arg5[%swap3A, %swap3A_27] : memref<2048x33xf32, #tpu.memory_space<vmem>>, vector<2048x33xf32>
    tpu.vector_store %arg5[%swap3A, %swap3A_27], %mul3A {strides = array<i32>} : memref<2048x33xf32, #tpu.memory_space<vmem>>, vector<2048x33xf32>,
    return
  }
  func.func @transform_0(%arg0: i32) -> (i32, i32, i32) {
    %c0_i32 = arith.constant 0 : i32
    %c0_i32_0 = arith.constant 0 : i32
    %c0_i32_1 = arith.constant 0 : i32
    return %c0_i32, %c0_i32_0, %arg0 : i32, i32, i32
  }
  func.func @transform_1(%arg0: i32) -> (i32, i32, i32) {
    %c1_i32 = arith.constant 1 : i32
    %c0_i32 = arith.constant 0 : i32
    %c0_i32_0 = arith.constant 0 : i32
    return %c1_i32, %c0_i32, %arg0 : i32, i32, i32
  }
  func.func @transform_2(%arg0: i32) -> (i32, i32) {
    %c0_i32 = arith.constant 0 : i32
    %c0_i32_0 = arith.constant 0 : i32
    %c0_i32_1 = arith.constant 0 : i32
    return %c0_i32, %c0_i32_0 : i32, i32
  }
  func.func @transform_3(%arg0: i32) -> (i32, i32) {
    %c0_i32 = arith.constant 0 : i32
    %c0_i32_0 = arith.constant 0 : i32
    %c0_i32_1 = arith.constant 0 : i32
    return %c0_i32, %c0_i32_0 : i32, i32
  }
  func.func @transform_4(%arg0: i32) -> (i32, i32) {
    %c0_i32 = arith.constant 0 : i32
    %c0_i32_0 = arith.constant 0 : i32
    return %arg0, %c0_i32 : i32, i32
  }
}

</mosaic_0001>

<sc_bundles>
// kernel: kernel.6.cloned.1.call-start
scs
__scs_entry_jumppad:
0x0: {  	(pc) =	sbr.rel $0x88, $3  }
0x1: {  	(tag) =	ssettag $0x0;
	lr =	simm.s32 $0x1  }
0x2: {  	[smem:$0x3F9D] =	sst lr;
	_ =	strace $0xD0000000  }
0x3: {  	_ = 	snop  }
0x4: {  	_ = 	snop  }
0x5: {  	_ = 	snop  }
0x6: {  	_ = 	snop  }
0x7: {  	_ = 	snop  }
__scs_overlays_trampoline_lowered:
0x8: {  	[smem:$0x3FAC] =	sst s0  }
0x9: {  	[smem:$0x3FAD] =	sst s1  }
0xa: {  	[smem:$0x3FAE] =	sst s2  }
0xb: {  	[smem:$0x3FAF] =	sst s3  }
0xc: {  	[smem:$0x3FB0] =	sst s4  }
0xd: {  	[smem:$0x3FB1] =	sst s5  }
0xe: {  	[smem:$0x3FB2] =	sst s6  }
0xf: {  	[smem:$0x3FB3] =	sst s7  }
0x10: {  	[smem:$0x3FB4] =	sst s8  }
0x11: {  	[smem:$0x3FB5] =	sst s9;
	s0 =	simm.s32 @!p0 $0x0  }
0x12: {  	s1 =	sld [smem:$0x3F9B];
	s0 =	simm.s32 @p0 $0x1  }
0x13: {  	[smem:$0x3FB6] =	sst s0;
	s0 =	simm.s32 @!p1 $0x0  }
0x14: {  	s2 =	sld [smem:$0x3F9A];
	s0 =	simm.s32 @p1 $0x1  }
0x15: {  	[smem:$0x3FB7] =	sst s0;
	s0 =	simm.s32 @!p2 $0x0  }
0x16: {  	s3 =	sld [smem:$0x3FDB];
	s0 =	simm.s32 @p2 $0x1  }
0x17: {  	s4 =	simm.s32 $0x1BF5;
	[smem:$0x3FB9] =	sst s0  }
0x18: {  	s0 =	sld [smem:$0x3F9C];
	_ =	swait.ge [sflag:s4], $0x0  }
0x19: {  	s7 =	sld [smem:$0x3F9D]  }
0x1a: {  	s8 =	sadd.s32 $0xFFFFE003, lr  }
0x1b: {  	s9 =	sadd.s32 $0xFFFFFEF7, lr;
	s5 =	simm.s32 $0xFFFFFFFF;
	p2 =	slt.u32 s8, $0xFFFFF086  }
0x1c: {  	p1 =	slt.u32 s9, $0xF7A;
	s5 =	simm.s32 @!p2 $0x0  }
0x1d: {  	s5 =	simm.s32 @p1 $0x1;
	p0 =	seq.s32 s7, s2  }
0x1e: {  	s7 =	smul.u32 @!p0 $0xF7A, s2;
	p2 =	seq.s32 @!p0 s5, $0x0  }
0x1f: {  	s9 =	smul.u32 $0xF7A, s1;
	s8 =	simm.s32 @!p0 $0x1BF5;
	p2 =	por !p2, p0  }
0x20: {  	[sflag:s8] =	ssyncset.s32 @!p0 $0xFFFFF086;
	s6 =	sadd.s32 @!p0 s3, s7;
	s7 =	simm.s32 @!p0 $0x108  }
0x21: {  	s3 =	sadd.s32 s3, s9;
	s6 =	sadd.s32 @!p0 $0x88, s6;
	s7 =	simm.s32 @p2 $0x1082  }
0x22: {  	[simem:s7], [sflag:s8] =	dma.local @!p0 [hbm:s6], $0xF7A  }
0x23: {  	s9 =	sor.u32 $0xD0000000, s2;
	s6 =	simm.s32 $0x108;
	_ =	swait.ge @!p0 [sflag:s8], $0x0  }
0x24: {  	s3 =	sadd.s32 $0x88, s3;
	s6 =	simm.s32 @!p1 $0x1082;
	[sflag:s4] =	ssyncset.s32 $0xFFFFF086  }
0x25: {  	[simem:s6], [sflag:s4] =	dma.local [hbm:s3], $0xF7A  }
0x26: {  	[smem:$0x3F9D] =	sst s1;
	(tag) =	ssettag s2;
	_ =	strace s9  }
0x27: {  	s1 =	sld [smem:$0x3FAD]  }
0x28: {  	s2 =	sld [smem:$0x3FAE]  }
0x29: {  	s4 =	sld [smem:$0x3FB0]  }
0x2a: {  	p0 =	seq.s32 s5, $0x0;
	s5 =	sld [smem:$0x3FB1]  }
0x2b: {  	s6 =	sld [smem:$0x3FB2]  }
0x2c: {  	s7 =	sld [smem:$0x3FB3]  }
0x2d: {  	s3 =	simm.s32 $0x108;
	s8 =	sld [smem:$0x3FB4]  }
0x2e: {  	s3 =	simm.s32 @!p0 $0x1082;
	s9 =	sld [smem:$0x3FB5]  }
0x2f: {  	lr =	sadd.s32 s0, s3;
	s0 =	sld [smem:$0x3FAC]  }
0x30: {  	s3 =	sld [smem:$0x3FAF]  }
0x31: {  	[smem:$0x3FB8] =	sst s10  }
0x32: {  	s10 =	sld [smem:$0x3FB6];
	_ =	sdelay $0x3  }
0x33: {  	p0 =	seq.s32 s10, $0x1;
	s10 =	sld [smem:$0x3FB8];
	_ =	sdelay $0x3  }
0x34: {  	[smem:$0x3FB8] =	sst s10  }
0x35: {  	s10 =	sld [smem:$0x3FB7];
	_ =	sdelay $0x3  }
0x36: {  	p1 =	seq.s32 s10, $0x1;
	s10 =	sld [smem:$0x3FB8];
	_ =	sdelay $0x3  }
0x37: {  	[smem:$0x3FB8] =	sst s10  }
0x38: {  	s10 =	sld [smem:$0x3FB9]  }
0x39: {  	_ = 	snop;
	(pc) =	sbr.ind lr, $3  }
0x3a: {  	_ = 	snop  }
0x3b: {  	_ = 	snop  }
0x3c: {  	p2 =	seq.s32 s10, $0x1;
	s10 =	sld [smem:$0x3FB8]  }
0x3d: {  	_ =	shalt  }
0x3e: {  	_ =	shalt  }
0x3f: {  	_ =	shalt  }
0x40: {  	_ =	shalt  }
0x41: {  	_ =	shalt  }
0x42: {  	_ =	shalt  }
0x43: {  	_ =	shalt  }
0x44: {  	_ =	shalt  }
0x45: {  	_ =	shalt  }
0x46: {  	_ =	shalt  }
0x47: {  	_ =	shalt  }
0x48: {  	_ =	shalt  }
0x49: {  	_ =	shalt  }
0x4a: {  	_ =	shalt  }
0x4b: {  	_ =	shalt  }
0x4c: {  	_ =	shalt  }
0x4d: {  	_ =	shalt  }
0x4e: {  	_ =	shalt  }
0x4f: {  	_ =	shalt  }
0x50: {  	_ =	shalt  }
0x51: {  	_ =	shalt  }
0x52: {  	_ =	shalt  }
0x53: {  	_ =	shalt  }
0x54: {  	_ =	shalt  }
0x55: {  	_ =	shalt  }
0x56: {  	_ =	shalt  }
0x57: {  	_ =	shalt  }
0x58: {  	_ =	shalt  }
0x59: {  	_ =	shalt  }
0x5a: {  	_ =	shalt  }
0x5b: {  	_ =	shalt  }
0x5c: {  	_ =	shalt  }
0x5d: {  	_ =	shalt  }
0x5e: {  	_ =	shalt  }
0x5f: {  	_ =	shalt  }
0x60: {  	_ =	shalt  }
0x61: {  	_ =	shalt  }
0x62: {  	_ =	shalt  }
0x63: {  	_ =	shalt  }
0x64: {  	_ =	shalt  }
0x65: {  	_ =	shalt  }
0x66: {  	_ =	shalt  }
0x67: {  	_ =	shalt  }
0x68: {  	_ =	shalt  }
0x69: {  	_ =	shalt  }
0x6a: {  	_ =	shalt  }
0x6b: {  	_ =	shalt  }
0x6c: {  	_ =	shalt  }
0x6d: {  	_ =	shalt  }
0x6e: {  	_ =	shalt  }
0x6f: {  	_ =	shalt  }
0x70: {  	_ =	shalt  }
0x71: {  	_ =	shalt  }
0x72: {  	_ =	shalt  }
0x73: {  	_ =	shalt  }
0x74: {  	_ =	shalt  }
0x75: {  	_ =	shalt  }
0x76: {  	_ =	shalt  }
0x77: {  	_ =	shalt  }
0x78: {  	_ =	shalt  }
0x79: {  	_ =	shalt  }
0x7a: {  	_ =	shalt  }
0x7b: {  	_ =	shalt  }
0x7c: {  	_ =	shalt  }
0x7d: {  	_ =	shalt  }
0x7e: {  	_ =	shalt  }
0x7f: {  	_ =	shalt  }
0x80: {  	_ =	shalt  }
0x81: {  	_ =	shalt  }
0x82: {  	_ =	shalt  }
0x83: {  	_ =	shalt  }
0x84: {  	_ =	shalt  }
0x85: {  	_ =	shalt  }
0x86: {  	_ =	shalt  }
0x87: {  	_ =	shalt  }
.Lfunc_end0:
.L_simem_size_0:
called_computation_lowered:
.L_overlay_start_0:
0x88: {  	s2 =	sld [smem:$0x3FD9]  }
0x89: {  	s3 =	sld [smem:$0x3FFE];
	_ =	sdelay $0x1  }
0x8a: {  	s1 =	srdreg.scid  }
0x8b: {  	s0 =	sand.u32 $0x1, s1  }
0x8c: {  	s11 =	sshll.u32 s0, $0xA;
	s2 =	sadd.s32 s3, s2  }
0x8d: {  	s2 =	sadd.s32 s2, s11  }
0x8e: {  	[smem:$0x3FC4] =	sst s2  }
0x8f: {  	_ = 	snop  }
0x90: {  	s12 =	sld [smem:$0x3FD0];
	(tm) =	ssettm $0x1  }
0x91: {  	s13 =	sld [smem:$0x3FFB];
	_ =	sdelay $0x3  }
0x92: {  	_ =	strace s13  }
0x93: {  	s2 =	sld [smem:$0x3FFC];
	_ =	sdelay $0x3  }
0x94: {  	_ =	strace s2  }
0x95: {  	s2 =	sld [smem:$0x3FFD];
	_ =	sdelay $0x3  }
0x96: {  	_ =	strace s2  }
0x97: {  	_ =	strace $0x8FFFFFFF  }
0x98: {  	s14 =	sld [smem:$0x3FDB];
	_ =	sdelay $0x1  }
0x99: {  	s4 =	simm.s32 $_scs_section_size  }
0x9a: {  	s5 =	simm.s32 $_size__tile_task_arg_handler_lowered;
	s6 =	simm.s32 $_tile_task_arg_handler_lowered  }
0x9b: {  	s17 =	simm.s32 $0x1BFF;
	s16 =	sshll.u32 s6, $0x1;
	s4 =	sadd.s32 s4, s14  }
0x9c: {  	s7 =	simm.s32 $0x60;
	s15 =	sshll.u32 s5, $0x1;
	s5 =	sadd.s32 s16, s4  }
0x9d: {  	[timem:s7], [sflag:s17] =	dma.local [hbm:s5], s15  }
0x9e: {  	_ =	swait.ge [sflag:s17], s15  }
0x9f: {  	s18 =	simm.s32 $_tile_overlayer_lowered;
	s2 =	ssub.s32 $0x0, s15;
	[sflag:s17] =	ssyncset.done $0x0  }
0xa0: {  	s19 =	simm.s32 $_size__tile_overlayer_lowered;
	s5 =	sshll.u32 s18, $0x1;
	[sflag:s17] =	ssyncadd.s32 s2  }
0xa1: {  	s21 =	simm.s32 $0x0;
	s20 =	sshll.u32 s19, $0x1;
	s5 =	sadd.s32 s5, s4  }
0xa2: {  	[timem:s21], [sflag:s17] =	dma.local [hbm:s5], s20  }
0xa3: {  	_ =	swait.ge [sflag:s17], s20  }
0xa4: {  	s22 =	ssub.s32 $0x0, s20;
	[sflag:s17] =	ssyncset.done $0x0  }
0xa5: {  	[sflag:s17] =	ssyncadd.s32 s22;
	_ =	sdelay $0x1  }
0xa6: {  	s23 =	simm.s32 $0x1B8B  }
0xa7: {  	_ =	swait.ge [sflag:s23], $0x1  }
0xa8: {  	[sflag:s23] =	ssyncset.done $0x0  }
0xa9: {  	s25 =	simm.s32 $0x1B8E;
	s24 =	sld [smem:$0x3FFE];
	[sflag:s23] =	ssyncadd.s32 $0xFFFFFFFF  }
0xaa: {  	s26 =	simm.s32 $execute0_lowered;
	[smem:$0x3FD2] =	sst s25  }
0xab: {  	s6 =	sshll.u32 s26, $0x1;
	_ =	strace $0x80000046;
	[dreg:$0x1] =	wrdreg $0xFFFFFFFF  }
0xac: {  	s28 =	simm.s32 $_size_execute0_lowered;
	s4 =	sadd.s32 s4, s6;
	[dreg:$0x0] =	wrdreg $0x0  }
0xad: {  	s6 =	sshll.u32 s28, $0x1;
	[dreg:$0x2] =	wrdreg s4  }
0xae: {  	[dreg:$0x3] =	wrdreg s6  }
0xaf: {  	[dreg:$0x4] =	wrdreg $0xC0  }
0xb0: {  	_ =	task [dreg:s21], $0x5FFFF  }
0xb1: {  	[dreg:$0x1] =	wrdreg $0xFFFFFFFF  }
0xb2: {  	[dreg:$0x0] =	wrdreg $0x30  }
0xb3: {  	[dreg:$0x2] =	wrdreg $0x0  }
0xb4: {  	[dreg:$0x3] =	wrdreg $0x10A800  }
0xb5: {  	[dreg:$0x4] =	wrdreg $0x114A00  }
0xb6: {  	[dreg:$0x5] =	wrdreg $0x11EC00  }
0xb7: {  	[dreg:$0x6] =	wrdreg $0x128E00  }
0xb8: {  	[dreg:$0x7] =	wrdreg $0x133000  }
0xb9: {  	[dreg:$0x8] =	wrdreg $0x13D200  }
0xba: {  	[dreg:$0x9] =	wrdreg $0x147400  }
0xbb: {  	[dreg:$0xa] =	wrdreg $0x151600  }
0xbc: {  	[dreg:$0xb] =	wrdreg $0x15B800  }
0xbd: {  	[dreg:$0xc] =	wrdreg $0x165A00  }
0xbe: {  	[dreg:$0xd] =	wrdreg $0x16FC00  }
0xbf: {  	[dreg:$0xe] =	wrdreg $0x179E00  }
0xc0: {  	[dreg:$0xf] =	wrdreg $0x184000  }
0xc1: {  	_ =	task [dreg:s21], $0x10FFFF  }
0xc2: {  	[dreg:$0x1] =	wrdreg $0xFFFFFFFF  }
0xc3: {  	[dreg:$0x0] =	wrdreg $0x30  }
0xc4: {  	[dreg:$0x2] =	wrdreg $0xD  }
0xc5: {  	[dreg:$0x3] =	wrdreg $0x18E200  }
0xc6: {  	[dreg:$0x4] =	wrdreg $0x198400  }
0xc7: {  	[dreg:$0x5] =	wrdreg $0x1A2600  }
0xc8: {  	[dreg:$0x6] =	wrdreg $0x1AC800  }
0xc9: {  	[dreg:$0x7] =	wrdreg $0x1B6A00  }
0xca: {  	[dreg:$0x8] =	wrdreg $0x1C0C00  }
0xcb: {  	[dreg:$0x9] =	wrdreg $0x1CAE00  }
0xcc: {  	[dreg:$0xa] =	wrdreg $0x1D5000  }
0xcd: {  	[dreg:$0xb] =	wrdreg $0x1DF200  }
0xce: {  	[dreg:$0xc] =	wrdreg $0x9  }
0xcf: {  	_ =	task [dreg:s21], $0xDFFFF  }
0xd0: {  	[dreg:$0x1] =	wrdreg $0xFFFFFFFF  }
0xd1: {  	[dreg:$0x0] =	wrdreg $0x60  }
0xd2: {  	[dreg:$0x2] =	wrdreg s12  }
0xd3: {  	[dreg:$0x3] =	wrdreg s24  }
0xd4: {  	[dreg:$0x4] =	wrdreg $0x91000  }
0xd5: {  	[dreg:$0x5] =	wrdreg $0x9B200  }
0xd6: {  	[dreg:$0x6] =	wrdreg $0xA5400  }
0xd7: {  	[dreg:$0x7] =	wrdreg $0xAF600  }
0xd8: {  	[dreg:$0x8] =	wrdreg $0xB9800  }
0xd9: {  	[dreg:$0x9] =	wrdreg $0xC3A00  }
0xda: {  	[dreg:$0xa] =	wrdreg $0xCDC00  }
0xdb: {  	[dreg:$0xb] =	wrdreg $0xD7E00  }
0xdc: {  	[dreg:$0xc] =	wrdreg $0xE2000  }
0xdd: {  	[dreg:$0xd] =	wrdreg $0xEC200  }
0xde: {  	[dreg:$0xe] =	wrdreg $0xF6400  }
0xdf: {  	[dreg:$0xf] =	wrdreg $0x100600  }
0xe0: {  	_ =	task.clear_ibuf [dreg:s21], $0x10FFFF;
	_ =	strace $0x90000046  }
0xe1: {  	s29 =	simm.s32 $0x9;
	_ =	strace $0x80000048  }
0xe2: {  	_ =	swait.ge [sflag:s29], $0x1  }
0xe3: {  	[sflag:s29] =	ssyncadd.s32 $0xFFFFFFFF  }
0xe4: {  	_ =	strace $0x90000048  }
0xe5: {  	_ =	sfence  }
0xe6: {  	s30 =	sld [smem:$0x0];
	_ =	sdelay $0x2  }
0xe7: {  	s31 =	sshll.u32 s1, $0xD;
	s1 =	sshrl.u32 s1, $0x2  }
0xe8: {  	s4 =	sand.u32 $0x4000, s31;
	s1 =	sadd.s32 s1, s30  }
0xe9: {  	s0 =	sor.u32 s4, s0;
	s1 =	sshll.u32 s1, $0x11  }
0xea: {  	s0 =	sor.u32 s1, s0  }
0xeb: {  	s0 =	sadd.s32 $0x8F2B, s0  }
0xec: {  	[sflag:s0] =	ssyncadd.remote.s32 $0x1  }
0xed: {  	_ =	sfence.sel $0xFFFF  }
0xee: {  	[dreg:$0x0] =	wrdreg $0xFFFFFFFF;
	(pc) =	sbr.abs _section_cstart, $3  }
0xef: {  	[dreg:$0x1] =	wrdreg $0xFFFFFFFF  }
0xf0: {  	_ =	task.clear_ibuf [dreg:s21], $0x2FFFF;
	_ =	strace $0x9FFFFFFF  }
0xf1: {  	(tm) =	ssettm $0x7FFFFFFF  }
tec
_tile_task_arg_handler_lowered:
.L_overlay_start_1:
0x0: {  	(tag) =	ssettag $0x1  }
0x1: {  	s0 =	rddreg [dreg:$0x0]  }
0x2: {  	s1 =	rddreg [dreg:$0x1]  }
0x3: {  	s2 =	rddreg [dreg:$0x2]  }
0x4: {  	s3 =	rddreg [dreg:$0x3]  }
0x5: {  	s4 =	rddreg [dreg:$0x4]  }
0x6: {  	s5 =	rddreg [dreg:$0x5]  }
0x7: {  	s6 =	rddreg [dreg:$0x6]  }
0x8: {  	s7 =	rddreg [dreg:$0x7]  }
0x9: {  	s8 =	rddreg [dreg:$0x8]  }
0xa: {  	s9 =	rddreg [dreg:$0x9]  }
0xb: {  	s10 =	rddreg [dreg:$0xa]  }
0xc: {  	s11 =	rddreg [dreg:$0xb]  }
0xd: {  	s12 =	rddreg [dreg:$0xc]  }
0xe: {  	s13 =	rddreg [dreg:$0xd]  }
0xf: {  	[smem:s0] =	sst s1  }
0x10: {  	[smem:s0+$0x1] =	sst s2  }
0x11: {  	[smem:s0+$0x2] =	sst s3  }
0x12: {  	[smem:s0+$0x3] =	sst s4  }
0x13: {  	[smem:s0+$0x4] =	sst s5  }
0x14: {  	[smem:s0+$0x5] =	sst s6  }
0x15: {  	[smem:s0+$0x6] =	sst s7  }
0x16: {  	[smem:s0+$0x7] =	sst s8  }
0x17: {  	[smem:s0+$0x8] =	sst s9  }
0x18: {  	[smem:s0+$0x9] =	sst s10  }
0x19: {  	[smem:s0+$0xA] =	sst s11  }
0x1a: {  	[smem:s0+$0xB] =	sst s12  }
0x1b: {  	[smem:s0+$0xC] =	sst s13;
	_ =	shalt  }
.Lfunc_end2:
execute0_lowered:
.L_overlay_start_2:
0x1c: {  	(tag) =	ssettag $0x2  }
0x1d: {  	s9 =	rddreg [dreg:$0x1];
	s14 =	simm.s32 $0x0  }
0x1e: {  	[smem:$0x7FF] =	sst s14  }
0x1f: {  	s0 =	sld [smem:$0x0]  }
0x20: {  	s13 =	sld [smem:$0x1]  }
0x21: {  	s15 =	sld [smem:$0x2]  }
0x22: {  	s16 =	sld [smem:$0x3]  }
0x23: {  	s17 =	sld [smem:$0x4]  }
0x24: {  	s18 =	sld [smem:$0x5]  }
0x25: {  	s19 =	sld [smem:$0x6]  }
0x26: {  	s20 =	sld [smem:$0x8]  }
0x27: {  	s21 =	sld [smem:$0x9]  }
0x28: {  	s22 =	sld [smem:$0xB]  }
0x29: {  	s23 =	sld [smem:$0xC]  }
0x2a: {  	s24 =	sld [smem:$0xF]  }
0x2b: {  	s3 =	sld [smem:$0x11]  }
0x2c: {  	s7 =	sld [smem:$0x13]  }
0x2d: {  	s31 =	sld [smem:$0x15]  }
0x2e: {  	s10 =	sld [smem:$0x16]  }
0x2f: {  	[smem:$0x7F3] =	sst s0  }
0x30: {  	[smem:$0x7F4] =	sst s13  }
0x31: {  	[smem:$0x7F5] =	sst s15  }
0x32: {  	[smem:$0x7F6] =	sst s16  }
0x33: {  	[smem:$0x7F7] =	sst s17  }
0x34: {  	[smem:$0x7F8] =	sst s18  }
0x35: {  	[smem:$0x7F9] =	sst s19  }
0x36: {  	s18 =	sld [smem:$0x7]  }
0x37: {  	[dreg:$0xf] =	wrdreg s20  }
0x38: {  	[dreg:$0x15] =	wrdreg s21  }
0x39: {  	s15 =	sld [smem:$0xA]  }
0x3a: {  	[smem:$0x7FA] =	sst s22  }
0x3b: {  	[dreg:$0x11] =	wrdreg s23  }
0x3c: {  	s13 =	sld [smem:$0xD]  }
0x3d: {  	s19 =	sld [smem:$0xE]  }
0x3e: {  	[dreg:$0x18] =	wrdreg s24  }
0x3f: {  	s25 =	srdreg.scid;
	s20 =	sld [smem:$0x10]  }
0x40: {  	s5 =	sand.u32 $0x1, s25;
	[dreg:$0x1a] =	wrdreg s3  }
0x41: {  	s12 =	stileid.u32;
	s8 =	sshll.u32 s5, $0x4;
	s21 =	sld [smem:$0x12]  }
0x42: {  	s26 =	ssub.s32 $0x2, s5;
	s8 =	sor.u32 s12, s8;
	[dreg:$0x1c] =	wrdreg s7  }
0x43: {  	s6 =	sshrl.u32 s26, $0x1;
	s8 =	smul.u32 $0x4980, s8;
	s22 =	sld [smem:$0x14]  }
0x44: {  	s6 =	ssub.s32 s26, s6;
	[dreg:$0x1e] =	wrdreg s10  }
0x45: {  	s6 =	smax.u32 s6, $0x1;
	_ =	strace $0x80000047;
	[dreg:$0x1f] =	wrdreg s8  }
0x46: {  	s30 =	sadd.s32 $0x930000, s9;
	[smem:$0x7FB] =	sst s6  }
0x47: {  	[smem:$0x7FD] =	sst s30  }
0x48: {  	[dreg:$0x12] =	wrdreg s31  }
0x49: {  	[dreg:$0xe] =	wrdreg s18  }
0x4a: {  	[dreg:$0x10] =	wrdreg s15  }
0x4b: {  	s0 =	smul.u32 $0xAF0000, s5;
	[dreg:$0x16] =	wrdreg s13  }
0x4c: {  	[dreg:$0x17] =	wrdreg s19  }
0x4d: {  	s28 =	sshrl.u32 s0, $0x3;
	s0 =	smul.u32 $0xA00, s12;
	[dreg:$0x19] =	wrdreg s20  }
0x4e: {  	s7 =	sadd.s32 s28, s9;
	[dreg:$0x1b] =	wrdreg s21  }
0x4f: {  	s10 =	simm.s32 $0x380;
	[dreg:$0x1d] =	wrdreg s22;
	s7 =	sadd.s32 s0, s7  }
0x50: {  	v0 =	vlaneseq.u32;
	s5 =	simm.s32 $0x0;
	[dreg:$0x13] =	wrdreg s0;
	s29 =	sadd.s32 $0x200, s7  }
0x51: {  	v1 =	vor.u32 $0xA000, v0;
	s8 =	simm.s32 $0x1;
	s9 =	simm.s32 $0x80;
	[smem:$0x7FC] =	sst s29  }
.LBB3_1:
0x52: {  	[smem:$0x7F1] =	sst s5  }
0x53: {  	s6 =	rddreg [dreg:$0x1];
	s7 =	simm.s32 $0x9000  }
0x54: {  	[tilespmem:s7], [sflag:$0x1] =	stream.linear.gather [hbm4b:s6+s14], $0x80, $0x38;
	[tilespmem:$0x1E940] =	vst v63  }
0x55: {  	_ =	swait.ge [sflag:s8], $0x80  }
0x56: {  	s31 =	simm.s32 $0x0;
	[sflag:s8] =	ssyncset.done $0x0;
	s16 =	sld [smem:$0x7FC]  }
0x57: {  	[smem:$0x7F2] =	sst s31;
	[sflag:s8] =	ssyncadd.s32 $0xFFFFFF80  }
.LBB3_2:
0x58: {  	s6 =	sadd.s32 $0x0, s0  }
0x59: {  	s12 =	sadd.s32 $0x10, s6  }
0x5a: {  	s2 =	sadd.s32 $0x70, s6;
	v2 =	vor.u32 s12, v0  }
0x5b: {  	s3 =	sadd.s32 $0x20, s6;
	v3 =	vor.u32 s2, v0;
	[tilespmem:$0x390] =	vst v2  }
0x5c: {  	s4 =	sadd.s32 $0x30, s6;
	v2 =	vor.u32 s3, v0;
	[tilespmem:$0x3F0] =	vst v3  }
0x5d: {  	v3 =	vor.u32 s4, v0;
	[tilespmem:$0x3A0] =	vst v2  }
0x5e: {  	s5 =	sadd.s32 $0x50, s6;
	v2 =	vor.u32 s6, v0;
	[tilespmem:$0x3B0] =	vst v3  }
0x5f: {  	s7 =	sadd.s32 $0x60, s6;
	v3 =	vor.u32 s5, v0;
	[tilespmem:$0x380] =	vst v2  }
0x60: {  	s6 =	sadd.s32 $0x40, s6;
	v2 =	vor.u32 s7, v0;
	[tilespmem:$0x3D0] =	vst v3  }
0x61: {  	s17 =	rddreg [dreg:$0x2];
	v3 =	vor.u32 s6, v0;
	[tilespmem:$0x3E0] =	vst v2  }
0x62: {  	[dreg:$0x14] =	wrdreg s16;
	s6 =	simm.s32 $0x9000;
	[tilespmem:$0x3C0] =	vst v3  }
0x63: {  	[spmem:s17] =	stream.indirect.scatter [tilespmem:s6], [sflag:$0x1], $0x1, s10, s9, $0xb8;
	[tilespmem:$0x1E940] =	vst v63  }
0x64: {  	_ =	swait.ge [sflag:s8], $0x80  }
0x65: {  	[sflag:s8] =	ssyncset.done $0x0  }
0x66: {  	[sflag:s8] =	ssyncadd.s32 $0xFFFFFF80  }
0x67: {  	s11 =	rddreg [dreg:$0x3]  }
0x68: {  	[spmem:s11] =	stream.indirect.scatter [tilespmem:s6], [sflag:$0x1], $0x1, s10, s9, $0xb8;
	[tilespmem:$0x1E940] =	vst v63  }
0x69: {  	_ =	swait.ge [sflag:s8], $0x80  }
0x6a: {  	[sflag:s8] =	ssyncset.done $0x0  }
0x6b: {  	[sflag:s8] =	ssyncadd.s32 $0xFFFFFF80  }
0x6c: {  	s7 =	rddreg [dreg:$0x4]  }
0x6d: {  	[spmem:s7] =	stream.indirect.scatter [tilespmem:s6], [sflag:$0x1], $0x1, s10, s9, $0xb8;
	[tilespmem:$0x1E940] =	vst v63  }
0x6e: {  	_ =	swait.ge [sflag:s8], $0x80  }
0x6f: {  	[sflag:s8] =	ssyncset.done $0x0  }
0x70: {  	[sflag:s8] =	ssyncadd.s32 $0xFFFFFF80  }
0x71: {  	s5 =	rddreg [dreg:$0x5]  }
0x72: {  	[spmem:s5] =	stream.indirect.scatter [tilespmem:s6], [sflag:$0x1], $0x1, s10, s9, $0xb8;
	[tilespmem:$0x1E940] =	vst v63  }
0x73: {  	_ =	swait.ge [sflag:s8], $0x80  }
0x74: {  	[sflag:s8] =	ssyncset.done $0x0  }
0x75: {  	[sflag:s8] =	ssyncadd.s32 $0xFFFFFF80  }
0x76: {  	s23 =	rddreg [dreg:$0x6]  }
0x77: {  	[spmem:s23] =	stream.indirect.scatter [tilespmem:s6], [sflag:$0x1], $0x1, s10, s9, $0xb8;
	[tilespmem:$0x1E940] =	vst v63  }
0x78: {  	_ =	swait.ge [sflag:s8], $0x80  }
0x79: {  	[sflag:s8] =	ssyncset.done $0x0  }
0x7a: {  	[sflag:s8] =	ssyncadd.s32 $0xFFFFFF80  }
0x7b: {  	s24 =	rddreg [dreg:$0x7]  }
0x7c: {  	[spmem:s24] =	stream.indirect.scatter [tilespmem:s6], [sflag:$0x1], $0x1, s10, s9, $0xb8;
	[tilespmem:$0x1E940] =	vst v63  }
0x7d: {  	_ =	swait.ge [sflag:s8], $0x80  }
0x7e: {  	[sflag:s8] =	ssyncset.done $0x0  }
0x7f: {  	[sflag:s8] =	ssyncadd.s32 $0xFFFFFF80  }
0x80: {  	s25 =	rddreg [dreg:$0x8]  }
0x81: {  	[spmem:s25] =	stream.indirect.scatter [tilespmem:s6], [sflag:$0x1], $0x1, s10, s9, $0xb8;
	[tilespmem:$0x1E940] =	vst v63  }
0x82: {  	_ =	swait.ge [sflag:s8], $0x80  }
0x83: {  	[sflag:s8] =	ssyncset.done $0x0  }
0x84: {  	[sflag:s8] =	ssyncadd.s32 $0xFFFFFF80  }
0x85: {  	s26 =	rddreg [dreg:$0x9]  }
0x86: {  	[spmem:s26] =	stream.indirect.scatter [tilespmem:s6], [sflag:$0x1], $0x1, s10, s9, $0xb8;
	[tilespmem:$0x1E940] =	vst v63  }
0x87: {  	_ =	swait.ge [sflag:s8], $0x80  }
0x88: {  	[sflag:s8] =	ssyncset.done $0x0  }
0x89: {  	[sflag:s8] =	ssyncadd.s32 $0xFFFFFF80  }
0x8a: {  	s28 =	rddreg [dreg:$0xa]  }
0x8b: {  	[spmem:s28] =	stream.indirect.scatter [tilespmem:s6], [sflag:$0x1], $0x1, s10, s9, $0xb8;
	[tilespmem:$0x1E940] =	vst v63  }
0x8c: {  	_ =	swait.ge [sflag:s8], $0x80  }
0x8d: {  	[sflag:s8] =	ssyncset.done $0x0  }
0x8e: {  	[sflag:s8] =	ssyncadd.s32 $0xFFFFFF80  }
0x8f: {  	s29 =	rddreg [dreg:$0xb]  }
0x90: {  	[spmem:s29] =	stream.indirect.scatter [tilespmem:s6], [sflag:$0x1], $0x1, s10, s9, $0xb8;
	[tilespmem:$0x1E940] =	vst v63  }
0x91: {  	_ =	swait.ge [sflag:s8], $0x80  }
0x92: {  	[sflag:s8] =	ssyncset.done $0x0  }
0x93: {  	[sflag:s8] =	ssyncadd.s32 $0xFFFFFF80  }
0x94: {  	s30 =	rddreg [dreg:$0xc]  }
0x95: {  	[spmem:s30] =	stream.indirect.scatter [tilespmem:s6], [sflag:$0x1], $0x1, s10, s9, $0xb8;
	[tilespmem:$0x1E940] =	vst v63  }
0x96: {  	_ =	swait.ge [sflag:s8], $0x80  }
0x97: {  	[sflag:s8] =	ssyncset.done $0x0  }
0x98: {  	[sflag:s8] =	ssyncadd.s32 $0xFFFFFF80  }
0x99: {  	s31 =	rddreg [dreg:$0xd]  }
0x9a: {  	[spmem:s31] =	stream.indirect.scatter [tilespmem:s6], [sflag:$0x1], $0x1, s10, s9, $0xb8;
	[tilespmem:$0x1E940] =	vst v63  }
0x9b: {  	_ =	swait.ge [sflag:s8], $0x80  }
0x9c: {  	s1 =	sld [smem:$0x7F3]  }
0x9d: {  	[sflag:s8] =	ssyncset.done $0x0  }
0x9e: {  	[sflag:s8] =	ssyncadd.s32 $0xFFFFFF80  }
0x9f: {  	[spmem:s1] =	stream.indirect.scatter [tilespmem:s6], [sflag:$0x1], $0x1, s10, s9, $0xb8;
	[tilespmem:$0x1E940] =	vst v63  }
0xa0: {  	_ =	swait.ge [sflag:s8], $0x80  }
0xa1: {  	s0 =	sld [smem:$0x7F4]  }
0xa2: {  	[sflag:s8] =	ssyncset.done $0x0  }
0xa3: {  	[sflag:s8] =	ssyncadd.s32 $0xFFFFFF80  }
0xa4: {  	[spmem:s0] =	stream.indirect.scatter [tilespmem:s6], [sflag:$0x1], $0x1, s10, s9, $0xb8;
	[tilespmem:$0x1E940] =	vst v63  }
0xa5: {  	_ =	swait.ge [sflag:s8], $0x80  }
0xa6: {  	s2 =	sld [smem:$0x7F5]  }
0xa7: {  	[sflag:s8] =	ssyncset.done $0x0  }
0xa8: {  	[sflag:s8] =	ssyncadd.s32 $0xFFFFFF80  }
0xa9: {  	[spmem:s2] =	stream.indirect.scatter [tilespmem:s6], [sflag:$0x1], $0x1, s10, s9, $0xb8;
	[tilespmem:$0x1E940] =	vst v63  }
0xaa: {  	_ =	swait.ge [sflag:s8], $0x80  }
0xab: {  	s3 =	sld [smem:$0x7F6]  }
0xac: {  	[sflag:s8] =	ssyncset.done $0x0  }
0xad: {  	[sflag:s8] =	ssyncadd.s32 $0xFFFFFF80  }
0xae: {  	[spmem:s3] =	stream.indirect.scatter [tilespmem:s6], [sflag:$0x1], $0x1, s10, s9, $0xb8;
	[tilespmem:$0x1E940] =	vst v63  }
0xaf: {  	_ =	swait.ge [sflag:s8], $0x80  }
0xb0: {  	s4 =	sld [smem:$0x7F7]  }
0xb1: {  	[sflag:s8] =	ssyncset.done $0x0  }
0xb2: {  	[sflag:s8] =	ssyncadd.s32 $0xFFFFFF80  }
0xb3: {  	[spmem:s4] =	stream.indirect.scatter [tilespmem:s6], [sflag:$0x1], $0x1, s10, s9, $0xb8;
	[tilespmem:$0x1E940] =	vst v63  }
0xb4: {  	_ =	swait.ge [sflag:s8], $0x80  }
0xb5: {  	s16 =	sld [smem:$0x7F8]  }
0xb6: {  	[sflag:s8] =	ssyncset.done $0x0  }
0xb7: {  	[sflag:s8] =	ssyncadd.s32 $0xFFFFFF80  }
0xb8: {  	[spmem:s16] =	stream.indirect.scatter [tilespmem:s6], [sflag:$0x1], $0x1, s10, s9, $0xb8;
	[tilespmem:$0x1E940] =	vst v63  }
0xb9: {  	_ =	swait.ge [sflag:s8], $0x80  }
0xba: {  	s11 =	sld [smem:$0x7F9]  }
0xbb: {  	[sflag:s8] =	ssyncset.done $0x0  }
0xbc: {  	[sflag:s8] =	ssyncadd.s32 $0xFFFFFF80  }
0xbd: {  	[spmem:s11] =	stream.indirect.scatter [tilespmem:s6], [sflag:$0x1], $0x1, s10, s9, $0xb8;
	[tilespmem:$0x1E940] =	vst v63  }
0xbe: {  	_ =	swait.ge [sflag:s8], $0x80  }
0xbf: {  	[sflag:s8] =	ssyncset.done $0x0  }
0xc0: {  	[sflag:s8] =	ssyncadd.s32 $0xFFFFFF80  }
0xc1: {  	[spmem:s18] =	stream.indirect.scatter [tilespmem:s6], [sflag:$0x1], $0x1, s10, s9, $0xb8;
	[tilespmem:$0x1E940] =	vst v63  }
0xc2: {  	_ =	swait.ge [sflag:s8], $0x80  }
0xc3: {  	[sflag:s8] =	ssyncset.done $0x0  }
0xc4: {  	s5 =	smov.u32 s18;
	s18 =	rddreg [dreg:$0xf];
	[sflag:s8] =	ssyncadd.s32 $0xFFFFFF80  }
0xc5: {  	[spmem:s18] =	stream.indirect.scatter [tilespmem:s6], [sflag:$0x1], $0x1, s10, s9, $0xb8;
	[tilespmem:$0x1E940] =	vst v63  }
0xc6: {  	_ =	swait.ge [sflag:s8], $0x80  }
0xc7: {  	[sflag:s8] =	ssyncset.done $0x0  }
0xc8: {  	s12 =	rddreg [dreg:$0x15];
	[sflag:s8] =	ssyncadd.s32 $0xFFFFFF80  }
0xc9: {  	[spmem:s12] =	stream.indirect.scatter [tilespmem:s6], [sflag:$0x1], $0x1, s10, s9, $0xb8;
	[tilespmem:$0x1E940] =	vst v63  }
0xca: {  	_ =	swait.ge [sflag:s8], $0x80  }
0xcb: {  	[sflag:s8] =	ssyncset.done $0x0  }
0xcc: {  	[sflag:s8] =	ssyncadd.s32 $0xFFFFFF80  }
0xcd: {  	[spmem:s15] =	stream.indirect.scatter [tilespmem:s6], [sflag:$0x1], $0x1, s10, s9, $0xb8;
	[tilespmem:$0x1E940] =	vst v63  }
0xce: {  	_ =	swait.ge [sflag:s8], $0x80  }
0xcf: {  	s7 =	sld [smem:$0x7FA]  }
0xd0: {  	[sflag:s8] =	ssyncset.done $0x0  }
0xd1: {  	[sflag:s8] =	ssyncadd.s32 $0xFFFFFF80  }
0xd2: {  	[spmem:s7] =	stream.indirect.scatter [tilespmem:s6], [sflag:$0x1], $0x1, s10, s9, $0xb8;
	[tilespmem:$0x1E940] =	vst v63  }
0xd3: {  	_ =	swait.ge [sflag:s8], $0x80  }
0xd4: {  	[sflag:s8] =	ssyncset.done $0x0  }
0xd5: {  	s14 =	rddreg [dreg:$0x11];
	[sflag:s8] =	ssyncadd.s32 $0xFFFFFF80  }
0xd6: {  	[spmem:s14] =	stream.indirect.scatter [tilespmem:s6], [sflag:$0x1], $0x1, s10, s9, $0xb8;
	[tilespmem:$0x1E940] =	vst v63  }
0xd7: {  	_ =	swait.ge [sflag:s8], $0x80  }
0xd8: {  	[sflag:s8] =	ssyncset.done $0x0  }
0xd9: {  	[sflag:s8] =	ssyncadd.s32 $0xFFFFFF80  }
0xda: {  	[spmem:s13] =	stream.indirect.scatter [tilespmem:s6], [sflag:$0x1], $0x1, s10, s9, $0xb8;
	[tilespmem:$0x1E940] =	vst v63  }
0xdb: {  	_ =	swait.ge [sflag:s8], $0x80  }
0xdc: {  	[sflag:s8] =	ssyncset.done $0x0  }
0xdd: {  	[sflag:s8] =	ssyncadd.s32 $0xFFFFFF80  }
0xde: {  	[spmem:s19] =	stream.indirect.scatter [tilespmem:s6], [sflag:$0x1], $0x1, s10, s9, $0xb8;
	[tilespmem:$0x1E940] =	vst v63  }
0xdf: {  	_ =	swait.ge [sflag:s8], $0x80  }
0xe0: {  	[sflag:s8] =	ssyncset.done $0x0  }
0xe1: {  	s15 =	rddreg [dreg:$0x18];
	[sflag:s8] =	ssyncadd.s32 $0xFFFFFF80  }
0xe2: {  	[spmem:s15] =	stream.indirect.scatter [tilespmem:s6], [sflag:$0x1], $0x1, s10, s9, $0xb8;
	[tilespmem:$0x1E940] =	vst v63  }
0xe3: {  	_ =	swait.ge [sflag:s8], $0x80  }
0xe4: {  	[sflag:s8] =	ssyncset.done $0x0  }
0xe5: {  	[sflag:s8] =	ssyncadd.s32 $0xFFFFFF80  }
0xe6: {  	[spmem:s20] =	stream.indirect.scatter [tilespmem:s6], [sflag:$0x1], $0x1, s10, s9, $0xb8;
	[tilespmem:$0x1E940] =	vst v63  }
0xe7: {  	_ =	swait.ge [sflag:s8], $0x80  }
0xe8: {  	[sflag:s8] =	ssyncset.done $0x0  }
0xe9: {  	s17 =	rddreg [dreg:$0x1a];
	[sflag:s8] =	ssyncadd.s32 $0xFFFFFF80  }
0xea: {  	[spmem:s17] =	stream.indirect.scatter [tilespmem:s6], [sflag:$0x1], $0x1, s10, s9, $0xb8;
	[tilespmem:$0x1E940] =	vst v63  }
0xeb: {  	_ =	swait.ge [sflag:s8], $0x80  }
0xec: {  	[sflag:s8] =	ssyncset.done $0x0  }
0xed: {  	[sflag:s8] =	ssyncadd.s32 $0xFFFFFF80  }
0xee: {  	[spmem:s21] =	stream.indirect.scatter [tilespmem:s6], [sflag:$0x1], $0x1, s10, s9, $0xb8;
	[tilespmem:$0x1E940] =	vst v63  }
0xef: {  	s24 =	smov.u32 s12;
	s12 =	simm.s32 $0x80;
	_ =	swait.ge [sflag:s8], $0x80  }
0xf0: {  	s14 =	smov.u32 s13;
	s13 =	simm.s32 $0x9000;
	[sflag:s8] =	ssyncset.done $0x0  }
0xf1: {  	s25 =	smov.u32 s15;
	s23 =	rddreg [dreg:$0x1c];
	[sflag:s8] =	ssyncadd.s32 $0xFFFFFF80  }
0xf2: {  	[spmem:s23] =	stream.indirect.scatter [tilespmem:s6], [sflag:$0x1], $0x1, s10, s9, $0xb8;
	[tilespmem:$0x1E940] =	vst v63  }
0xf3: {  	s26 =	smov.u32 s17;
	s28 =	smov.u32 s23;
	_ =	swait.ge [sflag:s8], $0x80  }
.LBB3_3:
0xf4: {  	[sflag:s8] =	ssyncset.done $0x0  }
0xf5: {  	[sflag:s8] =	ssyncadd.s32 $0xFFFFFF80  }
0xf6: {  	[spmem:s22] =	stream.indirect.scatter [tilespmem:s13], [sflag:$0x1], $0x1, s10, s9, $0xb8;
	[tilespmem:$0x1E940] =	vst v63  }
0xf7: {  	s6 =	smov.u32 s12;
	_ =	swait.ge [sflag:s8], $0x80  }
0xf8: {  	s17 =	simm.s32 $0x9000;
	s23 =	rddreg [dreg:$0x13];
	[sflag:s8] =	ssyncset.done $0x0  }
0xf9: {  	s6 =	sadd.s32 s6, s23;
	[sflag:s8] =	ssyncadd.s32 $0xFFFFFF80;
	s23 =	rddreg [dreg:$0x12]  }
0xfa: {  	[spmem:s23] =	stream.indirect.scatter [tilespmem:s17], [sflag:$0x1], $0x1, s10, s9, $0xb8;
	[tilespmem:$0x1E940] =	vst v63  }
0xfb: {  	s17 =	rddreg [dreg:$0x11];
	_ =	swait.ge [sflag:s8], $0x80  }
0xfc: {  	s13 =	sadd.s32 $0x10, s6;
	s23 =	sadd.s32 $0x40, s6;
	[sflag:s8] =	ssyncset.done $0x0  }
0xfd: {  	v3 =	vor.u32 s13, v0;
	v6 =	vor.u32 s23, v0;
	s23 =	sadd.s32 $0x70, s6;
	[sflag:s8] =	ssyncadd.s32 $0xFFFFFF80  }
0xfe: {  	s15 =	sadd.s32 $0x20, s6;
	v8 =	vor.u32 s23, v0;
	[tilespmem:$0x390] =	vst v3  }
0xff: {  	v4 =	vor.u32 s15, v0;
	s15 =	sadd.s32 $0x30, s6;
	[tilespmem:$0x3F0] =	vst v8  }
0x100: {  	v5 =	vor.u32 s15, v0;
	[tilespmem:$0x3A0] =	vst v4  }
0x101: {  	v2 =	vor.u32 s6, v0;
	s15 =	sadd.s32 $0x60, s6;
	[tilespmem:$0x3B0] =	vst v5  }
0x102: {  	v7 =	vor.u32 s15, v0;
	[tilespmem:$0x380] =	vst v2  }
0x103: {  	s6 =	sadd.s32 $0x50, s6;
	[tilespmem:$0x3E0] =	vst v7  }
0x104: {  	v3 =	vor.u32 s6, v0;
	[tilespmem:$0x3C0] =	vst v6  }
0x105: {  	s13 =	simm.s32 $0x9000;
	s15 =	rddreg [dreg:$0x2];
	[tilespmem:$0x3D0] =	vst v3  }
0x106: {  	[spmem:s15] =	stream.indirect.scatter [tilespmem:s13], [sflag:$0x1], $0x1, s10, s9, $0xb8;
	[tilespmem:$0x1E940] =	vst v63  }
0x107: {  	_ =	swait.ge [sflag:s8], $0x80  }
0x108: {  	[sflag:s8] =	ssyncset.done $0x0  }
0x109: {  	[sflag:s8] =	ssyncadd.s32 $0xFFFFFF80  }
0x10a: {  	s23 =	rddreg [dreg:$0x3]  }
0x10b: {  	[spmem:s23] =	stream.indirect.scatter [tilespmem:s13], [sflag:$0x1], $0x1, s10, s9, $0xb8;
	[tilespmem:$0x1E940] =	vst v63  }
0x10c: {  	_ =	swait.ge [sflag:s8], $0x80  }
0x10d: {  	[sflag:s8] =	ssyncset.done $0x0  }
0x10e: {  	[sflag:s8] =	ssyncadd.s32 $0xFFFFFF80  }
0x10f: {  	s15 =	rddreg [dreg:$0x4]  }
0x110: {  	[spmem:s15] =	stream.indirect.scatter [tilespmem:s13], [sflag:$0x1], $0x1, s10, s9, $0xb8;
	[tilespmem:$0x1E940] =	vst v63  }
0x111: {  	_ =	swait.ge [sflag:s8], $0x80  }
0x112: {  	[sflag:s8] =	ssyncset.done $0x0  }
0x113: {  	[sflag:s8] =	ssyncadd.s32 $0xFFFFFF80  }
0x114: {  	s23 =	rddreg [dreg:$0x5]  }
0x115: {  	[spmem:s23] =	stream.indirect.scatter [tilespmem:s13], [sflag:$0x1], $0x1, s10, s9, $0xb8;
	[tilespmem:$0x1E940] =	vst v63  }
0x116: {  	_ =	swait.ge [sflag:s8], $0x80  }
0x117: {  	[sflag:s8] =	ssyncset.done $0x0  }
0x118: {  	[sflag:s8] =	ssyncadd.s32 $0xFFFFFF80  }
0x119: {  	s15 =	rddreg [dreg:$0x6]  }
0x11a: {  	[spmem:s15] =	stream.indirect.scatter [tilespmem:s13], [sflag:$0x1], $0x1, s10, s9, $0xb8;
	[tilespmem:$0x1E940] =	vst v63  }
0x11b: {  	_ =	swait.ge [sflag:s8], $0x80  }
0x11c: {  	[sflag:s8] =	ssyncset.done $0x0  }
0x11d: {  	[sflag:s8] =	ssyncadd.s32 $0xFFFFFF80  }
0x11e: {  	s23 =	rddreg [dreg:$0x7]  }
0x11f: {  	[spmem:s23] =	stream.indirect.scatter [tilespmem:s13], [sflag:$0x1], $0x1, s10, s9, $0xb8;
	[tilespmem:$0x1E940] =	vst v63  }
0x120: {  	_ =	swait.ge [sflag:s8], $0x80  }
0x121: {  	[sflag:s8] =	ssyncset.done $0x0  }
0x122: {  	[sflag:s8] =	ssyncadd.s32 $0xFFFFFF80  }
0x123: {  	s15 =	rddreg [dreg:$0x8]  }
0x124: {  	[spmem:s15] =	stream.indirect.scatter [tilespmem:s13], [sflag:$0x1], $0x1, s10, s9, $0xb8;
	[tilespmem:$0x1E940] =	vst v63  }
0x125: {  	_ =	swait.ge [sflag:s8], $0x80  }
0x126: {  	[sflag:s8] =	ssyncset.done $0x0  }
0x127: {  	[sflag:s8] =	ssyncadd.s32 $0xFFFFFF80  }
0x128: {  	s23 =	rddreg [dreg:$0x9]  }
0x129: {  	[spmem:s23] =	stream.indirect.scatter [tilespmem:s13], [sflag:$0x1], $0x1, s10, s9, $0xb8;
	[tilespmem:$0x1E940] =	vst v63  }
0x12a: {  	_ =	swait.ge [sflag:s8], $0x80  }
0x12b: {  	[sflag:s8] =	ssyncset.done $0x0  }
0x12c: {  	[sflag:s8] =	ssyncadd.s32 $0xFFFFFF80  }
0x12d: {  	s15 =	rddreg [dreg:$0xa]  }
0x12e: {  	[spmem:s15] =	stream.indirect.scatter [tilespmem:s13], [sflag:$0x1], $0x1, s10, s9, $0xb8;
	[tilespmem:$0x1E940] =	vst v63  }
0x12f: {  	_ =	swait.ge [sflag:s8], $0x80  }
0x130: {  	[sflag:s8] =	ssyncset.done $0x0  }
0x131: {  	[sflag:s8] =	ssyncadd.s32 $0xFFFFFF80  }
0x132: {  	[spmem:s29] =	stream.indirect.scatter [tilespmem:s13], [sflag:$0x1], $0x1, s10, s9, $0xb8;
	[tilespmem:$0x1E940] =	vst v63  }
0x133: {  	_ =	swait.ge [sflag:s8], $0x80  }
0x134: {  	[sflag:s8] =	ssyncset.done $0x0  }
0x135: {  	[sflag:s8] =	ssyncadd.s32 $0xFFFFFF80  }
0x136: {  	[spmem:s30] =	stream.indirect.scatter [tilespmem:s13], [sflag:$0x1], $0x1, s10, s9, $0xb8;
	[tilespmem:$0x1E940] =	vst v63  }
0x137: {  	_ =	swait.ge [sflag:s8], $0x80  }
0x138: {  	[sflag:s8] =	ssyncset.done $0x0  }
0x139: {  	[sflag:s8] =	ssyncadd.s32 $0xFFFFFF80  }
0x13a: {  	[spmem:s31] =	stream.indirect.scatter [tilespmem:s13], [sflag:$0x1], $0x1, s10, s9, $0xb8;
	[tilespmem:$0x1E940] =	vst v63  }
0x13b: {  	_ =	swait.ge [sflag:s8], $0x80  }
0x13c: {  	[sflag:s8] =	ssyncset.done $0x0  }
0x13d: {  	[sflag:s8] =	ssyncadd.s32 $0xFFFFFF80  }
0x13e: {  	[spmem:s1] =	stream.indirect.scatter [tilespmem:s13], [sflag:$0x1], $0x1, s10, s9, $0xb8;
	[tilespmem:$0x1E940] =	vst v63  }
0x13f: {  	_ =	swait.ge [sflag:s8], $0x80  }
0x140: {  	[sflag:s8] =	ssyncset.done $0x0  }
0x141: {  	[sflag:s8] =	ssyncadd.s32 $0xFFFFFF80  }
0x142: {  	[spmem:s0] =	stream.indirect.scatter [tilespmem:s13], [sflag:$0x1], $0x1, s10, s9, $0xb8;
	[tilespmem:$0x1E940] =	vst v63  }
0x143: {  	_ =	swait.ge [sflag:s8], $0x80  }
0x144: {  	[sflag:s8] =	ssyncset.done $0x0  }
0x145: {  	[sflag:s8] =	ssyncadd.s32 $0xFFFFFF80  }
0x146: {  	[spmem:s2] =	stream.indirect.scatter [tilespmem:s13], [sflag:$0x1], $0x1, s10, s9, $0xb8;
	[tilespmem:$0x1E940] =	vst v63  }
0x147: {  	_ =	swait.ge [sflag:s8], $0x80  }
0x148: {  	[sflag:s8] =	ssyncset.done $0x0  }
0x149: {  	[sflag:s8] =	ssyncadd.s32 $0xFFFFFF80  }
0x14a: {  	[spmem:s3] =	stream.indirect.scatter [tilespmem:s13], [sflag:$0x1], $0x1, s10, s9, $0xb8;
	[tilespmem:$0x1E940] =	vst v63  }
0x14b: {  	_ =	swait.ge [sflag:s8], $0x80  }
0x14c: {  	[sflag:s8] =	ssyncset.done $0x0  }
0x14d: {  	[sflag:s8] =	ssyncadd.s32 $0xFFFFFF80  }
0x14e: {  	[spmem:s4] =	stream.indirect.scatter [tilespmem:s13], [sflag:$0x1], $0x1, s10, s9, $0xb8;
	[tilespmem:$0x1E940] =	vst v63  }
0x14f: {  	_ =	swait.ge [sflag:s8], $0x80  }
0x150: {  	[sflag:s8] =	ssyncset.done $0x0  }
0x151: {  	[sflag:s8] =	ssyncadd.s32 $0xFFFFFF80  }
0x152: {  	[spmem:s16] =	stream.indirect.scatter [tilespmem:s13], [sflag:$0x1], $0x1, s10, s9, $0xb8;
	[tilespmem:$0x1E940] =	vst v63  }
0x153: {  	_ =	swait.ge [sflag:s8], $0x80  }
0x154: {  	[sflag:s8] =	ssyncset.done $0x0  }
0x155: {  	[sflag:s8] =	ssyncadd.s32 $0xFFFFFF80  }
0x156: {  	[spmem:s11] =	stream.indirect.scatter [tilespmem:s13], [sflag:$0x1], $0x1, s10, s9, $0xb8;
	[tilespmem:$0x1E940] =	vst v63  }
0x157: {  	_ =	swait.ge [sflag:s8], $0x80  }
0x158: {  	[sflag:s8] =	ssyncset.done $0x0  }
0x159: {  	[sflag:s8] =	ssyncadd.s32 $0xFFFFFF80  }
0x15a: {  	[spmem:s5] =	stream.indirect.scatter [tilespmem:s13], [sflag:$0x1], $0x1, s10, s9, $0xb8;
	[tilespmem:$0x1E940] =	vst v63  }
0x15b: {  	_ =	swait.ge [sflag:s8], $0x80  }
0x15c: {  	[sflag:s8] =	ssyncset.done $0x0  }
0x15d: {  	[sflag:s8] =	ssyncadd.s32 $0xFFFFFF80  }
0x15e: {  	[spmem:s18] =	stream.indirect.scatter [tilespmem:s13], [sflag:$0x1], $0x1, s10, s9, $0xb8;
	[tilespmem:$0x1E940] =	vst v63  }
0x15f: {  	_ =	swait.ge [sflag:s8], $0x80  }
0x160: {  	[sflag:s8] =	ssyncset.done $0x0  }
0x161: {  	[sflag:s8] =	ssyncadd.s32 $0xFFFFFF80  }
0x162: {  	[spmem:s24] =	stream.indirect.scatter [tilespmem:s13], [sflag:$0x1], $0x1, s10, s9, $0xb8;
	[tilespmem:$0x1E940] =	vst v63  }
0x163: {  	_ =	swait.ge [sflag:s8], $0x80  }
0x164: {  	[sflag:s8] =	ssyncset.done $0x0  }
0x165: {  	s23 =	rddreg [dreg:$0x10];
	[sflag:s8] =	ssyncadd.s32 $0xFFFFFF80  }
0x166: {  	[spmem:s23] =	stream.indirect.scatter [tilespmem:s13], [sflag:$0x1], $0x1, s10, s9, $0xb8;
	[tilespmem:$0x1E940] =	vst v63  }
0x167: {  	_ =	swait.ge [sflag:s8], $0x80  }
0x168: {  	[sflag:s8] =	ssyncset.done $0x0  }
0x169: {  	[sflag:s8] =	ssyncadd.s32 $0xFFFFFF80  }
0x16a: {  	[spmem:s7] =	stream.indirect.scatter [tilespmem:s13], [sflag:$0x1], $0x1, s10, s9, $0xb8;
	[tilespmem:$0x1E940] =	vst v63  }
0x16b: {  	_ =	swait.ge [sflag:s8], $0x80  }
0x16c: {  	[sflag:s8] =	ssyncset.done $0x0  }
0x16d: {  	[sflag:s8] =	ssyncadd.s32 $0xFFFFFF80  }
0x16e: {  	[spmem:s17] =	stream.indirect.scatter [tilespmem:s13], [sflag:$0x1], $0x1, s10, s9, $0xb8;
	[tilespmem:$0x1E940] =	vst v63  }
0x16f: {  	_ =	swait.ge [sflag:s8], $0x80  }
0x170: {  	[sflag:s8] =	ssyncset.done $0x0  }
0x171: {  	[sflag:s8] =	ssyncadd.s32 $0xFFFFFF80  }
0x172: {  	[spmem:s14] =	stream.indirect.scatter [tilespmem:s13], [sflag:$0x1], $0x1, s10, s9, $0xb8;
	[tilespmem:$0x1E940] =	vst v63  }
0x173: {  	_ =	swait.ge [sflag:s8], $0x80  }
0x174: {  	[sflag:s8] =	ssyncset.done $0x0  }
0x175: {  	[sflag:s8] =	ssyncadd.s32 $0xFFFFFF80  }
0x176: {  	[spmem:s19] =	stream.indirect.scatter [tilespmem:s13], [sflag:$0x1], $0x1, s10, s9, $0xb8;
	[tilespmem:$0x1E940] =	vst v63  }
0x177: {  	_ =	swait.ge [sflag:s8], $0x80  }
0x178: {  	[sflag:s8] =	ssyncset.done $0x0  }
0x179: {  	[sflag:s8] =	ssyncadd.s32 $0xFFFFFF80  }
0x17a: {  	[spmem:s25] =	stream.indirect.scatter [tilespmem:s13], [sflag:$0x1], $0x1, s10, s9, $0xb8;
	[tilespmem:$0x1E940] =	vst v63  }
0x17b: {  	_ =	swait.ge [sflag:s8], $0x80  }
0x17c: {  	[sflag:s8] =	ssyncset.done $0x0  }
0x17d: {  	[sflag:s8] =	ssyncadd.s32 $0xFFFFFF80  }
0x17e: {  	[spmem:s20] =	stream.indirect.scatter [tilespmem:s13], [sflag:$0x1], $0x1, s10, s9, $0xb8;
	[tilespmem:$0x1E940] =	vst v63  }
0x17f: {  	_ =	swait.ge [sflag:s8], $0x80  }
0x180: {  	[sflag:s8] =	ssyncset.done $0x0  }
0x181: {  	[sflag:s8] =	ssyncadd.s32 $0xFFFFFF80  }
0x182: {  	[spmem:s26] =	stream.indirect.scatter [tilespmem:s13], [sflag:$0x1], $0x1, s10, s9, $0xb8;
	[tilespmem:$0x1E940] =	vst v63  }
0x183: {  	_ =	swait.ge [sflag:s8], $0x80  }
0x184: {  	[sflag:s8] =	ssyncset.done $0x0  }
0x185: {  	p0 =	sne.s32 s12, $0x980;
	[sflag:s8] =	ssyncadd.s32 $0xFFFFFF80  }
0x186: {  	[spmem:s21] =	stream.indirect.scatter [tilespmem:s13], [sflag:$0x1], $0x1, s10, s9, $0xb8;
	[tilespmem:$0x1E940] =	vst v63  }
.Ltmp0:
0x187: {  	_ =	swait.ge [sflag:s8], $0x80;
	(pc) =	sbr.rel @p0 .LBB3_3-.Ltmp0, $4  }
0x188: {  	[sflag:s8] =	ssyncset.done $0x0  }
0x189: {  	[sflag:s8] =	ssyncadd.s32 $0xFFFFFF80  }
0x18a: {  	[spmem:s28] =	stream.indirect.scatter [tilespmem:s13], [sflag:$0x1], $0x1, s10, s9, $0xb8;
	[tilespmem:$0x1E940] =	vst v63  }
0x18b: {  	s12 =	sadd.s32 $0x80, s12;
	_ =	swait.ge [sflag:s8], $0x80  }
0x18c: {  	[sflag:s8] =	ssyncset.done $0x0  }
0x18d: {  	[sflag:s8] =	ssyncadd.s32 $0xFFFFFF80  }
0x18e: {  	[spmem:s22] =	stream.indirect.scatter [tilespmem:s13], [sflag:$0x1], $0x1, s10, s9, $0xb8;
	[tilespmem:$0x1E940] =	vst v63  }
0x18f: {  	_ =	swait.ge [sflag:s8], $0x80  }
0x190: {  	[sflag:s8] =	ssyncset.done $0x0  }
0x191: {  	s0 =	rddreg [dreg:$0x12];
	[sflag:s8] =	ssyncadd.s32 $0xFFFFFF80  }
0x192: {  	[spmem:s0] =	stream.indirect.scatter [tilespmem:s13], [sflag:$0x1], $0x1, s10, s9, $0xb8;
	[tilespmem:$0x1E940] =	vst v63  }
0x193: {  	_ =	swait.ge [sflag:s8], $0x80  }
0x194: {  	s5 =	sld [smem:$0x7F2];
	_ =	sdelay $0x2  }
0x195: {  	s6 =	smul.u32 $0xA000, s5  }
0x196: {  	[sflag:s8] =	ssyncset.done $0x0  }
0x197: {  	[sflag:s8] =	ssyncadd.s32 $0xFFFFFF80;
	s12 =	sadd.s32 $0xA000, s6  }
0x198: {  	s0 =	simm.s32 $0x0;
	[bflag:$0x0] =	sbarrier.arrive $0xFFFF;
	v2 =	vmov s6;
	v3 =	vmov s12  }
.LBB3_5:
0x199: {  	s6 =	smul.u32 $0x380, s0  }
0x19a: {  	s12 =	rddreg [dreg:$0x1f]  }
0x19b: {  	s6 =	sadd.s32 s12, s6  }
0x19c: {  	s13 =	rddreg [dreg:$0x0];
	s12 =	sshrl.u32 s6, $0x3  }
0x19d: {  	[smem:$0x7F0] =	sst s0;
	s24 =	simm.s32 $0x0;
	s12 =	sadd.s32 s13, s12  }
0x19e: {  	[tilespmem:s24], [sflag:$0x1] =	stream.linear.gather [hbm4b:s12+s24], $0x380, $0x38;
	[tilespmem:$0x1E940] =	vst v63  }
0x19f: {  	_ =	swait.ge [sflag:s8], $0x380  }
0x1a0: {  	s7 =	sld [smem:$0x7FD];
	_ =	sdelay $0x1  }
0x1a1: {  	s5 =	simm.s32 $0x1C00;
	s25 =	simm.s32 $0x498000;
	[sflag:s8] =	ssyncset.done $0x0  }
0x1a2: {  	s26 =	simm.s32 $0x400;
	[sflag:s8] =	ssyncadd.s32 $0xFFFFFC80;
	s6 =	sadd.s32 s7, s6  }
0x1a3: {  	[tilespmem:s26], [sflag:$0x1] =	stream.strided.gather [hbm4b:s6+s5], $0x8C00, s25, s5, $0x38;
	[tilespmem:$0x1E940] =	vst v63  }
0x1a4: {  	_ =	swait.ge [sflag:s8], $0x8C00  }
0x1a5: {  	s1 =	sld [smem:$0x7F3]  }
0x1a6: {  	s0 =	sld [smem:$0x7F4]  }
0x1a7: {  	s2 =	sld [smem:$0x7F5]  }
0x1a8: {  	s3 =	sld [smem:$0x7F6]  }
0x1a9: {  	[sflag:s8] =	ssyncset.done $0x0;
	s4 =	sld [smem:$0x7F7]  }
0x1aa: {  	s14 =	sld [smem:$0x7F8];
	[sflag:s8] =	ssyncadd.s32 $0xFFFF7400  }
0x1ab: {  	s6 =	rddreg [dreg:$0x2]  }
0x1ac: {  	s23 =	rddreg [dreg:$0x6]  }
0x1ad: {  	s24 =	rddreg [dreg:$0x7]  }
0x1ae: {  	s25 =	rddreg [dreg:$0x8]  }
0x1af: {  	s26 =	rddreg [dreg:$0x9]  }
0x1b0: {  	s28 =	rddreg [dreg:$0xa]  }
0x1b1: {  	s29 =	rddreg [dreg:$0xb]  }
0x1b2: {  	s30 =	rddreg [dreg:$0xc]  }
0x1b3: {  	s13 =	simm.s32 $0x0;
	s12 =	simm.s32 $0x0;
	s31 =	rddreg [dreg:$0xd]  }
.LBB3_6:
0x1b4: {  	v4 =	vld [tilespmem:s12+$0x0];
	_ =	sdelay $0x4  }
0x1b5: {  	s18 =	sadd.s32 $0x0, s13;
	vm0 =	vge.s32 v4, v2;
	vm1 =	vlt.s32 v4, v3  }
0x1b6: {  	v5 =	vadd.s32 s18, v1;
	v4 =	vsub.s32 v4, v2;
	vm0 =	vmand vm0, vm1  }
0x1b7: {  	s22 =	rddreg [dreg:$0x5];
	s19 =	smov.u32 s6;
	s6 =	simm.s32 $0x380;
	v4 =	vsel vm0, v4, v5  }
0x1b8: {  	s21 =	rddreg [dreg:$0x4];
	s16 =	sadd.s32 $0x10, s12;
	[tilespmem:s6+$0x0] =	vst v4  }
0x1b9: {  	s20 =	rddreg [dreg:$0x3];
	s15 =	simm.s32 $0x10;
	s17 =	simm.s32 $0x20;
	v4 =	vld [tilespmem:s16+$0x0]  }
.LBB3_7:
0x1ba: {  	p0 =	sne.s32 s17, $0x70;
	_ =	sdelay $0x3  }
.Ltmp1:
0x1bb: {  	s18 =	sadd.s32 s13, s15;
	s15 =	smov.u32 s17;
	vm0 =	vge.s32 v4, v2;
	vm1 =	vlt.s32 v4, v3;
	(pc) =	sbr.rel @p0 .LBB3_7-.Ltmp1, $4  }
0x1bc: {  	v5 =	vadd.s32 s18, v1;
	v4 =	vsub.s32 v4, v2;
	vm0 =	vmand vm0, vm1  }
0x1bd: {  	s6 =	sadd.s32 $0x10, s6;
	v4 =	vsel vm0, v4, v5  }
0x1be: {  	s16 =	sadd.s32 $0x10, s16;
	[tilespmem:s6+$0x0] =	vst v4  }
0x1bf: {  	s17 =	sadd.s32 $0x10, s17;
	v4 =	vld [tilespmem:s16+$0x0]  }
0x1c0: {  	_ =	sdelay $0x3  }
0x1c1: {  	s15 =	sadd.s32 s13, s15;
	vm0 =	vge.s32 v4, v2;
	vm1 =	vlt.s32 v4, v3  }
0x1c2: {  	s18 =	sshll.u32 s13, $0xA;
	v5 =	vadd.s32 s15, v1;
	v4 =	vsub.s32 v4, v2;
	vm0 =	vmand vm0, vm1  }
0x1c3: {  	s16 =	sadd.s32 $0x10, s6;
	s6 =	sand.u32 $0x3FFFFC00, s18;
	v4 =	vsel vm0, v4, v5  }
0x1c4: {  	s15 =	sadd.s32 $0x400, s6;
	[tilespmem:s16+$0x0] =	vst v4  }
0x1c5: {  	[spmem:s19] =	stream.indirect.scatter.add.f32 [tilespmem:s15], [sflag:$0x1], $0x1, s10, s9, $0xb8;
	[tilespmem:$0x1E940] =	vst v63  }
0x1c6: {  	_ =	swait.ge [sflag:s8], $0x80  }
0x1c7: {  	[sflag:s8] =	ssyncset.done $0x0  }
0x1c8: {  	s19 =	sadd.s32 $0x480, s6;
	[sflag:s8] =	ssyncadd.s32 $0xFFFFFF80  }
0x1c9: {  	[spmem:s20] =	stream.indirect.scatter.add.f32 [tilespmem:s19], [sflag:$0x1], $0x1, s10, s9, $0xb8;
	[tilespmem:$0x1E940] =	vst v63  }
0x1ca: {  	_ =	swait.ge [sflag:s8], $0x80  }
0x1cb: {  	[sflag:s8] =	ssyncset.done $0x0  }
0x1cc: {  	s20 =	sadd.s32 $0x500, s6;
	[sflag:s8] =	ssyncadd.s32 $0xFFFFFF80  }
0x1cd: {  	[spmem:s21] =	stream.indirect.scatter.add.f32 [tilespmem:s20], [sflag:$0x1], $0x1, s10, s9, $0xb8;
	[tilespmem:$0x1E940] =	vst v63  }
0x1ce: {  	_ =	swait.ge [sflag:s8], $0x80  }
0x1cf: {  	[sflag:s8] =	ssyncset.done $0x0  }
0x1d0: {  	s5 =	sadd.s32 $0x580, s6;
	[sflag:s8] =	ssyncadd.s32 $0xFFFFFF80  }
0x1d1: {  	[spmem:s22] =	stream.indirect.scatter.add.f32 [tilespmem:s5], [sflag:$0x1], $0x1, s10, s9, $0xb8;
	[tilespmem:$0x1E940] =	vst v63  }
0x1d2: {  	_ =	swait.ge [sflag:s8], $0x80  }
0x1d3: {  	[sflag:s8] =	ssyncset.done $0x0  }
0x1d4: {  	s7 =	sadd.s32 $0x600, s6;
	[sflag:s8] =	ssyncadd.s32 $0xFFFFFF80  }
0x1d5: {  	[spmem:s23] =	stream.indirect.scatter.add.f32 [tilespmem:s7], [sflag:$0x1], $0x1, s10, s9, $0xb8;
	[tilespmem:$0x1E940] =	vst v63  }
0x1d6: {  	_ =	swait.ge [sflag:s8], $0x80  }
0x1d7: {  	[sflag:s8] =	ssyncset.done $0x0  }
0x1d8: {  	s11 =	sadd.s32 $0x680, s6;
	[sflag:s8] =	ssyncadd.s32 $0xFFFFFF80  }
0x1d9: {  	[spmem:s24] =	stream.indirect.scatter.add.f32 [tilespmem:s11], [sflag:$0x1], $0x1, s10, s9, $0xb8;
	[tilespmem:$0x1E940] =	vst v63  }
0x1da: {  	_ =	swait.ge [sflag:s8], $0x80  }
0x1db: {  	[sflag:s8] =	ssyncset.done $0x0  }
0x1dc: {  	s16 =	sadd.s32 $0x700, s6;
	[sflag:s8] =	ssyncadd.s32 $0xFFFFFF80  }
0x1dd: {  	[spmem:s25] =	stream.indirect.scatter.add.f32 [tilespmem:s16], [sflag:$0x1], $0x1, s10, s9, $0xb8;
	[tilespmem:$0x1E940] =	vst v63  }
0x1de: {  	_ =	swait.ge [sflag:s8], $0x80  }
0x1df: {  	[sflag:s8] =	ssyncset.done $0x0  }
0x1e0: {  	s17 =	sadd.s32 $0x780, s6;
	[sflag:s8] =	ssyncadd.s32 $0xFFFFFF80  }
0x1e1: {  	[spmem:s26] =	stream.indirect.scatter.add.f32 [tilespmem:s17], [sflag:$0x1], $0x1, s10, s9, $0xb8;
	[tilespmem:$0x1E940] =	vst v63  }
0x1e2: {  	_ =	swait.ge [sflag:s8], $0x80  }
0x1e3: {  	[sflag:s8] =	ssyncset.done $0x0  }
0x1e4: {  	s18 =	sadd.s32 $0x2000, s6;
	[sflag:s8] =	ssyncadd.s32 $0xFFFFFF80  }
0x1e5: {  	[spmem:s28] =	stream.indirect.scatter.add.f32 [tilespmem:s18], [sflag:$0x1], $0x1, s10, s9, $0xb8;
	[tilespmem:$0x1E940] =	vst v63  }
0x1e6: {  	_ =	swait.ge [sflag:s8], $0x80  }
0x1e7: {  	[sflag:s8] =	ssyncset.done $0x0  }
0x1e8: {  	s19 =	sadd.s32 $0x2080, s6;
	[sflag:s8] =	ssyncadd.s32 $0xFFFFFF80  }
0x1e9: {  	[spmem:s29] =	stream.indirect.scatter.add.f32 [tilespmem:s19], [sflag:$0x1], $0x1, s10, s9, $0xb8;
	[tilespmem:$0x1E940] =	vst v63  }
0x1ea: {  	_ =	swait.ge [sflag:s8], $0x80  }
0x1eb: {  	[sflag:s8] =	ssyncset.done $0x0  }
0x1ec: {  	s20 =	sadd.s32 $0x2100, s6;
	[sflag:s8] =	ssyncadd.s32 $0xFFFFFF80  }
0x1ed: {  	[spmem:s30] =	stream.indirect.scatter.add.f32 [tilespmem:s20], [sflag:$0x1], $0x1, s10, s9, $0xb8;
	[tilespmem:$0x1E940] =	vst v63  }
0x1ee: {  	_ =	swait.ge [sflag:s8], $0x80  }
0x1ef: {  	[sflag:s8] =	ssyncset.done $0x0  }
0x1f0: {  	s21 =	sadd.s32 $0x2180, s6;
	[sflag:s8] =	ssyncadd.s32 $0xFFFFFF80  }
0x1f1: {  	[spmem:s31] =	stream.indirect.scatter.add.f32 [tilespmem:s21], [sflag:$0x1], $0x1, s10, s9, $0xb8;
	[tilespmem:$0x1E940] =	vst v63  }
0x1f2: {  	_ =	swait.ge [sflag:s8], $0x80  }
0x1f3: {  	[sflag:s8] =	ssyncset.done $0x0  }
0x1f4: {  	s22 =	sadd.s32 $0x2200, s6;
	[sflag:s8] =	ssyncadd.s32 $0xFFFFFF80  }
0x1f5: {  	[spmem:s1] =	stream.indirect.scatter.add.f32 [tilespmem:s22], [sflag:$0x1], $0x1, s10, s9, $0xb8;
	[tilespmem:$0x1E940] =	vst v63  }
0x1f6: {  	_ =	swait.ge [sflag:s8], $0x80  }
0x1f7: {  	[sflag:s8] =	ssyncset.done $0x0  }
0x1f8: {  	s5 =	sadd.s32 $0x2280, s6;
	[sflag:s8] =	ssyncadd.s32 $0xFFFFFF80  }
0x1f9: {  	[spmem:s0] =	stream.indirect.scatter.add.f32 [tilespmem:s5], [sflag:$0x1], $0x1, s10, s9, $0xb8;
	[tilespmem:$0x1E940] =	vst v63  }
0x1fa: {  	_ =	swait.ge [sflag:s8], $0x80  }
0x1fb: {  	[sflag:s8] =	ssyncset.done $0x0  }
0x1fc: {  	s7 =	sadd.s32 $0x2300, s6;
	[sflag:s8] =	ssyncadd.s32 $0xFFFFFF80  }
0x1fd: {  	[spmem:s2] =	stream.indirect.scatter.add.f32 [tilespmem:s7], [sflag:$0x1], $0x1, s10, s9, $0xb8;
	[tilespmem:$0x1E940] =	vst v63  }
0x1fe: {  	_ =	swait.ge [sflag:s8], $0x80  }
0x1ff: {  	[sflag:s8] =	ssyncset.done $0x0  }
0x200: {  	s11 =	sadd.s32 $0x2380, s6;
	[sflag:s8] =	ssyncadd.s32 $0xFFFFFF80  }
0x201: {  	[spmem:s3] =	stream.indirect.scatter.add.f32 [tilespmem:s11], [sflag:$0x1], $0x1, s10, s9, $0xb8;
	[tilespmem:$0x1E940] =	vst v63  }
0x202: {  	_ =	swait.ge [sflag:s8], $0x80  }
0x203: {  	[sflag:s8] =	ssyncset.done $0x0  }
0x204: {  	s16 =	sadd.s32 $0x3C00, s6;
	[sflag:s8] =	ssyncadd.s32 $0xFFFFFF80  }
0x205: {  	[spmem:s4] =	stream.indirect.scatter.add.f32 [tilespmem:s16], [sflag:$0x1], $0x1, s10, s9, $0xb8;
	[tilespmem:$0x1E940] =	vst v63  }
0x206: {  	_ =	swait.ge [sflag:s8], $0x80  }
0x207: {  	[sflag:s8] =	ssyncset.done $0x0  }
0x208: {  	s17 =	sadd.s32 $0x3C80, s6;
	[sflag:s8] =	ssyncadd.s32 $0xFFFFFF80  }
0x209: {  	[spmem:s14] =	stream.indirect.scatter.add.f32 [tilespmem:s17], [sflag:$0x1], $0x1, s10, s9, $0xb8;
	[tilespmem:$0x1E940] =	vst v63  }
0x20a: {  	_ =	swait.ge [sflag:s8], $0x80  }
0x20b: {  	s17 =	sld [smem:$0x7F9]  }
0x20c: {  	[sflag:s8] =	ssyncset.done $0x0  }
0x20d: {  	s18 =	sadd.s32 $0x3D00, s6;
	[sflag:s8] =	ssyncadd.s32 $0xFFFFFF80  }
0x20e: {  	[spmem:s17] =	stream.indirect.scatter.add.f32 [tilespmem:s18], [sflag:$0x1], $0x1, s10, s9, $0xb8;
	[tilespmem:$0x1E940] =	vst v63  }
0x20f: {  	_ =	swait.ge [sflag:s8], $0x80  }
0x210: {  	[sflag:s8] =	ssyncset.done $0x0  }
0x211: {  	s19 =	sadd.s32 $0x3D80, s6;
	s5 =	rddreg [dreg:$0xe];
	[sflag:s8] =	ssyncadd.s32 $0xFFFFFF80  }
0x212: {  	[spmem:s5] =	stream.indirect.scatter.add.f32 [tilespmem:s19], [sflag:$0x1], $0x1, s10, s9, $0xb8;
	[tilespmem:$0x1E940] =	vst v63  }
0x213: {  	_ =	swait.ge [sflag:s8], $0x80  }
0x214: {  	[sflag:s8] =	ssyncset.done $0x0  }
0x215: {  	s20 =	sadd.s32 $0x3E00, s6;
	s7 =	rddreg [dreg:$0xf];
	[sflag:s8] =	ssyncadd.s32 $0xFFFFFF80  }
0x216: {  	[spmem:s7] =	stream.indirect.scatter.add.f32 [tilespmem:s20], [sflag:$0x1], $0x1, s10, s9, $0xb8;
	[tilespmem:$0x1E940] =	vst v63  }
0x217: {  	_ =	swait.ge [sflag:s8], $0x80  }
0x218: {  	[sflag:s8] =	ssyncset.done $0x0  }
0x219: {  	s21 =	sadd.s32 $0x3E80, s6;
	s11 =	rddreg [dreg:$0x15];
	[sflag:s8] =	ssyncadd.s32 $0xFFFFFF80  }
0x21a: {  	[spmem:s11] =	stream.indirect.scatter.add.f32 [tilespmem:s21], [sflag:$0x1], $0x1, s10, s9, $0xb8;
	[tilespmem:$0x1E940] =	vst v63  }
0x21b: {  	_ =	swait.ge [sflag:s8], $0x80  }
0x21c: {  	[sflag:s8] =	ssyncset.done $0x0  }
0x21d: {  	s22 =	sadd.s32 $0x3F00, s6;
	s18 =	rddreg [dreg:$0x10];
	[sflag:s8] =	ssyncadd.s32 $0xFFFFFF80  }
0x21e: {  	[spmem:s18] =	stream.indirect.scatter.add.f32 [tilespmem:s22], [sflag:$0x1], $0x1, s10, s9, $0xb8;
	[tilespmem:$0x1E940] =	vst v63  }
0x21f: {  	_ =	swait.ge [sflag:s8], $0x80  }
0x220: {  	s16 =	sld [smem:$0x7FA]  }
0x221: {  	[sflag:s8] =	ssyncset.done $0x0  }
0x222: {  	s7 =	sadd.s32 $0x3F80, s6;
	[sflag:s8] =	ssyncadd.s32 $0xFFFFFF80  }
0x223: {  	[spmem:s16] =	stream.indirect.scatter.add.f32 [tilespmem:s7], [sflag:$0x1], $0x1, s10, s9, $0xb8;
	[tilespmem:$0x1E940] =	vst v63  }
0x224: {  	_ =	swait.ge [sflag:s8], $0x80  }
0x225: {  	[sflag:s8] =	ssyncset.done $0x0  }
0x226: {  	s17 =	sadd.s32 $0x5800, s6;
	s18 =	rddreg [dreg:$0x11];
	[sflag:s8] =	ssyncadd.s32 $0xFFFFFF80  }
0x227: {  	[spmem:s18] =	stream.indirect.scatter.add.f32 [tilespmem:s17], [sflag:$0x1], $0x1, s10, s9, $0xb8;
	[tilespmem:$0x1E940] =	vst v63  }
0x228: {  	_ =	swait.ge [sflag:s8], $0x80  }
0x229: {  	[sflag:s8] =	ssyncset.done $0x0  }
0x22a: {  	s19 =	sadd.s32 $0x5880, s6;
	s20 =	rddreg [dreg:$0x16];
	[sflag:s8] =	ssyncadd.s32 $0xFFFFFF80  }
0x22b: {  	[spmem:s20] =	stream.indirect.scatter.add.f32 [tilespmem:s19], [sflag:$0x1], $0x1, s10, s9, $0xb8;
	[tilespmem:$0x1E940] =	vst v63  }
0x22c: {  	_ =	swait.ge [sflag:s8], $0x80  }
0x22d: {  	[sflag:s8] =	ssyncset.done $0x0  }
0x22e: {  	s21 =	sadd.s32 $0x5900, s6;
	s19 =	rddreg [dreg:$0x17];
	[sflag:s8] =	ssyncadd.s32 $0xFFFFFF80  }
0x22f: {  	[spmem:s19] =	stream.indirect.scatter.add.f32 [tilespmem:s21], [sflag:$0x1], $0x1, s10, s9, $0xb8;
	[tilespmem:$0x1E940] =	vst v63  }
0x230: {  	_ =	swait.ge [sflag:s8], $0x80  }
0x231: {  	[sflag:s8] =	ssyncset.done $0x0  }
0x232: {  	s22 =	sadd.s32 $0x5980, s6;
	s7 =	rddreg [dreg:$0x18];
	[sflag:s8] =	ssyncadd.s32 $0xFFFFFF80  }
0x233: {  	[spmem:s7] =	stream.indirect.scatter.add.f32 [tilespmem:s22], [sflag:$0x1], $0x1, s10, s9, $0xb8;
	[tilespmem:$0x1E940] =	vst v63  }
0x234: {  	_ =	swait.ge [sflag:s8], $0x80  }
0x235: {  	[sflag:s8] =	ssyncset.done $0x0  }
0x236: {  	s16 =	sadd.s32 $0x5A00, s6;
	s20 =	rddreg [dreg:$0x19];
	[sflag:s8] =	ssyncadd.s32 $0xFFFFFF80  }
0x237: {  	[spmem:s20] =	stream.indirect.scatter.add.f32 [tilespmem:s16], [sflag:$0x1], $0x1, s10, s9, $0xb8;
	[tilespmem:$0x1E940] =	vst v63  }
0x238: {  	_ =	swait.ge [sflag:s8], $0x80  }
0x239: {  	[sflag:s8] =	ssyncset.done $0x0  }
0x23a: {  	s17 =	sadd.s32 $0x5A80, s6;
	s18 =	rddreg [dreg:$0x1a];
	[sflag:s8] =	ssyncadd.s32 $0xFFFFFF80  }
0x23b: {  	[spmem:s18] =	stream.indirect.scatter.add.f32 [tilespmem:s17], [sflag:$0x1], $0x1, s10, s9, $0xb8;
	[tilespmem:$0x1E940] =	vst v63  }
0x23c: {  	_ =	swait.ge [sflag:s8], $0x80  }
0x23d: {  	[sflag:s8] =	ssyncset.done $0x0  }
0x23e: {  	s22 =	sadd.s32 $0x5B00, s6;
	s21 =	rddreg [dreg:$0x1b];
	[sflag:s8] =	ssyncadd.s32 $0xFFFFFF80  }
0x23f: {  	[spmem:s21] =	stream.indirect.scatter.add.f32 [tilespmem:s22], [sflag:$0x1], $0x1, s10, s9, $0xb8;
	[tilespmem:$0x1E940] =	vst v63  }
0x240: {  	_ =	swait.ge [sflag:s8], $0x80  }
0x241: {  	[sflag:s8] =	ssyncset.done $0x0  }
0x242: {  	s7 =	sadd.s32 $0x5B80, s6;
	s16 =	rddreg [dreg:$0x1c];
	[sflag:s8] =	ssyncadd.s32 $0xFFFFFF80  }
0x243: {  	[spmem:s16] =	stream.indirect.scatter.add.f32 [tilespmem:s7], [sflag:$0x1], $0x1, s10, s9, $0xb8;
	[tilespmem:$0x1E940] =	vst v63  }
0x244: {  	_ =	swait.ge [sflag:s8], $0x80  }
0x245: {  	[sflag:s8] =	ssyncset.done $0x0  }
0x246: {  	s17 =	sadd.s32 $0x7400, s6;
	s22 =	rddreg [dreg:$0x1d];
	[sflag:s8] =	ssyncadd.s32 $0xFFFFFF80  }
0x247: {  	[spmem:s22] =	stream.indirect.scatter.add.f32 [tilespmem:s17], [sflag:$0x1], $0x1, s10, s9, $0xb8;
	[tilespmem:$0x1E940] =	vst v63  }
0x248: {  	s13 =	sadd.s32 $0x1, s13;
	_ =	swait.ge [sflag:s8], $0x80  }
0x249: {  	p0 =	sne.s32 s13, $0x7;
	s6 =	sadd.s32 $0x7480, s6;
	[sflag:s8] =	ssyncset.done $0x0  }
.Ltmp2:
0x24a: {  	s18 =	rddreg [dreg:$0x12];
	[sflag:s8] =	ssyncadd.s32 $0xFFFFFF80;
	(pc) =	sbr.rel @p0 .LBB3_6-.Ltmp2, $4  }
0x24b: {  	[spmem:s18] =	stream.indirect.scatter.add.f32 [tilespmem:s6], [sflag:$0x1], $0x1, s10, s9, $0xb8;
	[tilespmem:$0x1E940] =	vst v63  }
0x24c: {  	s6 =	rddreg [dreg:$0x2];
	_ =	swait.ge [sflag:s8], $0x80  }
0x24d: {  	[sflag:s8] =	ssyncset.done $0x0  }
0x24e: {  	s12 =	sadd.s32 $0x80, s12;
	[sflag:s8] =	ssyncadd.s32 $0xFFFFFF80  }
0x24f: {  	s0 =	sld [smem:$0x7F0];
	_ =	sdelay $0x2  }
0x250: {  	s0 =	sadd.s32 $0x1, s0  }
0x251: {  	p0 =	sne.s32 s0, $0x15  }
.Ltmp3:
0x252: {  	_ = 	snop;
	(pc) =	sbr.rel @p0 .LBB3_5-.Ltmp3, $1  }
0x253: {  	_ =	sdelay $0x3  }
0x254: {  	s0 =	rddreg [dreg:$0x13]  }
0x255: {  	s6 =	sadd.s32 $0x0, s0  }
0x256: {  	s12 =	sadd.s32 $0x10, s6  }
0x257: {  	[bflag:$0x0] =	sbarrier.arrive $0xFFFF;
	s4 =	sadd.s32 $0x70, s6;
	v2 =	vor.u32 s12, v0  }
0x258: {  	s15 =	smov.u32 s5;
	s5 =	sadd.s32 $0x20, s6;
	v3 =	vor.u32 s4, v0;
	[tilespmem:$0x390] =	vst v2  }
0x259: {  	s7 =	sadd.s32 $0x30, s6;
	v2 =	vor.u32 s5, v0;
	[tilespmem:$0x3F0] =	vst v3  }
0x25a: {  	v3 =	vor.u32 s7, v0;
	[tilespmem:$0x3A0] =	vst v2  }
0x25b: {  	s13 =	sadd.s32 $0x50, s6;
	v2 =	vor.u32 s6, v0;
	[tilespmem:$0x3B0] =	vst v3  }
0x25c: {  	s14 =	sadd.s32 $0x60, s6;
	v3 =	vor.u32 s13, v0;
	[tilespmem:$0x380] =	vst v2  }
0x25d: {  	s6 =	sadd.s32 $0x40, s6;
	v2 =	vor.u32 s14, v0;
	[tilespmem:$0x3D0] =	vst v3  }
0x25e: {  	v3 =	vor.u32 s6, v0;
	[tilespmem:$0x3E0] =	vst v2  }
0x25f: {  	s17 =	simm.s32 $0x9080;
	s16 =	rddreg [dreg:$0x2];
	[tilespmem:$0x3C0] =	vst v3  }
0x260: {  	[tilespmem:s17], [sflag:$0x1] =	stream.indirect.gather [spmem:s16], $0x1, s10, s9, $0xb8;
	[tilespmem:$0x1E940] =	vst v63  }
0x261: {  	s13 =	smov.u32 s11;
	_ =	swait.ge [sflag:s8], $0x80  }
0x262: {  	s11 =	simm.s32 $0x9080;
	[sflag:s8] =	ssyncset.done $0x0;
	s18 =	rddreg [dreg:$0x14]  }
0x263: {  	s14 =	simm.s32 $0x0;
	[sflag:s8] =	ssyncadd.s32 $0xFFFFFF80;
	s12 =	sadd.s32 $0x0, s18  }
0x264: {  	[hbm4b:s12+s14] =	stream.linear.scatter [tilespmem:s11], [sflag:$0x1], $0x80, $0x38;
	[tilespmem:$0x1E940] =	vst v63  }
0x265: {  	_ =	swait.ge [sflag:s8], $0x80  }
0x266: {  	[sflag:s8] =	ssyncset.done $0x0  }
0x267: {  	[sflag:s8] =	ssyncadd.s32 $0xFFFFFF80  }
0x268: {  	s23 =	rddreg [dreg:$0x3]  }
0x269: {  	[tilespmem:s11], [sflag:$0x1] =	stream.indirect.gather [spmem:s23], $0x1, s10, s9, $0xb8;
	[tilespmem:$0x1E940] =	vst v63  }
0x26a: {  	_ =	swait.ge [sflag:s8], $0x80  }
0x26b: {  	[sflag:s8] =	ssyncset.done $0x0  }
0x26c: {  	s24 =	sadd.s32 $0x10, s12;
	[sflag:s8] =	ssyncadd.s32 $0xFFFFFF80  }
0x26d: {  	[hbm4b:s24+s14] =	stream.linear.scatter [tilespmem:s11], [sflag:$0x1], $0x80, $0x38;
	[tilespmem:$0x1E940] =	vst v63  }
0x26e: {  	_ =	swait.ge [sflag:s8], $0x80  }
0x26f: {  	[sflag:s8] =	ssyncset.done $0x0  }
0x270: {  	[sflag:s8] =	ssyncadd.s32 $0xFFFFFF80  }
0x271: {  	s7 =	rddreg [dreg:$0x4]  }
0x272: {  	[tilespmem:s11], [sflag:$0x1] =	stream.indirect.gather [spmem:s7], $0x1, s10, s9, $0xb8;
	[tilespmem:$0x1E940] =	vst v63  }
0x273: {  	_ =	swait.ge [sflag:s8], $0x80  }
0x274: {  	[sflag:s8] =	ssyncset.done $0x0  }
0x275: {  	s25 =	sadd.s32 $0x20, s12;
	[sflag:s8] =	ssyncadd.s32 $0xFFFFFF80  }
0x276: {  	[hbm4b:s25+s14] =	stream.linear.scatter [tilespmem:s11], [sflag:$0x1], $0x80, $0x38;
	[tilespmem:$0x1E940] =	vst v63  }
0x277: {  	_ =	swait.ge [sflag:s8], $0x80  }
0x278: {  	[sflag:s8] =	ssyncset.done $0x0  }
0x279: {  	[sflag:s8] =	ssyncadd.s32 $0xFFFFFF80  }
0x27a: {  	s26 =	rddreg [dreg:$0x5]  }
0x27b: {  	[tilespmem:s11], [sflag:$0x1] =	stream.indirect.gather [spmem:s26], $0x1, s10, s9, $0xb8;
	[tilespmem:$0x1E940] =	vst v63  }
0x27c: {  	_ =	swait.ge [sflag:s8], $0x80  }
0x27d: {  	[sflag:s8] =	ssyncset.done $0x0  }
0x27e: {  	s0 =	sadd.s32 $0x30, s12;
	[sflag:s8] =	ssyncadd.s32 $0xFFFFFF80  }
0x27f: {  	[hbm4b:s0+s14] =	stream.linear.scatter [tilespmem:s11], [sflag:$0x1], $0x80, $0x38;
	[tilespmem:$0x1E940] =	vst v63  }
0x280: {  	_ =	swait.ge [sflag:s8], $0x80  }
0x281: {  	[sflag:s8] =	ssyncset.done $0x0  }
0x282: {  	[sflag:s8] =	ssyncadd.s32 $0xFFFFFF80  }
0x283: {  	s23 =	rddreg [dreg:$0x6]  }
0x284: {  	[tilespmem:s11], [sflag:$0x1] =	stream.indirect.gather [spmem:s23], $0x1, s10, s9, $0xb8;
	[tilespmem:$0x1E940] =	vst v63  }
0x285: {  	_ =	swait.ge [sflag:s8], $0x80  }
0x286: {  	[sflag:s8] =	ssyncset.done $0x0  }
0x287: {  	s1 =	sadd.s32 $0x40, s12;
	[sflag:s8] =	ssyncadd.s32 $0xFFFFFF80  }
0x288: {  	[hbm4b:s1+s14] =	stream.linear.scatter [tilespmem:s11], [sflag:$0x1], $0x80, $0x38;
	[tilespmem:$0x1E940] =	vst v63  }
0x289: {  	_ =	swait.ge [sflag:s8], $0x80  }
0x28a: {  	[sflag:s8] =	ssyncset.done $0x0  }
0x28b: {  	[sflag:s8] =	ssyncadd.s32 $0xFFFFFF80  }
0x28c: {  	s24 =	rddreg [dreg:$0x7]  }
0x28d: {  	[tilespmem:s11], [sflag:$0x1] =	stream.indirect.gather [spmem:s24], $0x1, s10, s9, $0xb8;
	[tilespmem:$0x1E940] =	vst v63  }
0x28e: {  	_ =	swait.ge [sflag:s8], $0x80  }
0x28f: {  	[sflag:s8] =	ssyncset.done $0x0  }
0x290: {  	s2 =	sadd.s32 $0x50, s12;
	[sflag:s8] =	ssyncadd.s32 $0xFFFFFF80  }
0x291: {  	[hbm4b:s2+s14] =	stream.linear.scatter [tilespmem:s11], [sflag:$0x1], $0x80, $0x38;
	[tilespmem:$0x1E940] =	vst v63  }
0x292: {  	_ =	swait.ge [sflag:s8], $0x80  }
0x293: {  	[sflag:s8] =	ssyncset.done $0x0  }
0x294: {  	[sflag:s8] =	ssyncadd.s32 $0xFFFFFF80  }
0x295: {  	s25 =	rddreg [dreg:$0x8]  }
0x296: {  	[tilespmem:s11], [sflag:$0x1] =	stream.indirect.gather [spmem:s25], $0x1, s10, s9, $0xb8;
	[tilespmem:$0x1E940] =	vst v63  }
0x297: {  	_ =	swait.ge [sflag:s8], $0x80  }
0x298: {  	[sflag:s8] =	ssyncset.done $0x0  }
0x299: {  	s3 =	sadd.s32 $0x60, s12;
	[sflag:s8] =	ssyncadd.s32 $0xFFFFFF80  }
0x29a: {  	[hbm4b:s3+s14] =	stream.linear.scatter [tilespmem:s11], [sflag:$0x1], $0x80, $0x38;
	[tilespmem:$0x1E940] =	vst v63  }
0x29b: {  	_ =	swait.ge [sflag:s8], $0x80  }
0x29c: {  	[sflag:s8] =	ssyncset.done $0x0  }
0x29d: {  	[sflag:s8] =	ssyncadd.s32 $0xFFFFFF80  }
0x29e: {  	s26 =	rddreg [dreg:$0x9]  }
0x29f: {  	[tilespmem:s11], [sflag:$0x1] =	stream.indirect.gather [spmem:s26], $0x1, s10, s9, $0xb8;
	[tilespmem:$0x1E940] =	vst v63  }
0x2a0: {  	_ =	swait.ge [sflag:s8], $0x80  }
0x2a1: {  	[sflag:s8] =	ssyncset.done $0x0  }
0x2a2: {  	s4 =	sadd.s32 $0x70, s12;
	[sflag:s8] =	ssyncadd.s32 $0xFFFFFF80  }
0x2a3: {  	[hbm4b:s4+s14] =	stream.linear.scatter [tilespmem:s11], [sflag:$0x1], $0x80, $0x38;
	[tilespmem:$0x1E940] =	vst v63  }
0x2a4: {  	_ =	swait.ge [sflag:s8], $0x80  }
0x2a5: {  	[sflag:s8] =	ssyncset.done $0x0  }
0x2a6: {  	[sflag:s8] =	ssyncadd.s32 $0xFFFFFF80  }
0x2a7: {  	s28 =	rddreg [dreg:$0xa]  }
0x2a8: {  	[tilespmem:s11], [sflag:$0x1] =	stream.indirect.gather [spmem:s28], $0x1, s10, s9, $0xb8;
	[tilespmem:$0x1E940] =	vst v63  }
0x2a9: {  	_ =	swait.ge [sflag:s8], $0x80  }
0x2aa: {  	[sflag:s8] =	ssyncset.done $0x0  }
0x2ab: {  	s5 =	sadd.s32 $0x46000, s12;
	[sflag:s8] =	ssyncadd.s32 $0xFFFFFF80  }
0x2ac: {  	[hbm4b:s5+s14] =	stream.linear.scatter [tilespmem:s11], [sflag:$0x1], $0x80, $0x38;
	[tilespmem:$0x1E940] =	vst v63  }
0x2ad: {  	_ =	swait.ge [sflag:s8], $0x80  }
0x2ae: {  	[sflag:s8] =	ssyncset.done $0x0  }
0x2af: {  	[sflag:s8] =	ssyncadd.s32 $0xFFFFFF80  }
0x2b0: {  	s29 =	rddreg [dreg:$0xb]  }
0x2b1: {  	[tilespmem:s11], [sflag:$0x1] =	stream.indirect.gather [spmem:s29], $0x1, s10, s9, $0xb8;
	[tilespmem:$0x1E940] =	vst v63  }
0x2b2: {  	_ =	swait.ge [sflag:s8], $0x80  }
0x2b3: {  	[sflag:s8] =	ssyncset.done $0x0  }
0x2b4: {  	s7 =	sadd.s32 $0x46010, s12;
	[sflag:s8] =	ssyncadd.s32 $0xFFFFFF80  }
0x2b5: {  	[hbm4b:s7+s14] =	stream.linear.scatter [tilespmem:s11], [sflag:$0x1], $0x80, $0x38;
	[tilespmem:$0x1E940] =	vst v63  }
0x2b6: {  	_ =	swait.ge [sflag:s8], $0x80  }
0x2b7: {  	[sflag:s8] =	ssyncset.done $0x0  }
0x2b8: {  	[sflag:s8] =	ssyncadd.s32 $0xFFFFFF80  }
0x2b9: {  	s30 =	rddreg [dreg:$0xc]  }
0x2ba: {  	[tilespmem:s11], [sflag:$0x1] =	stream.indirect.gather [spmem:s30], $0x1, s10, s9, $0xb8;
	[tilespmem:$0x1E940] =	vst v63  }
0x2bb: {  	_ =	swait.ge [sflag:s8], $0x80  }
0x2bc: {  	[sflag:s8] =	ssyncset.done $0x0  }
0x2bd: {  	s16 =	sadd.s32 $0x46020, s12;
	[sflag:s8] =	ssyncadd.s32 $0xFFFFFF80  }
0x2be: {  	[hbm4b:s16+s14] =	stream.linear.scatter [tilespmem:s11], [sflag:$0x1], $0x80, $0x38;
	[tilespmem:$0x1E940] =	vst v63  }
0x2bf: {  	_ =	swait.ge [sflag:s8], $0x80  }
0x2c0: {  	[sflag:s8] =	ssyncset.done $0x0  }
0x2c1: {  	[sflag:s8] =	ssyncadd.s32 $0xFFFFFF80  }
0x2c2: {  	s31 =	rddreg [dreg:$0xd]  }
0x2c3: {  	[tilespmem:s11], [sflag:$0x1] =	stream.indirect.gather [spmem:s31], $0x1, s10, s9, $0xb8;
	[tilespmem:$0x1E940] =	vst v63  }
0x2c4: {  	_ =	swait.ge [sflag:s8], $0x80  }
0x2c5: {  	[sflag:s8] =	ssyncset.done $0x0  }
0x2c6: {  	s17 =	sadd.s32 $0x46030, s12;
	[sflag:s8] =	ssyncadd.s32 $0xFFFFFF80  }
0x2c7: {  	[hbm4b:s17+s14] =	stream.linear.scatter [tilespmem:s11], [sflag:$0x1], $0x80, $0x38;
	[tilespmem:$0x1E940] =	vst v63  }
0x2c8: {  	_ =	swait.ge [sflag:s8], $0x80  }
0x2c9: {  	s1 =	sld [smem:$0x7F3]  }
0x2ca: {  	[sflag:s8] =	ssyncset.done $0x0  }
0x2cb: {  	[sflag:s8] =	ssyncadd.s32 $0xFFFFFF80  }
0x2cc: {  	[tilespmem:s11], [sflag:$0x1] =	stream.indirect.gather [spmem:s1], $0x1, s10, s9, $0xb8;
	[tilespmem:$0x1E940] =	vst v63  }
0x2cd: {  	_ =	swait.ge [sflag:s8], $0x80  }
0x2ce: {  	[sflag:s8] =	ssyncset.done $0x0  }
0x2cf: {  	s18 =	sadd.s32 $0x46040, s12;
	[sflag:s8] =	ssyncadd.s32 $0xFFFFFF80  }
0x2d0: {  	[hbm4b:s18+s14] =	stream.linear.scatter [tilespmem:s11], [sflag:$0x1], $0x80, $0x38;
	[tilespmem:$0x1E940] =	vst v63  }
0x2d1: {  	_ =	swait.ge [sflag:s8], $0x80  }
0x2d2: {  	s0 =	sld [smem:$0x7F4]  }
0x2d3: {  	[sflag:s8] =	ssyncset.done $0x0  }
0x2d4: {  	[sflag:s8] =	ssyncadd.s32 $0xFFFFFF80  }
0x2d5: {  	[tilespmem:s11], [sflag:$0x1] =	stream.indirect.gather [spmem:s0], $0x1, s10, s9, $0xb8;
	[tilespmem:$0x1E940] =	vst v63  }
0x2d6: {  	_ =	swait.ge [sflag:s8], $0x80  }
0x2d7: {  	[sflag:s8] =	ssyncset.done $0x0  }
0x2d8: {  	s23 =	sadd.s32 $0x46050, s12;
	[sflag:s8] =	ssyncadd.s32 $0xFFFFFF80  }
0x2d9: {  	[hbm4b:s23+s14] =	stream.linear.scatter [tilespmem:s11], [sflag:$0x1], $0x80, $0x38;
	[tilespmem:$0x1E940] =	vst v63  }
0x2da: {  	_ =	swait.ge [sflag:s8], $0x80  }
0x2db: {  	s2 =	sld [smem:$0x7F5]  }
0x2dc: {  	[sflag:s8] =	ssyncset.done $0x0  }
0x2dd: {  	[sflag:s8] =	ssyncadd.s32 $0xFFFFFF80  }
0x2de: {  	[tilespmem:s11], [sflag:$0x1] =	stream.indirect.gather [spmem:s2], $0x1, s10, s9, $0xb8;
	[tilespmem:$0x1E940] =	vst v63  }
0x2df: {  	_ =	swait.ge [sflag:s8], $0x80  }
0x2e0: {  	[sflag:s8] =	ssyncset.done $0x0  }
0x2e1: {  	s24 =	sadd.s32 $0x46060, s12;
	[sflag:s8] =	ssyncadd.s32 $0xFFFFFF80  }
0x2e2: {  	[hbm4b:s24+s14] =	stream.linear.scatter [tilespmem:s11], [sflag:$0x1], $0x80, $0x38;
	[tilespmem:$0x1E940] =	vst v63  }
0x2e3: {  	_ =	swait.ge [sflag:s8], $0x80  }
0x2e4: {  	s3 =	sld [smem:$0x7F6]  }
0x2e5: {  	[sflag:s8] =	ssyncset.done $0x0  }
0x2e6: {  	[sflag:s8] =	ssyncadd.s32 $0xFFFFFF80  }
0x2e7: {  	[tilespmem:s11], [sflag:$0x1] =	stream.indirect.gather [spmem:s3], $0x1, s10, s9, $0xb8;
	[tilespmem:$0x1E940] =	vst v63  }
0x2e8: {  	_ =	swait.ge [sflag:s8], $0x80  }
0x2e9: {  	[sflag:s8] =	ssyncset.done $0x0  }
0x2ea: {  	s25 =	sadd.s32 $0x46070, s12;
	[sflag:s8] =	ssyncadd.s32 $0xFFFFFF80  }
0x2eb: {  	[hbm4b:s25+s14] =	stream.linear.scatter [tilespmem:s11], [sflag:$0x1], $0x80, $0x38;
	[tilespmem:$0x1E940] =	vst v63  }
0x2ec: {  	_ =	swait.ge [sflag:s8], $0x80  }
0x2ed: {  	s4 =	sld [smem:$0x7F7]  }
0x2ee: {  	[sflag:s8] =	ssyncset.done $0x0  }
0x2ef: {  	[sflag:s8] =	ssyncadd.s32 $0xFFFFFF80  }
0x2f0: {  	[tilespmem:s11], [sflag:$0x1] =	stream.indirect.gather [spmem:s4], $0x1, s10, s9, $0xb8;
	[tilespmem:$0x1E940] =	vst v63  }
0x2f1: {  	_ =	swait.ge [sflag:s8], $0x80  }
0x2f2: {  	[sflag:s8] =	ssyncset.done $0x0  }
0x2f3: {  	s26 =	sadd.s32 $0x8C000, s12;
	[sflag:s8] =	ssyncadd.s32 $0xFFFFFF80  }
0x2f4: {  	[hbm4b:s26+s14] =	stream.linear.scatter [tilespmem:s11], [sflag:$0x1], $0x80, $0x38;
	[tilespmem:$0x1E940] =	vst v63  }
0x2f5: {  	_ =	swait.ge [sflag:s8], $0x80  }
0x2f6: {  	s7 =	sld [smem:$0x7F8]  }
0x2f7: {  	[sflag:s8] =	ssyncset.done $0x0  }
0x2f8: {  	[sflag:s8] =	ssyncadd.s32 $0xFFFFFF80  }
0x2f9: {  	[tilespmem:s11], [sflag:$0x1] =	stream.indirect.gather [spmem:s7], $0x1, s10, s9, $0xb8;
	[tilespmem:$0x1E940] =	vst v63  }
0x2fa: {  	_ =	swait.ge [sflag:s8], $0x80  }
0x2fb: {  	[sflag:s8] =	ssyncset.done $0x0  }
0x2fc: {  	s5 =	sadd.s32 $0x8C010, s12;
	[sflag:s8] =	ssyncadd.s32 $0xFFFFFF80  }
0x2fd: {  	[hbm4b:s5+s14] =	stream.linear.scatter [tilespmem:s11], [sflag:$0x1], $0x80, $0x38;
	[tilespmem:$0x1E940] =	vst v63  }
0x2fe: {  	_ =	swait.ge [sflag:s8], $0x80  }
0x2ff: {  	s5 =	sld [smem:$0x7F9]  }
0x300: {  	[sflag:s8] =	ssyncset.done $0x0  }
0x301: {  	[sflag:s8] =	ssyncadd.s32 $0xFFFFFF80  }
0x302: {  	[tilespmem:s11], [sflag:$0x1] =	stream.indirect.gather [spmem:s5], $0x1, s10, s9, $0xb8;
	[tilespmem:$0x1E940] =	vst v63  }
0x303: {  	_ =	swait.ge [sflag:s8], $0x80  }
0x304: {  	[sflag:s8] =	ssyncset.done $0x0  }
0x305: {  	s16 =	sadd.s32 $0x8C020, s12;
	[sflag:s8] =	ssyncadd.s32 $0xFFFFFF80  }
0x306: {  	[hbm4b:s16+s14] =	stream.linear.scatter [tilespmem:s11], [sflag:$0x1], $0x80, $0x38;
	[tilespmem:$0x1E940] =	vst v63  }
0x307: {  	_ =	swait.ge [sflag:s8], $0x80  }
0x308: {  	[sflag:s8] =	ssyncset.done $0x0  }
0x309: {  	[sflag:s8] =	ssyncadd.s32 $0xFFFFFF80  }
0x30a: {  	[tilespmem:s11], [sflag:$0x1] =	stream.indirect.gather [spmem:s15], $0x1, s10, s9, $0xb8;
	[tilespmem:$0x1E940] =	vst v63  }
0x30b: {  	_ =	swait.ge [sflag:s8], $0x80  }
0x30c: {  	[sflag:s8] =	ssyncset.done $0x0  }
0x30d: {  	s17 =	sadd.s32 $0x8C030, s12;
	[sflag:s8] =	ssyncadd.s32 $0xFFFFFF80  }
0x30e: {  	[hbm4b:s17+s14] =	stream.linear.scatter [tilespmem:s11], [sflag:$0x1], $0x80, $0x38;
	[tilespmem:$0x1E940] =	vst v63  }
0x30f: {  	_ =	swait.ge [sflag:s8], $0x80  }
0x310: {  	[sflag:s8] =	ssyncset.done $0x0  }
0x311: {  	s18 =	rddreg [dreg:$0xf];
	[sflag:s8] =	ssyncadd.s32 $0xFFFFFF80  }
0x312: {  	[tilespmem:s11], [sflag:$0x1] =	stream.indirect.gather [spmem:s18], $0x1, s10, s9, $0xb8;
	[tilespmem:$0x1E940] =	vst v63  }
0x313: {  	_ =	swait.ge [sflag:s8], $0x80  }
0x314: {  	[sflag:s8] =	ssyncset.done $0x0  }
0x315: {  	s23 =	sadd.s32 $0x8C040, s12;
	[sflag:s8] =	ssyncadd.s32 $0xFFFFFF80  }
0x316: {  	[hbm4b:s23+s14] =	stream.linear.scatter [tilespmem:s11], [sflag:$0x1], $0x80, $0x38;
	[tilespmem:$0x1E940] =	vst v63  }
0x317: {  	_ =	swait.ge [sflag:s8], $0x80  }
0x318: {  	[sflag:s8] =	ssyncset.done $0x0  }
0x319: {  	[sflag:s8] =	ssyncadd.s32 $0xFFFFFF80  }
0x31a: {  	[tilespmem:s11], [sflag:$0x1] =	stream.indirect.gather [spmem:s13], $0x1, s10, s9, $0xb8;
	[tilespmem:$0x1E940] =	vst v63  }
0x31b: {  	_ =	swait.ge [sflag:s8], $0x80  }
0x31c: {  	[sflag:s8] =	ssyncset.done $0x0  }
0x31d: {  	s24 =	sadd.s32 $0x8C050, s12;
	[sflag:s8] =	ssyncadd.s32 $0xFFFFFF80  }
0x31e: {  	[hbm4b:s24+s14] =	stream.linear.scatter [tilespmem:s11], [sflag:$0x1], $0x80, $0x38;
	[tilespmem:$0x1E940] =	vst v63  }
0x31f: {  	_ =	swait.ge [sflag:s8], $0x80  }
0x320: {  	[sflag:s8] =	ssyncset.done $0x0  }
0x321: {  	s26 =	rddreg [dreg:$0x10];
	[sflag:s8] =	ssyncadd.s32 $0xFFFFFF80  }
0x322: {  	[tilespmem:s11], [sflag:$0x1] =	stream.indirect.gather [spmem:s26], $0x1, s10, s9, $0xb8;
	[tilespmem:$0x1E940] =	vst v63  }
0x323: {  	_ =	swait.ge [sflag:s8], $0x80  }
0x324: {  	[sflag:s8] =	ssyncset.done $0x0  }
0x325: {  	s25 =	smov.u32 s13;
	s13 =	sadd.s32 $0x8C060, s12;
	[sflag:s8] =	ssyncadd.s32 $0xFFFFFF80  }
0x326: {  	[hbm4b:s13+s14] =	stream.linear.scatter [tilespmem:s11], [sflag:$0x1], $0x80, $0x38;
	[tilespmem:$0x1E940] =	vst v63  }
0x327: {  	_ =	swait.ge [sflag:s8], $0x80  }
0x328: {  	s23 =	sld [smem:$0x7FA]  }
0x329: {  	[sflag:s8] =	ssyncset.done $0x0  }
0x32a: {  	[sflag:s8] =	ssyncadd.s32 $0xFFFFFF80  }
0x32b: {  	[tilespmem:s11], [sflag:$0x1] =	stream.indirect.gather [spmem:s23], $0x1, s10, s9, $0xb8;
	[tilespmem:$0x1E940] =	vst v63  }
0x32c: {  	_ =	swait.ge [sflag:s8], $0x80  }
0x32d: {  	[sflag:s8] =	ssyncset.done $0x0  }
0x32e: {  	s15 =	sadd.s32 $0x8C070, s12;
	[sflag:s8] =	ssyncadd.s32 $0xFFFFFF80  }
0x32f: {  	[hbm4b:s15+s14] =	stream.linear.scatter [tilespmem:s11], [sflag:$0x1], $0x80, $0x38;
	[tilespmem:$0x1E940] =	vst v63  }
0x330: {  	_ =	swait.ge [sflag:s8], $0x80  }
0x331: {  	[sflag:s8] =	ssyncset.done $0x0  }
0x332: {  	s24 =	rddreg [dreg:$0x11];
	[sflag:s8] =	ssyncadd.s32 $0xFFFFFF80  }
0x333: {  	[tilespmem:s11], [sflag:$0x1] =	stream.indirect.gather [spmem:s24], $0x1, s10, s9, $0xb8;
	[tilespmem:$0x1E940] =	vst v63  }
0x334: {  	_ =	swait.ge [sflag:s8], $0x80  }
0x335: {  	[sflag:s8] =	ssyncset.done $0x0  }
0x336: {  	s16 =	sadd.s32 $0xD2000, s12;
	[sflag:s8] =	ssyncadd.s32 $0xFFFFFF80  }
0x337: {  	[hbm4b:s16+s14] =	stream.linear.scatter [tilespmem:s11], [sflag:$0x1], $0x80, $0x38;
	[tilespmem:$0x1E940] =	vst v63  }
0x338: {  	_ =	swait.ge [sflag:s8], $0x80  }
0x339: {  	[sflag:s8] =	ssyncset.done $0x0  }
0x33a: {  	s17 =	rddreg [dreg:$0x16];
	[sflag:s8] =	ssyncadd.s32 $0xFFFFFF80  }
0x33b: {  	[tilespmem:s11], [sflag:$0x1] =	stream.indirect.gather [spmem:s17], $0x1, s10, s9, $0xb8;
	[tilespmem:$0x1E940] =	vst v63  }
0x33c: {  	_ =	swait.ge [sflag:s8], $0x80  }
0x33d: {  	[sflag:s8] =	ssyncset.done $0x0  }
0x33e: {  	s18 =	sadd.s32 $0xD2010, s12;
	[sflag:s8] =	ssyncadd.s32 $0xFFFFFF80  }
0x33f: {  	[hbm4b:s18+s14] =	stream.linear.scatter [tilespmem:s11], [sflag:$0x1], $0x80, $0x38;
	[tilespmem:$0x1E940] =	vst v63  }
0x340: {  	_ =	swait.ge [sflag:s8], $0x80  }
0x341: {  	[sflag:s8] =	ssyncset.done $0x0  }
0x342: {  	[sflag:s8] =	ssyncadd.s32 $0xFFFFFF80  }
0x343: {  	[tilespmem:s11], [sflag:$0x1] =	stream.indirect.gather [spmem:s19], $0x1, s10, s9, $0xb8;
	[tilespmem:$0x1E940] =	vst v63  }
0x344: {  	_ =	swait.ge [sflag:s8], $0x80  }
0x345: {  	[sflag:s8] =	ssyncset.done $0x0  }
0x346: {  	s13 =	sadd.s32 $0xD2020, s12;
	[sflag:s8] =	ssyncadd.s32 $0xFFFFFF80  }
0x347: {  	[hbm4b:s13+s14] =	stream.linear.scatter [tilespmem:s11], [sflag:$0x1], $0x80, $0x38;
	[tilespmem:$0x1E940] =	vst v63  }
0x348: {  	_ =	swait.ge [sflag:s8], $0x80  }
0x349: {  	[sflag:s8] =	ssyncset.done $0x0  }
0x34a: {  	s15 =	rddreg [dreg:$0x18];
	[sflag:s8] =	ssyncadd.s32 $0xFFFFFF80  }
0x34b: {  	[tilespmem:s11], [sflag:$0x1] =	stream.indirect.gather [spmem:s15], $0x1, s10, s9, $0xb8;
	[tilespmem:$0x1E940] =	vst v63  }
0x34c: {  	_ =	swait.ge [sflag:s8], $0x80  }
0x34d: {  	[sflag:s8] =	ssyncset.done $0x0  }
0x34e: {  	s16 =	sadd.s32 $0xD2030, s12;
	[sflag:s8] =	ssyncadd.s32 $0xFFFFFF80  }
0x34f: {  	[hbm4b:s16+s14] =	stream.linear.scatter [tilespmem:s11], [sflag:$0x1], $0x80, $0x38;
	[tilespmem:$0x1E940] =	vst v63  }
0x350: {  	_ =	swait.ge [sflag:s8], $0x80  }
0x351: {  	[sflag:s8] =	ssyncset.done $0x0  }
0x352: {  	[sflag:s8] =	ssyncadd.s32 $0xFFFFFF80  }
0x353: {  	[tilespmem:s11], [sflag:$0x1] =	stream.indirect.gather [spmem:s20], $0x1, s10, s9, $0xb8;
	[tilespmem:$0x1E940] =	vst v63  }
0x354: {  	_ =	swait.ge [sflag:s8], $0x80  }
0x355: {  	[sflag:s8] =	ssyncset.done $0x0  }
0x356: {  	s26 =	smov.u32 s17;
	s17 =	sadd.s32 $0xD2040, s12;
	[sflag:s8] =	ssyncadd.s32 $0xFFFFFF80  }
0x357: {  	[hbm4b:s17+s14] =	stream.linear.scatter [tilespmem:s11], [sflag:$0x1], $0x80, $0x38;
	[tilespmem:$0x1E940] =	vst v63  }
0x358: {  	_ =	swait.ge [sflag:s8], $0x80  }
0x359: {  	[sflag:s8] =	ssyncset.done $0x0  }
0x35a: {  	s18 =	rddreg [dreg:$0x1a];
	[sflag:s8] =	ssyncadd.s32 $0xFFFFFF80  }
0x35b: {  	[tilespmem:s11], [sflag:$0x1] =	stream.indirect.gather [spmem:s18], $0x1, s10, s9, $0xb8;
	[tilespmem:$0x1E940] =	vst v63  }
0x35c: {  	_ =	swait.ge [sflag:s8], $0x80  }
0x35d: {  	[sflag:s8] =	ssyncset.done $0x0  }
0x35e: {  	s13 =	sadd.s32 $0xD2050, s12;
	[sflag:s8] =	ssyncadd.s32 $0xFFFFFF80  }
0x35f: {  	[hbm4b:s13+s14] =	stream.linear.scatter [tilespmem:s11], [sflag:$0x1], $0x80, $0x38;
	[tilespmem:$0x1E940] =	vst v63  }
0x360: {  	_ =	swait.ge [sflag:s8], $0x80  }
0x361: {  	[sflag:s8] =	ssyncset.done $0x0  }
0x362: {  	[sflag:s8] =	ssyncadd.s32 $0xFFFFFF80  }
0x363: {  	[tilespmem:s11], [sflag:$0x1] =	stream.indirect.gather [spmem:s21], $0x1, s10, s9, $0xb8;
	[tilespmem:$0x1E940] =	vst v63  }
0x364: {  	_ =	swait.ge [sflag:s8], $0x80  }
0x365: {  	[sflag:s8] =	ssyncset.done $0x0  }
0x366: {  	s28 =	smov.u32 s15;
	s15 =	sadd.s32 $0xD2060, s12;
	[sflag:s8] =	ssyncadd.s32 $0xFFFFFF80  }
0x367: {  	[hbm4b:s15+s14] =	stream.linear.scatter [tilespmem:s11], [sflag:$0x1], $0x80, $0x38;
	[tilespmem:$0x1E940] =	vst v63  }
0x368: {  	_ =	swait.ge [sflag:s8], $0x80  }
0x369: {  	[sflag:s8] =	ssyncset.done $0x0  }
0x36a: {  	s16 =	rddreg [dreg:$0x1c];
	[sflag:s8] =	ssyncadd.s32 $0xFFFFFF80  }
0x36b: {  	[tilespmem:s11], [sflag:$0x1] =	stream.indirect.gather [spmem:s16], $0x1, s10, s9, $0xb8;
	[tilespmem:$0x1E940] =	vst v63  }
0x36c: {  	_ =	swait.ge [sflag:s8], $0x80  }
0x36d: {  	[sflag:s8] =	ssyncset.done $0x0  }
0x36e: {  	s17 =	sadd.s32 $0xD2070, s12;
	[sflag:s8] =	ssyncadd.s32 $0xFFFFFF80  }
0x36f: {  	[hbm4b:s17+s14] =	stream.linear.scatter [tilespmem:s11], [sflag:$0x1], $0x80, $0x38;
	[tilespmem:$0x1E940] =	vst v63  }
0x370: {  	_ =	swait.ge [sflag:s8], $0x80  }
0x371: {  	[sflag:s8] =	ssyncset.done $0x0  }
0x372: {  	[sflag:s8] =	ssyncadd.s32 $0xFFFFFF80  }
0x373: {  	[tilespmem:s11], [sflag:$0x1] =	stream.indirect.gather [spmem:s22], $0x1, s10, s9, $0xb8;
	[tilespmem:$0x1E940] =	vst v63  }
0x374: {  	_ =	swait.ge [sflag:s8], $0x80  }
0x375: {  	[sflag:s8] =	ssyncset.done $0x0  }
0x376: {  	s29 =	smov.u32 s18;
	s18 =	sadd.s32 $0x118000, s12;
	[sflag:s8] =	ssyncadd.s32 $0xFFFFFF80  }
0x377: {  	[hbm4b:s18+s14] =	stream.linear.scatter [tilespmem:s11], [sflag:$0x1], $0x80, $0x38;
	[tilespmem:$0x1E940] =	vst v63  }
0x378: {  	_ =	swait.ge [sflag:s8], $0x80  }
0x379: {  	s13 =	simm.s32 $0x80;
	s30 =	smov.u32 s16;
	s31 =	rddreg [dreg:$0x12]  }
.LBB3_11:
0x37a: {  	[sflag:s8] =	ssyncset.done $0x0  }
0x37b: {  	[sflag:s8] =	ssyncadd.s32 $0xFFFFFF80  }
0x37c: {  	[tilespmem:s11], [sflag:$0x1] =	stream.indirect.gather [spmem:s31], $0x1, s10, s9, $0xb8;
	[tilespmem:$0x1E940] =	vst v63  }
0x37d: {  	_ =	swait.ge [sflag:s8], $0x80  }
0x37e: {  	s6 =	smov.u32 s13;
	s15 =	rddreg [dreg:$0x13]  }
0x37f: {  	[sflag:s8] =	ssyncset.done $0x0;
	s15 =	sadd.s32 s6, s15  }
0x380: {  	s12 =	sadd.s32 $0x118010, s12;
	[sflag:s8] =	ssyncadd.s32 $0xFFFFFF80;
	s17 =	sadd.s32 $0x20, s15  }
0x381: {  	[hbm4b:s12+s14] =	stream.linear.scatter [tilespmem:s11], [sflag:$0x1], $0x80, $0x38;
	[tilespmem:$0x1E940] =	vst v63  }
0x382: {  	v4 =	vor.u32 s17, v0;
	s17 =	rddreg [dreg:$0xf];
	_ =	swait.ge [sflag:s8], $0x80  }
0x383: {  	s16 =	sadd.s32 $0x10, s15;
	s18 =	sadd.s32 $0x40, s15;
	[sflag:s8] =	ssyncset.done $0x0  }
0x384: {  	v3 =	vor.u32 s16, v0;
	v6 =	vor.u32 s18, v0;
	s18 =	sadd.s32 $0x70, s15;
	[sflag:s8] =	ssyncadd.s32 $0xFFFFFF80  }
0x385: {  	v8 =	vor.u32 s18, v0;
	[tilespmem:$0x390] =	vst v3  }
0x386: {  	s16 =	sadd.s32 $0x30, s15;
	[tilespmem:$0x3F0] =	vst v8  }
0x387: {  	v5 =	vor.u32 s16, v0;
	[tilespmem:$0x3A0] =	vst v4  }
0x388: {  	v2 =	vor.u32 s15, v0;
	s16 =	sadd.s32 $0x60, s15;
	[tilespmem:$0x3B0] =	vst v5  }
0x389: {  	v7 =	vor.u32 s16, v0;
	[tilespmem:$0x380] =	vst v2  }
0x38a: {  	s15 =	sadd.s32 $0x50, s15;
	s18 =	rddreg [dreg:$0xe];
	[tilespmem:$0x3E0] =	vst v7  }
0x38b: {  	s16 =	rddreg [dreg:$0x14];
	v3 =	vor.u32 s15, v0;
	[tilespmem:$0x3C0] =	vst v6  }
0x38c: {  	s12 =	rddreg [dreg:$0x2];
	[tilespmem:$0x3D0] =	vst v3  }
0x38d: {  	[tilespmem:s11], [sflag:$0x1] =	stream.indirect.gather [spmem:s12], $0x1, s10, s9, $0xb8;
	[tilespmem:$0x1E940] =	vst v63  }
0x38e: {  	s15 =	rddreg [dreg:$0x10];
	_ =	swait.ge [sflag:s8], $0x80  }
0x38f: {  	[sflag:s8] =	ssyncset.done $0x0  }
0x390: {  	s12 =	sadd.s32 s6, s16;
	[sflag:s8] =	ssyncadd.s32 $0xFFFFFF80  }
0x391: {  	[hbm4b:s12+s14] =	stream.linear.scatter [tilespmem:s11], [sflag:$0x1], $0x80, $0x38;
	[tilespmem:$0x1E940] =	vst v63  }
0x392: {  	_ =	swait.ge [sflag:s8], $0x80  }
0x393: {  	[sflag:s8] =	ssyncset.done $0x0  }
0x394: {  	[sflag:s8] =	ssyncadd.s32 $0xFFFFFF80  }
0x395: {  	s6 =	rddreg [dreg:$0x3]  }
0x396: {  	[tilespmem:s11], [sflag:$0x1] =	stream.indirect.gather [spmem:s6], $0x1, s10, s9, $0xb8;
	[tilespmem:$0x1E940] =	vst v63  }
0x397: {  	_ =	swait.ge [sflag:s8], $0x80  }
0x398: {  	[sflag:s8] =	ssyncset.done $0x0  }
0x399: {  	s6 =	sadd.s32 $0x10, s12;
	[sflag:s8] =	ssyncadd.s32 $0xFFFFFF80  }
0x39a: {  	[hbm4b:s6+s14] =	stream.linear.scatter [tilespmem:s11], [sflag:$0x1], $0x80, $0x38;
	[tilespmem:$0x1E940] =	vst v63  }
0x39b: {  	_ =	swait.ge [sflag:s8], $0x80  }
0x39c: {  	[sflag:s8] =	ssyncset.done $0x0  }
0x39d: {  	[sflag:s8] =	ssyncadd.s32 $0xFFFFFF80  }
0x39e: {  	s6 =	rddreg [dreg:$0x4]  }
0x39f: {  	[tilespmem:s11], [sflag:$0x1] =	stream.indirect.gather [spmem:s6], $0x1, s10, s9, $0xb8;
	[tilespmem:$0x1E940] =	vst v63  }
0x3a0: {  	_ =	swait.ge [sflag:s8], $0x80  }
0x3a1: {  	[sflag:s8] =	ssyncset.done $0x0  }
0x3a2: {  	s6 =	sadd.s32 $0x20, s12;
	[sflag:s8] =	ssyncadd.s32 $0xFFFFFF80  }
0x3a3: {  	[hbm4b:s6+s14] =	stream.linear.scatter [tilespmem:s11], [sflag:$0x1], $0x80, $0x38;
	[tilespmem:$0x1E940] =	vst v63  }
0x3a4: {  	_ =	swait.ge [sflag:s8], $0x80  }
0x3a5: {  	[sflag:s8] =	ssyncset.done $0x0  }
0x3a6: {  	[sflag:s8] =	ssyncadd.s32 $0xFFFFFF80  }
0x3a7: {  	s6 =	rddreg [dreg:$0x5]  }
0x3a8: {  	[tilespmem:s11], [sflag:$0x1] =	stream.indirect.gather [spmem:s6], $0x1, s10, s9, $0xb8;
	[tilespmem:$0x1E940] =	vst v63  }
0x3a9: {  	_ =	swait.ge [sflag:s8], $0x80  }
0x3aa: {  	[sflag:s8] =	ssyncset.done $0x0  }
0x3ab: {  	s6 =	sadd.s32 $0x30, s12;
	[sflag:s8] =	ssyncadd.s32 $0xFFFFFF80  }
0x3ac: {  	[hbm4b:s6+s14] =	stream.linear.scatter [tilespmem:s11], [sflag:$0x1], $0x80, $0x38;
	[tilespmem:$0x1E940] =	vst v63  }
0x3ad: {  	_ =	swait.ge [sflag:s8], $0x80  }
0x3ae: {  	[sflag:s8] =	ssyncset.done $0x0  }
0x3af: {  	[sflag:s8] =	ssyncadd.s32 $0xFFFFFF80  }
0x3b0: {  	s6 =	rddreg [dreg:$0x6]  }
0x3b1: {  	[tilespmem:s11], [sflag:$0x1] =	stream.indirect.gather [spmem:s6], $0x1, s10, s9, $0xb8;
	[tilespmem:$0x1E940] =	vst v63  }
0x3b2: {  	_ =	swait.ge [sflag:s8], $0x80  }
0x3b3: {  	[sflag:s8] =	ssyncset.done $0x0  }
0x3b4: {  	s6 =	sadd.s32 $0x40, s12;
	[sflag:s8] =	ssyncadd.s32 $0xFFFFFF80  }
0x3b5: {  	[hbm4b:s6+s14] =	stream.linear.scatter [tilespmem:s11], [sflag:$0x1], $0x80, $0x38;
	[tilespmem:$0x1E940] =	vst v63  }
0x3b6: {  	_ =	swait.ge [sflag:s8], $0x80  }
0x3b7: {  	[sflag:s8] =	ssyncset.done $0x0  }
0x3b8: {  	[sflag:s8] =	ssyncadd.s32 $0xFFFFFF80  }
0x3b9: {  	s6 =	rddreg [dreg:$0x7]  }
0x3ba: {  	[tilespmem:s11], [sflag:$0x1] =	stream.indirect.gather [spmem:s6], $0x1, s10, s9, $0xb8;
	[tilespmem:$0x1E940] =	vst v63  }
0x3bb: {  	_ =	swait.ge [sflag:s8], $0x80  }
0x3bc: {  	[sflag:s8] =	ssyncset.done $0x0  }
0x3bd: {  	s6 =	sadd.s32 $0x50, s12;
	[sflag:s8] =	ssyncadd.s32 $0xFFFFFF80  }
0x3be: {  	[hbm4b:s6+s14] =	stream.linear.scatter [tilespmem:s11], [sflag:$0x1], $0x80, $0x38;
	[tilespmem:$0x1E940] =	vst v63  }
0x3bf: {  	_ =	swait.ge [sflag:s8], $0x80  }
0x3c0: {  	[sflag:s8] =	ssyncset.done $0x0  }
0x3c1: {  	[sflag:s8] =	ssyncadd.s32 $0xFFFFFF80  }
0x3c2: {  	s6 =	rddreg [dreg:$0x8]  }
0x3c3: {  	[tilespmem:s11], [sflag:$0x1] =	stream.indirect.gather [spmem:s6], $0x1, s10, s9, $0xb8;
	[tilespmem:$0x1E940] =	vst v63  }
0x3c4: {  	_ =	swait.ge [sflag:s8], $0x80  }
0x3c5: {  	[sflag:s8] =	ssyncset.done $0x0  }
0x3c6: {  	s6 =	sadd.s32 $0x60, s12;
	[sflag:s8] =	ssyncadd.s32 $0xFFFFFF80  }
0x3c7: {  	[hbm4b:s6+s14] =	stream.linear.scatter [tilespmem:s11], [sflag:$0x1], $0x80, $0x38;
	[tilespmem:$0x1E940] =	vst v63  }
0x3c8: {  	_ =	swait.ge [sflag:s8], $0x80  }
0x3c9: {  	[sflag:s8] =	ssyncset.done $0x0  }
0x3ca: {  	[sflag:s8] =	ssyncadd.s32 $0xFFFFFF80  }
0x3cb: {  	s6 =	rddreg [dreg:$0x9]  }
0x3cc: {  	[tilespmem:s11], [sflag:$0x1] =	stream.indirect.gather [spmem:s6], $0x1, s10, s9, $0xb8;
	[tilespmem:$0x1E940] =	vst v63  }
0x3cd: {  	_ =	swait.ge [sflag:s8], $0x80  }
0x3ce: {  	[sflag:s8] =	ssyncset.done $0x0  }
0x3cf: {  	s6 =	sadd.s32 $0x70, s12;
	[sflag:s8] =	ssyncadd.s32 $0xFFFFFF80  }
0x3d0: {  	[hbm4b:s6+s14] =	stream.linear.scatter [tilespmem:s11], [sflag:$0x1], $0x80, $0x38;
	[tilespmem:$0x1E940] =	vst v63  }
0x3d1: {  	_ =	swait.ge [sflag:s8], $0x80  }
0x3d2: {  	[sflag:s8] =	ssyncset.done $0x0  }
0x3d3: {  	[sflag:s8] =	ssyncadd.s32 $0xFFFFFF80  }
0x3d4: {  	s6 =	rddreg [dreg:$0xa]  }
0x3d5: {  	[tilespmem:s11], [sflag:$0x1] =	stream.indirect.gather [spmem:s6], $0x1, s10, s9, $0xb8;
	[tilespmem:$0x1E940] =	vst v63  }
0x3d6: {  	_ =	swait.ge [sflag:s8], $0x80  }
0x3d7: {  	[sflag:s8] =	ssyncset.done $0x0  }
0x3d8: {  	s6 =	sadd.s32 $0x46000, s12;
	[sflag:s8] =	ssyncadd.s32 $0xFFFFFF80  }
0x3d9: {  	[hbm4b:s6+s14] =	stream.linear.scatter [tilespmem:s11], [sflag:$0x1], $0x80, $0x38;
	[tilespmem:$0x1E940] =	vst v63  }
0x3da: {  	_ =	swait.ge [sflag:s8], $0x80  }
0x3db: {  	[sflag:s8] =	ssyncset.done $0x0  }
0x3dc: {  	[sflag:s8] =	ssyncadd.s32 $0xFFFFFF80  }
0x3dd: {  	s6 =	rddreg [dreg:$0xb]  }
0x3de: {  	[tilespmem:s11], [sflag:$0x1] =	stream.indirect.gather [spmem:s6], $0x1, s10, s9, $0xb8;
	[tilespmem:$0x1E940] =	vst v63  }
0x3df: {  	_ =	swait.ge [sflag:s8], $0x80  }
0x3e0: {  	[sflag:s8] =	ssyncset.done $0x0  }
0x3e1: {  	s6 =	sadd.s32 $0x46010, s12;
	[sflag:s8] =	ssyncadd.s32 $0xFFFFFF80  }
0x3e2: {  	[hbm4b:s6+s14] =	stream.linear.scatter [tilespmem:s11], [sflag:$0x1], $0x80, $0x38;
	[tilespmem:$0x1E940] =	vst v63  }
0x3e3: {  	_ =	swait.ge [sflag:s8], $0x80  }
0x3e4: {  	[sflag:s8] =	ssyncset.done $0x0  }
0x3e5: {  	[sflag:s8] =	ssyncadd.s32 $0xFFFFFF80  }
0x3e6: {  	s6 =	rddreg [dreg:$0xc]  }
0x3e7: {  	[tilespmem:s11], [sflag:$0x1] =	stream.indirect.gather [spmem:s6], $0x1, s10, s9, $0xb8;
	[tilespmem:$0x1E940] =	vst v63  }
0x3e8: {  	_ =	swait.ge [sflag:s8], $0x80  }
0x3e9: {  	[sflag:s8] =	ssyncset.done $0x0  }
0x3ea: {  	s6 =	sadd.s32 $0x46020, s12;
	[sflag:s8] =	ssyncadd.s32 $0xFFFFFF80  }
0x3eb: {  	[hbm4b:s6+s14] =	stream.linear.scatter [tilespmem:s11], [sflag:$0x1], $0x80, $0x38;
	[tilespmem:$0x1E940] =	vst v63  }
0x3ec: {  	_ =	swait.ge [sflag:s8], $0x80  }
0x3ed: {  	[sflag:s8] =	ssyncset.done $0x0  }
0x3ee: {  	[sflag:s8] =	ssyncadd.s32 $0xFFFFFF80  }
0x3ef: {  	s6 =	rddreg [dreg:$0xd]  }
0x3f0: {  	[tilespmem:s11], [sflag:$0x1] =	stream.indirect.gather [spmem:s6], $0x1, s10, s9, $0xb8;
	[tilespmem:$0x1E940] =	vst v63  }
0x3f1: {  	_ =	swait.ge [sflag:s8], $0x80  }
0x3f2: {  	[sflag:s8] =	ssyncset.done $0x0  }
0x3f3: {  	s6 =	sadd.s32 $0x46030, s12;
	[sflag:s8] =	ssyncadd.s32 $0xFFFFFF80  }
0x3f4: {  	[hbm4b:s6+s14] =	stream.linear.scatter [tilespmem:s11], [sflag:$0x1], $0x80, $0x38;
	[tilespmem:$0x1E940] =	vst v63  }
0x3f5: {  	_ =	swait.ge [sflag:s8], $0x80  }
0x3f6: {  	[sflag:s8] =	ssyncset.done $0x0  }
0x3f7: {  	[sflag:s8] =	ssyncadd.s32 $0xFFFFFF80  }
0x3f8: {  	[tilespmem:s11], [sflag:$0x1] =	stream.indirect.gather [spmem:s1], $0x1, s10, s9, $0xb8;
	[tilespmem:$0x1E940] =	vst v63  }
0x3f9: {  	_ =	swait.ge [sflag:s8], $0x80  }
0x3fa: {  	[sflag:s8] =	ssyncset.done $0x0  }
0x3fb: {  	s6 =	sadd.s32 $0x46040, s12;
	[sflag:s8] =	ssyncadd.s32 $0xFFFFFF80  }
0x3fc: {  	[hbm4b:s6+s14] =	stream.linear.scatter [tilespmem:s11], [sflag:$0x1], $0x80, $0x38;
	[tilespmem:$0x1E940] =	vst v63  }
0x3fd: {  	_ =	swait.ge [sflag:s8], $0x80  }
0x3fe: {  	[sflag:s8] =	ssyncset.done $0x0  }
0x3ff: {  	[sflag:s8] =	ssyncadd.s32 $0xFFFFFF80  }
0x400: {  	[tilespmem:s11], [sflag:$0x1] =	stream.indirect.gather [spmem:s0], $0x1, s10, s9, $0xb8;
	[tilespmem:$0x1E940] =	vst v63  }
0x401: {  	_ =	swait.ge [sflag:s8], $0x80  }
0x402: {  	[sflag:s8] =	ssyncset.done $0x0  }
0x403: {  	s6 =	sadd.s32 $0x46050, s12;
	[sflag:s8] =	ssyncadd.s32 $0xFFFFFF80  }
0x404: {  	[hbm4b:s6+s14] =	stream.linear.scatter [tilespmem:s11], [sflag:$0x1], $0x80, $0x38;
	[tilespmem:$0x1E940] =	vst v63  }
0x405: {  	_ =	swait.ge [sflag:s8], $0x80  }
0x406: {  	[sflag:s8] =	ssyncset.done $0x0  }
0x407: {  	[sflag:s8] =	ssyncadd.s32 $0xFFFFFF80  }
0x408: {  	[tilespmem:s11], [sflag:$0x1] =	stream.indirect.gather [spmem:s2], $0x1, s10, s9, $0xb8;
	[tilespmem:$0x1E940] =	vst v63  }
0x409: {  	_ =	swait.ge [sflag:s8], $0x80  }
0x40a: {  	[sflag:s8] =	ssyncset.done $0x0  }
0x40b: {  	s6 =	sadd.s32 $0x46060, s12;
	[sflag:s8] =	ssyncadd.s32 $0xFFFFFF80  }
0x40c: {  	[hbm4b:s6+s14] =	stream.linear.scatter [tilespmem:s11], [sflag:$0x1], $0x80, $0x38;
	[tilespmem:$0x1E940] =	vst v63  }
0x40d: {  	_ =	swait.ge [sflag:s8], $0x80  }
0x40e: {  	[sflag:s8] =	ssyncset.done $0x0  }
0x40f: {  	[sflag:s8] =	ssyncadd.s32 $0xFFFFFF80  }
0x410: {  	[tilespmem:s11], [sflag:$0x1] =	stream.indirect.gather [spmem:s3], $0x1, s10, s9, $0xb8;
	[tilespmem:$0x1E940] =	vst v63  }
0x411: {  	_ =	swait.ge [sflag:s8], $0x80  }
0x412: {  	[sflag:s8] =	ssyncset.done $0x0  }
0x413: {  	s6 =	sadd.s32 $0x46070, s12;
	[sflag:s8] =	ssyncadd.s32 $0xFFFFFF80  }
0x414: {  	[hbm4b:s6+s14] =	stream.linear.scatter [tilespmem:s11], [sflag:$0x1], $0x80, $0x38;
	[tilespmem:$0x1E940] =	vst v63  }
0x415: {  	_ =	swait.ge [sflag:s8], $0x80  }
0x416: {  	[sflag:s8] =	ssyncset.done $0x0  }
0x417: {  	[sflag:s8] =	ssyncadd.s32 $0xFFFFFF80  }
0x418: {  	[tilespmem:s11], [sflag:$0x1] =	stream.indirect.gather [spmem:s4], $0x1, s10, s9, $0xb8;
	[tilespmem:$0x1E940] =	vst v63  }
0x419: {  	_ =	swait.ge [sflag:s8], $0x80  }
0x41a: {  	[sflag:s8] =	ssyncset.done $0x0  }
0x41b: {  	s6 =	sadd.s32 $0x8C000, s12;
	[sflag:s8] =	ssyncadd.s32 $0xFFFFFF80  }
0x41c: {  	[hbm4b:s6+s14] =	stream.linear.scatter [tilespmem:s11], [sflag:$0x1], $0x80, $0x38;
	[tilespmem:$0x1E940] =	vst v63  }
0x41d: {  	_ =	swait.ge [sflag:s8], $0x80  }
0x41e: {  	[sflag:s8] =	ssyncset.done $0x0  }
0x41f: {  	[sflag:s8] =	ssyncadd.s32 $0xFFFFFF80  }
0x420: {  	[tilespmem:s11], [sflag:$0x1] =	stream.indirect.gather [spmem:s7], $0x1, s10, s9, $0xb8;
	[tilespmem:$0x1E940] =	vst v63  }
0x421: {  	_ =	swait.ge [sflag:s8], $0x80  }
0x422: {  	[sflag:s8] =	ssyncset.done $0x0  }
0x423: {  	s6 =	sadd.s32 $0x8C010, s12;
	[sflag:s8] =	ssyncadd.s32 $0xFFFFFF80  }
0x424: {  	[hbm4b:s6+s14] =	stream.linear.scatter [tilespmem:s11], [sflag:$0x1], $0x80, $0x38;
	[tilespmem:$0x1E940] =	vst v63  }
0x425: {  	_ =	swait.ge [sflag:s8], $0x80  }
0x426: {  	[sflag:s8] =	ssyncset.done $0x0  }
0x427: {  	[sflag:s8] =	ssyncadd.s32 $0xFFFFFF80  }
0x428: {  	[tilespmem:s11], [sflag:$0x1] =	stream.indirect.gather [spmem:s5], $0x1, s10, s9, $0xb8;
	[tilespmem:$0x1E940] =	vst v63  }
0x429: {  	_ =	swait.ge [sflag:s8], $0x80  }
0x42a: {  	[sflag:s8] =	ssyncset.done $0x0  }
0x42b: {  	s6 =	sadd.s32 $0x8C020, s12;
	[sflag:s8] =	ssyncadd.s32 $0xFFFFFF80  }
0x42c: {  	[hbm4b:s6+s14] =	stream.linear.scatter [tilespmem:s11], [sflag:$0x1], $0x80, $0x38;
	[tilespmem:$0x1E940] =	vst v63  }
0x42d: {  	_ =	swait.ge [sflag:s8], $0x80  }
0x42e: {  	[sflag:s8] =	ssyncset.done $0x0  }
0x42f: {  	[sflag:s8] =	ssyncadd.s32 $0xFFFFFF80  }
0x430: {  	[tilespmem:s11], [sflag:$0x1] =	stream.indirect.gather [spmem:s18], $0x1, s10, s9, $0xb8;
	[tilespmem:$0x1E940] =	vst v63  }
0x431: {  	_ =	swait.ge [sflag:s8], $0x80  }
0x432: {  	[sflag:s8] =	ssyncset.done $0x0  }
0x433: {  	s6 =	sadd.s32 $0x8C030, s12;
	[sflag:s8] =	ssyncadd.s32 $0xFFFFFF80  }
0x434: {  	[hbm4b:s6+s14] =	stream.linear.scatter [tilespmem:s11], [sflag:$0x1], $0x80, $0x38;
	[tilespmem:$0x1E940] =	vst v63  }
0x435: {  	_ =	swait.ge [sflag:s8], $0x80  }
0x436: {  	[sflag:s8] =	ssyncset.done $0x0  }
0x437: {  	[sflag:s8] =	ssyncadd.s32 $0xFFFFFF80  }
0x438: {  	[tilespmem:s11], [sflag:$0x1] =	stream.indirect.gather [spmem:s17], $0x1, s10, s9, $0xb8;
	[tilespmem:$0x1E940] =	vst v63  }
0x439: {  	_ =	swait.ge [sflag:s8], $0x80  }
0x43a: {  	[sflag:s8] =	ssyncset.done $0x0  }
0x43b: {  	s17 =	sadd.s32 $0x8C040, s12;
	[sflag:s8] =	ssyncadd.s32 $0xFFFFFF80  }
0x43c: {  	[hbm4b:s17+s14] =	stream.linear.scatter [tilespmem:s11], [sflag:$0x1], $0x80, $0x38;
	[tilespmem:$0x1E940] =	vst v63  }
0x43d: {  	_ =	swait.ge [sflag:s8], $0x80  }
0x43e: {  	[sflag:s8] =	ssyncset.done $0x0  }
0x43f: {  	[sflag:s8] =	ssyncadd.s32 $0xFFFFFF80  }
0x440: {  	[tilespmem:s11], [sflag:$0x1] =	stream.indirect.gather [spmem:s25], $0x1, s10, s9, $0xb8;
	[tilespmem:$0x1E940] =	vst v63  }
0x441: {  	_ =	swait.ge [sflag:s8], $0x80  }
0x442: {  	[sflag:s8] =	ssyncset.done $0x0  }
0x443: {  	s17 =	sadd.s32 $0x8C050, s12;
	[sflag:s8] =	ssyncadd.s32 $0xFFFFFF80  }
0x444: {  	[hbm4b:s17+s14] =	stream.linear.scatter [tilespmem:s11], [sflag:$0x1], $0x80, $0x38;
	[tilespmem:$0x1E940] =	vst v63  }
0x445: {  	_ =	swait.ge [sflag:s8], $0x80  }
0x446: {  	[sflag:s8] =	ssyncset.done $0x0  }
0x447: {  	[sflag:s8] =	ssyncadd.s32 $0xFFFFFF80  }
0x448: {  	[tilespmem:s11], [sflag:$0x1] =	stream.indirect.gather [spmem:s15], $0x1, s10, s9, $0xb8;
	[tilespmem:$0x1E940] =	vst v63  }
0x449: {  	_ =	swait.ge [sflag:s8], $0x80  }
0x44a: {  	[sflag:s8] =	ssyncset.done $0x0  }
0x44b: {  	s17 =	sadd.s32 $0x8C060, s12;
	[sflag:s8] =	ssyncadd.s32 $0xFFFFFF80  }
0x44c: {  	[hbm4b:s17+s14] =	stream.linear.scatter [tilespmem:s11], [sflag:$0x1], $0x80, $0x38;
	[tilespmem:$0x1E940] =	vst v63  }
0x44d: {  	_ =	swait.ge [sflag:s8], $0x80  }
0x44e: {  	[sflag:s8] =	ssyncset.done $0x0  }
0x44f: {  	[sflag:s8] =	ssyncadd.s32 $0xFFFFFF80  }
0x450: {  	[tilespmem:s11], [sflag:$0x1] =	stream.indirect.gather [spmem:s23], $0x1, s10, s9, $0xb8;
	[tilespmem:$0x1E940] =	vst v63  }
0x451: {  	_ =	swait.ge [sflag:s8], $0x80  }
0x452: {  	[sflag:s8] =	ssyncset.done $0x0  }
0x453: {  	s17 =	sadd.s32 $0x8C070, s12;
	[sflag:s8] =	ssyncadd.s32 $0xFFFFFF80  }
0x454: {  	[hbm4b:s17+s14] =	stream.linear.scatter [tilespmem:s11], [sflag:$0x1], $0x80, $0x38;
	[tilespmem:$0x1E940] =	vst v63  }
0x455: {  	_ =	swait.ge [sflag:s8], $0x80  }
0x456: {  	[sflag:s8] =	ssyncset.done $0x0  }
0x457: {  	[sflag:s8] =	ssyncadd.s32 $0xFFFFFF80  }
0x458: {  	[tilespmem:s11], [sflag:$0x1] =	stream.indirect.gather [spmem:s24], $0x1, s10, s9, $0xb8;
	[tilespmem:$0x1E940] =	vst v63  }
0x459: {  	_ =	swait.ge [sflag:s8], $0x80  }
0x45a: {  	[sflag:s8] =	ssyncset.done $0x0  }
0x45b: {  	s17 =	sadd.s32 $0xD2000, s12;
	[sflag:s8] =	ssyncadd.s32 $0xFFFFFF80  }
0x45c: {  	[hbm4b:s17+s14] =	stream.linear.scatter [tilespmem:s11], [sflag:$0x1], $0x80, $0x38;
	[tilespmem:$0x1E940] =	vst v63  }
0x45d: {  	_ =	swait.ge [sflag:s8], $0x80  }
0x45e: {  	[sflag:s8] =	ssyncset.done $0x0  }
0x45f: {  	[sflag:s8] =	ssyncadd.s32 $0xFFFFFF80  }
0x460: {  	[tilespmem:s11], [sflag:$0x1] =	stream.indirect.gather [spmem:s26], $0x1, s10, s9, $0xb8;
	[tilespmem:$0x1E940] =	vst v63  }
0x461: {  	_ =	swait.ge [sflag:s8], $0x80  }
0x462: {  	[sflag:s8] =	ssyncset.done $0x0  }
0x463: {  	s17 =	sadd.s32 $0xD2010, s12;
	[sflag:s8] =	ssyncadd.s32 $0xFFFFFF80  }
0x464: {  	[hbm4b:s17+s14] =	stream.linear.scatter [tilespmem:s11], [sflag:$0x1], $0x80, $0x38;
	[tilespmem:$0x1E940] =	vst v63  }
0x465: {  	_ =	swait.ge [sflag:s8], $0x80  }
0x466: {  	[sflag:s8] =	ssyncset.done $0x0  }
0x467: {  	[sflag:s8] =	ssyncadd.s32 $0xFFFFFF80  }
0x468: {  	[tilespmem:s11], [sflag:$0x1] =	stream.indirect.gather [spmem:s19], $0x1, s10, s9, $0xb8;
	[tilespmem:$0x1E940] =	vst v63  }
0x469: {  	_ =	swait.ge [sflag:s8], $0x80  }
0x46a: {  	[sflag:s8] =	ssyncset.done $0x0  }
0x46b: {  	s17 =	sadd.s32 $0xD2020, s12;
	[sflag:s8] =	ssyncadd.s32 $0xFFFFFF80  }
0x46c: {  	[hbm4b:s17+s14] =	stream.linear.scatter [tilespmem:s11], [sflag:$0x1], $0x80, $0x38;
	[tilespmem:$0x1E940] =	vst v63  }
0x46d: {  	_ =	swait.ge [sflag:s8], $0x80  }
0x46e: {  	[sflag:s8] =	ssyncset.done $0x0  }
0x46f: {  	[sflag:s8] =	ssyncadd.s32 $0xFFFFFF80  }
0x470: {  	[tilespmem:s11], [sflag:$0x1] =	stream.indirect.gather [spmem:s28], $0x1, s10, s9, $0xb8;
	[tilespmem:$0x1E940] =	vst v63  }
0x471: {  	_ =	swait.ge [sflag:s8], $0x80  }
0x472: {  	[sflag:s8] =	ssyncset.done $0x0  }
0x473: {  	s17 =	sadd.s32 $0xD2030, s12;
	[sflag:s8] =	ssyncadd.s32 $0xFFFFFF80  }
0x474: {  	[hbm4b:s17+s14] =	stream.linear.scatter [tilespmem:s11], [sflag:$0x1], $0x80, $0x38;
	[tilespmem:$0x1E940] =	vst v63  }
0x475: {  	_ =	swait.ge [sflag:s8], $0x80  }
0x476: {  	[sflag:s8] =	ssyncset.done $0x0  }
0x477: {  	[sflag:s8] =	ssyncadd.s32 $0xFFFFFF80  }
0x478: {  	[tilespmem:s11], [sflag:$0x1] =	stream.indirect.gather [spmem:s20], $0x1, s10, s9, $0xb8;
	[tilespmem:$0x1E940] =	vst v63  }
0x479: {  	_ =	swait.ge [sflag:s8], $0x80  }
0x47a: {  	[sflag:s8] =	ssyncset.done $0x0  }
0x47b: {  	s17 =	sadd.s32 $0xD2040, s12;
	[sflag:s8] =	ssyncadd.s32 $0xFFFFFF80  }
0x47c: {  	[hbm4b:s17+s14] =	stream.linear.scatter [tilespmem:s11], [sflag:$0x1], $0x80, $0x38;
	[tilespmem:$0x1E940] =	vst v63  }
0x47d: {  	_ =	swait.ge [sflag:s8], $0x80  }
0x47e: {  	[sflag:s8] =	ssyncset.done $0x0  }
0x47f: {  	[sflag:s8] =	ssyncadd.s32 $0xFFFFFF80  }
0x480: {  	[tilespmem:s11], [sflag:$0x1] =	stream.indirect.gather [spmem:s29], $0x1, s10, s9, $0xb8;
	[tilespmem:$0x1E940] =	vst v63  }
0x481: {  	_ =	swait.ge [sflag:s8], $0x80  }
0x482: {  	[sflag:s8] =	ssyncset.done $0x0  }
0x483: {  	s17 =	sadd.s32 $0xD2050, s12;
	[sflag:s8] =	ssyncadd.s32 $0xFFFFFF80  }
0x484: {  	[hbm4b:s17+s14] =	stream.linear.scatter [tilespmem:s11], [sflag:$0x1], $0x80, $0x38;
	[tilespmem:$0x1E940] =	vst v63  }
0x485: {  	_ =	swait.ge [sflag:s8], $0x80  }
0x486: {  	[sflag:s8] =	ssyncset.done $0x0  }
0x487: {  	[sflag:s8] =	ssyncadd.s32 $0xFFFFFF80  }
0x488: {  	[tilespmem:s11], [sflag:$0x1] =	stream.indirect.gather [spmem:s21], $0x1, s10, s9, $0xb8;
	[tilespmem:$0x1E940] =	vst v63  }
0x489: {  	_ =	swait.ge [sflag:s8], $0x80  }
0x48a: {  	[sflag:s8] =	ssyncset.done $0x0  }
0x48b: {  	s17 =	sadd.s32 $0xD2060, s12;
	[sflag:s8] =	ssyncadd.s32 $0xFFFFFF80  }
0x48c: {  	[hbm4b:s17+s14] =	stream.linear.scatter [tilespmem:s11], [sflag:$0x1], $0x80, $0x38;
	[tilespmem:$0x1E940] =	vst v63  }
0x48d: {  	_ =	swait.ge [sflag:s8], $0x80  }
0x48e: {  	[sflag:s8] =	ssyncset.done $0x0  }
0x48f: {  	[sflag:s8] =	ssyncadd.s32 $0xFFFFFF80  }
0x490: {  	[tilespmem:s11], [sflag:$0x1] =	stream.indirect.gather [spmem:s30], $0x1, s10, s9, $0xb8;
	[tilespmem:$0x1E940] =	vst v63  }
0x491: {  	_ =	swait.ge [sflag:s8], $0x80  }
0x492: {  	[sflag:s8] =	ssyncset.done $0x0  }
0x493: {  	s17 =	sadd.s32 $0xD2070, s12;
	[sflag:s8] =	ssyncadd.s32 $0xFFFFFF80  }
0x494: {  	[hbm4b:s17+s14] =	stream.linear.scatter [tilespmem:s11], [sflag:$0x1], $0x80, $0x38;
	[tilespmem:$0x1E940] =	vst v63  }
0x495: {  	_ =	swait.ge [sflag:s8], $0x80  }
0x496: {  	[sflag:s8] =	ssyncset.done $0x0  }
0x497: {  	p0 =	sne.s32 s13, $0x980;
	[sflag:s8] =	ssyncadd.s32 $0xFFFFFF80  }
0x498: {  	[tilespmem:s11], [sflag:$0x1] =	stream.indirect.gather [spmem:s22], $0x1, s10, s9, $0xb8;
	[tilespmem:$0x1E940] =	vst v63  }
.Ltmp4:
0x499: {  	_ =	swait.ge [sflag:s8], $0x80;
	(pc) =	sbr.rel @p0 .LBB3_11-.Ltmp4, $4  }
0x49a: {  	[sflag:s8] =	ssyncset.done $0x0  }
0x49b: {  	s17 =	sadd.s32 $0x118000, s12;
	[sflag:s8] =	ssyncadd.s32 $0xFFFFFF80  }
0x49c: {  	[hbm4b:s17+s14] =	stream.linear.scatter [tilespmem:s11], [sflag:$0x1], $0x80, $0x38;
	[tilespmem:$0x1E940] =	vst v63  }
0x49d: {  	s13 =	sadd.s32 $0x80, s13;
	_ =	swait.ge [sflag:s8], $0x80  }
0x49e: {  	[sflag:s8] =	ssyncset.done $0x0  }
0x49f: {  	[sflag:s8] =	ssyncadd.s32 $0xFFFFFF80  }
0x4a0: {  	[tilespmem:s11], [sflag:$0x1] =	stream.indirect.gather [spmem:s31], $0x1, s10, s9, $0xb8;
	[tilespmem:$0x1E940] =	vst v63  }
0x4a1: {  	_ =	swait.ge [sflag:s8], $0x80  }
0x4a2: {  	[sflag:s8] =	ssyncset.done $0x0  }
0x4a3: {  	s6 =	sadd.s32 $0x118010, s12;
	[sflag:s8] =	ssyncadd.s32 $0xFFFFFF80  }
0x4a4: {  	[hbm4b:s6+s14] =	stream.linear.scatter [tilespmem:s11], [sflag:$0x1], $0x80, $0x38;
	[tilespmem:$0x1E940] =	vst v63  }
0x4a5: {  	_ =	swait.ge [sflag:s8], $0x80  }
0x4a6: {  	s5 =	sld [smem:$0x7F2];
	_ =	sdelay $0x2  }
0x4a7: {  	s5 =	sadd.s32 $0x1, s5  }
0x4a8: {  	p0 =	sne.s32 s5, $0x7  }
.Ltmp5:
0x4a9: {  	_ = 	snop;
	(pc) =	sbr.rel @p0 .LBB3_2-.Ltmp5, $4  }
0x4aa: {  	[sflag:s8] =	ssyncset.done $0x0  }
0x4ab: {  	[sflag:s8] =	ssyncadd.s32 $0xFFFFFF80;
	[smem:$0x7F2] =	sst s5  }
0x4ac: {  	[bflag:$0x0] =	sbarrier.arrive $0xFFFF  }
0x4ad: {  	s16 =	sadd.s32 $0xA000, s16;
	s13 =	smov.u32 s26;
	s0 =	rddreg [dreg:$0x13]  }
0x4ae: {  	s5 =	sld [smem:$0x7F1]  }
0x4af: {  	s6 =	sld [smem:$0x7FB];
	_ =	sdelay $0x1  }
0x4b0: {  	s5 =	sadd.s32 $0x1, s5  }
0x4b1: {  	p0 =	sne.s32 s5, s6  }
.Ltmp6:
0x4b2: {  	_ = 	snop;
	(pc) =	sbr.rel @p0 .LBB3_1-.Ltmp6, $1  }
0x4b3: {  	_ =	sdelay $0x3  }
0x4b4: {  	_ =	sfence.sel $0x180000  }
0x4b5: {  	[bflag:$0x0] =	sbarrier.arrive $0xFFFF  }
0x4b6: {  	_ =	strace $0x90000047  }
0x4b7: {  	s0 =	stileid.u32;
	[bflag:$0x2] =	sbarrier.arrive $0xFFFF  }
0x4b8: {  	p0 =	sne.s32 s0, $0x0;
	s0 =	rddreg [dreg:$0x1e]  }
0x4b9: {  	s0 =	sadd.s32 @!p0 $0x100000, s0  }
0x4ba: {  	[sflag:s0] =	ssyncadd.tile.s32 @!p0 $0x1;
	_ =	shalt  }
.Lfunc_end3:
_tile_overlayer_lowered:
.L_overlay_start_3:
0x4bb: {  	(tag) =	ssettag $0x3  }
0x4bc: {  	s0 =	rddreg [dreg:$0x0];
	s2 =	stileid.u32  }
0x4bd: {  	s1 =	rddreg [dreg:$0x1];
	p0 =	sne.s32 s2, $0x0  }
0x4be: {  	s3 =	rddreg [dreg:$0x2];
	[bflag:$0x3] =	sbarrier.arrive $0xFFFF;
	s2 =	simm.s32 @!p0 $0x1C01  }
0x4bf: {  	[timem:s3], [sflag:s2] =	dma.local @!p0 [hbm:s0], s1  }
0x4c0: {  	s0 =	simm.s32 @!p0 $0x1  }
0x4c1: {  	_ =	swait.ge @!p0 [sflag:s0], s1  }
0x4c2: {  	s1 =	ssub.s32 @!p0 $0x0, s1;
	[sflag:s0] =	ssyncset.done @!p0 $0x0  }
0x4c3: {  	[sflag:s0] =	ssyncadd.s32 @!p0 s1  }
0x4c4: {  	[bflag:$0x3] =	sbarrier.arrive $0xFFFF  }
0x4c5: {  	_ =	shalt  }

</sc_bundles>
